<compile_context>
chip_gen: v7x
topology: tpu7x:2x2x1
jax: 0.10.2.dev20260603
libtpu: 0.0.44.dev20260713+nightly
codegen_flags: <defaults>
</compile_context>

<pallas_src>
import functools

import jax
import jax.numpy as jnp
from jax import lax
from jax.experimental import pallas as pl
from jax.experimental.pallas import tpu as pltpu
from jax.experimental.pallas import tpu_sc as plsc

NC = 2
NS = 16
NW = NC * NS
L = 16
SCH = 50


_GATHER_DNUMS = lax.GatherDimensionNumbers(
    offset_dims=(), collapsed_slice_dims=(0,), start_index_map=(0,))


def _lane_perm(x, idx):
    return lax.gather(x, idx[:, None], _GATHER_DNUMS, slice_sizes=(1,),
                      mode=lax.GatherScatterMode.PROMISE_IN_BOUNDS)


def _lane_sum(x):
    iota = lax.iota(jnp.int32, L)
    for sh in (8, 4, 2, 1):
        x = x + _lane_perm(x, iota ^ sh)
    return x


def _rsqrt_nr(v, iters=2):
    i = lax.bitcast_convert_type(v, jnp.int32)
    i = jnp.int32(0x5F3759DF) - jnp.right_shift(i, jnp.int32(1))
    y = lax.bitcast_convert_type(i, jnp.float32)
    for _ in range(iters):
        y = y * (1.5 - 0.5 * v * y * y)
    return y



def _proj_body(x_ref, wq, wk, wv, bq, bk, bv, q_ref, k_ref, v_ref):
    xb = x_ref[...]
    q_ref[...] = jnp.dot(xb, wq[...], preferred_element_type=jnp.float32) + bq[...]
    k_ref[...] = jnp.dot(xb, wk[...], preferred_element_type=jnp.float32) + bk[...]
    v_ref[...] = jnp.dot(xb, wv[...], preferred_element_type=jnp.float32) + bv[...]


def _eh_body(pc_ref, wT, b2, eh_ref):
    eh = jnp.dot(pc_ref[...].astype(jnp.bfloat16), wT[...],
                 preferred_element_type=jnp.float32) + b2[...]
    be, dd2 = eh.shape
    dd = dd2 // 2
    ew = eh[:, :dd].astype(jnp.bfloat16).astype(jnp.float32)
    eb = eh[:, dd:].astype(jnp.bfloat16).astype(jnp.float32)
    ew_lo = lax.shift_right_logical(
        lax.bitcast_convert_type(ew, jnp.int32), 16)
    eb_hi = jnp.bitwise_and(
        lax.bitcast_convert_type(eb, jnp.int32), jnp.int32(-65536))
    eh_ref[...] = jnp.bitwise_or(ew_lo, eb_hi)


def _final_body(aggp_ref, eaggp_ref, x_ref, clT, clb, nlT, nlb, lnw, lnb, h_ref):
    agg = aggp_ref[0] + aggp_ref[1]
    eagg = eaggp_ref[0] + eaggp_ref[1]
    el = jnp.dot(eagg, clT[...], preferred_element_type=jnp.float32) + clb[...]
    hsum = agg + el
    hm = jnp.dot(hsum, nlT[...], preferred_element_type=jnp.float32) + nlb[...]
    t = x_ref[...] + hm
    m = jnp.mean(t, axis=1, keepdims=True)
    var = jnp.mean((t - m) ** 2, axis=1, keepdims=True)
    h_ref[...] = (t - m) * lax.rsqrt(var + 1e-5) * lnw[...] + lnb[...]



def _sc_agg_body(src3_hbm, dst3_hbm, vh_hbm, zeros_hbm, outp_hbm,
                 srcs, dsts, rows0, rows1, accum, sem0, sem1,
                 *, n_pad, per_w, c, sch):
    cid = lax.axis_index("c")
    sid = lax.axis_index("s")
    wid = cid * NS + sid
    rows_pt = n_pad // NS
    nch = per_w // c
    pltpu.sync_copy(zeros_hbm.at[pl.ds(sid * rows_pt, rows_pt)],
                    accum.at[pl.ds(sid * rows_pt, rows_pt)])
    pltpu.sync_copy(src3_hbm.at[wid], srcs)
    pltpu.sync_copy(dst3_hbm.at[wid], dsts)
    plsc.subcore_barrier()

    bufs = (rows0, rows1)
    sems = (sem0, sem1)
    ns = nch // sch

    def superchunk(s, carry):
        pltpu.sync_copy(src3_hbm.at[wid * ns + s], srcs)
        pltpu.sync_copy(dst3_hbm.at[wid * ns + s], dsts)
        pltpu.async_copy(vh_hbm.at[srcs.at[0]], rows0, sem0)

        def pair(jj, c2):
            for p in range(2):
                j = 2 * jj + p
                jn = j + 1

                @pl.when(jn < sch)
                def _fire():
                    pltpu.async_copy(vh_hbm.at[srcs.at[jn]], bufs[1 - p],
                                     sems[1 - p])

                pltpu.make_async_copy(vh_hbm.at[srcs.at[0]], bufs[p],
                                      sems[p]).wait()
                pltpu.sync_copy(bufs[p], accum.at[dsts.at[j]], add=True)
            return c2

        lax.fori_loop(0, sch // 2, pair, 0)
        return carry

    lax.fori_loop(0, ns, superchunk, 0)
    plsc.subcore_barrier()
    pltpu.sync_copy(accum.at[pl.ds(sid * rows_pt, rows_pt)],
                    outp_hbm.at[pl.ds(cid * n_pad + sid * rows_pt, rows_pt)])


def _sc_edge_body(dst5_hbm, src5_hbm, eh_hbm, pc_hbm, qh_hbm, kh_hbm,
                  zeros_hbm, lnw_hbm, lnb_hbm, e_hbm, outp_hbm,
                  dsts, srcs, eh0, eh1, pc0, pc1, q0, q1, k0, k1, lnw_v, lnb_v,
                  accum, sq0, sq1, sk0, sk1, se0, se1, sp0, sp1, sf0, sf1,
                  *, n_pad, d, per_w, c, sch):
    cid = lax.axis_index("c")
    sid = lax.axis_index("s")
    wid = cid * NS + sid
    rows_pt = n_pad // NS
    ng = d // L
    nch = per_w // c
    ns = nch // sch
    pltpu.sync_copy(zeros_hbm.at[pl.ds(sid * rows_pt, rows_pt)],
                    accum.at[pl.ds(sid * rows_pt, rows_pt)])
    pltpu.sync_copy(lnw_hbm, lnw_v)
    pltpu.sync_copy(lnb_hbm, lnb_v)
    plsc.subcore_barrier()

    qb = (q0, q1)
    kb = (k0, k1)
    ehb = (eh0, eh1)
    pcb = (pc0, pc1)
    sqs = (sq0, sq1)
    sks = (sk0, sk1)
    ses = (se0, se1)
    sps = (sp0, sp1)
    sfs = (sf0, sf1)

    def superchunk(s, carry):
        pltpu.sync_copy(dst5_hbm.at[wid * ns + s], dsts)
        pltpu.sync_copy(src5_hbm.at[wid * ns + s], srcs)
        base_s = wid * per_w + s * (sch * c)
        base0 = pl.multiple_of(base_s, 8)

        @pl.when(s > 0)
        def _drain_prev_estore():
            pltpu.make_async_copy(pc0, e_hbm.at[pl.ds(base0, c)], sf0).wait()

        pltpu.async_copy(qh_hbm.at[dsts.at[0]], q0, sq0)
        pltpu.async_copy(kh_hbm.at[srcs.at[0]], k0, sk0)
        pltpu.async_copy(eh_hbm.at[pl.ds(base0, c)], eh0, se0)
        pltpu.async_copy(pc_hbm.at[pl.ds(base0, c)], pc0, sp0)

        def pair(jj, c2):
            for p in range(2):
                j = 2 * jj + p
                jn = j + 1

                @pl.when(jn < sch)
                def _fire():
                    basen = pl.multiple_of(base_s + jn * c, 8)
                    pltpu.async_copy(qh_hbm.at[dsts.at[jn]], qb[1 - p],
                                     sqs[1 - p])
                    pltpu.async_copy(kh_hbm.at[srcs.at[jn]], kb[1 - p],
                                     sks[1 - p])
                    pltpu.async_copy(eh_hbm.at[pl.ds(basen, c)], ehb[1 - p],
                                     ses[1 - p])

                    @pl.when(s * sch + j >= 1)
                    def _drain_estore():
                        pltpu.make_async_copy(
                            pcb[1 - p], e_hbm.at[pl.ds(basen, c)],
                            sfs[1 - p]).wait()

                    pltpu.async_copy(pc_hbm.at[pl.ds(basen, c)], pcb[1 - p],
                                     sps[1 - p])

                base = pl.multiple_of(base_s + j * c, 8)
                pltpu.make_async_copy(qh_hbm.at[dsts.at[0]], qb[p],
                                      sqs[p]).wait()
                pltpu.make_async_copy(kh_hbm.at[srcs.at[0]], kb[p],
                                      sks[p]).wait()
                pltpu.make_async_copy(eh_hbm.at[pl.ds(base, c)], ehb[p],
                                      ses[p]).wait()
                pltpu.make_async_copy(pc_hbm.at[pl.ds(base, c)], pcb[p],
                                      sps[p]).wait()
                q_v = qb[p]
                k_v = kb[p]
                eh_v = ehb[p]
                pc_v = pcb[p]

                @plsc.parallel_loop(0, c, 1, unroll=8)
                def row(r):
                    svec = jnp.zeros((L,), jnp.float32)
                    ssvec = jnp.zeros((L,), jnp.float32)
                    ts = []
                    for g in range(ng):
                        sl = pl.ds(g * L, L)
                        ehx = eh_v[r, sl]
                        ew = lax.bitcast_convert_type(
                            jnp.left_shift(ehx, jnp.int32(16)), jnp.float32)
                        eb2 = lax.bitcast_convert_type(
                            jnp.bitwise_and(ehx, jnp.int32(-65536)),
                            jnp.float32)
                        c1 = (q_v[r, sl] + k_v[r, sl]) * ew
                        s2 = c1 * _rsqrt_nr(jnp.abs(c1), iters=1)
                        act = jnp.maximum(s2 + eb2, 0.0)
                        q_v[r, sl] = act
                        t = pc_v[r, sl] + act
                        ts.append(t)
                        svec = svec + t
                        ssvec = ssvec + t * t
                    mv = _lane_sum(svec) * (1.0 / d)
                    var = jnp.maximum(
                        _lane_sum(ssvec) * (1.0 / d) - mv * mv, 0.0)
                    rstd = _rsqrt_nr(var + 1e-5)
                    for g in range(ng):
                        sl = pl.ds(g * L, L)
                        pc_v[r, sl] = (ts[g] - mv) * rstd

                pltpu.async_copy(pc_v, e_hbm.at[pl.ds(base, c)], sfs[p])
                pltpu.sync_copy(q_v, accum.at[dsts.at[j]], add=True)
            return c2

        lax.fori_loop(0, sch // 2, pair, 0)
        return carry

    lax.fori_loop(0, ns, superchunk, 0)
    pltpu.make_async_copy(pc0, e_hbm.at[pl.ds(0, c)], sf0).wait()
    pltpu.make_async_copy(pc1, e_hbm.at[pl.ds(0, c)], sf1).wait()
    plsc.subcore_barrier()
    pltpu.sync_copy(accum.at[pl.ds(sid * rows_pt, rows_pt)],
                    outp_hbm.at[pl.ds(cid * n_pad + sid * rows_pt, rows_pt)])



def kernel(x, poly_conn, poly_index, num_nodes, qkv_weight, qkv_bias, E_w, E_b,
           conn_lin_w, conn_lin_b, nodelin_w, nodelin_b, ln_h_w, ln_h_b,
           ln_e_w, ln_e_b):
    n, d = x.shape
    ne = poly_conn.shape[0]
    f32 = jnp.float32

    bn = 2000
    wqT = qkv_weight[:d].T
    wkT = qkv_weight[d:2 * d].T
    wvT = qkv_weight[2 * d:].T
    bq = qkv_bias[:d].reshape(1, d)
    bk = qkv_bias[d:2 * d].reshape(1, d)
    bv = qkv_bias[2 * d:].reshape(1, d)
    wspec = pl.BlockSpec((d, d), lambda i: (0, 0))
    bspec = pl.BlockSpec((1, d), lambda i: (0, 0))
    rowspec = pl.BlockSpec((bn, d), lambda i: (i, 0))
    qh, kh, vh = pl.pallas_call(
        _proj_body,
        grid=(n // bn,),
        in_specs=[rowspec, wspec, wspec, wspec, bspec, bspec, bspec],
        out_specs=[rowspec, rowspec, rowspec],
        out_shape=[jax.ShapeDtypeStruct((n, d), f32)] * 3,
    )(x, wqT, wkT, wvT, bq, bk, bv)

    be = 2000
    eh = pl.pallas_call(
        _eh_body,
        grid=(ne // be,),
        in_specs=[pl.BlockSpec((be, d), lambda i: (i, 0)),
                  pl.BlockSpec((d, 2 * d), lambda i: (0, 0)),
                  pl.BlockSpec((1, 2 * d), lambda i: (0, 0))],
        out_specs=pl.BlockSpec((be, d), lambda i: (i, 0)),
        out_shape=jax.ShapeDtypeStruct((ne, d), jnp.int32),
    )(poly_conn, E_w.T.astype(jnp.bfloat16), E_b.reshape(1, 2 * d))

    dst = poly_index[0]
    src = poly_index[1]
    rows_pt = (-(-n // NS) + 7) // 8 * 8
    n_pad = NS * rows_pt
    zeros = jnp.zeros((n_pad, d), f32)
    per_w = ne // NW
    c = 40
    mesh = plsc.VectorSubcoreMesh(core_axis_name="c", subcore_axis_name="s")

    ca = 100
    scha = 20
    ncha = per_w // ca
    agg_fn = functools.partial(_sc_agg_body, n_pad=n_pad, per_w=per_w, c=ca,
                               sch=scha)
    aggp = pl.kernel(
        agg_fn, mesh=mesh,
        out_type=jax.ShapeDtypeStruct((NC * n_pad, d), f32),
        scratch_types=[
            pltpu.VMEM((scha, ca), jnp.int32),
            pltpu.VMEM((scha, ca), jnp.int32),
            pltpu.VMEM((ca, d), f32),
            pltpu.VMEM((ca, d), f32),
            pltpu.VMEM_SHARED((n_pad, d), f32),
            pltpu.SemaphoreType.DMA,
            pltpu.SemaphoreType.DMA,
        ],
    )(src.reshape(NW * (ncha // scha), scha, ca),
      dst.reshape(NW * (ncha // scha), scha, ca), vh, zeros)

    schb = 10
    nchb = per_w // c
    edge_fn = functools.partial(_sc_edge_body, n_pad=n_pad, d=d, per_w=per_w,
                                c=c, sch=schb)
    e_out, eaggp = pl.kernel(
        edge_fn, mesh=mesh,
        out_type=[jax.ShapeDtypeStruct((ne, d), f32),
                  jax.ShapeDtypeStruct((NC * n_pad, d), f32)],
        scratch_types=[
            pltpu.VMEM((schb, c), jnp.int32),
            pltpu.VMEM((schb, c), jnp.int32),
            pltpu.VMEM((c, d), jnp.int32),
            pltpu.VMEM((c, d), jnp.int32),
            pltpu.VMEM((c, d), f32),
            pltpu.VMEM((c, d), f32),
            pltpu.VMEM((c, d), f32),
            pltpu.VMEM((c, d), f32),
            pltpu.VMEM((c, d), f32),
            pltpu.VMEM((c, d), f32),
            pltpu.VMEM((d,), f32),
            pltpu.VMEM((d,), f32),
            pltpu.VMEM_SHARED((n_pad, d), f32),
            pltpu.SemaphoreType.DMA,
            pltpu.SemaphoreType.DMA,
            pltpu.SemaphoreType.DMA,
            pltpu.SemaphoreType.DMA,
            pltpu.SemaphoreType.DMA,
            pltpu.SemaphoreType.DMA,
            pltpu.SemaphoreType.DMA,
            pltpu.SemaphoreType.DMA,
            pltpu.SemaphoreType.DMA,
            pltpu.SemaphoreType.DMA,
        ],
    )(dst.reshape(NW * (nchb // schb), schb, c),
      src.reshape(NW * (nchb // schb), schb, c),
      eh, poly_conn, qh, kh, zeros, ln_e_w, ln_e_b)

    h = pl.pallas_call(
        _final_body,
        grid=(n // bn,),
        in_specs=[pl.BlockSpec((NC, bn, d), lambda i: (0, i, 0)),
                  pl.BlockSpec((NC, bn, d), lambda i: (0, i, 0)),
                  rowspec, wspec, bspec, wspec, bspec, bspec, bspec],
        out_specs=rowspec,
        out_shape=jax.ShapeDtypeStruct((n, d), f32),
    )(aggp.reshape(NC, n_pad, d), eaggp.reshape(NC, n_pad, d), x,
      conn_lin_w.T, conn_lin_b.reshape(1, d), nodelin_w.T,
      nodelin_b.reshape(1, d), ln_h_w.reshape(1, d), ln_h_b.reshape(1, d))

    return (h, e_out)

# --- scband reference (transcript-rebuilt; emitter-appended) ---
"""Pipeline reference for scband-mbp-ginelayer-53833120088741 (READ-ONLY COPY).

The authoritative reference and input builder live on the scoring server;
editing this copy changes nothing except your own understanding.
"""

import jax, jax.numpy as jnp
import numpy as np

N = 10000
NE = 320000
D = 128

def _layer_norm(v, w, b):
    m = jnp.mean(v, axis=-1, keepdims=True)
    var = jnp.var(v, axis=-1, keepdims=True)
    return (v - m) / jnp.sqrt(var + 1e-5) * w + b

def setup_inputs(seed: int = 0):
    key = jax.random.key(seed)
    ks = jax.random.split(key, 8)
    x = jax.random.normal(ks[0], (N, D), dtype=jnp.float32)
    poly_conn = jax.random.normal(ks[1], (NE, D), dtype=jnp.float32)
    poly_index = jax.random.randint(ks[2], (2, NE), 0, N, dtype=jnp.int32)
    s = 0.05
    qkv_weight = jax.random.normal(ks[3], (3 * D, D), dtype=jnp.float32) * s
    qkv_bias = jnp.zeros((3 * D,), dtype=jnp.float32)
    E_w = jax.random.normal(ks[4], (2 * D, D), dtype=jnp.float32) * s
    E_b = jnp.zeros((2 * D,), dtype=jnp.float32)
    conn_lin_w = jax.random.normal(ks[5], (D, D), dtype=jnp.float32) * s
    conn_lin_b = jnp.zeros((D,), dtype=jnp.float32)
    nodelin_w = jax.random.normal(ks[6], (D, D), dtype=jnp.float32) * s
    nodelin_b = jnp.zeros((D,), dtype=jnp.float32)
    ln_h_w = jnp.ones((D,), dtype=jnp.float32)
    ln_h_b = jnp.zeros((D,), dtype=jnp.float32)
    ln_e_w = jnp.ones((D,), dtype=jnp.float32)
    ln_e_b = jnp.zeros((D,), dtype=jnp.float32)
    return {"x": x, "poly_conn": poly_conn, "poly_index": poly_index, "num_nodes": N,
            "qkv_weight": qkv_weight, "qkv_bias": qkv_bias, "E_w": E_w, "E_b": E_b,
            "conn_lin_w": conn_lin_w, "conn_lin_b": conn_lin_b,
            "nodelin_w": nodelin_w, "nodelin_b": nodelin_b,
            "ln_h_w": ln_h_w, "ln_h_b": ln_h_b, "ln_e_w": ln_e_w, "ln_e_b": ln_e_b}

def reference(x, poly_conn, poly_index, num_nodes, qkv_weight, qkv_bias, E_w, E_b,
              conn_lin_w, conn_lin_b, nodelin_w, nodelin_b, ln_h_w, ln_h_b, ln_e_w, ln_e_b):
    # MbpGINEMessagePassing
    proj = x @ qkv_weight.T + qkv_bias
    Qh, Kh, Vh = jnp.split(proj, 3, axis=-1)
    Eh = poly_conn @ E_w.T + E_b
    Eh = Eh.reshape(poly_conn.shape[0], 2, -1)
    Ew = Eh[:, 0, :]
    Eb2 = Eh[:, 1, :]
    dst = poly_index[0]
    src = poly_index[1]
    dst = dst + jnp.asarray(num_nodes, dtype=dst.dtype) * 0
    num_segments = x.shape[0]
    Qdst = jnp.take(Qh, dst, axis=0)
    Ksrc = jnp.take(Kh, src, axis=0)
    Vsrc = jnp.take(Vh, src, axis=0)
    agg = jax.ops.segment_sum(Vsrc, dst, num_segments=num_segments)
    msg1 = Qdst + Ksrc
    conn1 = msg1 * Ew
    # sqrt(relu(c)) - sqrt(relu(-c)) == sign(c) * sqrt(|c|) (signed sqrt)
    conn2 = jnp.sign(conn1) * jnp.sqrt(jnp.abs(conn1))
    conn3 = conn2 + Eb2
    conn_act = jax.nn.relu(conn3)
    eagg = jax.ops.segment_sum(conn_act, dst, num_segments=num_segments)
    eagg = eagg @ conn_lin_w.T + conn_lin_b
    h_out = agg + eagg
    # MbpGINELayer post-processing (dropout p=0, no deg_scaler, residual + layer_norm)
    h = h_out @ nodelin_w.T + nodelin_b
    e = conn_act
    h = x + h
    e = poly_conn + e
    h = _layer_norm(h, ln_h_w, ln_h_b)
    e = _layer_norm(e, ln_e_w, ln_e_b)
    return (h, e)

if __name__ == "__main__":
    import jax
    _d = setup_inputs()
    print(jax.jit(kernel)(*tuple(_d.values())))

</pallas_src>

<mosaic_0001>
#map = affine_map<(d0, d1) -> (0, 0, 0)>
#map1 = affine_map<(d0, d1) -> (0, 0)>
module attributes {stable_mosaic.version = 14 : i64} {
  func.func @_sc_agg_body(%arg0: i32, %arg1: i32, %arg2: memref<160x20x100xi32, #tpu.memory_space<hbm>>, %arg3: memref<160x20x100xi32, #tpu.memory_space<hbm>>, %arg4: memref<10000x128xf32, #tpu.memory_space<hbm>>, %arg5: memref<10112x128xf32, #tpu.memory_space<hbm>>, %arg6: memref<20224x128xf32, #tpu.memory_space<hbm>>, %arg7: memref<20x100xi32, #tpu.memory_space<vmem>>, %arg8: memref<20x100xi32, #tpu.memory_space<vmem>>, %arg9: memref<100x128xf32, #tpu.memory_space<vmem>>, %arg10: memref<100x128xf32, #tpu.memory_space<vmem>>, %arg11: memref<10112x128xf32, #tpu.memory_space<vmem_shared>>, %arg12: memref<!tpu.dma_semaphore, #tpu.memory_space<semaphore_mem>>, %arg13: memref<!tpu.dma_semaphore, #tpu.memory_space<semaphore_mem>>) attributes {dimension_semantics = [#tpu.dimension_semantics<core_parallel>, #tpu.dimension_semantics<subcore_parallel>], iteration_bounds = array<i64: 2, 16>, scalar_prefetch = 0 : i64, scratch_operands = 7 : i64, tpu.core_type = #tpu.core_type<sc_vector_subcore>, window_params = [{transform_indices = #map}, {transform_indices = #map}, {transform_indices = #map1}, {transform_indices = #map1}, {transform_indices = #map1}]} {
    %mul3A = arith.constant 16 : i32
    %mul3A_0 = arith.muli %arg0, %mul3A : i32
    %add3A = arith.addi %mul3A_0, %arg1 : i32
    %mul3A_1 = arith.constant 632 : i32
    %mul3A_2 = arith.muli %arg1, %mul3A_1 : i32
    %mul3A_3 = arith.constant 632 : i32
    %mul3A_4 = arith.muli %arg1, %mul3A_3 : i32
    "tpu.region"() ({
      %run_scoped3A = tpu.sem_alloc : memref<!tpu.dma_semaphore, #tpu.memory_space<semaphore_mem>>
      %dma_start3A = arith.constant 0 : i32
      %dma_start3A_18 = tpu.memref_slice %arg11[%mul3A_4, %dma_start3A] : memref<10112x128xf32, #tpu.memory_space<vmem_shared>> -> memref<632x128xf32, #tpu.memory_space<vmem_shared>>
      %dma_start3A_19 = arith.constant 0 : i32
      %dma_start3A_20 = tpu.memref_slice %arg5[%mul3A_2, %dma_start3A_19] : memref<10112x128xf32, #tpu.memory_space<hbm>> -> memref<632x128xf32, #tpu.memory_space<hbm>>
      tpu.enqueue_dma source(%dma_start3A_20 : memref<632x128xf32, #tpu.memory_space<hbm>>) target(%dma_start3A_18 : memref<632x128xf32, #tpu.memory_space<vmem_shared>>) target_semaphore(%run_scoped3A : memref<!tpu.dma_semaphore, #tpu.memory_space<semaphore_mem>>)
      %dma_wait3A = arith.constant 0 : i32
      %dma_wait3A_21 = tpu.memref_slice %arg11[%mul3A_4, %dma_wait3A] : memref<10112x128xf32, #tpu.memory_space<vmem_shared>> -> memref<632x128xf32, #tpu.memory_space<vmem_shared>>
      %dma_wait3A_22 = arith.constant 0 : i32
      %dma_wait3A_23 = tpu.memref_slice %arg5[%mul3A_2, %dma_wait3A_22] : memref<10112x128xf32, #tpu.memory_space<hbm>> -> memref<632x128xf32, #tpu.memory_space<hbm>>
      tpu.wait_dma2 semaphore(%run_scoped3A : memref<!tpu.dma_semaphore, #tpu.memory_space<semaphore_mem>>) src(%dma_wait3A_23 : memref<632x128xf32, #tpu.memory_space<hbm>>) dst(%dma_wait3A_21 : memref<632x128xf32, #tpu.memory_space<vmem_shared>>)
      tpu.yield
    }) : () -> ()
    "tpu.region"() ({
      %run_scoped3A = tpu.sem_alloc : memref<!tpu.dma_semaphore, #tpu.memory_space<semaphore_mem>>
      %dma_start3A = arith.constant 0 : i32
      %dma_start3A_18 = arith.constant 0 : i32
      %dma_start3A_19 = tpu.memref_slice %arg2[%add3A, %dma_start3A, %dma_start3A_18] : memref<160x20x100xi32, #tpu.memory_space<hbm>> -> memref<1x20x100xi32, #tpu.memory_space<hbm>>
      %dma_start3A_20 = tpu.memref_squeeze %dma_start3A_19 : memref<1x20x100xi32, #tpu.memory_space<hbm>> -> memref<20x100xi32, #tpu.memory_space<hbm>>
      %dma_start3A_21 = arith.constant 0 : i32
      %dma_start3A_22 = arith.constant 0 : i32
      %dma_start3A_23 = tpu.memref_slice %arg2[%add3A, %dma_start3A_21, %dma_start3A_22] : memref<160x20x100xi32, #tpu.memory_space<hbm>> -> memref<1x20x100xi32, #tpu.memory_space<hbm>>
      %dma_start3A_24 = tpu.memref_squeeze %dma_start3A_23 : memref<1x20x100xi32, #tpu.memory_space<hbm>> -> memref<20x100xi32, #tpu.memory_space<hbm>>
      tpu.enqueue_dma source(%dma_start3A_24 : memref<20x100xi32, #tpu.memory_space<hbm>>) target(%arg7 : memref<20x100xi32, #tpu.memory_space<vmem>>) target_semaphore(%run_scoped3A : memref<!tpu.dma_semaphore, #tpu.memory_space<semaphore_mem>>)
      %dma_wait3A = arith.constant 0 : i32
      %dma_wait3A_25 = arith.constant 0 : i32
      %dma_wait3A_26 = tpu.memref_slice %arg2[%add3A, %dma_wait3A, %dma_wait3A_25] : memref<160x20x100xi32, #tpu.memory_space<hbm>> -> memref<1x20x100xi32, #tpu.memory_space<hbm>>
      %dma_wait3A_27 = tpu.memref_squeeze %dma_wait3A_26 : memref<1x20x100xi32, #tpu.memory_space<hbm>> -> memref<20x100xi32, #tpu.memory_space<hbm>>
      %dma_wait3A_28 = arith.constant 0 : i32
      %dma_wait3A_29 = arith.constant 0 : i32
      %dma_wait3A_30 = tpu.memref_slice %arg2[%add3A, %dma_wait3A_28, %dma_wait3A_29] : memref<160x20x100xi32, #tpu.memory_space<hbm>> -> memref<1x20x100xi32, #tpu.memory_space<hbm>>
      %dma_wait3A_31 = tpu.memref_squeeze %dma_wait3A_30 : memref<1x20x100xi32, #tpu.memory_space<hbm>> -> memref<20x100xi32, #tpu.memory_space<hbm>>
      tpu.wait_dma2 semaphore(%run_scoped3A : memref<!tpu.dma_semaphore, #tpu.memory_space<semaphore_mem>>) src(%dma_wait3A_31 : memref<20x100xi32, #tpu.memory_space<hbm>>) dst(%arg7 : memref<20x100xi32, #tpu.memory_space<vmem>>)
      tpu.yield
    }) : () -> ()
    "tpu.region"() ({
      %run_scoped3A = tpu.sem_alloc : memref<!tpu.dma_semaphore, #tpu.memory_space<semaphore_mem>>
      %dma_start3A = arith.constant 0 : i32
      %dma_start3A_18 = arith.constant 0 : i32
      %dma_start3A_19 = tpu.memref_slice %arg3[%add3A, %dma_start3A, %dma_start3A_18] : memref<160x20x100xi32, #tpu.memory_space<hbm>> -> memref<1x20x100xi32, #tpu.memory_space<hbm>>
      %dma_start3A_20 = tpu.memref_squeeze %dma_start3A_19 : memref<1x20x100xi32, #tpu.memory_space<hbm>> -> memref<20x100xi32, #tpu.memory_space<hbm>>
      %dma_start3A_21 = arith.constant 0 : i32
      %dma_start3A_22 = arith.constant 0 : i32
      %dma_start3A_23 = tpu.memref_slice %arg3[%add3A, %dma_start3A_21, %dma_start3A_22] : memref<160x20x100xi32, #tpu.memory_space<hbm>> -> memref<1x20x100xi32, #tpu.memory_space<hbm>>
      %dma_start3A_24 = tpu.memref_squeeze %dma_start3A_23 : memref<1x20x100xi32, #tpu.memory_space<hbm>> -> memref<20x100xi32, #tpu.memory_space<hbm>>
      tpu.enqueue_dma source(%dma_start3A_24 : memref<20x100xi32, #tpu.memory_space<hbm>>) target(%arg8 : memref<20x100xi32, #tpu.memory_space<vmem>>) target_semaphore(%run_scoped3A : memref<!tpu.dma_semaphore, #tpu.memory_space<semaphore_mem>>)
      %dma_wait3A = arith.constant 0 : i32
      %dma_wait3A_25 = arith.constant 0 : i32
      %dma_wait3A_26 = tpu.memref_slice %arg3[%add3A, %dma_wait3A, %dma_wait3A_25] : memref<160x20x100xi32, #tpu.memory_space<hbm>> -> memref<1x20x100xi32, #tpu.memory_space<hbm>>
      %dma_wait3A_27 = tpu.memref_squeeze %dma_wait3A_26 : memref<1x20x100xi32, #tpu.memory_space<hbm>> -> memref<20x100xi32, #tpu.memory_space<hbm>>
      %dma_wait3A_28 = arith.constant 0 : i32
      %dma_wait3A_29 = arith.constant 0 : i32
      %dma_wait3A_30 = tpu.memref_slice %arg3[%add3A, %dma_wait3A_28, %dma_wait3A_29] : memref<160x20x100xi32, #tpu.memory_space<hbm>> -> memref<1x20x100xi32, #tpu.memory_space<hbm>>
      %dma_wait3A_31 = tpu.memref_squeeze %dma_wait3A_30 : memref<1x20x100xi32, #tpu.memory_space<hbm>> -> memref<20x100xi32, #tpu.memory_space<hbm>>
      tpu.wait_dma2 semaphore(%run_scoped3A : memref<!tpu.dma_semaphore, #tpu.memory_space<semaphore_mem>>) src(%dma_wait3A_31 : memref<20x100xi32, #tpu.memory_space<hbm>>) dst(%arg8 : memref<20x100xi32, #tpu.memory_space<vmem>>)
      tpu.yield
    }) : () -> ()
    %barrier3A = arith.constant 0 : index
    tpu.barrier barrier_id(%barrier3A)
    %scan3A = arith.constant 0 : i32
    %scan3A_5 = arith.constant 0 : i32
    %scan3A_6 = arith.constant 5 : i32
    %scan3A_7 = arith.addi %scan3A_5, %scan3A_6 : i32
    %scan3A_8 = arith.constant 1 : i32
    scf.for %scan3A_18 = %scan3A_5 to %scan3A_7 step %scan3A_8  : i32 {
      %mul3A_19 = arith.constant 5 : i32
      %mul3A_20 = arith.muli %add3A, %mul3A_19 : i32
      %add3A_21 = arith.addi %mul3A_20, %scan3A_18 : i32
      "tpu.region"() ({
        %run_scoped3A = tpu.sem_alloc : memref<!tpu.dma_semaphore, #tpu.memory_space<semaphore_mem>>
        %dma_start3A_37 = arith.constant 0 : i32
        %dma_start3A_38 = arith.constant 0 : i32
        %dma_start3A_39 = tpu.memref_slice %arg2[%add3A_21, %dma_start3A_37, %dma_start3A_38] : memref<160x20x100xi32, #tpu.memory_space<hbm>> -> memref<1x20x100xi32, #tpu.memory_space<hbm>>
        %dma_start3A_40 = tpu.memref_squeeze %dma_start3A_39 : memref<1x20x100xi32, #tpu.memory_space<hbm>> -> memref<20x100xi32, #tpu.memory_space<hbm>>
        %dma_start3A_41 = arith.constant 0 : i32
        %dma_start3A_42 = arith.constant 0 : i32
        %dma_start3A_43 = tpu.memref_slice %arg2[%add3A_21, %dma_start3A_41, %dma_start3A_42] : memref<160x20x100xi32, #tpu.memory_space<hbm>> -> memref<1x20x100xi32, #tpu.memory_space<hbm>>
        %dma_start3A_44 = tpu.memref_squeeze %dma_start3A_43 : memref<1x20x100xi32, #tpu.memory_space<hbm>> -> memref<20x100xi32, #tpu.memory_space<hbm>>
        tpu.enqueue_dma source(%dma_start3A_44 : memref<20x100xi32, #tpu.memory_space<hbm>>) target(%arg7 : memref<20x100xi32, #tpu.memory_space<vmem>>) target_semaphore(%run_scoped3A : memref<!tpu.dma_semaphore, #tpu.memory_space<semaphore_mem>>)
        %dma_wait3A = arith.constant 0 : i32
        %dma_wait3A_45 = arith.constant 0 : i32
        %dma_wait3A_46 = tpu.memref_slice %arg2[%add3A_21, %dma_wait3A, %dma_wait3A_45] : memref<160x20x100xi32, #tpu.memory_space<hbm>> -> memref<1x20x100xi32, #tpu.memory_space<hbm>>
        %dma_wait3A_47 = tpu.memref_squeeze %dma_wait3A_46 : memref<1x20x100xi32, #tpu.memory_space<hbm>> -> memref<20x100xi32, #tpu.memory_space<hbm>>
        %dma_wait3A_48 = arith.constant 0 : i32
        %dma_wait3A_49 = arith.constant 0 : i32
        %dma_wait3A_50 = tpu.memref_slice %arg2[%add3A_21, %dma_wait3A_48, %dma_wait3A_49] : memref<160x20x100xi32, #tpu.memory_space<hbm>> -> memref<1x20x100xi32, #tpu.memory_space<hbm>>
        %dma_wait3A_51 = tpu.memref_squeeze %dma_wait3A_50 : memref<1x20x100xi32, #tpu.memory_space<hbm>> -> memref<20x100xi32, #tpu.memory_space<hbm>>
        tpu.wait_dma2 semaphore(%run_scoped3A : memref<!tpu.dma_semaphore, #tpu.memory_space<semaphore_mem>>) src(%dma_wait3A_51 : memref<20x100xi32, #tpu.memory_space<hbm>>) dst(%arg7 : memref<20x100xi32, #tpu.memory_space<vmem>>)
        tpu.yield
      }) : () -> ()
      %mul3A_22 = arith.constant 5 : i32
      %mul3A_23 = arith.muli %add3A, %mul3A_22 : i32
      %add3A_24 = arith.addi %mul3A_23, %scan3A_18 : i32
      "tpu.region"() ({
        %run_scoped3A = tpu.sem_alloc : memref<!tpu.dma_semaphore, #tpu.memory_space<semaphore_mem>>
        %dma_start3A_37 = arith.constant 0 : i32
        %dma_start3A_38 = arith.constant 0 : i32
        %dma_start3A_39 = tpu.memref_slice %arg3[%add3A_24, %dma_start3A_37, %dma_start3A_38] : memref<160x20x100xi32, #tpu.memory_space<hbm>> -> memref<1x20x100xi32, #tpu.memory_space<hbm>>
        %dma_start3A_40 = tpu.memref_squeeze %dma_start3A_39 : memref<1x20x100xi32, #tpu.memory_space<hbm>> -> memref<20x100xi32, #tpu.memory_space<hbm>>
        %dma_start3A_41 = arith.constant 0 : i32
        %dma_start3A_42 = arith.constant 0 : i32
        %dma_start3A_43 = tpu.memref_slice %arg3[%add3A_24, %dma_start3A_41, %dma_start3A_42] : memref<160x20x100xi32, #tpu.memory_space<hbm>> -> memref<1x20x100xi32, #tpu.memory_space<hbm>>
        %dma_start3A_44 = tpu.memref_squeeze %dma_start3A_43 : memref<1x20x100xi32, #tpu.memory_space<hbm>> -> memref<20x100xi32, #tpu.memory_space<hbm>>
        tpu.enqueue_dma source(%dma_start3A_44 : memref<20x100xi32, #tpu.memory_space<hbm>>) target(%arg8 : memref<20x100xi32, #tpu.memory_space<vmem>>) target_semaphore(%run_scoped3A : memref<!tpu.dma_semaphore, #tpu.memory_space<semaphore_mem>>)
        %dma_wait3A = arith.constant 0 : i32
        %dma_wait3A_45 = arith.constant 0 : i32
        %dma_wait3A_46 = tpu.memref_slice %arg3[%add3A_24, %dma_wait3A, %dma_wait3A_45] : memref<160x20x100xi32, #tpu.memory_space<hbm>> -> memref<1x20x100xi32, #tpu.memory_space<hbm>>
        %dma_wait3A_47 = tpu.memref_squeeze %dma_wait3A_46 : memref<1x20x100xi32, #tpu.memory_space<hbm>> -> memref<20x100xi32, #tpu.memory_space<hbm>>
        %dma_wait3A_48 = arith.constant 0 : i32
        %dma_wait3A_49 = arith.constant 0 : i32
        %dma_wait3A_50 = tpu.memref_slice %arg3[%add3A_24, %dma_wait3A_48, %dma_wait3A_49] : memref<160x20x100xi32, #tpu.memory_space<hbm>> -> memref<1x20x100xi32, #tpu.memory_space<hbm>>
        %dma_wait3A_51 = tpu.memref_squeeze %dma_wait3A_50 : memref<1x20x100xi32, #tpu.memory_space<hbm>> -> memref<20x100xi32, #tpu.memory_space<hbm>>
        tpu.wait_dma2 semaphore(%run_scoped3A : memref<!tpu.dma_semaphore, #tpu.memory_space<semaphore_mem>>) src(%dma_wait3A_51 : memref<20x100xi32, #tpu.memory_space<hbm>>) dst(%arg8 : memref<20x100xi32, #tpu.memory_space<vmem>>)
        tpu.yield
      }) : () -> ()
      %dma_start3A = arith.constant 0 : i32
      %dma_start3A_25 = arith.constant 0 : i32
      %dma_start3A_26 = tpu.memref_slice %arg7[%dma_start3A, %dma_start3A_25] : memref<20x100xi32, #tpu.memory_space<vmem>> -> memref<1x100xi32, #tpu.memory_space<vmem>>
      %dma_start3A_27 = tpu.memref_squeeze %dma_start3A_26 : memref<1x100xi32, #tpu.memory_space<vmem>> -> memref<100xi32, #tpu.memory_space<vmem>>
      %dma_start3A_28 = arith.constant 0 : i32
      %dma_start3A_29 = arith.constant 0 : i32
      %dma_start3A_30 = tpu.memref_slice %arg4[%dma_start3A_28, %dma_start3A_29] : memref<10000x128xf32, #tpu.memory_space<hbm>> -> memref<10000x128xf32, #tpu.memory_space<hbm>>
      tpu.enqueue_indirect_dma source(%dma_start3A_30 : memref<10000x128xf32, #tpu.memory_space<hbm>>) target(%arg9 : memref<100x128xf32, #tpu.memory_space<vmem>>) offsets(%dma_start3A_27 : memref<100xi32, #tpu.memory_space<vmem>>) semaphore(%arg12 : memref<!tpu.dma_semaphore, #tpu.memory_space<semaphore_mem>>)
      %scan3A_31 = arith.constant 0 : i32
      %scan3A_32 = arith.constant 0 : i32
      %scan3A_33 = arith.constant 10 : i32
      %scan3A_34 = arith.addi %scan3A_32, %scan3A_33 : i32
      %scan3A_35 = arith.constant 1 : i32
      scf.for %scan3A_37 = %scan3A_32 to %scan3A_34 step %scan3A_35  : i32 {
        %mul3A_38 = arith.constant 2 : i32
        %mul3A_39 = arith.muli %mul3A_38, %scan3A_37 : i32
        %add3A_40 = arith.constant 0 : i32
        %add3A_41 = arith.addi %mul3A_39, %add3A_40 : i32
        %add3A_42 = arith.constant 1 : i32
        %add3A_43 = arith.addi %add3A_41, %add3A_42 : i32
        %lt3A = arith.constant 20 : i32
        %lt3A_44 = arith.cmpi slt, %add3A_43, %lt3A : i32
        %convert_element_type3A = arith.extui %lt3A_44 : i1 to i32
        %cond3A = arith.constant 0 : i32
        %cond3A_45 = arith.cmpi ne, %convert_element_type3A, %cond3A : i32
        scf.if %cond3A_45 {
          %dma_start3A_70 = arith.constant 0 : i32
          %dma_start3A_71 = tpu.memref_slice %arg7[%add3A_43, %dma_start3A_70] : memref<20x100xi32, #tpu.memory_space<vmem>> -> memref<1x100xi32, #tpu.memory_space<vmem>>
          %dma_start3A_72 = tpu.memref_squeeze %dma_start3A_71 : memref<1x100xi32, #tpu.memory_space<vmem>> -> memref<100xi32, #tpu.memory_space<vmem>>
          %dma_start3A_73 = arith.constant 0 : i32
          %dma_start3A_74 = arith.constant 0 : i32
          %dma_start3A_75 = tpu.memref_slice %arg4[%dma_start3A_73, %dma_start3A_74] : memref<10000x128xf32, #tpu.memory_space<hbm>> -> memref<10000x128xf32, #tpu.memory_space<hbm>>
          tpu.enqueue_indirect_dma source(%dma_start3A_75 : memref<10000x128xf32, #tpu.memory_space<hbm>>) target(%arg10 : memref<100x128xf32, #tpu.memory_space<vmem>>) offsets(%dma_start3A_72 : memref<100xi32, #tpu.memory_space<vmem>>) semaphore(%arg13 : memref<!tpu.dma_semaphore, #tpu.memory_space<semaphore_mem>>)
        } else {
        }
        %dma_wait3A = arith.constant 0 : i32
        %dma_wait3A_46 = arith.constant 0 : i32
        %dma_wait3A_47 = tpu.memref_slice %arg7[%dma_wait3A, %dma_wait3A_46] : memref<20x100xi32, #tpu.memory_space<vmem>> -> memref<1x100xi32, #tpu.memory_space<vmem>>
        %dma_wait3A_48 = tpu.memref_squeeze %dma_wait3A_47 : memref<1x100xi32, #tpu.memory_space<vmem>> -> memref<100xi32, #tpu.memory_space<vmem>>
        %dma_wait3A_49 = arith.constant 0 : i32
        %dma_wait3A_50 = arith.constant 0 : i32
        %dma_wait3A_51 = tpu.memref_slice %arg4[%dma_wait3A_49, %dma_wait3A_50] : memref<10000x128xf32, #tpu.memory_space<hbm>> -> memref<10000x128xf32, #tpu.memory_space<hbm>>
        tpu.wait_indirect_dma semaphore(%arg12 : memref<!tpu.dma_semaphore, #tpu.memory_space<semaphore_mem>>) src(%dma_wait3A_51 : memref<10000x128xf32, #tpu.memory_space<hbm>>) dst(%arg9 : memref<100x128xf32, #tpu.memory_space<vmem>>)
        "tpu.region"() ({
          %run_scoped3A = tpu.sem_alloc : memref<!tpu.dma_semaphore, #tpu.memory_space<semaphore_mem>>
          %dma_start3A_70 = arith.constant 0 : i32
          %dma_start3A_71 = tpu.memref_slice %arg8[%add3A_41, %dma_start3A_70] : memref<20x100xi32, #tpu.memory_space<vmem>> -> memref<1x100xi32, #tpu.memory_space<vmem>>
          %dma_start3A_72 = tpu.memref_squeeze %dma_start3A_71 : memref<1x100xi32, #tpu.memory_space<vmem>> -> memref<100xi32, #tpu.memory_space<vmem>>
          %dma_start3A_73 = arith.constant 0 : i32
          %dma_start3A_74 = arith.constant 0 : i32
          %dma_start3A_75 = tpu.memref_slice %arg11[%dma_start3A_73, %dma_start3A_74] : memref<10112x128xf32, #tpu.memory_space<vmem_shared>> -> memref<10112x128xf32, #tpu.memory_space<vmem_shared>>
          tpu.enqueue_indirect_dma source(%arg9 : memref<100x128xf32, #tpu.memory_space<vmem>>) target(%dma_start3A_75 : memref<10112x128xf32, #tpu.memory_space<vmem_shared>>) offsets(%dma_start3A_72 : memref<100xi32, #tpu.memory_space<vmem>>) semaphore(%run_scoped3A : memref<!tpu.dma_semaphore, #tpu.memory_space<semaphore_mem>>) {add = true}
          %dma_wait3A_76 = arith.constant 0 : i32
          %dma_wait3A_77 = tpu.memref_slice %arg8[%add3A_41, %dma_wait3A_76] : memref<20x100xi32, #tpu.memory_space<vmem>> -> memref<1x100xi32, #tpu.memory_space<vmem>>
          %dma_wait3A_78 = tpu.memref_squeeze %dma_wait3A_77 : memref<1x100xi32, #tpu.memory_space<vmem>> -> memref<100xi32, #tpu.memory_space<vmem>>
          %dma_wait3A_79 = arith.constant 0 : i32
          %dma_wait3A_80 = arith.constant 0 : i32
          %dma_wait3A_81 = tpu.memref_slice %arg11[%dma_wait3A_79, %dma_wait3A_80] : memref<10112x128xf32, #tpu.memory_space<vmem_shared>> -> memref<10112x128xf32, #tpu.memory_space<vmem_shared>>
          tpu.wait_indirect_dma semaphore(%run_scoped3A : memref<!tpu.dma_semaphore, #tpu.memory_space<semaphore_mem>>) src(%arg9 : memref<100x128xf32, #tpu.memory_space<vmem>>) dst(%dma_wait3A_81 : memref<10112x128xf32, #tpu.memory_space<vmem_shared>>)
          tpu.yield
        }) : () -> ()
        %mul3A_52 = arith.constant 2 : i32
        %mul3A_53 = arith.muli %mul3A_52, %scan3A_37 : i32
        %add3A_54 = arith.constant 1 : i32
        %add3A_55 = arith.addi %mul3A_53, %add3A_54 : i32
        %add3A_56 = arith.constant 1 : i32
        %add3A_57 = arith.addi %add3A_55, %add3A_56 : i32
        %lt3A_58 = arith.constant 20 : i32
        %lt3A_59 = arith.cmpi slt, %add3A_57, %lt3A_58 : i32
        %convert_element_type3A_60 = arith.extui %lt3A_59 : i1 to i32
        %cond3A_61 = arith.constant 0 : i32
        %cond3A_62 = arith.cmpi ne, %convert_element_type3A_60, %cond3A_61 : i32
        scf.if %cond3A_62 {
          %dma_start3A_70 = arith.constant 0 : i32
          %dma_start3A_71 = tpu.memref_slice %arg7[%add3A_57, %dma_start3A_70] : memref<20x100xi32, #tpu.memory_space<vmem>> -> memref<1x100xi32, #tpu.memory_space<vmem>>
          %dma_start3A_72 = tpu.memref_squeeze %dma_start3A_71 : memref<1x100xi32, #tpu.memory_space<vmem>> -> memref<100xi32, #tpu.memory_space<vmem>>
          %dma_start3A_73 = arith.constant 0 : i32
          %dma_start3A_74 = arith.constant 0 : i32
          %dma_start3A_75 = tpu.memref_slice %arg4[%dma_start3A_73, %dma_start3A_74] : memref<10000x128xf32, #tpu.memory_space<hbm>> -> memref<10000x128xf32, #tpu.memory_space<hbm>>
          tpu.enqueue_indirect_dma source(%dma_start3A_75 : memref<10000x128xf32, #tpu.memory_space<hbm>>) target(%arg9 : memref<100x128xf32, #tpu.memory_space<vmem>>) offsets(%dma_start3A_72 : memref<100xi32, #tpu.memory_space<vmem>>) semaphore(%arg12 : memref<!tpu.dma_semaphore, #tpu.memory_space<semaphore_mem>>)
        } else {
        }
        %dma_wait3A_63 = arith.constant 0 : i32
        %dma_wait3A_64 = arith.constant 0 : i32
        %dma_wait3A_65 = tpu.memref_slice %arg7[%dma_wait3A_63, %dma_wait3A_64] : memref<20x100xi32, #tpu.memory_space<vmem>> -> memref<1x100xi32, #tpu.memory_space<vmem>>
        %dma_wait3A_66 = tpu.memref_squeeze %dma_wait3A_65 : memref<1x100xi32, #tpu.memory_space<vmem>> -> memref<100xi32, #tpu.memory_space<vmem>>
        %dma_wait3A_67 = arith.constant 0 : i32
        %dma_wait3A_68 = arith.constant 0 : i32
        %dma_wait3A_69 = tpu.memref_slice %arg4[%dma_wait3A_67, %dma_wait3A_68] : memref<10000x128xf32, #tpu.memory_space<hbm>> -> memref<10000x128xf32, #tpu.memory_space<hbm>>
        tpu.wait_indirect_dma semaphore(%arg13 : memref<!tpu.dma_semaphore, #tpu.memory_space<semaphore_mem>>) src(%dma_wait3A_69 : memref<10000x128xf32, #tpu.memory_space<hbm>>) dst(%arg10 : memref<100x128xf32, #tpu.memory_space<vmem>>)
        "tpu.region"() ({
          %run_scoped3A = tpu.sem_alloc : memref<!tpu.dma_semaphore, #tpu.memory_space<semaphore_mem>>
          %dma_start3A_70 = arith.constant 0 : i32
          %dma_start3A_71 = tpu.memref_slice %arg8[%add3A_55, %dma_start3A_70] : memref<20x100xi32, #tpu.memory_space<vmem>> -> memref<1x100xi32, #tpu.memory_space<vmem>>
          %dma_start3A_72 = tpu.memref_squeeze %dma_start3A_71 : memref<1x100xi32, #tpu.memory_space<vmem>> -> memref<100xi32, #tpu.memory_space<vmem>>
          %dma_start3A_73 = arith.constant 0 : i32
          %dma_start3A_74 = arith.constant 0 : i32
          %dma_start3A_75 = tpu.memref_slice %arg11[%dma_start3A_73, %dma_start3A_74] : memref<10112x128xf32, #tpu.memory_space<vmem_shared>> -> memref<10112x128xf32, #tpu.memory_space<vmem_shared>>
          tpu.enqueue_indirect_dma source(%arg10 : memref<100x128xf32, #tpu.memory_space<vmem>>) target(%dma_start3A_75 : memref<10112x128xf32, #tpu.memory_space<vmem_shared>>) offsets(%dma_start3A_72 : memref<100xi32, #tpu.memory_space<vmem>>) semaphore(%run_scoped3A : memref<!tpu.dma_semaphore, #tpu.memory_space<semaphore_mem>>) {add = true}
          %dma_wait3A_76 = arith.constant 0 : i32
          %dma_wait3A_77 = tpu.memref_slice %arg8[%add3A_55, %dma_wait3A_76] : memref<20x100xi32, #tpu.memory_space<vmem>> -> memref<1x100xi32, #tpu.memory_space<vmem>>
          %dma_wait3A_78 = tpu.memref_squeeze %dma_wait3A_77 : memref<1x100xi32, #tpu.memory_space<vmem>> -> memref<100xi32, #tpu.memory_space<vmem>>
          %dma_wait3A_79 = arith.constant 0 : i32
          %dma_wait3A_80 = arith.constant 0 : i32
          %dma_wait3A_81 = tpu.memref_slice %arg11[%dma_wait3A_79, %dma_wait3A_80] : memref<10112x128xf32, #tpu.memory_space<vmem_shared>> -> memref<10112x128xf32, #tpu.memory_space<vmem_shared>>
          tpu.wait_indirect_dma semaphore(%run_scoped3A : memref<!tpu.dma_semaphore, #tpu.memory_space<semaphore_mem>>) src(%arg10 : memref<100x128xf32, #tpu.memory_space<vmem>>) dst(%dma_wait3A_81 : memref<10112x128xf32, #tpu.memory_space<vmem_shared>>)
          tpu.yield
        }) : () -> ()
      }
      %scan3A_36 = arith.constant 10 : i32
    }
    %scan3A_9 = arith.constant 5 : i32
    %barrier3A_10 = arith.constant 0 : index
    tpu.barrier barrier_id(%barrier3A_10)
    %mul3A_11 = arith.constant 632 : i32
    %mul3A_12 = arith.muli %arg1, %mul3A_11 : i32
    %mul3A_13 = arith.constant 10112 : i32
    %mul3A_14 = arith.muli %arg0, %mul3A_13 : i32
    %mul3A_15 = arith.constant 632 : i32
    %mul3A_16 = arith.muli %arg1, %mul3A_15 : i32
    %add3A_17 = arith.addi %mul3A_14, %mul3A_16 : i32
    "tpu.region"() ({
      %run_scoped3A = tpu.sem_alloc : memref<!tpu.dma_semaphore, #tpu.memory_space<semaphore_mem>>
      %dma_start3A = arith.constant 0 : i32
      %dma_start3A_18 = tpu.memref_slice %arg6[%add3A_17, %dma_start3A] : memref<20224x128xf32, #tpu.memory_space<hbm>> -> memref<632x128xf32, #tpu.memory_space<hbm>>
      %dma_start3A_19 = arith.constant 0 : i32
      %dma_start3A_20 = tpu.memref_slice %arg11[%mul3A_12, %dma_start3A_19] : memref<10112x128xf32, #tpu.memory_space<vmem_shared>> -> memref<632x128xf32, #tpu.memory_space<vmem_shared>>
      tpu.enqueue_dma source(%dma_start3A_20 : memref<632x128xf32, #tpu.memory_space<vmem_shared>>) target(%dma_start3A_18 : memref<632x128xf32, #tpu.memory_space<hbm>>) target_semaphore(%run_scoped3A : memref<!tpu.dma_semaphore, #tpu.memory_space<semaphore_mem>>)
      %dma_wait3A = arith.constant 0 : i32
      %dma_wait3A_21 = tpu.memref_slice %arg6[%add3A_17, %dma_wait3A] : memref<20224x128xf32, #tpu.memory_space<hbm>> -> memref<632x128xf32, #tpu.memory_space<hbm>>
      %dma_wait3A_22 = arith.constant 0 : i32
      %dma_wait3A_23 = tpu.memref_slice %arg11[%mul3A_12, %dma_wait3A_22] : memref<10112x128xf32, #tpu.memory_space<vmem_shared>> -> memref<632x128xf32, #tpu.memory_space<vmem_shared>>
      tpu.wait_dma2 semaphore(%run_scoped3A : memref<!tpu.dma_semaphore, #tpu.memory_space<semaphore_mem>>) src(%dma_wait3A_23 : memref<632x128xf32, #tpu.memory_space<vmem_shared>>) dst(%dma_wait3A_21 : memref<632x128xf32, #tpu.memory_space<hbm>>)
      tpu.yield
    }) : () -> ()
    return
  }
}

#map = affine_map<(d0, d1) -> (0, 0, 0)>
#map1 = affine_map<(d0, d1) -> (0, 0)>
#map2 = affine_map<(d0, d1) -> (0)>
module attributes {stable_mosaic.version = 14 : i64} {
  func.func @_sc_edge_body(%arg0: i32, %arg1: i32, %arg2: memref<800x10x40xi32, #tpu.memory_space<hbm>>, %arg3: memref<800x10x40xi32, #tpu.memory_space<hbm>>, %arg4: memref<320000x128xi32, #tpu.memory_space<hbm>>, %arg5: memref<320000x128xf32, #tpu.memory_space<hbm>>, %arg6: memref<10000x128xf32, #tpu.memory_space<hbm>>, %arg7: memref<10000x128xf32, #tpu.memory_space<hbm>>, %arg8: memref<10112x128xf32, #tpu.memory_space<hbm>>, %arg9: memref<128xf32, #tpu.memory_space<hbm>>, %arg10: memref<128xf32, #tpu.memory_space<hbm>>, %arg11: memref<320000x128xf32, #tpu.memory_space<hbm>>, %arg12: memref<20224x128xf32, #tpu.memory_space<hbm>>, %arg13: memref<10x40xi32, #tpu.memory_space<vmem>>, %arg14: memref<10x40xi32, #tpu.memory_space<vmem>>, %arg15: memref<40x128xi32, #tpu.memory_space<vmem>>, %arg16: memref<40x128xi32, #tpu.memory_space<vmem>>, %arg17: memref<40x128xf32, #tpu.memory_space<vmem>>, %arg18: memref<40x128xf32, #tpu.memory_space<vmem>>, %arg19: memref<40x128xf32, #tpu.memory_space<vmem>>, %arg20: memref<40x128xf32, #tpu.memory_space<vmem>>, %arg21: memref<40x128xf32, #tpu.memory_space<vmem>>, %arg22: memref<40x128xf32, #tpu.memory_space<vmem>>, %arg23: memref<128xf32, #tpu.memory_space<vmem>>, %arg24: memref<128xf32, #tpu.memory_space<vmem>>, %arg25: memref<10112x128xf32, #tpu.memory_space<vmem_shared>>, %arg26: memref<!tpu.dma_semaphore, #tpu.memory_space<semaphore_mem>>, %arg27: memref<!tpu.dma_semaphore, #tpu.memory_space<semaphore_mem>>, %arg28: memref<!tpu.dma_semaphore, #tpu.memory_space<semaphore_mem>>, %arg29: memref<!tpu.dma_semaphore, #tpu.memory_space<semaphore_mem>>, %arg30: memref<!tpu.dma_semaphore, #tpu.memory_space<semaphore_mem>>, %arg31: memref<!tpu.dma_semaphore, #tpu.memory_space<semaphore_mem>>, %arg32: memref<!tpu.dma_semaphore, #tpu.memory_space<semaphore_mem>>, %arg33: memref<!tpu.dma_semaphore, #tpu.memory_space<semaphore_mem>>, %arg34: memref<!tpu.dma_semaphore, #tpu.memory_space<semaphore_mem>>, %arg35: memref<!tpu.dma_semaphore, #tpu.memory_space<semaphore_mem>>) attributes {dimension_semantics = [#tpu.dimension_semantics<core_parallel>, #tpu.dimension_semantics<subcore_parallel>], iteration_bounds = array<i64: 2, 16>, scalar_prefetch = 0 : i64, scratch_operands = 23 : i64, tpu.core_type = #tpu.core_type<sc_vector_subcore>, window_params = [{transform_indices = #map}, {transform_indices = #map}, {transform_indices = #map1}, {transform_indices = #map1}, {transform_indices = #map1}, {transform_indices = #map1}, {transform_indices = #map1}, {transform_indices = #map2}, {transform_indices = #map2}, {transform_indices = #map1}, {transform_indices = #map1}]} {
    %mul3A = arith.constant 16 : i32
    %mul3A_0 = arith.muli %arg0, %mul3A : i32
    %add3A = arith.addi %mul3A_0, %arg1 : i32
    %mul3A_1 = arith.constant 632 : i32
    %mul3A_2 = arith.muli %arg1, %mul3A_1 : i32
    %mul3A_3 = arith.constant 632 : i32
    %mul3A_4 = arith.muli %arg1, %mul3A_3 : i32
    "tpu.region"() ({
      %run_scoped3A = tpu.sem_alloc : memref<!tpu.dma_semaphore, #tpu.memory_space<semaphore_mem>>
      %dma_start3A = arith.constant 0 : i32
      %dma_start3A_29 = tpu.memref_slice %arg25[%mul3A_4, %dma_start3A] : memref<10112x128xf32, #tpu.memory_space<vmem_shared>> -> memref<632x128xf32, #tpu.memory_space<vmem_shared>>
      %dma_start3A_30 = arith.constant 0 : i32
      %dma_start3A_31 = tpu.memref_slice %arg8[%mul3A_2, %dma_start3A_30] : memref<10112x128xf32, #tpu.memory_space<hbm>> -> memref<632x128xf32, #tpu.memory_space<hbm>>
      tpu.enqueue_dma source(%dma_start3A_31 : memref<632x128xf32, #tpu.memory_space<hbm>>) target(%dma_start3A_29 : memref<632x128xf32, #tpu.memory_space<vmem_shared>>) target_semaphore(%run_scoped3A : memref<!tpu.dma_semaphore, #tpu.memory_space<semaphore_mem>>)
      %dma_wait3A_32 = arith.constant 0 : i32
      %dma_wait3A_33 = tpu.memref_slice %arg25[%mul3A_4, %dma_wait3A_32] : memref<10112x128xf32, #tpu.memory_space<vmem_shared>> -> memref<632x128xf32, #tpu.memory_space<vmem_shared>>
      %dma_wait3A_34 = arith.constant 0 : i32
      %dma_wait3A_35 = tpu.memref_slice %arg8[%mul3A_2, %dma_wait3A_34] : memref<10112x128xf32, #tpu.memory_space<hbm>> -> memref<632x128xf32, #tpu.memory_space<hbm>>
      tpu.wait_dma2 semaphore(%run_scoped3A : memref<!tpu.dma_semaphore, #tpu.memory_space<semaphore_mem>>) src(%dma_wait3A_35 : memref<632x128xf32, #tpu.memory_space<hbm>>) dst(%dma_wait3A_33 : memref<632x128xf32, #tpu.memory_space<vmem_shared>>)
      tpu.yield
    }) : () -> ()
    "tpu.region"() ({
      %run_scoped3A = tpu.sem_alloc : memref<!tpu.dma_semaphore, #tpu.memory_space<semaphore_mem>>
      tpu.enqueue_dma source(%arg9 : memref<128xf32, #tpu.memory_space<hbm>>) target(%arg23 : memref<128xf32, #tpu.memory_space<vmem>>) target_semaphore(%run_scoped3A : memref<!tpu.dma_semaphore, #tpu.memory_space<semaphore_mem>>)
      tpu.wait_dma2 semaphore(%run_scoped3A : memref<!tpu.dma_semaphore, #tpu.memory_space<semaphore_mem>>) src(%arg9 : memref<128xf32, #tpu.memory_space<hbm>>) dst(%arg23 : memref<128xf32, #tpu.memory_space<vmem>>)
      tpu.yield
    }) : () -> ()
    "tpu.region"() ({
      %run_scoped3A = tpu.sem_alloc : memref<!tpu.dma_semaphore, #tpu.memory_space<semaphore_mem>>
      tpu.enqueue_dma source(%arg10 : memref<128xf32, #tpu.memory_space<hbm>>) target(%arg24 : memref<128xf32, #tpu.memory_space<vmem>>) target_semaphore(%run_scoped3A : memref<!tpu.dma_semaphore, #tpu.memory_space<semaphore_mem>>)
      tpu.wait_dma2 semaphore(%run_scoped3A : memref<!tpu.dma_semaphore, #tpu.memory_space<semaphore_mem>>) src(%arg10 : memref<128xf32, #tpu.memory_space<hbm>>) dst(%arg24 : memref<128xf32, #tpu.memory_space<vmem>>)
      tpu.yield
    }) : () -> ()
    %barrier3A = arith.constant 0 : index
    tpu.barrier barrier_id(%barrier3A)
    %scan3A = arith.constant 0 : i32
    %scan3A_5 = arith.constant 0 : i32
    %scan3A_6 = arith.constant 25 : i32
    %scan3A_7 = arith.addi %scan3A_5, %scan3A_6 : i32
    %scan3A_8 = arith.constant 1 : i32
    scf.for %scan3A_29 = %scan3A_5 to %scan3A_7 step %scan3A_8  : i32 {
      %mul3A_30 = arith.constant 25 : i32
      %mul3A_31 = arith.muli %add3A, %mul3A_30 : i32
      %add3A_32 = arith.addi %mul3A_31, %scan3A_29 : i32
      "tpu.region"() ({
        %run_scoped3A = tpu.sem_alloc : memref<!tpu.dma_semaphore, #tpu.memory_space<semaphore_mem>>
        %dma_start3A_70 = arith.constant 0 : i32
        %dma_start3A_71 = arith.constant 0 : i32
        %dma_start3A_72 = tpu.memref_slice %arg2[%add3A_32, %dma_start3A_70, %dma_start3A_71] : memref<800x10x40xi32, #tpu.memory_space<hbm>> -> memref<1x10x40xi32, #tpu.memory_space<hbm>>
        %dma_start3A_73 = tpu.memref_squeeze %dma_start3A_72 : memref<1x10x40xi32, #tpu.memory_space<hbm>> -> memref<10x40xi32, #tpu.memory_space<hbm>>
        %dma_start3A_74 = arith.constant 0 : i32
        %dma_start3A_75 = arith.constant 0 : i32
        %dma_start3A_76 = tpu.memref_slice %arg2[%add3A_32, %dma_start3A_74, %dma_start3A_75] : memref<800x10x40xi32, #tpu.memory_space<hbm>> -> memref<1x10x40xi32, #tpu.memory_space<hbm>>
        %dma_start3A_77 = tpu.memref_squeeze %dma_start3A_76 : memref<1x10x40xi32, #tpu.memory_space<hbm>> -> memref<10x40xi32, #tpu.memory_space<hbm>>
        tpu.enqueue_dma source(%dma_start3A_77 : memref<10x40xi32, #tpu.memory_space<hbm>>) target(%arg13 : memref<10x40xi32, #tpu.memory_space<vmem>>) target_semaphore(%run_scoped3A : memref<!tpu.dma_semaphore, #tpu.memory_space<semaphore_mem>>)
        %dma_wait3A_78 = arith.constant 0 : i32
        %dma_wait3A_79 = arith.constant 0 : i32
        %dma_wait3A_80 = tpu.memref_slice %arg2[%add3A_32, %dma_wait3A_78, %dma_wait3A_79] : memref<800x10x40xi32, #tpu.memory_space<hbm>> -> memref<1x10x40xi32, #tpu.memory_space<hbm>>
        %dma_wait3A_81 = tpu.memref_squeeze %dma_wait3A_80 : memref<1x10x40xi32, #tpu.memory_space<hbm>> -> memref<10x40xi32, #tpu.memory_space<hbm>>
        %dma_wait3A_82 = arith.constant 0 : i32
        %dma_wait3A_83 = arith.constant 0 : i32
        %dma_wait3A_84 = tpu.memref_slice %arg2[%add3A_32, %dma_wait3A_82, %dma_wait3A_83] : memref<800x10x40xi32, #tpu.memory_space<hbm>> -> memref<1x10x40xi32, #tpu.memory_space<hbm>>
        %dma_wait3A_85 = tpu.memref_squeeze %dma_wait3A_84 : memref<1x10x40xi32, #tpu.memory_space<hbm>> -> memref<10x40xi32, #tpu.memory_space<hbm>>
        tpu.wait_dma2 semaphore(%run_scoped3A : memref<!tpu.dma_semaphore, #tpu.memory_space<semaphore_mem>>) src(%dma_wait3A_85 : memref<10x40xi32, #tpu.memory_space<hbm>>) dst(%arg13 : memref<10x40xi32, #tpu.memory_space<vmem>>)
        tpu.yield
      }) : () -> ()
      %mul3A_33 = arith.constant 25 : i32
      %mul3A_34 = arith.muli %add3A, %mul3A_33 : i32
      %add3A_35 = arith.addi %mul3A_34, %scan3A_29 : i32
      "tpu.region"() ({
        %run_scoped3A = tpu.sem_alloc : memref<!tpu.dma_semaphore, #tpu.memory_space<semaphore_mem>>
        %dma_start3A_70 = arith.constant 0 : i32
        %dma_start3A_71 = arith.constant 0 : i32
        %dma_start3A_72 = tpu.memref_slice %arg3[%add3A_35, %dma_start3A_70, %dma_start3A_71] : memref<800x10x40xi32, #tpu.memory_space<hbm>> -> memref<1x10x40xi32, #tpu.memory_space<hbm>>
        %dma_start3A_73 = tpu.memref_squeeze %dma_start3A_72 : memref<1x10x40xi32, #tpu.memory_space<hbm>> -> memref<10x40xi32, #tpu.memory_space<hbm>>
        %dma_start3A_74 = arith.constant 0 : i32
        %dma_start3A_75 = arith.constant 0 : i32
        %dma_start3A_76 = tpu.memref_slice %arg3[%add3A_35, %dma_start3A_74, %dma_start3A_75] : memref<800x10x40xi32, #tpu.memory_space<hbm>> -> memref<1x10x40xi32, #tpu.memory_space<hbm>>
        %dma_start3A_77 = tpu.memref_squeeze %dma_start3A_76 : memref<1x10x40xi32, #tpu.memory_space<hbm>> -> memref<10x40xi32, #tpu.memory_space<hbm>>
        tpu.enqueue_dma source(%dma_start3A_77 : memref<10x40xi32, #tpu.memory_space<hbm>>) target(%arg14 : memref<10x40xi32, #tpu.memory_space<vmem>>) target_semaphore(%run_scoped3A : memref<!tpu.dma_semaphore, #tpu.memory_space<semaphore_mem>>)
        %dma_wait3A_78 = arith.constant 0 : i32
        %dma_wait3A_79 = arith.constant 0 : i32
        %dma_wait3A_80 = tpu.memref_slice %arg3[%add3A_35, %dma_wait3A_78, %dma_wait3A_79] : memref<800x10x40xi32, #tpu.memory_space<hbm>> -> memref<1x10x40xi32, #tpu.memory_space<hbm>>
        %dma_wait3A_81 = tpu.memref_squeeze %dma_wait3A_80 : memref<1x10x40xi32, #tpu.memory_space<hbm>> -> memref<10x40xi32, #tpu.memory_space<hbm>>
        %dma_wait3A_82 = arith.constant 0 : i32
        %dma_wait3A_83 = arith.constant 0 : i32
        %dma_wait3A_84 = tpu.memref_slice %arg3[%add3A_35, %dma_wait3A_82, %dma_wait3A_83] : memref<800x10x40xi32, #tpu.memory_space<hbm>> -> memref<1x10x40xi32, #tpu.memory_space<hbm>>
        %dma_wait3A_85 = tpu.memref_squeeze %dma_wait3A_84 : memref<1x10x40xi32, #tpu.memory_space<hbm>> -> memref<10x40xi32, #tpu.memory_space<hbm>>
        tpu.wait_dma2 semaphore(%run_scoped3A : memref<!tpu.dma_semaphore, #tpu.memory_space<semaphore_mem>>) src(%dma_wait3A_85 : memref<10x40xi32, #tpu.memory_space<hbm>>) dst(%arg14 : memref<10x40xi32, #tpu.memory_space<vmem>>)
        tpu.yield
      }) : () -> ()
      %mul3A_36 = arith.constant 10000 : i32
      %mul3A_37 = arith.muli %add3A, %mul3A_36 : i32
      %mul3A_38 = arith.constant 400 : i32
      %mul3A_39 = arith.muli %scan3A_29, %mul3A_38 : i32
      %add3A_40 = arith.addi %mul3A_37, %mul3A_39 : i32
      %multiple_of3A = tpu.assume_multiple %add3A_40, 8 : i32
      %gt3A = arith.constant 0 : i32
      %gt3A_41 = arith.cmpi sgt, %scan3A_29, %gt3A : i32
      %convert_element_type3A = arith.extui %gt3A_41 : i1 to i32
      %cond3A = arith.constant 0 : i32
      %cond3A_42 = arith.cmpi ne, %convert_element_type3A, %cond3A : i32
      scf.if %cond3A_42 {
        %dma_wait3A_70 = arith.constant 0 : i32
        %dma_wait3A_71 = tpu.memref_slice %arg11[%multiple_of3A, %dma_wait3A_70] : memref<320000x128xf32, #tpu.memory_space<hbm>> -> memref<40x128xf32, #tpu.memory_space<hbm>>
        %dma_wait3A_72 = arith.constant 0 : i32
        %dma_wait3A_73 = tpu.memref_slice %arg11[%multiple_of3A, %dma_wait3A_72] : memref<320000x128xf32, #tpu.memory_space<hbm>> -> memref<40x128xf32, #tpu.memory_space<hbm>>
        tpu.wait_dma2 semaphore(%arg34 : memref<!tpu.dma_semaphore, #tpu.memory_space<semaphore_mem>>) src(%arg17 : memref<40x128xf32, #tpu.memory_space<vmem>>) dst(%dma_wait3A_73 : memref<40x128xf32, #tpu.memory_space<hbm>>)
      } else {
      }
      %dma_start3A = arith.constant 0 : i32
      %dma_start3A_43 = arith.constant 0 : i32
      %dma_start3A_44 = tpu.memref_slice %arg13[%dma_start3A, %dma_start3A_43] : memref<10x40xi32, #tpu.memory_space<vmem>> -> memref<1x40xi32, #tpu.memory_space<vmem>>
      %dma_start3A_45 = tpu.memref_squeeze %dma_start3A_44 : memref<1x40xi32, #tpu.memory_space<vmem>> -> memref<40xi32, #tpu.memory_space<vmem>>
      %dma_start3A_46 = arith.constant 0 : i32
      %dma_start3A_47 = arith.constant 0 : i32
      %dma_start3A_48 = tpu.memref_slice %arg6[%dma_start3A_46, %dma_start3A_47] : memref<10000x128xf32, #tpu.memory_space<hbm>> -> memref<10000x128xf32, #tpu.memory_space<hbm>>
      tpu.enqueue_indirect_dma source(%dma_start3A_48 : memref<10000x128xf32, #tpu.memory_space<hbm>>) target(%arg19 : memref<40x128xf32, #tpu.memory_space<vmem>>) offsets(%dma_start3A_45 : memref<40xi32, #tpu.memory_space<vmem>>) semaphore(%arg26 : memref<!tpu.dma_semaphore, #tpu.memory_space<semaphore_mem>>)
      %dma_start3A_49 = arith.constant 0 : i32
      %dma_start3A_50 = arith.constant 0 : i32
      %dma_start3A_51 = tpu.memref_slice %arg14[%dma_start3A_49, %dma_start3A_50] : memref<10x40xi32, #tpu.memory_space<vmem>> -> memref<1x40xi32, #tpu.memory_space<vmem>>
      %dma_start3A_52 = tpu.memref_squeeze %dma_start3A_51 : memref<1x40xi32, #tpu.memory_space<vmem>> -> memref<40xi32, #tpu.memory_space<vmem>>
      %dma_start3A_53 = arith.constant 0 : i32
      %dma_start3A_54 = arith.constant 0 : i32
      %dma_start3A_55 = tpu.memref_slice %arg7[%dma_start3A_53, %dma_start3A_54] : memref<10000x128xf32, #tpu.memory_space<hbm>> -> memref<10000x128xf32, #tpu.memory_space<hbm>>
      tpu.enqueue_indirect_dma source(%dma_start3A_55 : memref<10000x128xf32, #tpu.memory_space<hbm>>) target(%arg21 : memref<40x128xf32, #tpu.memory_space<vmem>>) offsets(%dma_start3A_52 : memref<40xi32, #tpu.memory_space<vmem>>) semaphore(%arg28 : memref<!tpu.dma_semaphore, #tpu.memory_space<semaphore_mem>>)
      %dma_start3A_56 = arith.constant 0 : i32
      %dma_start3A_57 = tpu.memref_slice %arg4[%multiple_of3A, %dma_start3A_56] : memref<320000x128xi32, #tpu.memory_space<hbm>> -> memref<40x128xi32, #tpu.memory_space<hbm>>
      %dma_start3A_58 = arith.constant 0 : i32
      %dma_start3A_59 = tpu.memref_slice %arg4[%multiple_of3A, %dma_start3A_58] : memref<320000x128xi32, #tpu.memory_space<hbm>> -> memref<40x128xi32, #tpu.memory_space<hbm>>
      tpu.enqueue_dma source(%dma_start3A_59 : memref<40x128xi32, #tpu.memory_space<hbm>>) target(%arg15 : memref<40x128xi32, #tpu.memory_space<vmem>>) target_semaphore(%arg30 : memref<!tpu.dma_semaphore, #tpu.memory_space<semaphore_mem>>)
      %dma_start3A_60 = arith.constant 0 : i32
      %dma_start3A_61 = tpu.memref_slice %arg5[%multiple_of3A, %dma_start3A_60] : memref<320000x128xf32, #tpu.memory_space<hbm>> -> memref<40x128xf32, #tpu.memory_space<hbm>>
      %dma_start3A_62 = arith.constant 0 : i32
      %dma_start3A_63 = tpu.memref_slice %arg5[%multiple_of3A, %dma_start3A_62] : memref<320000x128xf32, #tpu.memory_space<hbm>> -> memref<40x128xf32, #tpu.memory_space<hbm>>
      tpu.enqueue_dma source(%dma_start3A_63 : memref<40x128xf32, #tpu.memory_space<hbm>>) target(%arg17 : memref<40x128xf32, #tpu.memory_space<vmem>>) target_semaphore(%arg32 : memref<!tpu.dma_semaphore, #tpu.memory_space<semaphore_mem>>)
      %scan3A_64 = arith.constant 0 : i32
      %scan3A_65 = arith.constant 0 : i32
      %scan3A_66 = arith.constant 5 : i32
      %scan3A_67 = arith.addi %scan3A_65, %scan3A_66 : i32
      %scan3A_68 = arith.constant 1 : i32
      scf.for %scan3A_70 = %scan3A_65 to %scan3A_67 step %scan3A_68  : i32 {
        %mul3A_71 = arith.constant 2 : i32
        %mul3A_72 = arith.muli %mul3A_71, %scan3A_70 : i32
        %add3A_73 = arith.constant 0 : i32
        %add3A_74 = arith.addi %mul3A_72, %add3A_73 : i32
        %add3A_75 = arith.constant 1 : i32
        %add3A_76 = arith.addi %add3A_74, %add3A_75 : i32
        %lt3A = arith.constant 10 : i32
        %lt3A_77 = arith.cmpi slt, %add3A_76, %lt3A : i32
        %convert_element_type3A_78 = arith.extui %lt3A_77 : i1 to i32
        %cond3A_79 = arith.constant 0 : i32
        %cond3A_80 = arith.cmpi ne, %convert_element_type3A_78, %cond3A_79 : i32
        scf.if %cond3A_80 {
          %mul3A_157 = arith.constant 40 : i32
          %mul3A_158 = arith.muli %add3A_76, %mul3A_157 : i32
          %add3A_159 = arith.addi %add3A_40, %mul3A_158 : i32
          %multiple_of3A_160 = tpu.assume_multiple %add3A_159, 8 : i32
          %dma_start3A_161 = arith.constant 0 : i32
          %dma_start3A_162 = tpu.memref_slice %arg13[%add3A_76, %dma_start3A_161] : memref<10x40xi32, #tpu.memory_space<vmem>> -> memref<1x40xi32, #tpu.memory_space<vmem>>
          %dma_start3A_163 = tpu.memref_squeeze %dma_start3A_162 : memref<1x40xi32, #tpu.memory_space<vmem>> -> memref<40xi32, #tpu.memory_space<vmem>>
          %dma_start3A_164 = arith.constant 0 : i32
          %dma_start3A_165 = arith.constant 0 : i32
          %dma_start3A_166 = tpu.memref_slice %arg6[%dma_start3A_164, %dma_start3A_165] : memref<10000x128xf32, #tpu.memory_space<hbm>> -> memref<10000x128xf32, #tpu.memory_space<hbm>>
          tpu.enqueue_indirect_dma source(%dma_start3A_166 : memref<10000x128xf32, #tpu.memory_space<hbm>>) target(%arg20 : memref<40x128xf32, #tpu.memory_space<vmem>>) offsets(%dma_start3A_163 : memref<40xi32, #tpu.memory_space<vmem>>) semaphore(%arg27 : memref<!tpu.dma_semaphore, #tpu.memory_space<semaphore_mem>>)
          %dma_start3A_167 = arith.constant 0 : i32
          %dma_start3A_168 = tpu.memref_slice %arg14[%add3A_76, %dma_start3A_167] : memref<10x40xi32, #tpu.memory_space<vmem>> -> memref<1x40xi32, #tpu.memory_space<vmem>>
          %dma_start3A_169 = tpu.memref_squeeze %dma_start3A_168 : memref<1x40xi32, #tpu.memory_space<vmem>> -> memref<40xi32, #tpu.memory_space<vmem>>
          %dma_start3A_170 = arith.constant 0 : i32
          %dma_start3A_171 = arith.constant 0 : i32
          %dma_start3A_172 = tpu.memref_slice %arg7[%dma_start3A_170, %dma_start3A_171] : memref<10000x128xf32, #tpu.memory_space<hbm>> -> memref<10000x128xf32, #tpu.memory_space<hbm>>
          tpu.enqueue_indirect_dma source(%dma_start3A_172 : memref<10000x128xf32, #tpu.memory_space<hbm>>) target(%arg22 : memref<40x128xf32, #tpu.memory_space<vmem>>) offsets(%dma_start3A_169 : memref<40xi32, #tpu.memory_space<vmem>>) semaphore(%arg29 : memref<!tpu.dma_semaphore, #tpu.memory_space<semaphore_mem>>)
          %dma_start3A_173 = arith.constant 0 : i32
          %dma_start3A_174 = tpu.memref_slice %arg4[%multiple_of3A_160, %dma_start3A_173] : memref<320000x128xi32, #tpu.memory_space<hbm>> -> memref<40x128xi32, #tpu.memory_space<hbm>>
          %dma_start3A_175 = arith.constant 0 : i32
          %dma_start3A_176 = tpu.memref_slice %arg4[%multiple_of3A_160, %dma_start3A_175] : memref<320000x128xi32, #tpu.memory_space<hbm>> -> memref<40x128xi32, #tpu.memory_space<hbm>>
          tpu.enqueue_dma source(%dma_start3A_176 : memref<40x128xi32, #tpu.memory_space<hbm>>) target(%arg16 : memref<40x128xi32, #tpu.memory_space<vmem>>) target_semaphore(%arg31 : memref<!tpu.dma_semaphore, #tpu.memory_space<semaphore_mem>>)
          %mul3A_177 = arith.constant 10 : i32
          %mul3A_178 = arith.muli %scan3A_29, %mul3A_177 : i32
          %add3A_179 = arith.addi %mul3A_178, %add3A_74 : i32
          %ge3A = arith.constant 1 : i32
          %ge3A_180 = arith.cmpi sge, %add3A_179, %ge3A : i32
          %convert_element_type3A_181 = arith.extui %ge3A_180 : i1 to i32
          %cond3A_182 = arith.constant 0 : i32
          %cond3A_183 = arith.cmpi ne, %convert_element_type3A_181, %cond3A_182 : i32
          scf.if %cond3A_183 {
            %dma_wait3A_188 = arith.constant 0 : i32
            %dma_wait3A_189 = tpu.memref_slice %arg11[%multiple_of3A_160, %dma_wait3A_188] : memref<320000x128xf32, #tpu.memory_space<hbm>> -> memref<40x128xf32, #tpu.memory_space<hbm>>
            %dma_wait3A_190 = arith.constant 0 : i32
            %dma_wait3A_191 = tpu.memref_slice %arg11[%multiple_of3A_160, %dma_wait3A_190] : memref<320000x128xf32, #tpu.memory_space<hbm>> -> memref<40x128xf32, #tpu.memory_space<hbm>>
            tpu.wait_dma2 semaphore(%arg35 : memref<!tpu.dma_semaphore, #tpu.memory_space<semaphore_mem>>) src(%arg18 : memref<40x128xf32, #tpu.memory_space<vmem>>) dst(%dma_wait3A_191 : memref<40x128xf32, #tpu.memory_space<hbm>>)
          } else {
          }
          %dma_start3A_184 = arith.constant 0 : i32
          %dma_start3A_185 = tpu.memref_slice %arg5[%multiple_of3A_160, %dma_start3A_184] : memref<320000x128xf32, #tpu.memory_space<hbm>> -> memref<40x128xf32, #tpu.memory_space<hbm>>
          %dma_start3A_186 = arith.constant 0 : i32
          %dma_start3A_187 = tpu.memref_slice %arg5[%multiple_of3A_160, %dma_start3A_186] : memref<320000x128xf32, #tpu.memory_space<hbm>> -> memref<40x128xf32, #tpu.memory_space<hbm>>
          tpu.enqueue_dma source(%dma_start3A_187 : memref<40x128xf32, #tpu.memory_space<hbm>>) target(%arg18 : memref<40x128xf32, #tpu.memory_space<vmem>>) target_semaphore(%arg33 : memref<!tpu.dma_semaphore, #tpu.memory_space<semaphore_mem>>)
        } else {
        }
        %mul3A_81 = arith.constant 40 : i32
        %mul3A_82 = arith.muli %add3A_74, %mul3A_81 : i32
        %add3A_83 = arith.addi %add3A_40, %mul3A_82 : i32
        %multiple_of3A_84 = tpu.assume_multiple %add3A_83, 8 : i32
        %dma_wait3A_85 = arith.constant 0 : i32
        %dma_wait3A_86 = arith.constant 0 : i32
        %dma_wait3A_87 = tpu.memref_slice %arg13[%dma_wait3A_85, %dma_wait3A_86] : memref<10x40xi32, #tpu.memory_space<vmem>> -> memref<1x40xi32, #tpu.memory_space<vmem>>
        %dma_wait3A_88 = tpu.memref_squeeze %dma_wait3A_87 : memref<1x40xi32, #tpu.memory_space<vmem>> -> memref<40xi32, #tpu.memory_space<vmem>>
        %dma_wait3A_89 = arith.constant 0 : i32
        %dma_wait3A_90 = arith.constant 0 : i32
        %dma_wait3A_91 = tpu.memref_slice %arg6[%dma_wait3A_89, %dma_wait3A_90] : memref<10000x128xf32, #tpu.memory_space<hbm>> -> memref<10000x128xf32, #tpu.memory_space<hbm>>
        tpu.wait_indirect_dma semaphore(%arg26 : memref<!tpu.dma_semaphore, #tpu.memory_space<semaphore_mem>>) src(%dma_wait3A_91 : memref<10000x128xf32, #tpu.memory_space<hbm>>) dst(%arg19 : memref<40x128xf32, #tpu.memory_space<vmem>>)
        %dma_wait3A_92 = arith.constant 0 : i32
        %dma_wait3A_93 = arith.constant 0 : i32
        %dma_wait3A_94 = tpu.memref_slice %arg14[%dma_wait3A_92, %dma_wait3A_93] : memref<10x40xi32, #tpu.memory_space<vmem>> -> memref<1x40xi32, #tpu.memory_space<vmem>>
        %dma_wait3A_95 = tpu.memref_squeeze %dma_wait3A_94 : memref<1x40xi32, #tpu.memory_space<vmem>> -> memref<40xi32, #tpu.memory_space<vmem>>
        %dma_wait3A_96 = arith.constant 0 : i32
        %dma_wait3A_97 = arith.constant 0 : i32
        %dma_wait3A_98 = tpu.memref_slice %arg7[%dma_wait3A_96, %dma_wait3A_97] : memref<10000x128xf32, #tpu.memory_space<hbm>> -> memref<10000x128xf32, #tpu.memory_space<hbm>>
        tpu.wait_indirect_dma semaphore(%arg28 : memref<!tpu.dma_semaphore, #tpu.memory_space<semaphore_mem>>) src(%dma_wait3A_98 : memref<10000x128xf32, #tpu.memory_space<hbm>>) dst(%arg21 : memref<40x128xf32, #tpu.memory_space<vmem>>)
        %dma_wait3A_99 = arith.constant 0 : i32
        %dma_wait3A_100 = tpu.memref_slice %arg4[%multiple_of3A_84, %dma_wait3A_99] : memref<320000x128xi32, #tpu.memory_space<hbm>> -> memref<40x128xi32, #tpu.memory_space<hbm>>
        %dma_wait3A_101 = arith.constant 0 : i32
        %dma_wait3A_102 = tpu.memref_slice %arg4[%multiple_of3A_84, %dma_wait3A_101] : memref<320000x128xi32, #tpu.memory_space<hbm>> -> memref<40x128xi32, #tpu.memory_space<hbm>>
        tpu.wait_dma2 semaphore(%arg30 : memref<!tpu.dma_semaphore, #tpu.memory_space<semaphore_mem>>) src(%dma_wait3A_102 : memref<40x128xi32, #tpu.memory_space<hbm>>) dst(%arg15 : memref<40x128xi32, #tpu.memory_space<vmem>>)
        %dma_wait3A_103 = arith.constant 0 : i32
        %dma_wait3A_104 = tpu.memref_slice %arg5[%multiple_of3A_84, %dma_wait3A_103] : memref<320000x128xf32, #tpu.memory_space<hbm>> -> memref<40x128xf32, #tpu.memory_space<hbm>>
        %dma_wait3A_105 = arith.constant 0 : i32
        %dma_wait3A_106 = tpu.memref_slice %arg5[%multiple_of3A_84, %dma_wait3A_105] : memref<320000x128xf32, #tpu.memory_space<hbm>> -> memref<40x128xf32, #tpu.memory_space<hbm>>
        tpu.wait_dma2 semaphore(%arg32 : memref<!tpu.dma_semaphore, #tpu.memory_space<semaphore_mem>>) src(%dma_wait3A_106 : memref<40x128xf32, #tpu.memory_space<hbm>>) dst(%arg17 : memref<40x128xf32, #tpu.memory_space<vmem>>)
        %parallel_loop3A = arith.constant 0 : i32
        %parallel_loop3A_107 = arith.constant 40 : i32
        %parallel_loop3A_108 = arith.constant 1 : i32
        scf.for %parallel_loop3A_157 = %parallel_loop3A to %parallel_loop3A_107 step %parallel_loop3A_108  : i32 {
          %parallel_loop3A_158 = arith.constant 0.000000e+00 : f32
          %parallel_loop3A_159 = vector.broadcast %parallel_loop3A_158 : f32 to vector<16xf32>
          %parallel_loop3A_160 = arith.constant 0.000000e+00 : f32
          %parallel_loop3A_161 = vector.broadcast %parallel_loop3A_160 : f32 to vector<16xf32>
          %parallel_loop3A_162 = arith.index_cast %parallel_loop3A_157 : i32 to index
          %parallel_loop3A_163 = arith.constant 0 : index
          %parallel_loop3A_164 = tpu.vector_load %arg15[%parallel_loop3A_162, %parallel_loop3A_163] {strides = array<i32>} : memref<40x128xi32, #tpu.memory_space<vmem>>, vector<1x16xi32>,
          %parallel_loop3A_165 = vector.shape_cast %parallel_loop3A_164 : vector<1x16xi32> to vector<16xi32>
          %parallel_loop3A_166 = arith.constant 16 : i32
          %parallel_loop3A_167 = vector.broadcast %parallel_loop3A_166 : i32 to vector<16xi32>
          %parallel_loop3A_168 = arith.shli %parallel_loop3A_165, %parallel_loop3A_167 : vector<16xi32>
          %parallel_loop3A_169 = tpu.bitcast %parallel_loop3A_168 : vector<16xi32> -> vector<16xf32>
          %parallel_loop3A_170 = arith.constant -65536 : i32
          %parallel_loop3A_171 = vector.broadcast %parallel_loop3A_170 : i32 to vector<16xi32>
          %parallel_loop3A_172 = arith.andi %parallel_loop3A_165, %parallel_loop3A_171 : vector<16xi32>
          %parallel_loop3A_173 = tpu.bitcast %parallel_loop3A_172 : vector<16xi32> -> vector<16xf32>
          %parallel_loop3A_174 = arith.index_cast %parallel_loop3A_157 : i32 to index
          %parallel_loop3A_175 = arith.constant 0 : index
          %parallel_loop3A_176 = tpu.vector_load %arg19[%parallel_loop3A_174, %parallel_loop3A_175] {strides = array<i32>} : memref<40x128xf32, #tpu.memory_space<vmem>>, vector<1x16xf32>,
          %parallel_loop3A_177 = vector.shape_cast %parallel_loop3A_176 : vector<1x16xf32> to vector<16xf32>
          %parallel_loop3A_178 = arith.index_cast %parallel_loop3A_157 : i32 to index
          %parallel_loop3A_179 = arith.constant 0 : index
          %parallel_loop3A_180 = tpu.vector_load %arg21[%parallel_loop3A_178, %parallel_loop3A_179] {strides = array<i32>} : memref<40x128xf32, #tpu.memory_space<vmem>>, vector<1x16xf32>,
          %parallel_loop3A_181 = vector.shape_cast %parallel_loop3A_180 : vector<1x16xf32> to vector<16xf32>
          %parallel_loop3A_182 = arith.addf %parallel_loop3A_177, %parallel_loop3A_181 : vector<16xf32>
          %parallel_loop3A_183 = arith.mulf %parallel_loop3A_182, %parallel_loop3A_169 : vector<16xf32>
          %parallel_loop3A_184 = math.absf %parallel_loop3A_183 : vector<16xf32>
          %parallel_loop3A_185 = tpu.bitcast %parallel_loop3A_184 : vector<16xf32> -> vector<16xi32>
          %parallel_loop3A_186 = arith.constant 1 : i32
          %parallel_loop3A_187 = vector.broadcast %parallel_loop3A_186 : i32 to vector<16xi32>
          %parallel_loop3A_188 = arith.shrsi %parallel_loop3A_185, %parallel_loop3A_187 : vector<16xi32>
          %parallel_loop3A_189 = arith.constant 1597463007 : i32
          %parallel_loop3A_190 = vector.broadcast %parallel_loop3A_189 : i32 to vector<16xi32>
          %parallel_loop3A_191 = arith.subi %parallel_loop3A_190, %parallel_loop3A_188 : vector<16xi32>
          %parallel_loop3A_192 = tpu.bitcast %parallel_loop3A_191 : vector<16xi32> -> vector<16xf32>
          %parallel_loop3A_193 = arith.constant 5.000000e-01 : f32
          %parallel_loop3A_194 = vector.broadcast %parallel_loop3A_193 : f32 to vector<16xf32>
          %parallel_loop3A_195 = arith.mulf %parallel_loop3A_194, %parallel_loop3A_184 : vector<16xf32>
          %parallel_loop3A_196 = arith.mulf %parallel_loop3A_195, %parallel_loop3A_192 : vector<16xf32>
          %parallel_loop3A_197 = arith.mulf %parallel_loop3A_196, %parallel_loop3A_192 : vector<16xf32>
          %parallel_loop3A_198 = arith.constant 1.500000e+00 : f32
          %parallel_loop3A_199 = vector.broadcast %parallel_loop3A_198 : f32 to vector<16xf32>
          %parallel_loop3A_200 = arith.subf %parallel_loop3A_199, %parallel_loop3A_197 : vector<16xf32>
          %parallel_loop3A_201 = arith.mulf %parallel_loop3A_192, %parallel_loop3A_200 : vector<16xf32>
          %parallel_loop3A_202 = arith.mulf %parallel_loop3A_183, %parallel_loop3A_201 : vector<16xf32>
          %parallel_loop3A_203 = arith.addf %parallel_loop3A_202, %parallel_loop3A_173 : vector<16xf32>
          %parallel_loop3A_204 = arith.constant 0.000000e+00 : f32
          %parallel_loop3A_205 = vector.broadcast %parallel_loop3A_204 : f32 to vector<16xf32>
          %parallel_loop3A_206 = arith.maximumf %parallel_loop3A_203, %parallel_loop3A_205 : vector<16xf32>
          %parallel_loop3A_207 = arith.index_cast %parallel_loop3A_157 : i32 to index
          %parallel_loop3A_208 = arith.constant 0 : index
          %parallel_loop3A_209 = tpu.vector_load %arg19[%parallel_loop3A_207, %parallel_loop3A_208] {strides = array<i32>} : memref<40x128xf32, #tpu.memory_space<vmem>>, vector<1x16xf32>,
          %parallel_loop3A_210 = vector.shape_cast %parallel_loop3A_209 : vector<1x16xf32> to vector<16xf32>
          %parallel_loop3A_211 = vector.shape_cast %parallel_loop3A_206 : vector<16xf32> to vector<1x16xf32>
          tpu.vector_store %arg19[%parallel_loop3A_207, %parallel_loop3A_208], %parallel_loop3A_211 {strides = array<i32>} : memref<40x128xf32, #tpu.memory_space<vmem>>, vector<1x16xf32>,
          %parallel_loop3A_212 = arith.index_cast %parallel_loop3A_157 : i32 to index
          %parallel_loop3A_213 = arith.constant 0 : index
          %parallel_loop3A_214 = tpu.vector_load %arg17[%parallel_loop3A_212, %parallel_loop3A_213] {strides = array<i32>} : memref<40x128xf32, #tpu.memory_space<vmem>>, vector<1x16xf32>,
          %parallel_loop3A_215 = vector.shape_cast %parallel_loop3A_214 : vector<1x16xf32> to vector<16xf32>
          %parallel_loop3A_216 = arith.addf %parallel_loop3A_215, %parallel_loop3A_206 : vector<16xf32>
          %parallel_loop3A_217 = arith.addf %parallel_loop3A_159, %parallel_loop3A_216 : vector<16xf32>
          %parallel_loop3A_218 = arith.mulf %parallel_loop3A_216, %parallel_loop3A_216 : vector<16xf32>
          %parallel_loop3A_219 = arith.addf %parallel_loop3A_161, %parallel_loop3A_218 : vector<16xf32>
          %parallel_loop3A_220 = arith.index_cast %parallel_loop3A_157 : i32 to index
          %parallel_loop3A_221 = arith.constant 16 : index
          %parallel_loop3A_222 = tpu.vector_load %arg15[%parallel_loop3A_220, %parallel_loop3A_221] {strides = array<i32>} : memref<40x128xi32, #tpu.memory_space<vmem>>, vector<1x16xi32>,
          %parallel_loop3A_223 = vector.shape_cast %parallel_loop3A_222 : vector<1x16xi32> to vector<16xi32>
          %parallel_loop3A_224 = arith.constant 16 : i32
          %parallel_loop3A_225 = vector.broadcast %parallel_loop3A_224 : i32 to vector<16xi32>
          %parallel_loop3A_226 = arith.shli %parallel_loop3A_223, %parallel_loop3A_225 : vector<16xi32>
          %parallel_loop3A_227 = tpu.bitcast %parallel_loop3A_226 : vector<16xi32> -> vector<16xf32>
          %parallel_loop3A_228 = arith.constant -65536 : i32
          %parallel_loop3A_229 = vector.broadcast %parallel_loop3A_228 : i32 to vector<16xi32>
          %parallel_loop3A_230 = arith.andi %parallel_loop3A_223, %parallel_loop3A_229 : vector<16xi32>
          %parallel_loop3A_231 = tpu.bitcast %parallel_loop3A_230 : vector<16xi32> -> vector<16xf32>
          %parallel_loop3A_232 = arith.index_cast %parallel_loop3A_157 : i32 to index
          %parallel_loop3A_233 = arith.constant 16 : index
          %parallel_loop3A_234 = tpu.vector_load %arg19[%parallel_loop3A_232, %parallel_loop3A_233] {strides = array<i32>} : memref<40x128xf32, #tpu.memory_space<vmem>>, vector<1x16xf32>,
          %parallel_loop3A_235 = vector.shape_cast %parallel_loop3A_234 : vector<1x16xf32> to vector<16xf32>
          %parallel_loop3A_236 = arith.index_cast %parallel_loop3A_157 : i32 to index
          %parallel_loop3A_237 = arith.constant 16 : index
          %parallel_loop3A_238 = tpu.vector_load %arg21[%parallel_loop3A_236, %parallel_loop3A_237] {strides = array<i32>} : memref<40x128xf32, #tpu.memory_space<vmem>>, vector<1x16xf32>,
          %parallel_loop3A_239 = vector.shape_cast %parallel_loop3A_238 : vector<1x16xf32> to vector<16xf32>
          %parallel_loop3A_240 = arith.addf %parallel_loop3A_235, %parallel_loop3A_239 : vector<16xf32>
          %parallel_loop3A_241 = arith.mulf %parallel_loop3A_240, %parallel_loop3A_227 : vector<16xf32>
          %parallel_loop3A_242 = math.absf %parallel_loop3A_241 : vector<16xf32>
          %parallel_loop3A_243 = tpu.bitcast %parallel_loop3A_242 : vector<16xf32> -> vector<16xi32>
          %parallel_loop3A_244 = arith.constant 1 : i32
          %parallel_loop3A_245 = vector.broadcast %parallel_loop3A_244 : i32 to vector<16xi32>
          %parallel_loop3A_246 = arith.shrsi %parallel_loop3A_243, %parallel_loop3A_245 : vector<16xi32>
          %parallel_loop3A_247 = arith.constant 1597463007 : i32
          %parallel_loop3A_248 = vector.broadcast %parallel_loop3A_247 : i32 to vector<16xi32>
          %parallel_loop3A_249 = arith.subi %parallel_loop3A_248, %parallel_loop3A_246 : vector<16xi32>
          %parallel_loop3A_250 = tpu.bitcast %parallel_loop3A_249 : vector<16xi32> -> vector<16xf32>
          %parallel_loop3A_251 = arith.constant 5.000000e-01 : f32
          %parallel_loop3A_252 = vector.broadcast %parallel_loop3A_251 : f32 to vector<16xf32>
          %parallel_loop3A_253 = arith.mulf %parallel_loop3A_252, %parallel_loop3A_242 : vector<16xf32>
          %parallel_loop3A_254 = arith.mulf %parallel_loop3A_253, %parallel_loop3A_250 : vector<16xf32>
          %parallel_loop3A_255 = arith.mulf %parallel_loop3A_254, %parallel_loop3A_250 : vector<16xf32>
          %parallel_loop3A_256 = arith.constant 1.500000e+00 : f32
          %parallel_loop3A_257 = vector.broadcast %parallel_loop3A_256 : f32 to vector<16xf32>
          %parallel_loop3A_258 = arith.subf %parallel_loop3A_257, %parallel_loop3A_255 : vector<16xf32>
          %parallel_loop3A_259 = arith.mulf %parallel_loop3A_250, %parallel_loop3A_258 : vector<16xf32>
          %parallel_loop3A_260 = arith.mulf %parallel_loop3A_241, %parallel_loop3A_259 : vector<16xf32>
          %parallel_loop3A_261 = arith.addf %parallel_loop3A_260, %parallel_loop3A_231 : vector<16xf32>
          %parallel_loop3A_262 = arith.constant 0.000000e+00 : f32
          %parallel_loop3A_263 = vector.broadcast %parallel_loop3A_262 : f32 to vector<16xf32>
          %parallel_loop3A_264 = arith.maximumf %parallel_loop3A_261, %parallel_loop3A_263 : vector<16xf32>
          %parallel_loop3A_265 = arith.index_cast %parallel_loop3A_157 : i32 to index
          %parallel_loop3A_266 = arith.constant 16 : index
          %parallel_loop3A_267 = tpu.vector_load %arg19[%parallel_loop3A_265, %parallel_loop3A_266] {strides = array<i32>} : memref<40x128xf32, #tpu.memory_space<vmem>>, vector<1x16xf32>,
          %parallel_loop3A_268 = vector.shape_cast %parallel_loop3A_267 : vector<1x16xf32> to vector<16xf32>
          %parallel_loop3A_269 = vector.shape_cast %parallel_loop3A_264 : vector<16xf32> to vector<1x16xf32>
          tpu.vector_store %arg19[%parallel_loop3A_265, %parallel_loop3A_266], %parallel_loop3A_269 {strides = array<i32>} : memref<40x128xf32, #tpu.memory_space<vmem>>, vector<1x16xf32>,
          %parallel_loop3A_270 = arith.index_cast %parallel_loop3A_157 : i32 to index
          %parallel_loop3A_271 = arith.constant 16 : index
          %parallel_loop3A_272 = tpu.vector_load %arg17[%parallel_loop3A_270, %parallel_loop3A_271] {strides = array<i32>} : memref<40x128xf32, #tpu.memory_space<vmem>>, vector<1x16xf32>,
          %parallel_loop3A_273 = vector.shape_cast %parallel_loop3A_272 : vector<1x16xf32> to vector<16xf32>
          %parallel_loop3A_274 = arith.addf %parallel_loop3A_273, %parallel_loop3A_264 : vector<16xf32>
          %parallel_loop3A_275 = arith.addf %parallel_loop3A_217, %parallel_loop3A_274 : vector<16xf32>
          %parallel_loop3A_276 = arith.mulf %parallel_loop3A_274, %parallel_loop3A_274 : vector<16xf32>
          %parallel_loop3A_277 = arith.addf %parallel_loop3A_219, %parallel_loop3A_276 : vector<16xf32>
          %parallel_loop3A_278 = arith.index_cast %parallel_loop3A_157 : i32 to index
          %parallel_loop3A_279 = arith.constant 32 : index
          %parallel_loop3A_280 = tpu.vector_load %arg15[%parallel_loop3A_278, %parallel_loop3A_279] {strides = array<i32>} : memref<40x128xi32, #tpu.memory_space<vmem>>, vector<1x16xi32>,
          %parallel_loop3A_281 = vector.shape_cast %parallel_loop3A_280 : vector<1x16xi32> to vector<16xi32>
          %parallel_loop3A_282 = arith.constant 16 : i32
          %parallel_loop3A_283 = vector.broadcast %parallel_loop3A_282 : i32 to vector<16xi32>
          %parallel_loop3A_284 = arith.shli %parallel_loop3A_281, %parallel_loop3A_283 : vector<16xi32>
          %parallel_loop3A_285 = tpu.bitcast %parallel_loop3A_284 : vector<16xi32> -> vector<16xf32>
          %parallel_loop3A_286 = arith.constant -65536 : i32
          %parallel_loop3A_287 = vector.broadcast %parallel_loop3A_286 : i32 to vector<16xi32>
          %parallel_loop3A_288 = arith.andi %parallel_loop3A_281, %parallel_loop3A_287 : vector<16xi32>
          %parallel_loop3A_289 = tpu.bitcast %parallel_loop3A_288 : vector<16xi32> -> vector<16xf32>
          %parallel_loop3A_290 = arith.index_cast %parallel_loop3A_157 : i32 to index
          %parallel_loop3A_291 = arith.constant 32 : index
          %parallel_loop3A_292 = tpu.vector_load %arg19[%parallel_loop3A_290, %parallel_loop3A_291] {strides = array<i32>} : memref<40x128xf32, #tpu.memory_space<vmem>>, vector<1x16xf32>,
          %parallel_loop3A_293 = vector.shape_cast %parallel_loop3A_292 : vector<1x16xf32> to vector<16xf32>
          %parallel_loop3A_294 = arith.index_cast %parallel_loop3A_157 : i32 to index
          %parallel_loop3A_295 = arith.constant 32 : index
          %parallel_loop3A_296 = tpu.vector_load %arg21[%parallel_loop3A_294, %parallel_loop3A_295] {strides = array<i32>} : memref<40x128xf32, #tpu.memory_space<vmem>>, vector<1x16xf32>,
          %parallel_loop3A_297 = vector.shape_cast %parallel_loop3A_296 : vector<1x16xf32> to vector<16xf32>
          %parallel_loop3A_298 = arith.addf %parallel_loop3A_293, %parallel_loop3A_297 : vector<16xf32>
          %parallel_loop3A_299 = arith.mulf %parallel_loop3A_298, %parallel_loop3A_285 : vector<16xf32>
          %parallel_loop3A_300 = math.absf %parallel_loop3A_299 : vector<16xf32>
          %parallel_loop3A_301 = tpu.bitcast %parallel_loop3A_300 : vector<16xf32> -> vector<16xi32>
          %parallel_loop3A_302 = arith.constant 1 : i32
          %parallel_loop3A_303 = vector.broadcast %parallel_loop3A_302 : i32 to vector<16xi32>
          %parallel_loop3A_304 = arith.shrsi %parallel_loop3A_301, %parallel_loop3A_303 : vector<16xi32>
          %parallel_loop3A_305 = arith.constant 1597463007 : i32
          %parallel_loop3A_306 = vector.broadcast %parallel_loop3A_305 : i32 to vector<16xi32>
          %parallel_loop3A_307 = arith.subi %parallel_loop3A_306, %parallel_loop3A_304 : vector<16xi32>
          %parallel_loop3A_308 = tpu.bitcast %parallel_loop3A_307 : vector<16xi32> -> vector<16xf32>
          %parallel_loop3A_309 = arith.constant 5.000000e-01 : f32
          %parallel_loop3A_310 = vector.broadcast %parallel_loop3A_309 : f32 to vector<16xf32>
          %parallel_loop3A_311 = arith.mulf %parallel_loop3A_310, %parallel_loop3A_300 : vector<16xf32>
          %parallel_loop3A_312 = arith.mulf %parallel_loop3A_311, %parallel_loop3A_308 : vector<16xf32>
          %parallel_loop3A_313 = arith.mulf %parallel_loop3A_312, %parallel_loop3A_308 : vector<16xf32>
          %parallel_loop3A_314 = arith.constant 1.500000e+00 : f32
          %parallel_loop3A_315 = vector.broadcast %parallel_loop3A_314 : f32 to vector<16xf32>
          %parallel_loop3A_316 = arith.subf %parallel_loop3A_315, %parallel_loop3A_313 : vector<16xf32>
          %parallel_loop3A_317 = arith.mulf %parallel_loop3A_308, %parallel_loop3A_316 : vector<16xf32>
          %parallel_loop3A_318 = arith.mulf %parallel_loop3A_299, %parallel_loop3A_317 : vector<16xf32>
          %parallel_loop3A_319 = arith.addf %parallel_loop3A_318, %parallel_loop3A_289 : vector<16xf32>
          %parallel_loop3A_320 = arith.constant 0.000000e+00 : f32
          %parallel_loop3A_321 = vector.broadcast %parallel_loop3A_320 : f32 to vector<16xf32>
          %parallel_loop3A_322 = arith.maximumf %parallel_loop3A_319, %parallel_loop3A_321 : vector<16xf32>
          %parallel_loop3A_323 = arith.index_cast %parallel_loop3A_157 : i32 to index
          %parallel_loop3A_324 = arith.constant 32 : index
          %parallel_loop3A_325 = tpu.vector_load %arg19[%parallel_loop3A_323, %parallel_loop3A_324] {strides = array<i32>} : memref<40x128xf32, #tpu.memory_space<vmem>>, vector<1x16xf32>,
          %parallel_loop3A_326 = vector.shape_cast %parallel_loop3A_325 : vector<1x16xf32> to vector<16xf32>
          %parallel_loop3A_327 = vector.shape_cast %parallel_loop3A_322 : vector<16xf32> to vector<1x16xf32>
          tpu.vector_store %arg19[%parallel_loop3A_323, %parallel_loop3A_324], %parallel_loop3A_327 {strides = array<i32>} : memref<40x128xf32, #tpu.memory_space<vmem>>, vector<1x16xf32>,
          %parallel_loop3A_328 = arith.index_cast %parallel_loop3A_157 : i32 to index
          %parallel_loop3A_329 = arith.constant 32 : index
          %parallel_loop3A_330 = tpu.vector_load %arg17[%parallel_loop3A_328, %parallel_loop3A_329] {strides = array<i32>} : memref<40x128xf32, #tpu.memory_space<vmem>>, vector<1x16xf32>,
          %parallel_loop3A_331 = vector.shape_cast %parallel_loop3A_330 : vector<1x16xf32> to vector<16xf32>
          %parallel_loop3A_332 = arith.addf %parallel_loop3A_331, %parallel_loop3A_322 : vector<16xf32>
          %parallel_loop3A_333 = arith.addf %parallel_loop3A_275, %parallel_loop3A_332 : vector<16xf32>
          %parallel_loop3A_334 = arith.mulf %parallel_loop3A_332, %parallel_loop3A_332 : vector<16xf32>
          %parallel_loop3A_335 = arith.addf %parallel_loop3A_277, %parallel_loop3A_334 : vector<16xf32>
          %parallel_loop3A_336 = arith.index_cast %parallel_loop3A_157 : i32 to index
          %parallel_loop3A_337 = arith.constant 48 : index
          %parallel_loop3A_338 = tpu.vector_load %arg15[%parallel_loop3A_336, %parallel_loop3A_337] {strides = array<i32>} : memref<40x128xi32, #tpu.memory_space<vmem>>, vector<1x16xi32>,
          %parallel_loop3A_339 = vector.shape_cast %parallel_loop3A_338 : vector<1x16xi32> to vector<16xi32>
          %parallel_loop3A_340 = arith.constant 16 : i32
          %parallel_loop3A_341 = vector.broadcast %parallel_loop3A_340 : i32 to vector<16xi32>
          %parallel_loop3A_342 = arith.shli %parallel_loop3A_339, %parallel_loop3A_341 : vector<16xi32>
          %parallel_loop3A_343 = tpu.bitcast %parallel_loop3A_342 : vector<16xi32> -> vector<16xf32>
          %parallel_loop3A_344 = arith.constant -65536 : i32
          %parallel_loop3A_345 = vector.broadcast %parallel_loop3A_344 : i32 to vector<16xi32>
          %parallel_loop3A_346 = arith.andi %parallel_loop3A_339, %parallel_loop3A_345 : vector<16xi32>
          %parallel_loop3A_347 = tpu.bitcast %parallel_loop3A_346 : vector<16xi32> -> vector<16xf32>
          %parallel_loop3A_348 = arith.index_cast %parallel_loop3A_157 : i32 to index
          %parallel_loop3A_349 = arith.constant 48 : index
          %parallel_loop3A_350 = tpu.vector_load %arg19[%parallel_loop3A_348, %parallel_loop3A_349] {strides = array<i32>} : memref<40x128xf32, #tpu.memory_space<vmem>>, vector<1x16xf32>,
          %parallel_loop3A_351 = vector.shape_cast %parallel_loop3A_350 : vector<1x16xf32> to vector<16xf32>
          %parallel_loop3A_352 = arith.index_cast %parallel_loop3A_157 : i32 to index
          %parallel_loop3A_353 = arith.constant 48 : index
          %parallel_loop3A_354 = tpu.vector_load %arg21[%parallel_loop3A_352, %parallel_loop3A_353] {strides = array<i32>} : memref<40x128xf32, #tpu.memory_space<vmem>>, vector<1x16xf32>,
          %parallel_loop3A_355 = vector.shape_cast %parallel_loop3A_354 : vector<1x16xf32> to vector<16xf32>
          %parallel_loop3A_356 = arith.addf %parallel_loop3A_351, %parallel_loop3A_355 : vector<16xf32>
          %parallel_loop3A_357 = arith.mulf %parallel_loop3A_356, %parallel_loop3A_343 : vector<16xf32>
          %parallel_loop3A_358 = math.absf %parallel_loop3A_357 : vector<16xf32>
          %parallel_loop3A_359 = tpu.bitcast %parallel_loop3A_358 : vector<16xf32> -> vector<16xi32>
          %parallel_loop3A_360 = arith.constant 1 : i32
          %parallel_loop3A_361 = vector.broadcast %parallel_loop3A_360 : i32 to vector<16xi32>
          %parallel_loop3A_362 = arith.shrsi %parallel_loop3A_359, %parallel_loop3A_361 : vector<16xi32>
          %parallel_loop3A_363 = arith.constant 1597463007 : i32
          %parallel_loop3A_364 = vector.broadcast %parallel_loop3A_363 : i32 to vector<16xi32>
          %parallel_loop3A_365 = arith.subi %parallel_loop3A_364, %parallel_loop3A_362 : vector<16xi32>
          %parallel_loop3A_366 = tpu.bitcast %parallel_loop3A_365 : vector<16xi32> -> vector<16xf32>
          %parallel_loop3A_367 = arith.constant 5.000000e-01 : f32
          %parallel_loop3A_368 = vector.broadcast %parallel_loop3A_367 : f32 to vector<16xf32>
          %parallel_loop3A_369 = arith.mulf %parallel_loop3A_368, %parallel_loop3A_358 : vector<16xf32>
          %parallel_loop3A_370 = arith.mulf %parallel_loop3A_369, %parallel_loop3A_366 : vector<16xf32>
          %parallel_loop3A_371 = arith.mulf %parallel_loop3A_370, %parallel_loop3A_366 : vector<16xf32>
          %parallel_loop3A_372 = arith.constant 1.500000e+00 : f32
          %parallel_loop3A_373 = vector.broadcast %parallel_loop3A_372 : f32 to vector<16xf32>
          %parallel_loop3A_374 = arith.subf %parallel_loop3A_373, %parallel_loop3A_371 : vector<16xf32>
          %parallel_loop3A_375 = arith.mulf %parallel_loop3A_366, %parallel_loop3A_374 : vector<16xf32>
          %parallel_loop3A_376 = arith.mulf %parallel_loop3A_357, %parallel_loop3A_375 : vector<16xf32>
          %parallel_loop3A_377 = arith.addf %parallel_loop3A_376, %parallel_loop3A_347 : vector<16xf32>
          %parallel_loop3A_378 = arith.constant 0.000000e+00 : f32
          %parallel_loop3A_379 = vector.broadcast %parallel_loop3A_378 : f32 to vector<16xf32>
          %parallel_loop3A_380 = arith.maximumf %parallel_loop3A_377, %parallel_loop3A_379 : vector<16xf32>
          %parallel_loop3A_381 = arith.index_cast %parallel_loop3A_157 : i32 to index
          %parallel_loop3A_382 = arith.constant 48 : index
          %parallel_loop3A_383 = tpu.vector_load %arg19[%parallel_loop3A_381, %parallel_loop3A_382] {strides = array<i32>} : memref<40x128xf32, #tpu.memory_space<vmem>>, vector<1x16xf32>,
          %parallel_loop3A_384 = vector.shape_cast %parallel_loop3A_383 : vector<1x16xf32> to vector<16xf32>
          %parallel_loop3A_385 = vector.shape_cast %parallel_loop3A_380 : vector<16xf32> to vector<1x16xf32>
          tpu.vector_store %arg19[%parallel_loop3A_381, %parallel_loop3A_382], %parallel_loop3A_385 {strides = array<i32>} : memref<40x128xf32, #tpu.memory_space<vmem>>, vector<1x16xf32>,
          %parallel_loop3A_386 = arith.index_cast %parallel_loop3A_157 : i32 to index
          %parallel_loop3A_387 = arith.constant 48 : index
          %parallel_loop3A_388 = tpu.vector_load %arg17[%parallel_loop3A_386, %parallel_loop3A_387] {strides = array<i32>} : memref<40x128xf32, #tpu.memory_space<vmem>>, vector<1x16xf32>,
          %parallel_loop3A_389 = vector.shape_cast %parallel_loop3A_388 : vector<1x16xf32> to vector<16xf32>
          %parallel_loop3A_390 = arith.addf %parallel_loop3A_389, %parallel_loop3A_380 : vector<16xf32>
          %parallel_loop3A_391 = arith.addf %parallel_loop3A_333, %parallel_loop3A_390 : vector<16xf32>
          %parallel_loop3A_392 = arith.mulf %parallel_loop3A_390, %parallel_loop3A_390 : vector<16xf32>
          %parallel_loop3A_393 = arith.addf %parallel_loop3A_335, %parallel_loop3A_392 : vector<16xf32>
          %parallel_loop3A_394 = arith.index_cast %parallel_loop3A_157 : i32 to index
          %parallel_loop3A_395 = arith.constant 64 : index
          %parallel_loop3A_396 = tpu.vector_load %arg15[%parallel_loop3A_394, %parallel_loop3A_395] {strides = array<i32>} : memref<40x128xi32, #tpu.memory_space<vmem>>, vector<1x16xi32>,
          %parallel_loop3A_397 = vector.shape_cast %parallel_loop3A_396 : vector<1x16xi32> to vector<16xi32>
          %parallel_loop3A_398 = arith.constant 16 : i32
          %parallel_loop3A_399 = vector.broadcast %parallel_loop3A_398 : i32 to vector<16xi32>
          %parallel_loop3A_400 = arith.shli %parallel_loop3A_397, %parallel_loop3A_399 : vector<16xi32>
          %parallel_loop3A_401 = tpu.bitcast %parallel_loop3A_400 : vector<16xi32> -> vector<16xf32>
          %parallel_loop3A_402 = arith.constant -65536 : i32
          %parallel_loop3A_403 = vector.broadcast %parallel_loop3A_402 : i32 to vector<16xi32>
          %parallel_loop3A_404 = arith.andi %parallel_loop3A_397, %parallel_loop3A_403 : vector<16xi32>
          %parallel_loop3A_405 = tpu.bitcast %parallel_loop3A_404 : vector<16xi32> -> vector<16xf32>
          %parallel_loop3A_406 = arith.index_cast %parallel_loop3A_157 : i32 to index
          %parallel_loop3A_407 = arith.constant 64 : index
          %parallel_loop3A_408 = tpu.vector_load %arg19[%parallel_loop3A_406, %parallel_loop3A_407] {strides = array<i32>} : memref<40x128xf32, #tpu.memory_space<vmem>>, vector<1x16xf32>,
          %parallel_loop3A_409 = vector.shape_cast %parallel_loop3A_408 : vector<1x16xf32> to vector<16xf32>
          %parallel_loop3A_410 = arith.index_cast %parallel_loop3A_157 : i32 to index
          %parallel_loop3A_411 = arith.constant 64 : index
          %parallel_loop3A_412 = tpu.vector_load %arg21[%parallel_loop3A_410, %parallel_loop3A_411] {strides = array<i32>} : memref<40x128xf32, #tpu.memory_space<vmem>>, vector<1x16xf32>,
          %parallel_loop3A_413 = vector.shape_cast %parallel_loop3A_412 : vector<1x16xf32> to vector<16xf32>
          %parallel_loop3A_414 = arith.addf %parallel_loop3A_409, %parallel_loop3A_413 : vector<16xf32>
          %parallel_loop3A_415 = arith.mulf %parallel_loop3A_414, %parallel_loop3A_401 : vector<16xf32>
          %parallel_loop3A_416 = math.absf %parallel_loop3A_415 : vector<16xf32>
          %parallel_loop3A_417 = tpu.bitcast %parallel_loop3A_416 : vector<16xf32> -> vector<16xi32>
          %parallel_loop3A_418 = arith.constant 1 : i32
          %parallel_loop3A_419 = vector.broadcast %parallel_loop3A_418 : i32 to vector<16xi32>
          %parallel_loop3A_420 = arith.shrsi %parallel_loop3A_417, %parallel_loop3A_419 : vector<16xi32>
          %parallel_loop3A_421 = arith.constant 1597463007 : i32
          %parallel_loop3A_422 = vector.broadcast %parallel_loop3A_421 : i32 to vector<16xi32>
          %parallel_loop3A_423 = arith.subi %parallel_loop3A_422, %parallel_loop3A_420 : vector<16xi32>
          %parallel_loop3A_424 = tpu.bitcast %parallel_loop3A_423 : vector<16xi32> -> vector<16xf32>
          %parallel_loop3A_425 = arith.constant 5.000000e-01 : f32
          %parallel_loop3A_426 = vector.broadcast %parallel_loop3A_425 : f32 to vector<16xf32>
          %parallel_loop3A_427 = arith.mulf %parallel_loop3A_426, %parallel_loop3A_416 : vector<16xf32>
          %parallel_loop3A_428 = arith.mulf %parallel_loop3A_427, %parallel_loop3A_424 : vector<16xf32>
          %parallel_loop3A_429 = arith.mulf %parallel_loop3A_428, %parallel_loop3A_424 : vector<16xf32>
          %parallel_loop3A_430 = arith.constant 1.500000e+00 : f32
          %parallel_loop3A_431 = vector.broadcast %parallel_loop3A_430 : f32 to vector<16xf32>
          %parallel_loop3A_432 = arith.subf %parallel_loop3A_431, %parallel_loop3A_429 : vector<16xf32>
          %parallel_loop3A_433 = arith.mulf %parallel_loop3A_424, %parallel_loop3A_432 : vector<16xf32>
          %parallel_loop3A_434 = arith.mulf %parallel_loop3A_415, %parallel_loop3A_433 : vector<16xf32>
          %parallel_loop3A_435 = arith.addf %parallel_loop3A_434, %parallel_loop3A_405 : vector<16xf32>
          %parallel_loop3A_436 = arith.constant 0.000000e+00 : f32
          %parallel_loop3A_437 = vector.broadcast %parallel_loop3A_436 : f32 to vector<16xf32>
          %parallel_loop3A_438 = arith.maximumf %parallel_loop3A_435, %parallel_loop3A_437 : vector<16xf32>
          %parallel_loop3A_439 = arith.index_cast %parallel_loop3A_157 : i32 to index
          %parallel_loop3A_440 = arith.constant 64 : index
          %parallel_loop3A_441 = tpu.vector_load %arg19[%parallel_loop3A_439, %parallel_loop3A_440] {strides = array<i32>} : memref<40x128xf32, #tpu.memory_space<vmem>>, vector<1x16xf32>,
          %parallel_loop3A_442 = vector.shape_cast %parallel_loop3A_441 : vector<1x16xf32> to vector<16xf32>
          %parallel_loop3A_443 = vector.shape_cast %parallel_loop3A_438 : vector<16xf32> to vector<1x16xf32>
          tpu.vector_store %arg19[%parallel_loop3A_439, %parallel_loop3A_440], %parallel_loop3A_443 {strides = array<i32>} : memref<40x128xf32, #tpu.memory_space<vmem>>, vector<1x16xf32>,
          %parallel_loop3A_444 = arith.index_cast %parallel_loop3A_157 : i32 to index
          %parallel_loop3A_445 = arith.constant 64 : index
          %parallel_loop3A_446 = tpu.vector_load %arg17[%parallel_loop3A_444, %parallel_loop3A_445] {strides = array<i32>} : memref<40x128xf32, #tpu.memory_space<vmem>>, vector<1x16xf32>,
          %parallel_loop3A_447 = vector.shape_cast %parallel_loop3A_446 : vector<1x16xf32> to vector<16xf32>
          %parallel_loop3A_448 = arith.addf %parallel_loop3A_447, %parallel_loop3A_438 : vector<16xf32>
          %parallel_loop3A_449 = arith.addf %parallel_loop3A_391, %parallel_loop3A_448 : vector<16xf32>
          %parallel_loop3A_450 = arith.mulf %parallel_loop3A_448, %parallel_loop3A_448 : vector<16xf32>
          %parallel_loop3A_451 = arith.addf %parallel_loop3A_393, %parallel_loop3A_450 : vector<16xf32>
          %parallel_loop3A_452 = arith.index_cast %parallel_loop3A_157 : i32 to index
          %parallel_loop3A_453 = arith.constant 80 : index
          %parallel_loop3A_454 = tpu.vector_load %arg15[%parallel_loop3A_452, %parallel_loop3A_453] {strides = array<i32>} : memref<40x128xi32, #tpu.memory_space<vmem>>, vector<1x16xi32>,
          %parallel_loop3A_455 = vector.shape_cast %parallel_loop3A_454 : vector<1x16xi32> to vector<16xi32>
          %parallel_loop3A_456 = arith.constant 16 : i32
          %parallel_loop3A_457 = vector.broadcast %parallel_loop3A_456 : i32 to vector<16xi32>
          %parallel_loop3A_458 = arith.shli %parallel_loop3A_455, %parallel_loop3A_457 : vector<16xi32>
          %parallel_loop3A_459 = tpu.bitcast %parallel_loop3A_458 : vector<16xi32> -> vector<16xf32>
          %parallel_loop3A_460 = arith.constant -65536 : i32
          %parallel_loop3A_461 = vector.broadcast %parallel_loop3A_460 : i32 to vector<16xi32>
          %parallel_loop3A_462 = arith.andi %parallel_loop3A_455, %parallel_loop3A_461 : vector<16xi32>
          %parallel_loop3A_463 = tpu.bitcast %parallel_loop3A_462 : vector<16xi32> -> vector<16xf32>
          %parallel_loop3A_464 = arith.index_cast %parallel_loop3A_157 : i32 to index
          %parallel_loop3A_465 = arith.constant 80 : index
          %parallel_loop3A_466 = tpu.vector_load %arg19[%parallel_loop3A_464, %parallel_loop3A_465] {strides = array<i32>} : memref<40x128xf32, #tpu.memory_space<vmem>>, vector<1x16xf32>,
          %parallel_loop3A_467 = vector.shape_cast %parallel_loop3A_466 : vector<1x16xf32> to vector<16xf32>
          %parallel_loop3A_468 = arith.index_cast %parallel_loop3A_157 : i32 to index
          %parallel_loop3A_469 = arith.constant 80 : index
          %parallel_loop3A_470 = tpu.vector_load %arg21[%parallel_loop3A_468, %parallel_loop3A_469] {strides = array<i32>} : memref<40x128xf32, #tpu.memory_space<vmem>>, vector<1x16xf32>,
          %parallel_loop3A_471 = vector.shape_cast %parallel_loop3A_470 : vector<1x16xf32> to vector<16xf32>
          %parallel_loop3A_472 = arith.addf %parallel_loop3A_467, %parallel_loop3A_471 : vector<16xf32>
          %parallel_loop3A_473 = arith.mulf %parallel_loop3A_472, %parallel_loop3A_459 : vector<16xf32>
          %parallel_loop3A_474 = math.absf %parallel_loop3A_473 : vector<16xf32>
          %parallel_loop3A_475 = tpu.bitcast %parallel_loop3A_474 : vector<16xf32> -> vector<16xi32>
          %parallel_loop3A_476 = arith.constant 1 : i32
          %parallel_loop3A_477 = vector.broadcast %parallel_loop3A_476 : i32 to vector<16xi32>
          %parallel_loop3A_478 = arith.shrsi %parallel_loop3A_475, %parallel_loop3A_477 : vector<16xi32>
          %parallel_loop3A_479 = arith.constant 1597463007 : i32
          %parallel_loop3A_480 = vector.broadcast %parallel_loop3A_479 : i32 to vector<16xi32>
          %parallel_loop3A_481 = arith.subi %parallel_loop3A_480, %parallel_loop3A_478 : vector<16xi32>
          %parallel_loop3A_482 = tpu.bitcast %parallel_loop3A_481 : vector<16xi32> -> vector<16xf32>
          %parallel_loop3A_483 = arith.constant 5.000000e-01 : f32
          %parallel_loop3A_484 = vector.broadcast %parallel_loop3A_483 : f32 to vector<16xf32>
          %parallel_loop3A_485 = arith.mulf %parallel_loop3A_484, %parallel_loop3A_474 : vector<16xf32>
          %parallel_loop3A_486 = arith.mulf %parallel_loop3A_485, %parallel_loop3A_482 : vector<16xf32>
          %parallel_loop3A_487 = arith.mulf %parallel_loop3A_486, %parallel_loop3A_482 : vector<16xf32>
          %parallel_loop3A_488 = arith.constant 1.500000e+00 : f32
          %parallel_loop3A_489 = vector.broadcast %parallel_loop3A_488 : f32 to vector<16xf32>
          %parallel_loop3A_490 = arith.subf %parallel_loop3A_489, %parallel_loop3A_487 : vector<16xf32>
          %parallel_loop3A_491 = arith.mulf %parallel_loop3A_482, %parallel_loop3A_490 : vector<16xf32>
          %parallel_loop3A_492 = arith.mulf %parallel_loop3A_473, %parallel_loop3A_491 : vector<16xf32>
          %parallel_loop3A_493 = arith.addf %parallel_loop3A_492, %parallel_loop3A_463 : vector<16xf32>
          %parallel_loop3A_494 = arith.constant 0.000000e+00 : f32
          %parallel_loop3A_495 = vector.broadcast %parallel_loop3A_494 : f32 to vector<16xf32>
          %parallel_loop3A_496 = arith.maximumf %parallel_loop3A_493, %parallel_loop3A_495 : vector<16xf32>
          %parallel_loop3A_497 = arith.index_cast %parallel_loop3A_157 : i32 to index
          %parallel_loop3A_498 = arith.constant 80 : index
          %parallel_loop3A_499 = tpu.vector_load %arg19[%parallel_loop3A_497, %parallel_loop3A_498] {strides = array<i32>} : memref<40x128xf32, #tpu.memory_space<vmem>>, vector<1x16xf32>,
          %parallel_loop3A_500 = vector.shape_cast %parallel_loop3A_499 : vector<1x16xf32> to vector<16xf32>
          %parallel_loop3A_501 = vector.shape_cast %parallel_loop3A_496 : vector<16xf32> to vector<1x16xf32>
          tpu.vector_store %arg19[%parallel_loop3A_497, %parallel_loop3A_498], %parallel_loop3A_501 {strides = array<i32>} : memref<40x128xf32, #tpu.memory_space<vmem>>, vector<1x16xf32>,
          %parallel_loop3A_502 = arith.index_cast %parallel_loop3A_157 : i32 to index
          %parallel_loop3A_503 = arith.constant 80 : index
          %parallel_loop3A_504 = tpu.vector_load %arg17[%parallel_loop3A_502, %parallel_loop3A_503] {strides = array<i32>} : memref<40x128xf32, #tpu.memory_space<vmem>>, vector<1x16xf32>,
          %parallel_loop3A_505 = vector.shape_cast %parallel_loop3A_504 : vector<1x16xf32> to vector<16xf32>
          %parallel_loop3A_506 = arith.addf %parallel_loop3A_505, %parallel_loop3A_496 : vector<16xf32>
          %parallel_loop3A_507 = arith.addf %parallel_loop3A_449, %parallel_loop3A_506 : vector<16xf32>
          %parallel_loop3A_508 = arith.mulf %parallel_loop3A_506, %parallel_loop3A_506 : vector<16xf32>
          %parallel_loop3A_509 = arith.addf %parallel_loop3A_451, %parallel_loop3A_508 : vector<16xf32>
          %parallel_loop3A_510 = arith.index_cast %parallel_loop3A_157 : i32 to index
          %parallel_loop3A_511 = arith.constant 96 : index
          %parallel_loop3A_512 = tpu.vector_load %arg15[%parallel_loop3A_510, %parallel_loop3A_511] {strides = array<i32>} : memref<40x128xi32, #tpu.memory_space<vmem>>, vector<1x16xi32>,
          %parallel_loop3A_513 = vector.shape_cast %parallel_loop3A_512 : vector<1x16xi32> to vector<16xi32>
          %parallel_loop3A_514 = arith.constant 16 : i32
          %parallel_loop3A_515 = vector.broadcast %parallel_loop3A_514 : i32 to vector<16xi32>
          %parallel_loop3A_516 = arith.shli %parallel_loop3A_513, %parallel_loop3A_515 : vector<16xi32>
          %parallel_loop3A_517 = tpu.bitcast %parallel_loop3A_516 : vector<16xi32> -> vector<16xf32>
          %parallel_loop3A_518 = arith.constant -65536 : i32
          %parallel_loop3A_519 = vector.broadcast %parallel_loop3A_518 : i32 to vector<16xi32>
          %parallel_loop3A_520 = arith.andi %parallel_loop3A_513, %parallel_loop3A_519 : vector<16xi32>
          %parallel_loop3A_521 = tpu.bitcast %parallel_loop3A_520 : vector<16xi32> -> vector<16xf32>
          %parallel_loop3A_522 = arith.index_cast %parallel_loop3A_157 : i32 to index
          %parallel_loop3A_523 = arith.constant 96 : index
          %parallel_loop3A_524 = tpu.vector_load %arg19[%parallel_loop3A_522, %parallel_loop3A_523] {strides = array<i32>} : memref<40x128xf32, #tpu.memory_space<vmem>>, vector<1x16xf32>,
          %parallel_loop3A_525 = vector.shape_cast %parallel_loop3A_524 : vector<1x16xf32> to vector<16xf32>
          %parallel_loop3A_526 = arith.index_cast %parallel_loop3A_157 : i32 to index
          %parallel_loop3A_527 = arith.constant 96 : index
          %parallel_loop3A_528 = tpu.vector_load %arg21[%parallel_loop3A_526, %parallel_loop3A_527] {strides = array<i32>} : memref<40x128xf32, #tpu.memory_space<vmem>>, vector<1x16xf32>,
          %parallel_loop3A_529 = vector.shape_cast %parallel_loop3A_528 : vector<1x16xf32> to vector<16xf32>
          %parallel_loop3A_530 = arith.addf %parallel_loop3A_525, %parallel_loop3A_529 : vector<16xf32>
          %parallel_loop3A_531 = arith.mulf %parallel_loop3A_530, %parallel_loop3A_517 : vector<16xf32>
          %parallel_loop3A_532 = math.absf %parallel_loop3A_531 : vector<16xf32>
          %parallel_loop3A_533 = tpu.bitcast %parallel_loop3A_532 : vector<16xf32> -> vector<16xi32>
          %parallel_loop3A_534 = arith.constant 1 : i32
          %parallel_loop3A_535 = vector.broadcast %parallel_loop3A_534 : i32 to vector<16xi32>
          %parallel_loop3A_536 = arith.shrsi %parallel_loop3A_533, %parallel_loop3A_535 : vector<16xi32>
          %parallel_loop3A_537 = arith.constant 1597463007 : i32
          %parallel_loop3A_538 = vector.broadcast %parallel_loop3A_537 : i32 to vector<16xi32>
          %parallel_loop3A_539 = arith.subi %parallel_loop3A_538, %parallel_loop3A_536 : vector<16xi32>
          %parallel_loop3A_540 = tpu.bitcast %parallel_loop3A_539 : vector<16xi32> -> vector<16xf32>
          %parallel_loop3A_541 = arith.constant 5.000000e-01 : f32
          %parallel_loop3A_542 = vector.broadcast %parallel_loop3A_541 : f32 to vector<16xf32>
          %parallel_loop3A_543 = arith.mulf %parallel_loop3A_542, %parallel_loop3A_532 : vector<16xf32>
          %parallel_loop3A_544 = arith.mulf %parallel_loop3A_543, %parallel_loop3A_540 : vector<16xf32>
          %parallel_loop3A_545 = arith.mulf %parallel_loop3A_544, %parallel_loop3A_540 : vector<16xf32>
          %parallel_loop3A_546 = arith.constant 1.500000e+00 : f32
          %parallel_loop3A_547 = vector.broadcast %parallel_loop3A_546 : f32 to vector<16xf32>
          %parallel_loop3A_548 = arith.subf %parallel_loop3A_547, %parallel_loop3A_545 : vector<16xf32>
          %parallel_loop3A_549 = arith.mulf %parallel_loop3A_540, %parallel_loop3A_548 : vector<16xf32>
          %parallel_loop3A_550 = arith.mulf %parallel_loop3A_531, %parallel_loop3A_549 : vector<16xf32>
          %parallel_loop3A_551 = arith.addf %parallel_loop3A_550, %parallel_loop3A_521 : vector<16xf32>
          %parallel_loop3A_552 = arith.constant 0.000000e+00 : f32
          %parallel_loop3A_553 = vector.broadcast %parallel_loop3A_552 : f32 to vector<16xf32>
          %parallel_loop3A_554 = arith.maximumf %parallel_loop3A_551, %parallel_loop3A_553 : vector<16xf32>
          %parallel_loop3A_555 = arith.index_cast %parallel_loop3A_157 : i32 to index
          %parallel_loop3A_556 = arith.constant 96 : index
          %parallel_loop3A_557 = tpu.vector_load %arg19[%parallel_loop3A_555, %parallel_loop3A_556] {strides = array<i32>} : memref<40x128xf32, #tpu.memory_space<vmem>>, vector<1x16xf32>,
          %parallel_loop3A_558 = vector.shape_cast %parallel_loop3A_557 : vector<1x16xf32> to vector<16xf32>
          %parallel_loop3A_559 = vector.shape_cast %parallel_loop3A_554 : vector<16xf32> to vector<1x16xf32>
          tpu.vector_store %arg19[%parallel_loop3A_555, %parallel_loop3A_556], %parallel_loop3A_559 {strides = array<i32>} : memref<40x128xf32, #tpu.memory_space<vmem>>, vector<1x16xf32>,
          %parallel_loop3A_560 = arith.index_cast %parallel_loop3A_157 : i32 to index
          %parallel_loop3A_561 = arith.constant 96 : index
          %parallel_loop3A_562 = tpu.vector_load %arg17[%parallel_loop3A_560, %parallel_loop3A_561] {strides = array<i32>} : memref<40x128xf32, #tpu.memory_space<vmem>>, vector<1x16xf32>,
          %parallel_loop3A_563 = vector.shape_cast %parallel_loop3A_562 : vector<1x16xf32> to vector<16xf32>
          %parallel_loop3A_564 = arith.addf %parallel_loop3A_563, %parallel_loop3A_554 : vector<16xf32>
          %parallel_loop3A_565 = arith.addf %parallel_loop3A_507, %parallel_loop3A_564 : vector<16xf32>
          %parallel_loop3A_566 = arith.mulf %parallel_loop3A_564, %parallel_loop3A_564 : vector<16xf32>
          %parallel_loop3A_567 = arith.addf %parallel_loop3A_509, %parallel_loop3A_566 : vector<16xf32>
          %parallel_loop3A_568 = arith.index_cast %parallel_loop3A_157 : i32 to index
          %parallel_loop3A_569 = arith.constant 112 : index
          %parallel_loop3A_570 = tpu.vector_load %arg15[%parallel_loop3A_568, %parallel_loop3A_569] {strides = array<i32>} : memref<40x128xi32, #tpu.memory_space<vmem>>, vector<1x16xi32>,
          %parallel_loop3A_571 = vector.shape_cast %parallel_loop3A_570 : vector<1x16xi32> to vector<16xi32>
          %parallel_loop3A_572 = arith.constant 16 : i32
          %parallel_loop3A_573 = vector.broadcast %parallel_loop3A_572 : i32 to vector<16xi32>
          %parallel_loop3A_574 = arith.shli %parallel_loop3A_571, %parallel_loop3A_573 : vector<16xi32>
          %parallel_loop3A_575 = tpu.bitcast %parallel_loop3A_574 : vector<16xi32> -> vector<16xf32>
          %parallel_loop3A_576 = arith.constant -65536 : i32
          %parallel_loop3A_577 = vector.broadcast %parallel_loop3A_576 : i32 to vector<16xi32>
          %parallel_loop3A_578 = arith.andi %parallel_loop3A_571, %parallel_loop3A_577 : vector<16xi32>
          %parallel_loop3A_579 = tpu.bitcast %parallel_loop3A_578 : vector<16xi32> -> vector<16xf32>
          %parallel_loop3A_580 = arith.index_cast %parallel_loop3A_157 : i32 to index
          %parallel_loop3A_581 = arith.constant 112 : index
          %parallel_loop3A_582 = tpu.vector_load %arg19[%parallel_loop3A_580, %parallel_loop3A_581] {strides = array<i32>} : memref<40x128xf32, #tpu.memory_space<vmem>>, vector<1x16xf32>,
          %parallel_loop3A_583 = vector.shape_cast %parallel_loop3A_582 : vector<1x16xf32> to vector<16xf32>
          %parallel_loop3A_584 = arith.index_cast %parallel_loop3A_157 : i32 to index
          %parallel_loop3A_585 = arith.constant 112 : index
          %parallel_loop3A_586 = tpu.vector_load %arg21[%parallel_loop3A_584, %parallel_loop3A_585] {strides = array<i32>} : memref<40x128xf32, #tpu.memory_space<vmem>>, vector<1x16xf32>,
          %parallel_loop3A_587 = vector.shape_cast %parallel_loop3A_586 : vector<1x16xf32> to vector<16xf32>
          %parallel_loop3A_588 = arith.addf %parallel_loop3A_583, %parallel_loop3A_587 : vector<16xf32>
          %parallel_loop3A_589 = arith.mulf %parallel_loop3A_588, %parallel_loop3A_575 : vector<16xf32>
          %parallel_loop3A_590 = math.absf %parallel_loop3A_589 : vector<16xf32>
          %parallel_loop3A_591 = tpu.bitcast %parallel_loop3A_590 : vector<16xf32> -> vector<16xi32>
          %parallel_loop3A_592 = arith.constant 1 : i32
          %parallel_loop3A_593 = vector.broadcast %parallel_loop3A_592 : i32 to vector<16xi32>
          %parallel_loop3A_594 = arith.shrsi %parallel_loop3A_591, %parallel_loop3A_593 : vector<16xi32>
          %parallel_loop3A_595 = arith.constant 1597463007 : i32
          %parallel_loop3A_596 = vector.broadcast %parallel_loop3A_595 : i32 to vector<16xi32>
          %parallel_loop3A_597 = arith.subi %parallel_loop3A_596, %parallel_loop3A_594 : vector<16xi32>
          %parallel_loop3A_598 = tpu.bitcast %parallel_loop3A_597 : vector<16xi32> -> vector<16xf32>
          %parallel_loop3A_599 = arith.constant 5.000000e-01 : f32
          %parallel_loop3A_600 = vector.broadcast %parallel_loop3A_599 : f32 to vector<16xf32>
          %parallel_loop3A_601 = arith.mulf %parallel_loop3A_600, %parallel_loop3A_590 : vector<16xf32>
          %parallel_loop3A_602 = arith.mulf %parallel_loop3A_601, %parallel_loop3A_598 : vector<16xf32>
          %parallel_loop3A_603 = arith.mulf %parallel_loop3A_602, %parallel_loop3A_598 : vector<16xf32>
          %parallel_loop3A_604 = arith.constant 1.500000e+00 : f32
          %parallel_loop3A_605 = vector.broadcast %parallel_loop3A_604 : f32 to vector<16xf32>
          %parallel_loop3A_606 = arith.subf %parallel_loop3A_605, %parallel_loop3A_603 : vector<16xf32>
          %parallel_loop3A_607 = arith.mulf %parallel_loop3A_598, %parallel_loop3A_606 : vector<16xf32>
          %parallel_loop3A_608 = arith.mulf %parallel_loop3A_589, %parallel_loop3A_607 : vector<16xf32>
          %parallel_loop3A_609 = arith.addf %parallel_loop3A_608, %parallel_loop3A_579 : vector<16xf32>
          %parallel_loop3A_610 = arith.constant 0.000000e+00 : f32
          %parallel_loop3A_611 = vector.broadcast %parallel_loop3A_610 : f32 to vector<16xf32>
          %parallel_loop3A_612 = arith.maximumf %parallel_loop3A_609, %parallel_loop3A_611 : vector<16xf32>
          %parallel_loop3A_613 = arith.index_cast %parallel_loop3A_157 : i32 to index
          %parallel_loop3A_614 = arith.constant 112 : index
          %parallel_loop3A_615 = tpu.vector_load %arg19[%parallel_loop3A_613, %parallel_loop3A_614] {strides = array<i32>} : memref<40x128xf32, #tpu.memory_space<vmem>>, vector<1x16xf32>,
          %parallel_loop3A_616 = vector.shape_cast %parallel_loop3A_615 : vector<1x16xf32> to vector<16xf32>
          %parallel_loop3A_617 = vector.shape_cast %parallel_loop3A_612 : vector<16xf32> to vector<1x16xf32>
          tpu.vector_store %arg19[%parallel_loop3A_613, %parallel_loop3A_614], %parallel_loop3A_617 {strides = array<i32>} : memref<40x128xf32, #tpu.memory_space<vmem>>, vector<1x16xf32>,
          %parallel_loop3A_618 = arith.index_cast %parallel_loop3A_157 : i32 to index
          %parallel_loop3A_619 = arith.constant 112 : index
          %parallel_loop3A_620 = tpu.vector_load %arg17[%parallel_loop3A_618, %parallel_loop3A_619] {strides = array<i32>} : memref<40x128xf32, #tpu.memory_space<vmem>>, vector<1x16xf32>,
          %parallel_loop3A_621 = vector.shape_cast %parallel_loop3A_620 : vector<1x16xf32> to vector<16xf32>
          %parallel_loop3A_622 = arith.addf %parallel_loop3A_621, %parallel_loop3A_612 : vector<16xf32>
          %parallel_loop3A_623 = arith.addf %parallel_loop3A_565, %parallel_loop3A_622 : vector<16xf32>
          %parallel_loop3A_624 = arith.mulf %parallel_loop3A_622, %parallel_loop3A_622 : vector<16xf32>
          %parallel_loop3A_625 = arith.addf %parallel_loop3A_567, %parallel_loop3A_624 : vector<16xf32>
          %parallel_loop3A_626 = tpu.iota {dimensions = array<i32: 0>} : vector<16xi32>
          %parallel_loop3A_627 = arith.constant 8 : i32
          %parallel_loop3A_628 = vector.broadcast %parallel_loop3A_627 : i32 to vector<16xi32>
          %parallel_loop3A_629 = arith.xori %parallel_loop3A_626, %parallel_loop3A_628 : vector<16xi32>
          %parallel_loop3A_630 = vector.shape_cast %parallel_loop3A_629 : vector<16xi32> to vector<16x1xi32>
          %parallel_loop3A_631 = vector.shape_cast %parallel_loop3A_630 : vector<16x1xi32> to vector<16xi32>
          %parallel_loop3A_632 = tpu.dynamic_gather %parallel_loop3A_623[%parallel_loop3A_631] in [0] : vector<16xf32>, vector<16xi32> -> vector<16xf32>
          %parallel_loop3A_633 = arith.addf %parallel_loop3A_623, %parallel_loop3A_632 : vector<16xf32>
          %parallel_loop3A_634 = arith.constant 4 : i32
          %parallel_loop3A_635 = vector.broadcast %parallel_loop3A_634 : i32 to vector<16xi32>
          %parallel_loop3A_636 = arith.xori %parallel_loop3A_626, %parallel_loop3A_635 : vector<16xi32>
          %parallel_loop3A_637 = vector.shape_cast %parallel_loop3A_636 : vector<16xi32> to vector<16x1xi32>
          %parallel_loop3A_638 = vector.shape_cast %parallel_loop3A_637 : vector<16x1xi32> to vector<16xi32>
          %parallel_loop3A_639 = tpu.dynamic_gather %parallel_loop3A_633[%parallel_loop3A_638] in [0] : vector<16xf32>, vector<16xi32> -> vector<16xf32>
          %parallel_loop3A_640 = arith.addf %parallel_loop3A_633, %parallel_loop3A_639 : vector<16xf32>
          %parallel_loop3A_641 = arith.constant 2 : i32
          %parallel_loop3A_642 = vector.broadcast %parallel_loop3A_641 : i32 to vector<16xi32>
          %parallel_loop3A_643 = arith.xori %parallel_loop3A_626, %parallel_loop3A_642 : vector<16xi32>
          %parallel_loop3A_644 = vector.shape_cast %parallel_loop3A_643 : vector<16xi32> to vector<16x1xi32>
          %parallel_loop3A_645 = vector.shape_cast %parallel_loop3A_644 : vector<16x1xi32> to vector<16xi32>
          %parallel_loop3A_646 = tpu.dynamic_gather %parallel_loop3A_640[%parallel_loop3A_645] in [0] : vector<16xf32>, vector<16xi32> -> vector<16xf32>
          %parallel_loop3A_647 = arith.addf %parallel_loop3A_640, %parallel_loop3A_646 : vector<16xf32>
          %parallel_loop3A_648 = arith.constant 1 : i32
          %parallel_loop3A_649 = vector.broadcast %parallel_loop3A_648 : i32 to vector<16xi32>
          %parallel_loop3A_650 = arith.xori %parallel_loop3A_626, %parallel_loop3A_649 : vector<16xi32>
          %parallel_loop3A_651 = vector.shape_cast %parallel_loop3A_650 : vector<16xi32> to vector<16x1xi32>
          %parallel_loop3A_652 = vector.shape_cast %parallel_loop3A_651 : vector<16x1xi32> to vector<16xi32>
          %parallel_loop3A_653 = tpu.dynamic_gather %parallel_loop3A_647[%parallel_loop3A_652] in [0] : vector<16xf32>, vector<16xi32> -> vector<16xf32>
          %parallel_loop3A_654 = arith.addf %parallel_loop3A_647, %parallel_loop3A_653 : vector<16xf32>
          %parallel_loop3A_655 = arith.constant 7.812500e-03 : f32
          %parallel_loop3A_656 = vector.broadcast %parallel_loop3A_655 : f32 to vector<16xf32>
          %parallel_loop3A_657 = arith.mulf %parallel_loop3A_654, %parallel_loop3A_656 : vector<16xf32>
          %parallel_loop3A_658 = tpu.iota {dimensions = array<i32: 0>} : vector<16xi32>
          %parallel_loop3A_659 = arith.constant 8 : i32
          %parallel_loop3A_660 = vector.broadcast %parallel_loop3A_659 : i32 to vector<16xi32>
          %parallel_loop3A_661 = arith.xori %parallel_loop3A_658, %parallel_loop3A_660 : vector<16xi32>
          %parallel_loop3A_662 = vector.shape_cast %parallel_loop3A_661 : vector<16xi32> to vector<16x1xi32>
          %parallel_loop3A_663 = vector.shape_cast %parallel_loop3A_662 : vector<16x1xi32> to vector<16xi32>
          %parallel_loop3A_664 = tpu.dynamic_gather %parallel_loop3A_625[%parallel_loop3A_663] in [0] : vector<16xf32>, vector<16xi32> -> vector<16xf32>
          %parallel_loop3A_665 = arith.addf %parallel_loop3A_625, %parallel_loop3A_664 : vector<16xf32>
          %parallel_loop3A_666 = arith.constant 4 : i32
          %parallel_loop3A_667 = vector.broadcast %parallel_loop3A_666 : i32 to vector<16xi32>
          %parallel_loop3A_668 = arith.xori %parallel_loop3A_658, %parallel_loop3A_667 : vector<16xi32>
          %parallel_loop3A_669 = vector.shape_cast %parallel_loop3A_668 : vector<16xi32> to vector<16x1xi32>
          %parallel_loop3A_670 = vector.shape_cast %parallel_loop3A_669 : vector<16x1xi32> to vector<16xi32>
          %parallel_loop3A_671 = tpu.dynamic_gather %parallel_loop3A_665[%parallel_loop3A_670] in [0] : vector<16xf32>, vector<16xi32> -> vector<16xf32>
          %parallel_loop3A_672 = arith.addf %parallel_loop3A_665, %parallel_loop3A_671 : vector<16xf32>
          %parallel_loop3A_673 = arith.constant 2 : i32
          %parallel_loop3A_674 = vector.broadcast %parallel_loop3A_673 : i32 to vector<16xi32>
          %parallel_loop3A_675 = arith.xori %parallel_loop3A_658, %parallel_loop3A_674 : vector<16xi32>
          %parallel_loop3A_676 = vector.shape_cast %parallel_loop3A_675 : vector<16xi32> to vector<16x1xi32>
          %parallel_loop3A_677 = vector.shape_cast %parallel_loop3A_676 : vector<16x1xi32> to vector<16xi32>
          %parallel_loop3A_678 = tpu.dynamic_gather %parallel_loop3A_672[%parallel_loop3A_677] in [0] : vector<16xf32>, vector<16xi32> -> vector<16xf32>
          %parallel_loop3A_679 = arith.addf %parallel_loop3A_672, %parallel_loop3A_678 : vector<16xf32>
          %parallel_loop3A_680 = arith.constant 1 : i32
          %parallel_loop3A_681 = vector.broadcast %parallel_loop3A_680 : i32 to vector<16xi32>
          %parallel_loop3A_682 = arith.xori %parallel_loop3A_658, %parallel_loop3A_681 : vector<16xi32>
          %parallel_loop3A_683 = vector.shape_cast %parallel_loop3A_682 : vector<16xi32> to vector<16x1xi32>
          %parallel_loop3A_684 = vector.shape_cast %parallel_loop3A_683 : vector<16x1xi32> to vector<16xi32>
          %parallel_loop3A_685 = tpu.dynamic_gather %parallel_loop3A_679[%parallel_loop3A_684] in [0] : vector<16xf32>, vector<16xi32> -> vector<16xf32>
          %parallel_loop3A_686 = arith.addf %parallel_loop3A_679, %parallel_loop3A_685 : vector<16xf32>
          %parallel_loop3A_687 = arith.constant 7.812500e-03 : f32
          %parallel_loop3A_688 = vector.broadcast %parallel_loop3A_687 : f32 to vector<16xf32>
          %parallel_loop3A_689 = arith.mulf %parallel_loop3A_686, %parallel_loop3A_688 : vector<16xf32>
          %parallel_loop3A_690 = arith.mulf %parallel_loop3A_657, %parallel_loop3A_657 : vector<16xf32>
          %parallel_loop3A_691 = arith.subf %parallel_loop3A_689, %parallel_loop3A_690 : vector<16xf32>
          %parallel_loop3A_692 = arith.constant 0.000000e+00 : f32
          %parallel_loop3A_693 = vector.broadcast %parallel_loop3A_692 : f32 to vector<16xf32>
          %parallel_loop3A_694 = arith.maximumf %parallel_loop3A_691, %parallel_loop3A_693 : vector<16xf32>
          %parallel_loop3A_695 = arith.constant 9.99999974E-6 : f32
          %parallel_loop3A_696 = vector.broadcast %parallel_loop3A_695 : f32 to vector<16xf32>
          %parallel_loop3A_697 = arith.addf %parallel_loop3A_694, %parallel_loop3A_696 : vector<16xf32>
          %parallel_loop3A_698 = tpu.bitcast %parallel_loop3A_697 : vector<16xf32> -> vector<16xi32>
          %parallel_loop3A_699 = arith.constant 1 : i32
          %parallel_loop3A_700 = vector.broadcast %parallel_loop3A_699 : i32 to vector<16xi32>
          %parallel_loop3A_701 = arith.shrsi %parallel_loop3A_698, %parallel_loop3A_700 : vector<16xi32>
          %parallel_loop3A_702 = arith.constant 1597463007 : i32
          %parallel_loop3A_703 = vector.broadcast %parallel_loop3A_702 : i32 to vector<16xi32>
          %parallel_loop3A_704 = arith.subi %parallel_loop3A_703, %parallel_loop3A_701 : vector<16xi32>
          %parallel_loop3A_705 = tpu.bitcast %parallel_loop3A_704 : vector<16xi32> -> vector<16xf32>
          %parallel_loop3A_706 = arith.constant 5.000000e-01 : f32
          %parallel_loop3A_707 = vector.broadcast %parallel_loop3A_706 : f32 to vector<16xf32>
          %parallel_loop3A_708 = arith.mulf %parallel_loop3A_707, %parallel_loop3A_697 : vector<16xf32>
          %parallel_loop3A_709 = arith.mulf %parallel_loop3A_708, %parallel_loop3A_705 : vector<16xf32>
          %parallel_loop3A_710 = arith.mulf %parallel_loop3A_709, %parallel_loop3A_705 : vector<16xf32>
          %parallel_loop3A_711 = arith.constant 1.500000e+00 : f32
          %parallel_loop3A_712 = vector.broadcast %parallel_loop3A_711 : f32 to vector<16xf32>
          %parallel_loop3A_713 = arith.subf %parallel_loop3A_712, %parallel_loop3A_710 : vector<16xf32>
          %parallel_loop3A_714 = arith.mulf %parallel_loop3A_705, %parallel_loop3A_713 : vector<16xf32>
          %parallel_loop3A_715 = arith.constant 5.000000e-01 : f32
          %parallel_loop3A_716 = vector.broadcast %parallel_loop3A_715 : f32 to vector<16xf32>
          %parallel_loop3A_717 = arith.mulf %parallel_loop3A_716, %parallel_loop3A_697 : vector<16xf32>
          %parallel_loop3A_718 = arith.mulf %parallel_loop3A_717, %parallel_loop3A_714 : vector<16xf32>
          %parallel_loop3A_719 = arith.mulf %parallel_loop3A_718, %parallel_loop3A_714 : vector<16xf32>
          %parallel_loop3A_720 = arith.constant 1.500000e+00 : f32
          %parallel_loop3A_721 = vector.broadcast %parallel_loop3A_720 : f32 to vector<16xf32>
          %parallel_loop3A_722 = arith.subf %parallel_loop3A_721, %parallel_loop3A_719 : vector<16xf32>
          %parallel_loop3A_723 = arith.mulf %parallel_loop3A_714, %parallel_loop3A_722 : vector<16xf32>
          %parallel_loop3A_724 = arith.subf %parallel_loop3A_216, %parallel_loop3A_657 : vector<16xf32>
          %parallel_loop3A_725 = arith.mulf %parallel_loop3A_724, %parallel_loop3A_723 : vector<16xf32>
          %parallel_loop3A_726 = arith.index_cast %parallel_loop3A_157 : i32 to index
          %parallel_loop3A_727 = arith.constant 0 : index
          %parallel_loop3A_728 = tpu.vector_load %arg17[%parallel_loop3A_726, %parallel_loop3A_727] {strides = array<i32>} : memref<40x128xf32, #tpu.memory_space<vmem>>, vector<1x16xf32>,
          %parallel_loop3A_729 = vector.shape_cast %parallel_loop3A_728 : vector<1x16xf32> to vector<16xf32>
          %parallel_loop3A_730 = vector.shape_cast %parallel_loop3A_725 : vector<16xf32> to vector<1x16xf32>
          tpu.vector_store %arg17[%parallel_loop3A_726, %parallel_loop3A_727], %parallel_loop3A_730 {strides = array<i32>} : memref<40x128xf32, #tpu.memory_space<vmem>>, vector<1x16xf32>,
          %parallel_loop3A_731 = arith.subf %parallel_loop3A_274, %parallel_loop3A_657 : vector<16xf32>
          %parallel_loop3A_732 = arith.mulf %parallel_loop3A_731, %parallel_loop3A_723 : vector<16xf32>
          %parallel_loop3A_733 = arith.index_cast %parallel_loop3A_157 : i32 to index
          %parallel_loop3A_734 = arith.constant 16 : index
          %parallel_loop3A_735 = tpu.vector_load %arg17[%parallel_loop3A_733, %parallel_loop3A_734] {strides = array<i32>} : memref<40x128xf32, #tpu.memory_space<vmem>>, vector<1x16xf32>,
          %parallel_loop3A_736 = vector.shape_cast %parallel_loop3A_735 : vector<1x16xf32> to vector<16xf32>
          %parallel_loop3A_737 = vector.shape_cast %parallel_loop3A_732 : vector<16xf32> to vector<1x16xf32>
          tpu.vector_store %arg17[%parallel_loop3A_733, %parallel_loop3A_734], %parallel_loop3A_737 {strides = array<i32>} : memref<40x128xf32, #tpu.memory_space<vmem>>, vector<1x16xf32>,
          %parallel_loop3A_738 = arith.subf %parallel_loop3A_332, %parallel_loop3A_657 : vector<16xf32>
          %parallel_loop3A_739 = arith.mulf %parallel_loop3A_738, %parallel_loop3A_723 : vector<16xf32>
          %parallel_loop3A_740 = arith.index_cast %parallel_loop3A_157 : i32 to index
          %parallel_loop3A_741 = arith.constant 32 : index
          %parallel_loop3A_742 = tpu.vector_load %arg17[%parallel_loop3A_740, %parallel_loop3A_741] {strides = array<i32>} : memref<40x128xf32, #tpu.memory_space<vmem>>, vector<1x16xf32>,
          %parallel_loop3A_743 = vector.shape_cast %parallel_loop3A_742 : vector<1x16xf32> to vector<16xf32>
          %parallel_loop3A_744 = vector.shape_cast %parallel_loop3A_739 : vector<16xf32> to vector<1x16xf32>
          tpu.vector_store %arg17[%parallel_loop3A_740, %parallel_loop3A_741], %parallel_loop3A_744 {strides = array<i32>} : memref<40x128xf32, #tpu.memory_space<vmem>>, vector<1x16xf32>,
          %parallel_loop3A_745 = arith.subf %parallel_loop3A_390, %parallel_loop3A_657 : vector<16xf32>
          %parallel_loop3A_746 = arith.mulf %parallel_loop3A_745, %parallel_loop3A_723 : vector<16xf32>
          %parallel_loop3A_747 = arith.index_cast %parallel_loop3A_157 : i32 to index
          %parallel_loop3A_748 = arith.constant 48 : index
          %parallel_loop3A_749 = tpu.vector_load %arg17[%parallel_loop3A_747, %parallel_loop3A_748] {strides = array<i32>} : memref<40x128xf32, #tpu.memory_space<vmem>>, vector<1x16xf32>,
          %parallel_loop3A_750 = vector.shape_cast %parallel_loop3A_749 : vector<1x16xf32> to vector<16xf32>
          %parallel_loop3A_751 = vector.shape_cast %parallel_loop3A_746 : vector<16xf32> to vector<1x16xf32>
          tpu.vector_store %arg17[%parallel_loop3A_747, %parallel_loop3A_748], %parallel_loop3A_751 {strides = array<i32>} : memref<40x128xf32, #tpu.memory_space<vmem>>, vector<1x16xf32>,
          %parallel_loop3A_752 = arith.subf %parallel_loop3A_448, %parallel_loop3A_657 : vector<16xf32>
          %parallel_loop3A_753 = arith.mulf %parallel_loop3A_752, %parallel_loop3A_723 : vector<16xf32>
          %parallel_loop3A_754 = arith.index_cast %parallel_loop3A_157 : i32 to index
          %parallel_loop3A_755 = arith.constant 64 : index
          %parallel_loop3A_756 = tpu.vector_load %arg17[%parallel_loop3A_754, %parallel_loop3A_755] {strides = array<i32>} : memref<40x128xf32, #tpu.memory_space<vmem>>, vector<1x16xf32>,
          %parallel_loop3A_757 = vector.shape_cast %parallel_loop3A_756 : vector<1x16xf32> to vector<16xf32>
          %parallel_loop3A_758 = vector.shape_cast %parallel_loop3A_753 : vector<16xf32> to vector<1x16xf32>
          tpu.vector_store %arg17[%parallel_loop3A_754, %parallel_loop3A_755], %parallel_loop3A_758 {strides = array<i32>} : memref<40x128xf32, #tpu.memory_space<vmem>>, vector<1x16xf32>,
          %parallel_loop3A_759 = arith.subf %parallel_loop3A_506, %parallel_loop3A_657 : vector<16xf32>
          %parallel_loop3A_760 = arith.mulf %parallel_loop3A_759, %parallel_loop3A_723 : vector<16xf32>
          %parallel_loop3A_761 = arith.index_cast %parallel_loop3A_157 : i32 to index
          %parallel_loop3A_762 = arith.constant 80 : index
          %parallel_loop3A_763 = tpu.vector_load %arg17[%parallel_loop3A_761, %parallel_loop3A_762] {strides = array<i32>} : memref<40x128xf32, #tpu.memory_space<vmem>>, vector<1x16xf32>,
          %parallel_loop3A_764 = vector.shape_cast %parallel_loop3A_763 : vector<1x16xf32> to vector<16xf32>
          %parallel_loop3A_765 = vector.shape_cast %parallel_loop3A_760 : vector<16xf32> to vector<1x16xf32>
          tpu.vector_store %arg17[%parallel_loop3A_761, %parallel_loop3A_762], %parallel_loop3A_765 {strides = array<i32>} : memref<40x128xf32, #tpu.memory_space<vmem>>, vector<1x16xf32>,
          %parallel_loop3A_766 = arith.subf %parallel_loop3A_564, %parallel_loop3A_657 : vector<16xf32>
          %parallel_loop3A_767 = arith.mulf %parallel_loop3A_766, %parallel_loop3A_723 : vector<16xf32>
          %parallel_loop3A_768 = arith.index_cast %parallel_loop3A_157 : i32 to index
          %parallel_loop3A_769 = arith.constant 96 : index
          %parallel_loop3A_770 = tpu.vector_load %arg17[%parallel_loop3A_768, %parallel_loop3A_769] {strides = array<i32>} : memref<40x128xf32, #tpu.memory_space<vmem>>, vector<1x16xf32>,
          %parallel_loop3A_771 = vector.shape_cast %parallel_loop3A_770 : vector<1x16xf32> to vector<16xf32>
          %parallel_loop3A_772 = vector.shape_cast %parallel_loop3A_767 : vector<16xf32> to vector<1x16xf32>
          tpu.vector_store %arg17[%parallel_loop3A_768, %parallel_loop3A_769], %parallel_loop3A_772 {strides = array<i32>} : memref<40x128xf32, #tpu.memory_space<vmem>>, vector<1x16xf32>,
          %parallel_loop3A_773 = arith.subf %parallel_loop3A_622, %parallel_loop3A_657 : vector<16xf32>
          %parallel_loop3A_774 = arith.mulf %parallel_loop3A_773, %parallel_loop3A_723 : vector<16xf32>
          %parallel_loop3A_775 = arith.index_cast %parallel_loop3A_157 : i32 to index
          %parallel_loop3A_776 = arith.constant 112 : index
          %parallel_loop3A_777 = tpu.vector_load %arg17[%parallel_loop3A_775, %parallel_loop3A_776] {strides = array<i32>} : memref<40x128xf32, #tpu.memory_space<vmem>>, vector<1x16xf32>,
          %parallel_loop3A_778 = vector.shape_cast %parallel_loop3A_777 : vector<1x16xf32> to vector<16xf32>
          %parallel_loop3A_779 = vector.shape_cast %parallel_loop3A_774 : vector<16xf32> to vector<1x16xf32>
          tpu.vector_store %arg17[%parallel_loop3A_775, %parallel_loop3A_776], %parallel_loop3A_779 {strides = array<i32>} : memref<40x128xf32, #tpu.memory_space<vmem>>, vector<1x16xf32>,
        } {sc.loop_unroll_factor = 8 : i64, sc.parallel_access}
        %dma_start3A_109 = arith.constant 0 : i32
        %dma_start3A_110 = tpu.memref_slice %arg11[%multiple_of3A_84, %dma_start3A_109] : memref<320000x128xf32, #tpu.memory_space<hbm>> -> memref<40x128xf32, #tpu.memory_space<hbm>>
        %dma_start3A_111 = arith.constant 0 : i32
        %dma_start3A_112 = tpu.memref_slice %arg11[%multiple_of3A_84, %dma_start3A_111] : memref<320000x128xf32, #tpu.memory_space<hbm>> -> memref<40x128xf32, #tpu.memory_space<hbm>>
        tpu.enqueue_dma source(%arg17 : memref<40x128xf32, #tpu.memory_space<vmem>>) target(%dma_start3A_112 : memref<40x128xf32, #tpu.memory_space<hbm>>) target_semaphore(%arg34 : memref<!tpu.dma_semaphore, #tpu.memory_space<semaphore_mem>>)
        "tpu.region"() ({
          %run_scoped3A = tpu.sem_alloc : memref<!tpu.dma_semaphore, #tpu.memory_space<semaphore_mem>>
          %dma_start3A_157 = arith.constant 0 : i32
          %dma_start3A_158 = tpu.memref_slice %arg13[%add3A_74, %dma_start3A_157] : memref<10x40xi32, #tpu.memory_space<vmem>> -> memref<1x40xi32, #tpu.memory_space<vmem>>
          %dma_start3A_159 = tpu.memref_squeeze %dma_start3A_158 : memref<1x40xi32, #tpu.memory_space<vmem>> -> memref<40xi32, #tpu.memory_space<vmem>>
          %dma_start3A_160 = arith.constant 0 : i32
          %dma_start3A_161 = arith.constant 0 : i32
          %dma_start3A_162 = tpu.memref_slice %arg25[%dma_start3A_160, %dma_start3A_161] : memref<10112x128xf32, #tpu.memory_space<vmem_shared>> -> memref<10112x128xf32, #tpu.memory_space<vmem_shared>>
          tpu.enqueue_indirect_dma source(%arg19 : memref<40x128xf32, #tpu.memory_space<vmem>>) target(%dma_start3A_162 : memref<10112x128xf32, #tpu.memory_space<vmem_shared>>) offsets(%dma_start3A_159 : memref<40xi32, #tpu.memory_space<vmem>>) semaphore(%run_scoped3A : memref<!tpu.dma_semaphore, #tpu.memory_space<semaphore_mem>>) {add = true}
          %dma_wait3A_163 = arith.constant 0 : i32
          %dma_wait3A_164 = tpu.memref_slice %arg13[%add3A_74, %dma_wait3A_163] : memref<10x40xi32, #tpu.memory_space<vmem>> -> memref<1x40xi32, #tpu.memory_space<vmem>>
          %dma_wait3A_165 = tpu.memref_squeeze %dma_wait3A_164 : memref<1x40xi32, #tpu.memory_space<vmem>> -> memref<40xi32, #tpu.memory_space<vmem>>
          %dma_wait3A_166 = arith.constant 0 : i32
          %dma_wait3A_167 = arith.constant 0 : i32
          %dma_wait3A_168 = tpu.memref_slice %arg25[%dma_wait3A_166, %dma_wait3A_167] : memref<10112x128xf32, #tpu.memory_space<vmem_shared>> -> memref<10112x128xf32, #tpu.memory_space<vmem_shared>>
          tpu.wait_indirect_dma semaphore(%run_scoped3A : memref<!tpu.dma_semaphore, #tpu.memory_space<semaphore_mem>>) src(%arg19 : memref<40x128xf32, #tpu.memory_space<vmem>>) dst(%dma_wait3A_168 : memref<10112x128xf32, #tpu.memory_space<vmem_shared>>)
          tpu.yield
        }) : () -> ()
        %mul3A_113 = arith.constant 2 : i32
        %mul3A_114 = arith.muli %mul3A_113, %scan3A_70 : i32
        %add3A_115 = arith.constant 1 : i32
        %add3A_116 = arith.addi %mul3A_114, %add3A_115 : i32
        %add3A_117 = arith.constant 1 : i32
        %add3A_118 = arith.addi %add3A_116, %add3A_117 : i32
        %lt3A_119 = arith.constant 10 : i32
        %lt3A_120 = arith.cmpi slt, %add3A_118, %lt3A_119 : i32
        %convert_element_type3A_121 = arith.extui %lt3A_120 : i1 to i32
        %cond3A_122 = arith.constant 0 : i32
        %cond3A_123 = arith.cmpi ne, %convert_element_type3A_121, %cond3A_122 : i32
        scf.if %cond3A_123 {
          %mul3A_157 = arith.constant 40 : i32
          %mul3A_158 = arith.muli %add3A_118, %mul3A_157 : i32
          %add3A_159 = arith.addi %add3A_40, %mul3A_158 : i32
          %multiple_of3A_160 = tpu.assume_multiple %add3A_159, 8 : i32
          %dma_start3A_161 = arith.constant 0 : i32
          %dma_start3A_162 = tpu.memref_slice %arg13[%add3A_118, %dma_start3A_161] : memref<10x40xi32, #tpu.memory_space<vmem>> -> memref<1x40xi32, #tpu.memory_space<vmem>>
          %dma_start3A_163 = tpu.memref_squeeze %dma_start3A_162 : memref<1x40xi32, #tpu.memory_space<vmem>> -> memref<40xi32, #tpu.memory_space<vmem>>
          %dma_start3A_164 = arith.constant 0 : i32
          %dma_start3A_165 = arith.constant 0 : i32
          %dma_start3A_166 = tpu.memref_slice %arg6[%dma_start3A_164, %dma_start3A_165] : memref<10000x128xf32, #tpu.memory_space<hbm>> -> memref<10000x128xf32, #tpu.memory_space<hbm>>
          tpu.enqueue_indirect_dma source(%dma_start3A_166 : memref<10000x128xf32, #tpu.memory_space<hbm>>) target(%arg19 : memref<40x128xf32, #tpu.memory_space<vmem>>) offsets(%dma_start3A_163 : memref<40xi32, #tpu.memory_space<vmem>>) semaphore(%arg26 : memref<!tpu.dma_semaphore, #tpu.memory_space<semaphore_mem>>)
          %dma_start3A_167 = arith.constant 0 : i32
          %dma_start3A_168 = tpu.memref_slice %arg14[%add3A_118, %dma_start3A_167] : memref<10x40xi32, #tpu.memory_space<vmem>> -> memref<1x40xi32, #tpu.memory_space<vmem>>
          %dma_start3A_169 = tpu.memref_squeeze %dma_start3A_168 : memref<1x40xi32, #tpu.memory_space<vmem>> -> memref<40xi32, #tpu.memory_space<vmem>>
          %dma_start3A_170 = arith.constant 0 : i32
          %dma_start3A_171 = arith.constant 0 : i32
          %dma_start3A_172 = tpu.memref_slice %arg7[%dma_start3A_170, %dma_start3A_171] : memref<10000x128xf32, #tpu.memory_space<hbm>> -> memref<10000x128xf32, #tpu.memory_space<hbm>>
          tpu.enqueue_indirect_dma source(%dma_start3A_172 : memref<10000x128xf32, #tpu.memory_space<hbm>>) target(%arg21 : memref<40x128xf32, #tpu.memory_space<vmem>>) offsets(%dma_start3A_169 : memref<40xi32, #tpu.memory_space<vmem>>) semaphore(%arg28 : memref<!tpu.dma_semaphore, #tpu.memory_space<semaphore_mem>>)
          %dma_start3A_173 = arith.constant 0 : i32
          %dma_start3A_174 = tpu.memref_slice %arg4[%multiple_of3A_160, %dma_start3A_173] : memref<320000x128xi32, #tpu.memory_space<hbm>> -> memref<40x128xi32, #tpu.memory_space<hbm>>
          %dma_start3A_175 = arith.constant 0 : i32
          %dma_start3A_176 = tpu.memref_slice %arg4[%multiple_of3A_160, %dma_start3A_175] : memref<320000x128xi32, #tpu.memory_space<hbm>> -> memref<40x128xi32, #tpu.memory_space<hbm>>
          tpu.enqueue_dma source(%dma_start3A_176 : memref<40x128xi32, #tpu.memory_space<hbm>>) target(%arg15 : memref<40x128xi32, #tpu.memory_space<vmem>>) target_semaphore(%arg30 : memref<!tpu.dma_semaphore, #tpu.memory_space<semaphore_mem>>)
          %mul3A_177 = arith.constant 10 : i32
          %mul3A_178 = arith.muli %scan3A_29, %mul3A_177 : i32
          %add3A_179 = arith.addi %mul3A_178, %add3A_116 : i32
          %ge3A = arith.constant 1 : i32
          %ge3A_180 = arith.cmpi sge, %add3A_179, %ge3A : i32
          %convert_element_type3A_181 = arith.extui %ge3A_180 : i1 to i32
          %cond3A_182 = arith.constant 0 : i32
          %cond3A_183 = arith.cmpi ne, %convert_element_type3A_181, %cond3A_182 : i32
          scf.if %cond3A_183 {
            %dma_wait3A_188 = arith.constant 0 : i32
            %dma_wait3A_189 = tpu.memref_slice %arg11[%multiple_of3A_160, %dma_wait3A_188] : memref<320000x128xf32, #tpu.memory_space<hbm>> -> memref<40x128xf32, #tpu.memory_space<hbm>>
            %dma_wait3A_190 = arith.constant 0 : i32
            %dma_wait3A_191 = tpu.memref_slice %arg11[%multiple_of3A_160, %dma_wait3A_190] : memref<320000x128xf32, #tpu.memory_space<hbm>> -> memref<40x128xf32, #tpu.memory_space<hbm>>
            tpu.wait_dma2 semaphore(%arg34 : memref<!tpu.dma_semaphore, #tpu.memory_space<semaphore_mem>>) src(%arg17 : memref<40x128xf32, #tpu.memory_space<vmem>>) dst(%dma_wait3A_191 : memref<40x128xf32, #tpu.memory_space<hbm>>)
          } else {
          }
          %dma_start3A_184 = arith.constant 0 : i32
          %dma_start3A_185 = tpu.memref_slice %arg5[%multiple_of3A_160, %dma_start3A_184] : memref<320000x128xf32, #tpu.memory_space<hbm>> -> memref<40x128xf32, #tpu.memory_space<hbm>>
          %dma_start3A_186 = arith.constant 0 : i32
          %dma_start3A_187 = tpu.memref_slice %arg5[%multiple_of3A_160, %dma_start3A_186] : memref<320000x128xf32, #tpu.memory_space<hbm>> -> memref<40x128xf32, #tpu.memory_space<hbm>>
          tpu.enqueue_dma source(%dma_start3A_187 : memref<40x128xf32, #tpu.memory_space<hbm>>) target(%arg17 : memref<40x128xf32, #tpu.memory_space<vmem>>) target_semaphore(%arg32 : memref<!tpu.dma_semaphore, #tpu.memory_space<semaphore_mem>>)
        } else {
        }
        %mul3A_124 = arith.constant 40 : i32
        %mul3A_125 = arith.muli %add3A_116, %mul3A_124 : i32
        %add3A_126 = arith.addi %add3A_40, %mul3A_125 : i32
        %multiple_of3A_127 = tpu.assume_multiple %add3A_126, 8 : i32
        %dma_wait3A_128 = arith.constant 0 : i32
        %dma_wait3A_129 = arith.constant 0 : i32
        %dma_wait3A_130 = tpu.memref_slice %arg13[%dma_wait3A_128, %dma_wait3A_129] : memref<10x40xi32, #tpu.memory_space<vmem>> -> memref<1x40xi32, #tpu.memory_space<vmem>>
        %dma_wait3A_131 = tpu.memref_squeeze %dma_wait3A_130 : memref<1x40xi32, #tpu.memory_space<vmem>> -> memref<40xi32, #tpu.memory_space<vmem>>
        %dma_wait3A_132 = arith.constant 0 : i32
        %dma_wait3A_133 = arith.constant 0 : i32
        %dma_wait3A_134 = tpu.memref_slice %arg6[%dma_wait3A_132, %dma_wait3A_133] : memref<10000x128xf32, #tpu.memory_space<hbm>> -> memref<10000x128xf32, #tpu.memory_space<hbm>>
        tpu.wait_indirect_dma semaphore(%arg27 : memref<!tpu.dma_semaphore, #tpu.memory_space<semaphore_mem>>) src(%dma_wait3A_134 : memref<10000x128xf32, #tpu.memory_space<hbm>>) dst(%arg20 : memref<40x128xf32, #tpu.memory_space<vmem>>)
        %dma_wait3A_135 = arith.constant 0 : i32
        %dma_wait3A_136 = arith.constant 0 : i32
        %dma_wait3A_137 = tpu.memref_slice %arg14[%dma_wait3A_135, %dma_wait3A_136] : memref<10x40xi32, #tpu.memory_space<vmem>> -> memref<1x40xi32, #tpu.memory_space<vmem>>
        %dma_wait3A_138 = tpu.memref_squeeze %dma_wait3A_137 : memref<1x40xi32, #tpu.memory_space<vmem>> -> memref<40xi32, #tpu.memory_space<vmem>>
        %dma_wait3A_139 = arith.constant 0 : i32
        %dma_wait3A_140 = arith.constant 0 : i32
        %dma_wait3A_141 = tpu.memref_slice %arg7[%dma_wait3A_139, %dma_wait3A_140] : memref<10000x128xf32, #tpu.memory_space<hbm>> -> memref<10000x128xf32, #tpu.memory_space<hbm>>
        tpu.wait_indirect_dma semaphore(%arg29 : memref<!tpu.dma_semaphore, #tpu.memory_space<semaphore_mem>>) src(%dma_wait3A_141 : memref<10000x128xf32, #tpu.memory_space<hbm>>) dst(%arg22 : memref<40x128xf32, #tpu.memory_space<vmem>>)
        %dma_wait3A_142 = arith.constant 0 : i32
        %dma_wait3A_143 = tpu.memref_slice %arg4[%multiple_of3A_127, %dma_wait3A_142] : memref<320000x128xi32, #tpu.memory_space<hbm>> -> memref<40x128xi32, #tpu.memory_space<hbm>>
        %dma_wait3A_144 = arith.constant 0 : i32
        %dma_wait3A_145 = tpu.memref_slice %arg4[%multiple_of3A_127, %dma_wait3A_144] : memref<320000x128xi32, #tpu.memory_space<hbm>> -> memref<40x128xi32, #tpu.memory_space<hbm>>
        tpu.wait_dma2 semaphore(%arg31 : memref<!tpu.dma_semaphore, #tpu.memory_space<semaphore_mem>>) src(%dma_wait3A_145 : memref<40x128xi32, #tpu.memory_space<hbm>>) dst(%arg16 : memref<40x128xi32, #tpu.memory_space<vmem>>)
        %dma_wait3A_146 = arith.constant 0 : i32
        %dma_wait3A_147 = tpu.memref_slice %arg5[%multiple_of3A_127, %dma_wait3A_146] : memref<320000x128xf32, #tpu.memory_space<hbm>> -> memref<40x128xf32, #tpu.memory_space<hbm>>
        %dma_wait3A_148 = arith.constant 0 : i32
        %dma_wait3A_149 = tpu.memref_slice %arg5[%multiple_of3A_127, %dma_wait3A_148] : memref<320000x128xf32, #tpu.memory_space<hbm>> -> memref<40x128xf32, #tpu.memory_space<hbm>>
        tpu.wait_dma2 semaphore(%arg33 : memref<!tpu.dma_semaphore, #tpu.memory_space<semaphore_mem>>) src(%dma_wait3A_149 : memref<40x128xf32, #tpu.memory_space<hbm>>) dst(%arg18 : memref<40x128xf32, #tpu.memory_space<vmem>>)
        %parallel_loop3A_150 = arith.constant 0 : i32
        %parallel_loop3A_151 = arith.constant 40 : i32
        %parallel_loop3A_152 = arith.constant 1 : i32
        scf.for %parallel_loop3A_157 = %parallel_loop3A_150 to %parallel_loop3A_151 step %parallel_loop3A_152  : i32 {
          %parallel_loop3A_158 = arith.constant 0.000000e+00 : f32
          %parallel_loop3A_159 = vector.broadcast %parallel_loop3A_158 : f32 to vector<16xf32>
          %parallel_loop3A_160 = arith.constant 0.000000e+00 : f32
          %parallel_loop3A_161 = vector.broadcast %parallel_loop3A_160 : f32 to vector<16xf32>
          %parallel_loop3A_162 = arith.index_cast %parallel_loop3A_157 : i32 to index
          %parallel_loop3A_163 = arith.constant 0 : index
          %parallel_loop3A_164 = tpu.vector_load %arg16[%parallel_loop3A_162, %parallel_loop3A_163] {strides = array<i32>} : memref<40x128xi32, #tpu.memory_space<vmem>>, vector<1x16xi32>,
          %parallel_loop3A_165 = vector.shape_cast %parallel_loop3A_164 : vector<1x16xi32> to vector<16xi32>
          %parallel_loop3A_166 = arith.constant 16 : i32
          %parallel_loop3A_167 = vector.broadcast %parallel_loop3A_166 : i32 to vector<16xi32>
          %parallel_loop3A_168 = arith.shli %parallel_loop3A_165, %parallel_loop3A_167 : vector<16xi32>
          %parallel_loop3A_169 = tpu.bitcast %parallel_loop3A_168 : vector<16xi32> -> vector<16xf32>
          %parallel_loop3A_170 = arith.constant -65536 : i32
          %parallel_loop3A_171 = vector.broadcast %parallel_loop3A_170 : i32 to vector<16xi32>
          %parallel_loop3A_172 = arith.andi %parallel_loop3A_165, %parallel_loop3A_171 : vector<16xi32>
          %parallel_loop3A_173 = tpu.bitcast %parallel_loop3A_172 : vector<16xi32> -> vector<16xf32>
          %parallel_loop3A_174 = arith.index_cast %parallel_loop3A_157 : i32 to index
          %parallel_loop3A_175 = arith.constant 0 : index
          %parallel_loop3A_176 = tpu.vector_load %arg20[%parallel_loop3A_174, %parallel_loop3A_175] {strides = array<i32>} : memref<40x128xf32, #tpu.memory_space<vmem>>, vector<1x16xf32>,
          %parallel_loop3A_177 = vector.shape_cast %parallel_loop3A_176 : vector<1x16xf32> to vector<16xf32>
          %parallel_loop3A_178 = arith.index_cast %parallel_loop3A_157 : i32 to index
          %parallel_loop3A_179 = arith.constant 0 : index
          %parallel_loop3A_180 = tpu.vector_load %arg22[%parallel_loop3A_178, %parallel_loop3A_179] {strides = array<i32>} : memref<40x128xf32, #tpu.memory_space<vmem>>, vector<1x16xf32>,
          %parallel_loop3A_181 = vector.shape_cast %parallel_loop3A_180 : vector<1x16xf32> to vector<16xf32>
          %parallel_loop3A_182 = arith.addf %parallel_loop3A_177, %parallel_loop3A_181 : vector<16xf32>
          %parallel_loop3A_183 = arith.mulf %parallel_loop3A_182, %parallel_loop3A_169 : vector<16xf32>
          %parallel_loop3A_184 = math.absf %parallel_loop3A_183 : vector<16xf32>
          %parallel_loop3A_185 = tpu.bitcast %parallel_loop3A_184 : vector<16xf32> -> vector<16xi32>
          %parallel_loop3A_186 = arith.constant 1 : i32
          %parallel_loop3A_187 = vector.broadcast %parallel_loop3A_186 : i32 to vector<16xi32>
          %parallel_loop3A_188 = arith.shrsi %parallel_loop3A_185, %parallel_loop3A_187 : vector<16xi32>
          %parallel_loop3A_189 = arith.constant 1597463007 : i32
          %parallel_loop3A_190 = vector.broadcast %parallel_loop3A_189 : i32 to vector<16xi32>
          %parallel_loop3A_191 = arith.subi %parallel_loop3A_190, %parallel_loop3A_188 : vector<16xi32>
          %parallel_loop3A_192 = tpu.bitcast %parallel_loop3A_191 : vector<16xi32> -> vector<16xf32>
          %parallel_loop3A_193 = arith.constant 5.000000e-01 : f32
          %parallel_loop3A_194 = vector.broadcast %parallel_loop3A_193 : f32 to vector<16xf32>
          %parallel_loop3A_195 = arith.mulf %parallel_loop3A_194, %parallel_loop3A_184 : vector<16xf32>
          %parallel_loop3A_196 = arith.mulf %parallel_loop3A_195, %parallel_loop3A_192 : vector<16xf32>
          %parallel_loop3A_197 = arith.mulf %parallel_loop3A_196, %parallel_loop3A_192 : vector<16xf32>
          %parallel_loop3A_198 = arith.constant 1.500000e+00 : f32
          %parallel_loop3A_199 = vector.broadcast %parallel_loop3A_198 : f32 to vector<16xf32>
          %parallel_loop3A_200 = arith.subf %parallel_loop3A_199, %parallel_loop3A_197 : vector<16xf32>
          %parallel_loop3A_201 = arith.mulf %parallel_loop3A_192, %parallel_loop3A_200 : vector<16xf32>
          %parallel_loop3A_202 = arith.mulf %parallel_loop3A_183, %parallel_loop3A_201 : vector<16xf32>
          %parallel_loop3A_203 = arith.addf %parallel_loop3A_202, %parallel_loop3A_173 : vector<16xf32>
          %parallel_loop3A_204 = arith.constant 0.000000e+00 : f32
          %parallel_loop3A_205 = vector.broadcast %parallel_loop3A_204 : f32 to vector<16xf32>
          %parallel_loop3A_206 = arith.maximumf %parallel_loop3A_203, %parallel_loop3A_205 : vector<16xf32>
          %parallel_loop3A_207 = arith.index_cast %parallel_loop3A_157 : i32 to index
          %parallel_loop3A_208 = arith.constant 0 : index
          %parallel_loop3A_209 = tpu.vector_load %arg20[%parallel_loop3A_207, %parallel_loop3A_208] {strides = array<i32>} : memref<40x128xf32, #tpu.memory_space<vmem>>, vector<1x16xf32>,
          %parallel_loop3A_210 = vector.shape_cast %parallel_loop3A_209 : vector<1x16xf32> to vector<16xf32>
          %parallel_loop3A_211 = vector.shape_cast %parallel_loop3A_206 : vector<16xf32> to vector<1x16xf32>
          tpu.vector_store %arg20[%parallel_loop3A_207, %parallel_loop3A_208], %parallel_loop3A_211 {strides = array<i32>} : memref<40x128xf32, #tpu.memory_space<vmem>>, vector<1x16xf32>,
          %parallel_loop3A_212 = arith.index_cast %parallel_loop3A_157 : i32 to index
          %parallel_loop3A_213 = arith.constant 0 : index
          %parallel_loop3A_214 = tpu.vector_load %arg18[%parallel_loop3A_212, %parallel_loop3A_213] {strides = array<i32>} : memref<40x128xf32, #tpu.memory_space<vmem>>, vector<1x16xf32>,
          %parallel_loop3A_215 = vector.shape_cast %parallel_loop3A_214 : vector<1x16xf32> to vector<16xf32>
          %parallel_loop3A_216 = arith.addf %parallel_loop3A_215, %parallel_loop3A_206 : vector<16xf32>
          %parallel_loop3A_217 = arith.addf %parallel_loop3A_159, %parallel_loop3A_216 : vector<16xf32>
          %parallel_loop3A_218 = arith.mulf %parallel_loop3A_216, %parallel_loop3A_216 : vector<16xf32>
          %parallel_loop3A_219 = arith.addf %parallel_loop3A_161, %parallel_loop3A_218 : vector<16xf32>
          %parallel_loop3A_220 = arith.index_cast %parallel_loop3A_157 : i32 to index
          %parallel_loop3A_221 = arith.constant 16 : index
          %parallel_loop3A_222 = tpu.vector_load %arg16[%parallel_loop3A_220, %parallel_loop3A_221] {strides = array<i32>} : memref<40x128xi32, #tpu.memory_space<vmem>>, vector<1x16xi32>,
          %parallel_loop3A_223 = vector.shape_cast %parallel_loop3A_222 : vector<1x16xi32> to vector<16xi32>
          %parallel_loop3A_224 = arith.constant 16 : i32
          %parallel_loop3A_225 = vector.broadcast %parallel_loop3A_224 : i32 to vector<16xi32>
          %parallel_loop3A_226 = arith.shli %parallel_loop3A_223, %parallel_loop3A_225 : vector<16xi32>
          %parallel_loop3A_227 = tpu.bitcast %parallel_loop3A_226 : vector<16xi32> -> vector<16xf32>
          %parallel_loop3A_228 = arith.constant -65536 : i32
          %parallel_loop3A_229 = vector.broadcast %parallel_loop3A_228 : i32 to vector<16xi32>
          %parallel_loop3A_230 = arith.andi %parallel_loop3A_223, %parallel_loop3A_229 : vector<16xi32>
          %parallel_loop3A_231 = tpu.bitcast %parallel_loop3A_230 : vector<16xi32> -> vector<16xf32>
          %parallel_loop3A_232 = arith.index_cast %parallel_loop3A_157 : i32 to index
          %parallel_loop3A_233 = arith.constant 16 : index
          %parallel_loop3A_234 = tpu.vector_load %arg20[%parallel_loop3A_232, %parallel_loop3A_233] {strides = array<i32>} : memref<40x128xf32, #tpu.memory_space<vmem>>, vector<1x16xf32>,
          %parallel_loop3A_235 = vector.shape_cast %parallel_loop3A_234 : vector<1x16xf32> to vector<16xf32>
          %parallel_loop3A_236 = arith.index_cast %parallel_loop3A_157 : i32 to index
          %parallel_loop3A_237 = arith.constant 16 : index
          %parallel_loop3A_238 = tpu.vector_load %arg22[%parallel_loop3A_236, %parallel_loop3A_237] {strides = array<i32>} : memref<40x128xf32, #tpu.memory_space<vmem>>, vector<1x16xf32>,
          %parallel_loop3A_239 = vector.shape_cast %parallel_loop3A_238 : vector<1x16xf32> to vector<16xf32>
          %parallel_loop3A_240 = arith.addf %parallel_loop3A_235, %parallel_loop3A_239 : vector<16xf32>
          %parallel_loop3A_241 = arith.mulf %parallel_loop3A_240, %parallel_loop3A_227 : vector<16xf32>
          %parallel_loop3A_242 = math.absf %parallel_loop3A_241 : vector<16xf32>
          %parallel_loop3A_243 = tpu.bitcast %parallel_loop3A_242 : vector<16xf32> -> vector<16xi32>
          %parallel_loop3A_244 = arith.constant 1 : i32
          %parallel_loop3A_245 = vector.broadcast %parallel_loop3A_244 : i32 to vector<16xi32>
          %parallel_loop3A_246 = arith.shrsi %parallel_loop3A_243, %parallel_loop3A_245 : vector<16xi32>
          %parallel_loop3A_247 = arith.constant 1597463007 : i32
          %parallel_loop3A_248 = vector.broadcast %parallel_loop3A_247 : i32 to vector<16xi32>
          %parallel_loop3A_249 = arith.subi %parallel_loop3A_248, %parallel_loop3A_246 : vector<16xi32>
          %parallel_loop3A_250 = tpu.bitcast %parallel_loop3A_249 : vector<16xi32> -> vector<16xf32>
          %parallel_loop3A_251 = arith.constant 5.000000e-01 : f32
          %parallel_loop3A_252 = vector.broadcast %parallel_loop3A_251 : f32 to vector<16xf32>
          %parallel_loop3A_253 = arith.mulf %parallel_loop3A_252, %parallel_loop3A_242 : vector<16xf32>
          %parallel_loop3A_254 = arith.mulf %parallel_loop3A_253, %parallel_loop3A_250 : vector<16xf32>
          %parallel_loop3A_255 = arith.mulf %parallel_loop3A_254, %parallel_loop3A_250 : vector<16xf32>
          %parallel_loop3A_256 = arith.constant 1.500000e+00 : f32
          %parallel_loop3A_257 = vector.broadcast %parallel_loop3A_256 : f32 to vector<16xf32>
          %parallel_loop3A_258 = arith.subf %parallel_loop3A_257, %parallel_loop3A_255 : vector<16xf32>
          %parallel_loop3A_259 = arith.mulf %parallel_loop3A_250, %parallel_loop3A_258 : vector<16xf32>
          %parallel_loop3A_260 = arith.mulf %parallel_loop3A_241, %parallel_loop3A_259 : vector<16xf32>
          %parallel_loop3A_261 = arith.addf %parallel_loop3A_260, %parallel_loop3A_231 : vector<16xf32>
          %parallel_loop3A_262 = arith.constant 0.000000e+00 : f32
          %parallel_loop3A_263 = vector.broadcast %parallel_loop3A_262 : f32 to vector<16xf32>
          %parallel_loop3A_264 = arith.maximumf %parallel_loop3A_261, %parallel_loop3A_263 : vector<16xf32>
          %parallel_loop3A_265 = arith.index_cast %parallel_loop3A_157 : i32 to index
          %parallel_loop3A_266 = arith.constant 16 : index
          %parallel_loop3A_267 = tpu.vector_load %arg20[%parallel_loop3A_265, %parallel_loop3A_266] {strides = array<i32>} : memref<40x128xf32, #tpu.memory_space<vmem>>, vector<1x16xf32>,
          %parallel_loop3A_268 = vector.shape_cast %parallel_loop3A_267 : vector<1x16xf32> to vector<16xf32>
          %parallel_loop3A_269 = vector.shape_cast %parallel_loop3A_264 : vector<16xf32> to vector<1x16xf32>
          tpu.vector_store %arg20[%parallel_loop3A_265, %parallel_loop3A_266], %parallel_loop3A_269 {strides = array<i32>} : memref<40x128xf32, #tpu.memory_space<vmem>>, vector<1x16xf32>,
          %parallel_loop3A_270 = arith.index_cast %parallel_loop3A_157 : i32 to index
          %parallel_loop3A_271 = arith.constant 16 : index
          %parallel_loop3A_272 = tpu.vector_load %arg18[%parallel_loop3A_270, %parallel_loop3A_271] {strides = array<i32>} : memref<40x128xf32, #tpu.memory_space<vmem>>, vector<1x16xf32>,
          %parallel_loop3A_273 = vector.shape_cast %parallel_loop3A_272 : vector<1x16xf32> to vector<16xf32>
          %parallel_loop3A_274 = arith.addf %parallel_loop3A_273, %parallel_loop3A_264 : vector<16xf32>
          %parallel_loop3A_275 = arith.addf %parallel_loop3A_217, %parallel_loop3A_274 : vector<16xf32>
          %parallel_loop3A_276 = arith.mulf %parallel_loop3A_274, %parallel_loop3A_274 : vector<16xf32>
          %parallel_loop3A_277 = arith.addf %parallel_loop3A_219, %parallel_loop3A_276 : vector<16xf32>
          %parallel_loop3A_278 = arith.index_cast %parallel_loop3A_157 : i32 to index
          %parallel_loop3A_279 = arith.constant 32 : index
          %parallel_loop3A_280 = tpu.vector_load %arg16[%parallel_loop3A_278, %parallel_loop3A_279] {strides = array<i32>} : memref<40x128xi32, #tpu.memory_space<vmem>>, vector<1x16xi32>,
          %parallel_loop3A_281 = vector.shape_cast %parallel_loop3A_280 : vector<1x16xi32> to vector<16xi32>
          %parallel_loop3A_282 = arith.constant 16 : i32
          %parallel_loop3A_283 = vector.broadcast %parallel_loop3A_282 : i32 to vector<16xi32>
          %parallel_loop3A_284 = arith.shli %parallel_loop3A_281, %parallel_loop3A_283 : vector<16xi32>
          %parallel_loop3A_285 = tpu.bitcast %parallel_loop3A_284 : vector<16xi32> -> vector<16xf32>
          %parallel_loop3A_286 = arith.constant -65536 : i32
          %parallel_loop3A_287 = vector.broadcast %parallel_loop3A_286 : i32 to vector<16xi32>
          %parallel_loop3A_288 = arith.andi %parallel_loop3A_281, %parallel_loop3A_287 : vector<16xi32>
          %parallel_loop3A_289 = tpu.bitcast %parallel_loop3A_288 : vector<16xi32> -> vector<16xf32>
          %parallel_loop3A_290 = arith.index_cast %parallel_loop3A_157 : i32 to index
          %parallel_loop3A_291 = arith.constant 32 : index
          %parallel_loop3A_292 = tpu.vector_load %arg20[%parallel_loop3A_290, %parallel_loop3A_291] {strides = array<i32>} : memref<40x128xf32, #tpu.memory_space<vmem>>, vector<1x16xf32>,
          %parallel_loop3A_293 = vector.shape_cast %parallel_loop3A_292 : vector<1x16xf32> to vector<16xf32>
          %parallel_loop3A_294 = arith.index_cast %parallel_loop3A_157 : i32 to index
          %parallel_loop3A_295 = arith.constant 32 : index
          %parallel_loop3A_296 = tpu.vector_load %arg22[%parallel_loop3A_294, %parallel_loop3A_295] {strides = array<i32>} : memref<40x128xf32, #tpu.memory_space<vmem>>, vector<1x16xf32>,
          %parallel_loop3A_297 = vector.shape_cast %parallel_loop3A_296 : vector<1x16xf32> to vector<16xf32>
          %parallel_loop3A_298 = arith.addf %parallel_loop3A_293, %parallel_loop3A_297 : vector<16xf32>
          %parallel_loop3A_299 = arith.mulf %parallel_loop3A_298, %parallel_loop3A_285 : vector<16xf32>
          %parallel_loop3A_300 = math.absf %parallel_loop3A_299 : vector<16xf32>
          %parallel_loop3A_301 = tpu.bitcast %parallel_loop3A_300 : vector<16xf32> -> vector<16xi32>
          %parallel_loop3A_302 = arith.constant 1 : i32
          %parallel_loop3A_303 = vector.broadcast %parallel_loop3A_302 : i32 to vector<16xi32>
          %parallel_loop3A_304 = arith.shrsi %parallel_loop3A_301, %parallel_loop3A_303 : vector<16xi32>
          %parallel_loop3A_305 = arith.constant 1597463007 : i32
          %parallel_loop3A_306 = vector.broadcast %parallel_loop3A_305 : i32 to vector<16xi32>
          %parallel_loop3A_307 = arith.subi %parallel_loop3A_306, %parallel_loop3A_304 : vector<16xi32>
          %parallel_loop3A_308 = tpu.bitcast %parallel_loop3A_307 : vector<16xi32> -> vector<16xf32>
          %parallel_loop3A_309 = arith.constant 5.000000e-01 : f32
          %parallel_loop3A_310 = vector.broadcast %parallel_loop3A_309 : f32 to vector<16xf32>
          %parallel_loop3A_311 = arith.mulf %parallel_loop3A_310, %parallel_loop3A_300 : vector<16xf32>
          %parallel_loop3A_312 = arith.mulf %parallel_loop3A_311, %parallel_loop3A_308 : vector<16xf32>
          %parallel_loop3A_313 = arith.mulf %parallel_loop3A_312, %parallel_loop3A_308 : vector<16xf32>
          %parallel_loop3A_314 = arith.constant 1.500000e+00 : f32
          %parallel_loop3A_315 = vector.broadcast %parallel_loop3A_314 : f32 to vector<16xf32>
          %parallel_loop3A_316 = arith.subf %parallel_loop3A_315, %parallel_loop3A_313 : vector<16xf32>
          %parallel_loop3A_317 = arith.mulf %parallel_loop3A_308, %parallel_loop3A_316 : vector<16xf32>
          %parallel_loop3A_318 = arith.mulf %parallel_loop3A_299, %parallel_loop3A_317 : vector<16xf32>
          %parallel_loop3A_319 = arith.addf %parallel_loop3A_318, %parallel_loop3A_289 : vector<16xf32>
          %parallel_loop3A_320 = arith.constant 0.000000e+00 : f32
          %parallel_loop3A_321 = vector.broadcast %parallel_loop3A_320 : f32 to vector<16xf32>
          %parallel_loop3A_322 = arith.maximumf %parallel_loop3A_319, %parallel_loop3A_321 : vector<16xf32>
          %parallel_loop3A_323 = arith.index_cast %parallel_loop3A_157 : i32 to index
          %parallel_loop3A_324 = arith.constant 32 : index
          %parallel_loop3A_325 = tpu.vector_load %arg20[%parallel_loop3A_323, %parallel_loop3A_324] {strides = array<i32>} : memref<40x128xf32, #tpu.memory_space<vmem>>, vector<1x16xf32>,
          %parallel_loop3A_326 = vector.shape_cast %parallel_loop3A_325 : vector<1x16xf32> to vector<16xf32>
          %parallel_loop3A_327 = vector.shape_cast %parallel_loop3A_322 : vector<16xf32> to vector<1x16xf32>
          tpu.vector_store %arg20[%parallel_loop3A_323, %parallel_loop3A_324], %parallel_loop3A_327 {strides = array<i32>} : memref<40x128xf32, #tpu.memory_space<vmem>>, vector<1x16xf32>,
          %parallel_loop3A_328 = arith.index_cast %parallel_loop3A_157 : i32 to index
          %parallel_loop3A_329 = arith.constant 32 : index
          %parallel_loop3A_330 = tpu.vector_load %arg18[%parallel_loop3A_328, %parallel_loop3A_329] {strides = array<i32>} : memref<40x128xf32, #tpu.memory_space<vmem>>, vector<1x16xf32>,
          %parallel_loop3A_331 = vector.shape_cast %parallel_loop3A_330 : vector<1x16xf32> to vector<16xf32>
          %parallel_loop3A_332 = arith.addf %parallel_loop3A_331, %parallel_loop3A_322 : vector<16xf32>
          %parallel_loop3A_333 = arith.addf %parallel_loop3A_275, %parallel_loop3A_332 : vector<16xf32>
          %parallel_loop3A_334 = arith.mulf %parallel_loop3A_332, %parallel_loop3A_332 : vector<16xf32>
          %parallel_loop3A_335 = arith.addf %parallel_loop3A_277, %parallel_loop3A_334 : vector<16xf32>
          %parallel_loop3A_336 = arith.index_cast %parallel_loop3A_157 : i32 to index
          %parallel_loop3A_337 = arith.constant 48 : index
          %parallel_loop3A_338 = tpu.vector_load %arg16[%parallel_loop3A_336, %parallel_loop3A_337] {strides = array<i32>} : memref<40x128xi32, #tpu.memory_space<vmem>>, vector<1x16xi32>,
          %parallel_loop3A_339 = vector.shape_cast %parallel_loop3A_338 : vector<1x16xi32> to vector<16xi32>
          %parallel_loop3A_340 = arith.constant 16 : i32
          %parallel_loop3A_341 = vector.broadcast %parallel_loop3A_340 : i32 to vector<16xi32>
          %parallel_loop3A_342 = arith.shli %parallel_loop3A_339, %parallel_loop3A_341 : vector<16xi32>
          %parallel_loop3A_343 = tpu.bitcast %parallel_loop3A_342 : vector<16xi32> -> vector<16xf32>
          %parallel_loop3A_344 = arith.constant -65536 : i32
          %parallel_loop3A_345 = vector.broadcast %parallel_loop3A_344 : i32 to vector<16xi32>
          %parallel_loop3A_346 = arith.andi %parallel_loop3A_339, %parallel_loop3A_345 : vector<16xi32>
          %parallel_loop3A_347 = tpu.bitcast %parallel_loop3A_346 : vector<16xi32> -> vector<16xf32>
          %parallel_loop3A_348 = arith.index_cast %parallel_loop3A_157 : i32 to index
          %parallel_loop3A_349 = arith.constant 48 : index
          %parallel_loop3A_350 = tpu.vector_load %arg20[%parallel_loop3A_348, %parallel_loop3A_349] {strides = array<i32>} : memref<40x128xf32, #tpu.memory_space<vmem>>, vector<1x16xf32>,
          %parallel_loop3A_351 = vector.shape_cast %parallel_loop3A_350 : vector<1x16xf32> to vector<16xf32>
          %parallel_loop3A_352 = arith.index_cast %parallel_loop3A_157 : i32 to index
          %parallel_loop3A_353 = arith.constant 48 : index
          %parallel_loop3A_354 = tpu.vector_load %arg22[%parallel_loop3A_352, %parallel_loop3A_353] {strides = array<i32>} : memref<40x128xf32, #tpu.memory_space<vmem>>, vector<1x16xf32>,
          %parallel_loop3A_355 = vector.shape_cast %parallel_loop3A_354 : vector<1x16xf32> to vector<16xf32>
          %parallel_loop3A_356 = arith.addf %parallel_loop3A_351, %parallel_loop3A_355 : vector<16xf32>
          %parallel_loop3A_357 = arith.mulf %parallel_loop3A_356, %parallel_loop3A_343 : vector<16xf32>
          %parallel_loop3A_358 = math.absf %parallel_loop3A_357 : vector<16xf32>
          %parallel_loop3A_359 = tpu.bitcast %parallel_loop3A_358 : vector<16xf32> -> vector<16xi32>
          %parallel_loop3A_360 = arith.constant 1 : i32
          %parallel_loop3A_361 = vector.broadcast %parallel_loop3A_360 : i32 to vector<16xi32>
          %parallel_loop3A_362 = arith.shrsi %parallel_loop3A_359, %parallel_loop3A_361 : vector<16xi32>
          %parallel_loop3A_363 = arith.constant 1597463007 : i32
          %parallel_loop3A_364 = vector.broadcast %parallel_loop3A_363 : i32 to vector<16xi32>
          %parallel_loop3A_365 = arith.subi %parallel_loop3A_364, %parallel_loop3A_362 : vector<16xi32>
          %parallel_loop3A_366 = tpu.bitcast %parallel_loop3A_365 : vector<16xi32> -> vector<16xf32>
          %parallel_loop3A_367 = arith.constant 5.000000e-01 : f32
          %parallel_loop3A_368 = vector.broadcast %parallel_loop3A_367 : f32 to vector<16xf32>
          %parallel_loop3A_369 = arith.mulf %parallel_loop3A_368, %parallel_loop3A_358 : vector<16xf32>
          %parallel_loop3A_370 = arith.mulf %parallel_loop3A_369, %parallel_loop3A_366 : vector<16xf32>
          %parallel_loop3A_371 = arith.mulf %parallel_loop3A_370, %parallel_loop3A_366 : vector<16xf32>
          %parallel_loop3A_372 = arith.constant 1.500000e+00 : f32
          %parallel_loop3A_373 = vector.broadcast %parallel_loop3A_372 : f32 to vector<16xf32>
          %parallel_loop3A_374 = arith.subf %parallel_loop3A_373, %parallel_loop3A_371 : vector<16xf32>
          %parallel_loop3A_375 = arith.mulf %parallel_loop3A_366, %parallel_loop3A_374 : vector<16xf32>
          %parallel_loop3A_376 = arith.mulf %parallel_loop3A_357, %parallel_loop3A_375 : vector<16xf32>
          %parallel_loop3A_377 = arith.addf %parallel_loop3A_376, %parallel_loop3A_347 : vector<16xf32>
          %parallel_loop3A_378 = arith.constant 0.000000e+00 : f32
          %parallel_loop3A_379 = vector.broadcast %parallel_loop3A_378 : f32 to vector<16xf32>
          %parallel_loop3A_380 = arith.maximumf %parallel_loop3A_377, %parallel_loop3A_379 : vector<16xf32>
          %parallel_loop3A_381 = arith.index_cast %parallel_loop3A_157 : i32 to index
          %parallel_loop3A_382 = arith.constant 48 : index
          %parallel_loop3A_383 = tpu.vector_load %arg20[%parallel_loop3A_381, %parallel_loop3A_382] {strides = array<i32>} : memref<40x128xf32, #tpu.memory_space<vmem>>, vector<1x16xf32>,
          %parallel_loop3A_384 = vector.shape_cast %parallel_loop3A_383 : vector<1x16xf32> to vector<16xf32>
          %parallel_loop3A_385 = vector.shape_cast %parallel_loop3A_380 : vector<16xf32> to vector<1x16xf32>
          tpu.vector_store %arg20[%parallel_loop3A_381, %parallel_loop3A_382], %parallel_loop3A_385 {strides = array<i32>} : memref<40x128xf32, #tpu.memory_space<vmem>>, vector<1x16xf32>,
          %parallel_loop3A_386 = arith.index_cast %parallel_loop3A_157 : i32 to index
          %parallel_loop3A_387 = arith.constant 48 : index
          %parallel_loop3A_388 = tpu.vector_load %arg18[%parallel_loop3A_386, %parallel_loop3A_387] {strides = array<i32>} : memref<40x128xf32, #tpu.memory_space<vmem>>, vector<1x16xf32>,
          %parallel_loop3A_389 = vector.shape_cast %parallel_loop3A_388 : vector<1x16xf32> to vector<16xf32>
          %parallel_loop3A_390 = arith.addf %parallel_loop3A_389, %parallel_loop3A_380 : vector<16xf32>
          %parallel_loop3A_391 = arith.addf %parallel_loop3A_333, %parallel_loop3A_390 : vector<16xf32>
          %parallel_loop3A_392 = arith.mulf %parallel_loop3A_390, %parallel_loop3A_390 : vector<16xf32>
          %parallel_loop3A_393 = arith.addf %parallel_loop3A_335, %parallel_loop3A_392 : vector<16xf32>
          %parallel_loop3A_394 = arith.index_cast %parallel_loop3A_157 : i32 to index
          %parallel_loop3A_395 = arith.constant 64 : index
          %parallel_loop3A_396 = tpu.vector_load %arg16[%parallel_loop3A_394, %parallel_loop3A_395] {strides = array<i32>} : memref<40x128xi32, #tpu.memory_space<vmem>>, vector<1x16xi32>,
          %parallel_loop3A_397 = vector.shape_cast %parallel_loop3A_396 : vector<1x16xi32> to vector<16xi32>
          %parallel_loop3A_398 = arith.constant 16 : i32
          %parallel_loop3A_399 = vector.broadcast %parallel_loop3A_398 : i32 to vector<16xi32>
          %parallel_loop3A_400 = arith.shli %parallel_loop3A_397, %parallel_loop3A_399 : vector<16xi32>
          %parallel_loop3A_401 = tpu.bitcast %parallel_loop3A_400 : vector<16xi32> -> vector<16xf32>
          %parallel_loop3A_402 = arith.constant -65536 : i32
          %parallel_loop3A_403 = vector.broadcast %parallel_loop3A_402 : i32 to vector<16xi32>
          %parallel_loop3A_404 = arith.andi %parallel_loop3A_397, %parallel_loop3A_403 : vector<16xi32>
          %parallel_loop3A_405 = tpu.bitcast %parallel_loop3A_404 : vector<16xi32> -> vector<16xf32>
          %parallel_loop3A_406 = arith.index_cast %parallel_loop3A_157 : i32 to index
          %parallel_loop3A_407 = arith.constant 64 : index
          %parallel_loop3A_408 = tpu.vector_load %arg20[%parallel_loop3A_406, %parallel_loop3A_407] {strides = array<i32>} : memref<40x128xf32, #tpu.memory_space<vmem>>, vector<1x16xf32>,
          %parallel_loop3A_409 = vector.shape_cast %parallel_loop3A_408 : vector<1x16xf32> to vector<16xf32>
          %parallel_loop3A_410 = arith.index_cast %parallel_loop3A_157 : i32 to index
          %parallel_loop3A_411 = arith.constant 64 : index
          %parallel_loop3A_412 = tpu.vector_load %arg22[%parallel_loop3A_410, %parallel_loop3A_411] {strides = array<i32>} : memref<40x128xf32, #tpu.memory_space<vmem>>, vector<1x16xf32>,
          %parallel_loop3A_413 = vector.shape_cast %parallel_loop3A_412 : vector<1x16xf32> to vector<16xf32>
          %parallel_loop3A_414 = arith.addf %parallel_loop3A_409, %parallel_loop3A_413 : vector<16xf32>
          %parallel_loop3A_415 = arith.mulf %parallel_loop3A_414, %parallel_loop3A_401 : vector<16xf32>
          %parallel_loop3A_416 = math.absf %parallel_loop3A_415 : vector<16xf32>
          %parallel_loop3A_417 = tpu.bitcast %parallel_loop3A_416 : vector<16xf32> -> vector<16xi32>
          %parallel_loop3A_418 = arith.constant 1 : i32
          %parallel_loop3A_419 = vector.broadcast %parallel_loop3A_418 : i32 to vector<16xi32>
          %parallel_loop3A_420 = arith.shrsi %parallel_loop3A_417, %parallel_loop3A_419 : vector<16xi32>
          %parallel_loop3A_421 = arith.constant 1597463007 : i32
          %parallel_loop3A_422 = vector.broadcast %parallel_loop3A_421 : i32 to vector<16xi32>
          %parallel_loop3A_423 = arith.subi %parallel_loop3A_422, %parallel_loop3A_420 : vector<16xi32>
          %parallel_loop3A_424 = tpu.bitcast %parallel_loop3A_423 : vector<16xi32> -> vector<16xf32>
          %parallel_loop3A_425 = arith.constant 5.000000e-01 : f32
          %parallel_loop3A_426 = vector.broadcast %parallel_loop3A_425 : f32 to vector<16xf32>
          %parallel_loop3A_427 = arith.mulf %parallel_loop3A_426, %parallel_loop3A_416 : vector<16xf32>
          %parallel_loop3A_428 = arith.mulf %parallel_loop3A_427, %parallel_loop3A_424 : vector<16xf32>
          %parallel_loop3A_429 = arith.mulf %parallel_loop3A_428, %parallel_loop3A_424 : vector<16xf32>
          %parallel_loop3A_430 = arith.constant 1.500000e+00 : f32
          %parallel_loop3A_431 = vector.broadcast %parallel_loop3A_430 : f32 to vector<16xf32>
          %parallel_loop3A_432 = arith.subf %parallel_loop3A_431, %parallel_loop3A_429 : vector<16xf32>
          %parallel_loop3A_433 = arith.mulf %parallel_loop3A_424, %parallel_loop3A_432 : vector<16xf32>
          %parallel_loop3A_434 = arith.mulf %parallel_loop3A_415, %parallel_loop3A_433 : vector<16xf32>
          %parallel_loop3A_435 = arith.addf %parallel_loop3A_434, %parallel_loop3A_405 : vector<16xf32>
          %parallel_loop3A_436 = arith.constant 0.000000e+00 : f32
          %parallel_loop3A_437 = vector.broadcast %parallel_loop3A_436 : f32 to vector<16xf32>
          %parallel_loop3A_438 = arith.maximumf %parallel_loop3A_435, %parallel_loop3A_437 : vector<16xf32>
          %parallel_loop3A_439 = arith.index_cast %parallel_loop3A_157 : i32 to index
          %parallel_loop3A_440 = arith.constant 64 : index
          %parallel_loop3A_441 = tpu.vector_load %arg20[%parallel_loop3A_439, %parallel_loop3A_440] {strides = array<i32>} : memref<40x128xf32, #tpu.memory_space<vmem>>, vector<1x16xf32>,
          %parallel_loop3A_442 = vector.shape_cast %parallel_loop3A_441 : vector<1x16xf32> to vector<16xf32>
          %parallel_loop3A_443 = vector.shape_cast %parallel_loop3A_438 : vector<16xf32> to vector<1x16xf32>
          tpu.vector_store %arg20[%parallel_loop3A_439, %parallel_loop3A_440], %parallel_loop3A_443 {strides = array<i32>} : memref<40x128xf32, #tpu.memory_space<vmem>>, vector<1x16xf32>,
          %parallel_loop3A_444 = arith.index_cast %parallel_loop3A_157 : i32 to index
          %parallel_loop3A_445 = arith.constant 64 : index
          %parallel_loop3A_446 = tpu.vector_load %arg18[%parallel_loop3A_444, %parallel_loop3A_445] {strides = array<i32>} : memref<40x128xf32, #tpu.memory_space<vmem>>, vector<1x16xf32>,
          %parallel_loop3A_447 = vector.shape_cast %parallel_loop3A_446 : vector<1x16xf32> to vector<16xf32>
          %parallel_loop3A_448 = arith.addf %parallel_loop3A_447, %parallel_loop3A_438 : vector<16xf32>
          %parallel_loop3A_449 = arith.addf %parallel_loop3A_391, %parallel_loop3A_448 : vector<16xf32>
          %parallel_loop3A_450 = arith.mulf %parallel_loop3A_448, %parallel_loop3A_448 : vector<16xf32>
          %parallel_loop3A_451 = arith.addf %parallel_loop3A_393, %parallel_loop3A_450 : vector<16xf32>
          %parallel_loop3A_452 = arith.index_cast %parallel_loop3A_157 : i32 to index
          %parallel_loop3A_453 = arith.constant 80 : index
          %parallel_loop3A_454 = tpu.vector_load %arg16[%parallel_loop3A_452, %parallel_loop3A_453] {strides = array<i32>} : memref<40x128xi32, #tpu.memory_space<vmem>>, vector<1x16xi32>,
          %parallel_loop3A_455 = vector.shape_cast %parallel_loop3A_454 : vector<1x16xi32> to vector<16xi32>
          %parallel_loop3A_456 = arith.constant 16 : i32
          %parallel_loop3A_457 = vector.broadcast %parallel_loop3A_456 : i32 to vector<16xi32>
          %parallel_loop3A_458 = arith.shli %parallel_loop3A_455, %parallel_loop3A_457 : vector<16xi32>
          %parallel_loop3A_459 = tpu.bitcast %parallel_loop3A_458 : vector<16xi32> -> vector<16xf32>
          %parallel_loop3A_460 = arith.constant -65536 : i32
          %parallel_loop3A_461 = vector.broadcast %parallel_loop3A_460 : i32 to vector<16xi32>
          %parallel_loop3A_462 = arith.andi %parallel_loop3A_455, %parallel_loop3A_461 : vector<16xi32>
          %parallel_loop3A_463 = tpu.bitcast %parallel_loop3A_462 : vector<16xi32> -> vector<16xf32>
          %parallel_loop3A_464 = arith.index_cast %parallel_loop3A_157 : i32 to index
          %parallel_loop3A_465 = arith.constant 80 : index
          %parallel_loop3A_466 = tpu.vector_load %arg20[%parallel_loop3A_464, %parallel_loop3A_465] {strides = array<i32>} : memref<40x128xf32, #tpu.memory_space<vmem>>, vector<1x16xf32>,
          %parallel_loop3A_467 = vector.shape_cast %parallel_loop3A_466 : vector<1x16xf32> to vector<16xf32>
          %parallel_loop3A_468 = arith.index_cast %parallel_loop3A_157 : i32 to index
          %parallel_loop3A_469 = arith.constant 80 : index
          %parallel_loop3A_470 = tpu.vector_load %arg22[%parallel_loop3A_468, %parallel_loop3A_469] {strides = array<i32>} : memref<40x128xf32, #tpu.memory_space<vmem>>, vector<1x16xf32>,
          %parallel_loop3A_471 = vector.shape_cast %parallel_loop3A_470 : vector<1x16xf32> to vector<16xf32>
          %parallel_loop3A_472 = arith.addf %parallel_loop3A_467, %parallel_loop3A_471 : vector<16xf32>
          %parallel_loop3A_473 = arith.mulf %parallel_loop3A_472, %parallel_loop3A_459 : vector<16xf32>
          %parallel_loop3A_474 = math.absf %parallel_loop3A_473 : vector<16xf32>
          %parallel_loop3A_475 = tpu.bitcast %parallel_loop3A_474 : vector<16xf32> -> vector<16xi32>
          %parallel_loop3A_476 = arith.constant 1 : i32
          %parallel_loop3A_477 = vector.broadcast %parallel_loop3A_476 : i32 to vector<16xi32>
          %parallel_loop3A_478 = arith.shrsi %parallel_loop3A_475, %parallel_loop3A_477 : vector<16xi32>
          %parallel_loop3A_479 = arith.constant 1597463007 : i32
          %parallel_loop3A_480 = vector.broadcast %parallel_loop3A_479 : i32 to vector<16xi32>
          %parallel_loop3A_481 = arith.subi %parallel_loop3A_480, %parallel_loop3A_478 : vector<16xi32>
          %parallel_loop3A_482 = tpu.bitcast %parallel_loop3A_481 : vector<16xi32> -> vector<16xf32>
          %parallel_loop3A_483 = arith.constant 5.000000e-01 : f32
          %parallel_loop3A_484 = vector.broadcast %parallel_loop3A_483 : f32 to vector<16xf32>
          %parallel_loop3A_485 = arith.mulf %parallel_loop3A_484, %parallel_loop3A_474 : vector<16xf32>
          %parallel_loop3A_486 = arith.mulf %parallel_loop3A_485, %parallel_loop3A_482 : vector<16xf32>
          %parallel_loop3A_487 = arith.mulf %parallel_loop3A_486, %parallel_loop3A_482 : vector<16xf32>
          %parallel_loop3A_488 = arith.constant 1.500000e+00 : f32
          %parallel_loop3A_489 = vector.broadcast %parallel_loop3A_488 : f32 to vector<16xf32>
          %parallel_loop3A_490 = arith.subf %parallel_loop3A_489, %parallel_loop3A_487 : vector<16xf32>
          %parallel_loop3A_491 = arith.mulf %parallel_loop3A_482, %parallel_loop3A_490 : vector<16xf32>
          %parallel_loop3A_492 = arith.mulf %parallel_loop3A_473, %parallel_loop3A_491 : vector<16xf32>
          %parallel_loop3A_493 = arith.addf %parallel_loop3A_492, %parallel_loop3A_463 : vector<16xf32>
          %parallel_loop3A_494 = arith.constant 0.000000e+00 : f32
          %parallel_loop3A_495 = vector.broadcast %parallel_loop3A_494 : f32 to vector<16xf32>
          %parallel_loop3A_496 = arith.maximumf %parallel_loop3A_493, %parallel_loop3A_495 : vector<16xf32>
          %parallel_loop3A_497 = arith.index_cast %parallel_loop3A_157 : i32 to index
          %parallel_loop3A_498 = arith.constant 80 : index
          %parallel_loop3A_499 = tpu.vector_load %arg20[%parallel_loop3A_497, %parallel_loop3A_498] {strides = array<i32>} : memref<40x128xf32, #tpu.memory_space<vmem>>, vector<1x16xf32>,
          %parallel_loop3A_500 = vector.shape_cast %parallel_loop3A_499 : vector<1x16xf32> to vector<16xf32>
          %parallel_loop3A_501 = vector.shape_cast %parallel_loop3A_496 : vector<16xf32> to vector<1x16xf32>
          tpu.vector_store %arg20[%parallel_loop3A_497, %parallel_loop3A_498], %parallel_loop3A_501 {strides = array<i32>} : memref<40x128xf32, #tpu.memory_space<vmem>>, vector<1x16xf32>,
          %parallel_loop3A_502 = arith.index_cast %parallel_loop3A_157 : i32 to index
          %parallel_loop3A_503 = arith.constant 80 : index
          %parallel_loop3A_504 = tpu.vector_load %arg18[%parallel_loop3A_502, %parallel_loop3A_503] {strides = array<i32>} : memref<40x128xf32, #tpu.memory_space<vmem>>, vector<1x16xf32>,
          %parallel_loop3A_505 = vector.shape_cast %parallel_loop3A_504 : vector<1x16xf32> to vector<16xf32>
          %parallel_loop3A_506 = arith.addf %parallel_loop3A_505, %parallel_loop3A_496 : vector<16xf32>
          %parallel_loop3A_507 = arith.addf %parallel_loop3A_449, %parallel_loop3A_506 : vector<16xf32>
          %parallel_loop3A_508 = arith.mulf %parallel_loop3A_506, %parallel_loop3A_506 : vector<16xf32>
          %parallel_loop3A_509 = arith.addf %parallel_loop3A_451, %parallel_loop3A_508 : vector<16xf32>
          %parallel_loop3A_510 = arith.index_cast %parallel_loop3A_157 : i32 to index
          %parallel_loop3A_511 = arith.constant 96 : index
          %parallel_loop3A_512 = tpu.vector_load %arg16[%parallel_loop3A_510, %parallel_loop3A_511] {strides = array<i32>} : memref<40x128xi32, #tpu.memory_space<vmem>>, vector<1x16xi32>,
          %parallel_loop3A_513 = vector.shape_cast %parallel_loop3A_512 : vector<1x16xi32> to vector<16xi32>
          %parallel_loop3A_514 = arith.constant 16 : i32
          %parallel_loop3A_515 = vector.broadcast %parallel_loop3A_514 : i32 to vector<16xi32>
          %parallel_loop3A_516 = arith.shli %parallel_loop3A_513, %parallel_loop3A_515 : vector<16xi32>
          %parallel_loop3A_517 = tpu.bitcast %parallel_loop3A_516 : vector<16xi32> -> vector<16xf32>
          %parallel_loop3A_518 = arith.constant -65536 : i32
          %parallel_loop3A_519 = vector.broadcast %parallel_loop3A_518 : i32 to vector<16xi32>
          %parallel_loop3A_520 = arith.andi %parallel_loop3A_513, %parallel_loop3A_519 : vector<16xi32>
          %parallel_loop3A_521 = tpu.bitcast %parallel_loop3A_520 : vector<16xi32> -> vector<16xf32>
          %parallel_loop3A_522 = arith.index_cast %parallel_loop3A_157 : i32 to index
          %parallel_loop3A_523 = arith.constant 96 : index
          %parallel_loop3A_524 = tpu.vector_load %arg20[%parallel_loop3A_522, %parallel_loop3A_523] {strides = array<i32>} : memref<40x128xf32, #tpu.memory_space<vmem>>, vector<1x16xf32>,
          %parallel_loop3A_525 = vector.shape_cast %parallel_loop3A_524 : vector<1x16xf32> to vector<16xf32>
          %parallel_loop3A_526 = arith.index_cast %parallel_loop3A_157 : i32 to index
          %parallel_loop3A_527 = arith.constant 96 : index
          %parallel_loop3A_528 = tpu.vector_load %arg22[%parallel_loop3A_526, %parallel_loop3A_527] {strides = array<i32>} : memref<40x128xf32, #tpu.memory_space<vmem>>, vector<1x16xf32>,
          %parallel_loop3A_529 = vector.shape_cast %parallel_loop3A_528 : vector<1x16xf32> to vector<16xf32>
          %parallel_loop3A_530 = arith.addf %parallel_loop3A_525, %parallel_loop3A_529 : vector<16xf32>
          %parallel_loop3A_531 = arith.mulf %parallel_loop3A_530, %parallel_loop3A_517 : vector<16xf32>
          %parallel_loop3A_532 = math.absf %parallel_loop3A_531 : vector<16xf32>
          %parallel_loop3A_533 = tpu.bitcast %parallel_loop3A_532 : vector<16xf32> -> vector<16xi32>
          %parallel_loop3A_534 = arith.constant 1 : i32
          %parallel_loop3A_535 = vector.broadcast %parallel_loop3A_534 : i32 to vector<16xi32>
          %parallel_loop3A_536 = arith.shrsi %parallel_loop3A_533, %parallel_loop3A_535 : vector<16xi32>
          %parallel_loop3A_537 = arith.constant 1597463007 : i32
          %parallel_loop3A_538 = vector.broadcast %parallel_loop3A_537 : i32 to vector<16xi32>
          %parallel_loop3A_539 = arith.subi %parallel_loop3A_538, %parallel_loop3A_536 : vector<16xi32>
          %parallel_loop3A_540 = tpu.bitcast %parallel_loop3A_539 : vector<16xi32> -> vector<16xf32>
          %parallel_loop3A_541 = arith.constant 5.000000e-01 : f32
          %parallel_loop3A_542 = vector.broadcast %parallel_loop3A_541 : f32 to vector<16xf32>
          %parallel_loop3A_543 = arith.mulf %parallel_loop3A_542, %parallel_loop3A_532 : vector<16xf32>
          %parallel_loop3A_544 = arith.mulf %parallel_loop3A_543, %parallel_loop3A_540 : vector<16xf32>
          %parallel_loop3A_545 = arith.mulf %parallel_loop3A_544, %parallel_loop3A_540 : vector<16xf32>
          %parallel_loop3A_546 = arith.constant 1.500000e+00 : f32
          %parallel_loop3A_547 = vector.broadcast %parallel_loop3A_546 : f32 to vector<16xf32>
          %parallel_loop3A_548 = arith.subf %parallel_loop3A_547, %parallel_loop3A_545 : vector<16xf32>
          %parallel_loop3A_549 = arith.mulf %parallel_loop3A_540, %parallel_loop3A_548 : vector<16xf32>
          %parallel_loop3A_550 = arith.mulf %parallel_loop3A_531, %parallel_loop3A_549 : vector<16xf32>
          %parallel_loop3A_551 = arith.addf %parallel_loop3A_550, %parallel_loop3A_521 : vector<16xf32>
          %parallel_loop3A_552 = arith.constant 0.000000e+00 : f32
          %parallel_loop3A_553 = vector.broadcast %parallel_loop3A_552 : f32 to vector<16xf32>
          %parallel_loop3A_554 = arith.maximumf %parallel_loop3A_551, %parallel_loop3A_553 : vector<16xf32>
          %parallel_loop3A_555 = arith.index_cast %parallel_loop3A_157 : i32 to index
          %parallel_loop3A_556 = arith.constant 96 : index
          %parallel_loop3A_557 = tpu.vector_load %arg20[%parallel_loop3A_555, %parallel_loop3A_556] {strides = array<i32>} : memref<40x128xf32, #tpu.memory_space<vmem>>, vector<1x16xf32>,
          %parallel_loop3A_558 = vector.shape_cast %parallel_loop3A_557 : vector<1x16xf32> to vector<16xf32>
          %parallel_loop3A_559 = vector.shape_cast %parallel_loop3A_554 : vector<16xf32> to vector<1x16xf32>
          tpu.vector_store %arg20[%parallel_loop3A_555, %parallel_loop3A_556], %parallel_loop3A_559 {strides = array<i32>} : memref<40x128xf32, #tpu.memory_space<vmem>>, vector<1x16xf32>,
          %parallel_loop3A_560 = arith.index_cast %parallel_loop3A_157 : i32 to index
          %parallel_loop3A_561 = arith.constant 96 : index
          %parallel_loop3A_562 = tpu.vector_load %arg18[%parallel_loop3A_560, %parallel_loop3A_561] {strides = array<i32>} : memref<40x128xf32, #tpu.memory_space<vmem>>, vector<1x16xf32>,
          %parallel_loop3A_563 = vector.shape_cast %parallel_loop3A_562 : vector<1x16xf32> to vector<16xf32>
          %parallel_loop3A_564 = arith.addf %parallel_loop3A_563, %parallel_loop3A_554 : vector<16xf32>
          %parallel_loop3A_565 = arith.addf %parallel_loop3A_507, %parallel_loop3A_564 : vector<16xf32>
          %parallel_loop3A_566 = arith.mulf %parallel_loop3A_564, %parallel_loop3A_564 : vector<16xf32>
          %parallel_loop3A_567 = arith.addf %parallel_loop3A_509, %parallel_loop3A_566 : vector<16xf32>
          %parallel_loop3A_568 = arith.index_cast %parallel_loop3A_157 : i32 to index
          %parallel_loop3A_569 = arith.constant 112 : index
          %parallel_loop3A_570 = tpu.vector_load %arg16[%parallel_loop3A_568, %parallel_loop3A_569] {strides = array<i32>} : memref<40x128xi32, #tpu.memory_space<vmem>>, vector<1x16xi32>,
          %parallel_loop3A_571 = vector.shape_cast %parallel_loop3A_570 : vector<1x16xi32> to vector<16xi32>
          %parallel_loop3A_572 = arith.constant 16 : i32
          %parallel_loop3A_573 = vector.broadcast %parallel_loop3A_572 : i32 to vector<16xi32>
          %parallel_loop3A_574 = arith.shli %parallel_loop3A_571, %parallel_loop3A_573 : vector<16xi32>
          %parallel_loop3A_575 = tpu.bitcast %parallel_loop3A_574 : vector<16xi32> -> vector<16xf32>
          %parallel_loop3A_576 = arith.constant -65536 : i32
          %parallel_loop3A_577 = vector.broadcast %parallel_loop3A_576 : i32 to vector<16xi32>
          %parallel_loop3A_578 = arith.andi %parallel_loop3A_571, %parallel_loop3A_577 : vector<16xi32>
          %parallel_loop3A_579 = tpu.bitcast %parallel_loop3A_578 : vector<16xi32> -> vector<16xf32>
          %parallel_loop3A_580 = arith.index_cast %parallel_loop3A_157 : i32 to index
          %parallel_loop3A_581 = arith.constant 112 : index
          %parallel_loop3A_582 = tpu.vector_load %arg20[%parallel_loop3A_580, %parallel_loop3A_581] {strides = array<i32>} : memref<40x128xf32, #tpu.memory_space<vmem>>, vector<1x16xf32>,
          %parallel_loop3A_583 = vector.shape_cast %parallel_loop3A_582 : vector<1x16xf32> to vector<16xf32>
          %parallel_loop3A_584 = arith.index_cast %parallel_loop3A_157 : i32 to index
          %parallel_loop3A_585 = arith.constant 112 : index
          %parallel_loop3A_586 = tpu.vector_load %arg22[%parallel_loop3A_584, %parallel_loop3A_585] {strides = array<i32>} : memref<40x128xf32, #tpu.memory_space<vmem>>, vector<1x16xf32>,
          %parallel_loop3A_587 = vector.shape_cast %parallel_loop3A_586 : vector<1x16xf32> to vector<16xf32>
          %parallel_loop3A_588 = arith.addf %parallel_loop3A_583, %parallel_loop3A_587 : vector<16xf32>
          %parallel_loop3A_589 = arith.mulf %parallel_loop3A_588, %parallel_loop3A_575 : vector<16xf32>
          %parallel_loop3A_590 = math.absf %parallel_loop3A_589 : vector<16xf32>
          %parallel_loop3A_591 = tpu.bitcast %parallel_loop3A_590 : vector<16xf32> -> vector<16xi32>
          %parallel_loop3A_592 = arith.constant 1 : i32
          %parallel_loop3A_593 = vector.broadcast %parallel_loop3A_592 : i32 to vector<16xi32>
          %parallel_loop3A_594 = arith.shrsi %parallel_loop3A_591, %parallel_loop3A_593 : vector<16xi32>
          %parallel_loop3A_595 = arith.constant 1597463007 : i32
          %parallel_loop3A_596 = vector.broadcast %parallel_loop3A_595 : i32 to vector<16xi32>
          %parallel_loop3A_597 = arith.subi %parallel_loop3A_596, %parallel_loop3A_594 : vector<16xi32>
          %parallel_loop3A_598 = tpu.bitcast %parallel_loop3A_597 : vector<16xi32> -> vector<16xf32>
          %parallel_loop3A_599 = arith.constant 5.000000e-01 : f32
          %parallel_loop3A_600 = vector.broadcast %parallel_loop3A_599 : f32 to vector<16xf32>
          %parallel_loop3A_601 = arith.mulf %parallel_loop3A_600, %parallel_loop3A_590 : vector<16xf32>
          %parallel_loop3A_602 = arith.mulf %parallel_loop3A_601, %parallel_loop3A_598 : vector<16xf32>
          %parallel_loop3A_603 = arith.mulf %parallel_loop3A_602, %parallel_loop3A_598 : vector<16xf32>
          %parallel_loop3A_604 = arith.constant 1.500000e+00 : f32
          %parallel_loop3A_605 = vector.broadcast %parallel_loop3A_604 : f32 to vector<16xf32>
          %parallel_loop3A_606 = arith.subf %parallel_loop3A_605, %parallel_loop3A_603 : vector<16xf32>
          %parallel_loop3A_607 = arith.mulf %parallel_loop3A_598, %parallel_loop3A_606 : vector<16xf32>
          %parallel_loop3A_608 = arith.mulf %parallel_loop3A_589, %parallel_loop3A_607 : vector<16xf32>
          %parallel_loop3A_609 = arith.addf %parallel_loop3A_608, %parallel_loop3A_579 : vector<16xf32>
          %parallel_loop3A_610 = arith.constant 0.000000e+00 : f32
          %parallel_loop3A_611 = vector.broadcast %parallel_loop3A_610 : f32 to vector<16xf32>
          %parallel_loop3A_612 = arith.maximumf %parallel_loop3A_609, %parallel_loop3A_611 : vector<16xf32>
          %parallel_loop3A_613 = arith.index_cast %parallel_loop3A_157 : i32 to index
          %parallel_loop3A_614 = arith.constant 112 : index
          %parallel_loop3A_615 = tpu.vector_load %arg20[%parallel_loop3A_613, %parallel_loop3A_614] {strides = array<i32>} : memref<40x128xf32, #tpu.memory_space<vmem>>, vector<1x16xf32>,
          %parallel_loop3A_616 = vector.shape_cast %parallel_loop3A_615 : vector<1x16xf32> to vector<16xf32>
          %parallel_loop3A_617 = vector.shape_cast %parallel_loop3A_612 : vector<16xf32> to vector<1x16xf32>
          tpu.vector_store %arg20[%parallel_loop3A_613, %parallel_loop3A_614], %parallel_loop3A_617 {strides = array<i32>} : memref<40x128xf32, #tpu.memory_space<vmem>>, vector<1x16xf32>,
          %parallel_loop3A_618 = arith.index_cast %parallel_loop3A_157 : i32 to index
          %parallel_loop3A_619 = arith.constant 112 : index
          %parallel_loop3A_620 = tpu.vector_load %arg18[%parallel_loop3A_618, %parallel_loop3A_619] {strides = array<i32>} : memref<40x128xf32, #tpu.memory_space<vmem>>, vector<1x16xf32>,
          %parallel_loop3A_621 = vector.shape_cast %parallel_loop3A_620 : vector<1x16xf32> to vector<16xf32>
          %parallel_loop3A_622 = arith.addf %parallel_loop3A_621, %parallel_loop3A_612 : vector<16xf32>
          %parallel_loop3A_623 = arith.addf %parallel_loop3A_565, %parallel_loop3A_622 : vector<16xf32>
          %parallel_loop3A_624 = arith.mulf %parallel_loop3A_622, %parallel_loop3A_622 : vector<16xf32>
          %parallel_loop3A_625 = arith.addf %parallel_loop3A_567, %parallel_loop3A_624 : vector<16xf32>
          %parallel_loop3A_626 = tpu.iota {dimensions = array<i32: 0>} : vector<16xi32>
          %parallel_loop3A_627 = arith.constant 8 : i32
          %parallel_loop3A_628 = vector.broadcast %parallel_loop3A_627 : i32 to vector<16xi32>
          %parallel_loop3A_629 = arith.xori %parallel_loop3A_626, %parallel_loop3A_628 : vector<16xi32>
          %parallel_loop3A_630 = vector.shape_cast %parallel_loop3A_629 : vector<16xi32> to vector<16x1xi32>
          %parallel_loop3A_631 = vector.shape_cast %parallel_loop3A_630 : vector<16x1xi32> to vector<16xi32>
          %parallel_loop3A_632 = tpu.dynamic_gather %parallel_loop3A_623[%parallel_loop3A_631] in [0] : vector<16xf32>, vector<16xi32> -> vector<16xf32>
          %parallel_loop3A_633 = arith.addf %parallel_loop3A_623, %parallel_loop3A_632 : vector<16xf32>
          %parallel_loop3A_634 = arith.constant 4 : i32
          %parallel_loop3A_635 = vector.broadcast %parallel_loop3A_634 : i32 to vector<16xi32>
          %parallel_loop3A_636 = arith.xori %parallel_loop3A_626, %parallel_loop3A_635 : vector<16xi32>
          %parallel_loop3A_637 = vector.shape_cast %parallel_loop3A_636 : vector<16xi32> to vector<16x1xi32>
          %parallel_loop3A_638 = vector.shape_cast %parallel_loop3A_637 : vector<16x1xi32> to vector<16xi32>
          %parallel_loop3A_639 = tpu.dynamic_gather %parallel_loop3A_633[%parallel_loop3A_638] in [0] : vector<16xf32>, vector<16xi32> -> vector<16xf32>
          %parallel_loop3A_640 = arith.addf %parallel_loop3A_633, %parallel_loop3A_639 : vector<16xf32>
          %parallel_loop3A_641 = arith.constant 2 : i32
          %parallel_loop3A_642 = vector.broadcast %parallel_loop3A_641 : i32 to vector<16xi32>
          %parallel_loop3A_643 = arith.xori %parallel_loop3A_626, %parallel_loop3A_642 : vector<16xi32>
          %parallel_loop3A_644 = vector.shape_cast %parallel_loop3A_643 : vector<16xi32> to vector<16x1xi32>
          %parallel_loop3A_645 = vector.shape_cast %parallel_loop3A_644 : vector<16x1xi32> to vector<16xi32>
          %parallel_loop3A_646 = tpu.dynamic_gather %parallel_loop3A_640[%parallel_loop3A_645] in [0] : vector<16xf32>, vector<16xi32> -> vector<16xf32>
          %parallel_loop3A_647 = arith.addf %parallel_loop3A_640, %parallel_loop3A_646 : vector<16xf32>
          %parallel_loop3A_648 = arith.constant 1 : i32
          %parallel_loop3A_649 = vector.broadcast %parallel_loop3A_648 : i32 to vector<16xi32>
          %parallel_loop3A_650 = arith.xori %parallel_loop3A_626, %parallel_loop3A_649 : vector<16xi32>
          %parallel_loop3A_651 = vector.shape_cast %parallel_loop3A_650 : vector<16xi32> to vector<16x1xi32>
          %parallel_loop3A_652 = vector.shape_cast %parallel_loop3A_651 : vector<16x1xi32> to vector<16xi32>
          %parallel_loop3A_653 = tpu.dynamic_gather %parallel_loop3A_647[%parallel_loop3A_652] in [0] : vector<16xf32>, vector<16xi32> -> vector<16xf32>
          %parallel_loop3A_654 = arith.addf %parallel_loop3A_647, %parallel_loop3A_653 : vector<16xf32>
          %parallel_loop3A_655 = arith.constant 7.812500e-03 : f32
          %parallel_loop3A_656 = vector.broadcast %parallel_loop3A_655 : f32 to vector<16xf32>
          %parallel_loop3A_657 = arith.mulf %parallel_loop3A_654, %parallel_loop3A_656 : vector<16xf32>
          %parallel_loop3A_658 = tpu.iota {dimensions = array<i32: 0>} : vector<16xi32>
          %parallel_loop3A_659 = arith.constant 8 : i32
          %parallel_loop3A_660 = vector.broadcast %parallel_loop3A_659 : i32 to vector<16xi32>
          %parallel_loop3A_661 = arith.xori %parallel_loop3A_658, %parallel_loop3A_660 : vector<16xi32>
          %parallel_loop3A_662 = vector.shape_cast %parallel_loop3A_661 : vector<16xi32> to vector<16x1xi32>
          %parallel_loop3A_663 = vector.shape_cast %parallel_loop3A_662 : vector<16x1xi32> to vector<16xi32>
          %parallel_loop3A_664 = tpu.dynamic_gather %parallel_loop3A_625[%parallel_loop3A_663] in [0] : vector<16xf32>, vector<16xi32> -> vector<16xf32>
          %parallel_loop3A_665 = arith.addf %parallel_loop3A_625, %parallel_loop3A_664 : vector<16xf32>
          %parallel_loop3A_666 = arith.constant 4 : i32
          %parallel_loop3A_667 = vector.broadcast %parallel_loop3A_666 : i32 to vector<16xi32>
          %parallel_loop3A_668 = arith.xori %parallel_loop3A_658, %parallel_loop3A_667 : vector<16xi32>
          %parallel_loop3A_669 = vector.shape_cast %parallel_loop3A_668 : vector<16xi32> to vector<16x1xi32>
          %parallel_loop3A_670 = vector.shape_cast %parallel_loop3A_669 : vector<16x1xi32> to vector<16xi32>
          %parallel_loop3A_671 = tpu.dynamic_gather %parallel_loop3A_665[%parallel_loop3A_670] in [0] : vector<16xf32>, vector<16xi32> -> vector<16xf32>
          %parallel_loop3A_672 = arith.addf %parallel_loop3A_665, %parallel_loop3A_671 : vector<16xf32>
          %parallel_loop3A_673 = arith.constant 2 : i32
          %parallel_loop3A_674 = vector.broadcast %parallel_loop3A_673 : i32 to vector<16xi32>
          %parallel_loop3A_675 = arith.xori %parallel_loop3A_658, %parallel_loop3A_674 : vector<16xi32>
          %parallel_loop3A_676 = vector.shape_cast %parallel_loop3A_675 : vector<16xi32> to vector<16x1xi32>
          %parallel_loop3A_677 = vector.shape_cast %parallel_loop3A_676 : vector<16x1xi32> to vector<16xi32>
          %parallel_loop3A_678 = tpu.dynamic_gather %parallel_loop3A_672[%parallel_loop3A_677] in [0] : vector<16xf32>, vector<16xi32> -> vector<16xf32>
          %parallel_loop3A_679 = arith.addf %parallel_loop3A_672, %parallel_loop3A_678 : vector<16xf32>
          %parallel_loop3A_680 = arith.constant 1 : i32
          %parallel_loop3A_681 = vector.broadcast %parallel_loop3A_680 : i32 to vector<16xi32>
          %parallel_loop3A_682 = arith.xori %parallel_loop3A_658, %parallel_loop3A_681 : vector<16xi32>
          %parallel_loop3A_683 = vector.shape_cast %parallel_loop3A_682 : vector<16xi32> to vector<16x1xi32>
          %parallel_loop3A_684 = vector.shape_cast %parallel_loop3A_683 : vector<16x1xi32> to vector<16xi32>
          %parallel_loop3A_685 = tpu.dynamic_gather %parallel_loop3A_679[%parallel_loop3A_684] in [0] : vector<16xf32>, vector<16xi32> -> vector<16xf32>
          %parallel_loop3A_686 = arith.addf %parallel_loop3A_679, %parallel_loop3A_685 : vector<16xf32>
          %parallel_loop3A_687 = arith.constant 7.812500e-03 : f32
          %parallel_loop3A_688 = vector.broadcast %parallel_loop3A_687 : f32 to vector<16xf32>
          %parallel_loop3A_689 = arith.mulf %parallel_loop3A_686, %parallel_loop3A_688 : vector<16xf32>
          %parallel_loop3A_690 = arith.mulf %parallel_loop3A_657, %parallel_loop3A_657 : vector<16xf32>
          %parallel_loop3A_691 = arith.subf %parallel_loop3A_689, %parallel_loop3A_690 : vector<16xf32>
          %parallel_loop3A_692 = arith.constant 0.000000e+00 : f32
          %parallel_loop3A_693 = vector.broadcast %parallel_loop3A_692 : f32 to vector<16xf32>
          %parallel_loop3A_694 = arith.maximumf %parallel_loop3A_691, %parallel_loop3A_693 : vector<16xf32>
          %parallel_loop3A_695 = arith.constant 9.99999974E-6 : f32
          %parallel_loop3A_696 = vector.broadcast %parallel_loop3A_695 : f32 to vector<16xf32>
          %parallel_loop3A_697 = arith.addf %parallel_loop3A_694, %parallel_loop3A_696 : vector<16xf32>
          %parallel_loop3A_698 = tpu.bitcast %parallel_loop3A_697 : vector<16xf32> -> vector<16xi32>
          %parallel_loop3A_699 = arith.constant 1 : i32
          %parallel_loop3A_700 = vector.broadcast %parallel_loop3A_699 : i32 to vector<16xi32>
          %parallel_loop3A_701 = arith.shrsi %parallel_loop3A_698, %parallel_loop3A_700 : vector<16xi32>
          %parallel_loop3A_702 = arith.constant 1597463007 : i32
          %parallel_loop3A_703 = vector.broadcast %parallel_loop3A_702 : i32 to vector<16xi32>
          %parallel_loop3A_704 = arith.subi %parallel_loop3A_703, %parallel_loop3A_701 : vector<16xi32>
          %parallel_loop3A_705 = tpu.bitcast %parallel_loop3A_704 : vector<16xi32> -> vector<16xf32>
          %parallel_loop3A_706 = arith.constant 5.000000e-01 : f32
          %parallel_loop3A_707 = vector.broadcast %parallel_loop3A_706 : f32 to vector<16xf32>
          %parallel_loop3A_708 = arith.mulf %parallel_loop3A_707, %parallel_loop3A_697 : vector<16xf32>
          %parallel_loop3A_709 = arith.mulf %parallel_loop3A_708, %parallel_loop3A_705 : vector<16xf32>
          %parallel_loop3A_710 = arith.mulf %parallel_loop3A_709, %parallel_loop3A_705 : vector<16xf32>
          %parallel_loop3A_711 = arith.constant 1.500000e+00 : f32
          %parallel_loop3A_712 = vector.broadcast %parallel_loop3A_711 : f32 to vector<16xf32>
          %parallel_loop3A_713 = arith.subf %parallel_loop3A_712, %parallel_loop3A_710 : vector<16xf32>
          %parallel_loop3A_714 = arith.mulf %parallel_loop3A_705, %parallel_loop3A_713 : vector<16xf32>
          %parallel_loop3A_715 = arith.constant 5.000000e-01 : f32
          %parallel_loop3A_716 = vector.broadcast %parallel_loop3A_715 : f32 to vector<16xf32>
          %parallel_loop3A_717 = arith.mulf %parallel_loop3A_716, %parallel_loop3A_697 : vector<16xf32>
          %parallel_loop3A_718 = arith.mulf %parallel_loop3A_717, %parallel_loop3A_714 : vector<16xf32>
          %parallel_loop3A_719 = arith.mulf %parallel_loop3A_718, %parallel_loop3A_714 : vector<16xf32>
          %parallel_loop3A_720 = arith.constant 1.500000e+00 : f32
          %parallel_loop3A_721 = vector.broadcast %parallel_loop3A_720 : f32 to vector<16xf32>
          %parallel_loop3A_722 = arith.subf %parallel_loop3A_721, %parallel_loop3A_719 : vector<16xf32>
          %parallel_loop3A_723 = arith.mulf %parallel_loop3A_714, %parallel_loop3A_722 : vector<16xf32>
          %parallel_loop3A_724 = arith.subf %parallel_loop3A_216, %parallel_loop3A_657 : vector<16xf32>
          %parallel_loop3A_725 = arith.mulf %parallel_loop3A_724, %parallel_loop3A_723 : vector<16xf32>
          %parallel_loop3A_726 = arith.index_cast %parallel_loop3A_157 : i32 to index
          %parallel_loop3A_727 = arith.constant 0 : index
          %parallel_loop3A_728 = tpu.vector_load %arg18[%parallel_loop3A_726, %parallel_loop3A_727] {strides = array<i32>} : memref<40x128xf32, #tpu.memory_space<vmem>>, vector<1x16xf32>,
          %parallel_loop3A_729 = vector.shape_cast %parallel_loop3A_728 : vector<1x16xf32> to vector<16xf32>
          %parallel_loop3A_730 = vector.shape_cast %parallel_loop3A_725 : vector<16xf32> to vector<1x16xf32>
          tpu.vector_store %arg18[%parallel_loop3A_726, %parallel_loop3A_727], %parallel_loop3A_730 {strides = array<i32>} : memref<40x128xf32, #tpu.memory_space<vmem>>, vector<1x16xf32>,
          %parallel_loop3A_731 = arith.subf %parallel_loop3A_274, %parallel_loop3A_657 : vector<16xf32>
          %parallel_loop3A_732 = arith.mulf %parallel_loop3A_731, %parallel_loop3A_723 : vector<16xf32>
          %parallel_loop3A_733 = arith.index_cast %parallel_loop3A_157 : i32 to index
          %parallel_loop3A_734 = arith.constant 16 : index
          %parallel_loop3A_735 = tpu.vector_load %arg18[%parallel_loop3A_733, %parallel_loop3A_734] {strides = array<i32>} : memref<40x128xf32, #tpu.memory_space<vmem>>, vector<1x16xf32>,
          %parallel_loop3A_736 = vector.shape_cast %parallel_loop3A_735 : vector<1x16xf32> to vector<16xf32>
          %parallel_loop3A_737 = vector.shape_cast %parallel_loop3A_732 : vector<16xf32> to vector<1x16xf32>
          tpu.vector_store %arg18[%parallel_loop3A_733, %parallel_loop3A_734], %parallel_loop3A_737 {strides = array<i32>} : memref<40x128xf32, #tpu.memory_space<vmem>>, vector<1x16xf32>,
          %parallel_loop3A_738 = arith.subf %parallel_loop3A_332, %parallel_loop3A_657 : vector<16xf32>
          %parallel_loop3A_739 = arith.mulf %parallel_loop3A_738, %parallel_loop3A_723 : vector<16xf32>
          %parallel_loop3A_740 = arith.index_cast %parallel_loop3A_157 : i32 to index
          %parallel_loop3A_741 = arith.constant 32 : index
          %parallel_loop3A_742 = tpu.vector_load %arg18[%parallel_loop3A_740, %parallel_loop3A_741] {strides = array<i32>} : memref<40x128xf32, #tpu.memory_space<vmem>>, vector<1x16xf32>,
          %parallel_loop3A_743 = vector.shape_cast %parallel_loop3A_742 : vector<1x16xf32> to vector<16xf32>
          %parallel_loop3A_744 = vector.shape_cast %parallel_loop3A_739 : vector<16xf32> to vector<1x16xf32>
          tpu.vector_store %arg18[%parallel_loop3A_740, %parallel_loop3A_741], %parallel_loop3A_744 {strides = array<i32>} : memref<40x128xf32, #tpu.memory_space<vmem>>, vector<1x16xf32>,
          %parallel_loop3A_745 = arith.subf %parallel_loop3A_390, %parallel_loop3A_657 : vector<16xf32>
          %parallel_loop3A_746 = arith.mulf %parallel_loop3A_745, %parallel_loop3A_723 : vector<16xf32>
          %parallel_loop3A_747 = arith.index_cast %parallel_loop3A_157 : i32 to index
          %parallel_loop3A_748 = arith.constant 48 : index
          %parallel_loop3A_749 = tpu.vector_load %arg18[%parallel_loop3A_747, %parallel_loop3A_748] {strides = array<i32>} : memref<40x128xf32, #tpu.memory_space<vmem>>, vector<1x16xf32>,
          %parallel_loop3A_750 = vector.shape_cast %parallel_loop3A_749 : vector<1x16xf32> to vector<16xf32>
          %parallel_loop3A_751 = vector.shape_cast %parallel_loop3A_746 : vector<16xf32> to vector<1x16xf32>
          tpu.vector_store %arg18[%parallel_loop3A_747, %parallel_loop3A_748], %parallel_loop3A_751 {strides = array<i32>} : memref<40x128xf32, #tpu.memory_space<vmem>>, vector<1x16xf32>,
          %parallel_loop3A_752 = arith.subf %parallel_loop3A_448, %parallel_loop3A_657 : vector<16xf32>
          %parallel_loop3A_753 = arith.mulf %parallel_loop3A_752, %parallel_loop3A_723 : vector<16xf32>
          %parallel_loop3A_754 = arith.index_cast %parallel_loop3A_157 : i32 to index
          %parallel_loop3A_755 = arith.constant 64 : index
          %parallel_loop3A_756 = tpu.vector_load %arg18[%parallel_loop3A_754, %parallel_loop3A_755] {strides = array<i32>} : memref<40x128xf32, #tpu.memory_space<vmem>>, vector<1x16xf32>,
          %parallel_loop3A_757 = vector.shape_cast %parallel_loop3A_756 : vector<1x16xf32> to vector<16xf32>
          %parallel_loop3A_758 = vector.shape_cast %parallel_loop3A_753 : vector<16xf32> to vector<1x16xf32>
          tpu.vector_store %arg18[%parallel_loop3A_754, %parallel_loop3A_755], %parallel_loop3A_758 {strides = array<i32>} : memref<40x128xf32, #tpu.memory_space<vmem>>, vector<1x16xf32>,
          %parallel_loop3A_759 = arith.subf %parallel_loop3A_506, %parallel_loop3A_657 : vector<16xf32>
          %parallel_loop3A_760 = arith.mulf %parallel_loop3A_759, %parallel_loop3A_723 : vector<16xf32>
          %parallel_loop3A_761 = arith.index_cast %parallel_loop3A_157 : i32 to index
          %parallel_loop3A_762 = arith.constant 80 : index
          %parallel_loop3A_763 = tpu.vector_load %arg18[%parallel_loop3A_761, %parallel_loop3A_762] {strides = array<i32>} : memref<40x128xf32, #tpu.memory_space<vmem>>, vector<1x16xf32>,
          %parallel_loop3A_764 = vector.shape_cast %parallel_loop3A_763 : vector<1x16xf32> to vector<16xf32>
          %parallel_loop3A_765 = vector.shape_cast %parallel_loop3A_760 : vector<16xf32> to vector<1x16xf32>
          tpu.vector_store %arg18[%parallel_loop3A_761, %parallel_loop3A_762], %parallel_loop3A_765 {strides = array<i32>} : memref<40x128xf32, #tpu.memory_space<vmem>>, vector<1x16xf32>,
          %parallel_loop3A_766 = arith.subf %parallel_loop3A_564, %parallel_loop3A_657 : vector<16xf32>
          %parallel_loop3A_767 = arith.mulf %parallel_loop3A_766, %parallel_loop3A_723 : vector<16xf32>
          %parallel_loop3A_768 = arith.index_cast %parallel_loop3A_157 : i32 to index
          %parallel_loop3A_769 = arith.constant 96 : index
          %parallel_loop3A_770 = tpu.vector_load %arg18[%parallel_loop3A_768, %parallel_loop3A_769] {strides = array<i32>} : memref<40x128xf32, #tpu.memory_space<vmem>>, vector<1x16xf32>,
          %parallel_loop3A_771 = vector.shape_cast %parallel_loop3A_770 : vector<1x16xf32> to vector<16xf32>
          %parallel_loop3A_772 = vector.shape_cast %parallel_loop3A_767 : vector<16xf32> to vector<1x16xf32>
          tpu.vector_store %arg18[%parallel_loop3A_768, %parallel_loop3A_769], %parallel_loop3A_772 {strides = array<i32>} : memref<40x128xf32, #tpu.memory_space<vmem>>, vector<1x16xf32>,
          %parallel_loop3A_773 = arith.subf %parallel_loop3A_622, %parallel_loop3A_657 : vector<16xf32>
          %parallel_loop3A_774 = arith.mulf %parallel_loop3A_773, %parallel_loop3A_723 : vector<16xf32>
          %parallel_loop3A_775 = arith.index_cast %parallel_loop3A_157 : i32 to index
          %parallel_loop3A_776 = arith.constant 112 : index
          %parallel_loop3A_777 = tpu.vector_load %arg18[%parallel_loop3A_775, %parallel_loop3A_776] {strides = array<i32>} : memref<40x128xf32, #tpu.memory_space<vmem>>, vector<1x16xf32>,
          %parallel_loop3A_778 = vector.shape_cast %parallel_loop3A_777 : vector<1x16xf32> to vector<16xf32>
          %parallel_loop3A_779 = vector.shape_cast %parallel_loop3A_774 : vector<16xf32> to vector<1x16xf32>
          tpu.vector_store %arg18[%parallel_loop3A_775, %parallel_loop3A_776], %parallel_loop3A_779 {strides = array<i32>} : memref<40x128xf32, #tpu.memory_space<vmem>>, vector<1x16xf32>,
        } {sc.loop_unroll_factor = 8 : i64, sc.parallel_access}
        %dma_start3A_153 = arith.constant 0 : i32
        %dma_start3A_154 = tpu.memref_slice %arg11[%multiple_of3A_127, %dma_start3A_153] : memref<320000x128xf32, #tpu.memory_space<hbm>> -> memref<40x128xf32, #tpu.memory_space<hbm>>
        %dma_start3A_155 = arith.constant 0 : i32
        %dma_start3A_156 = tpu.memref_slice %arg11[%multiple_of3A_127, %dma_start3A_155] : memref<320000x128xf32, #tpu.memory_space<hbm>> -> memref<40x128xf32, #tpu.memory_space<hbm>>
        tpu.enqueue_dma source(%arg18 : memref<40x128xf32, #tpu.memory_space<vmem>>) target(%dma_start3A_156 : memref<40x128xf32, #tpu.memory_space<hbm>>) target_semaphore(%arg35 : memref<!tpu.dma_semaphore, #tpu.memory_space<semaphore_mem>>)
        "tpu.region"() ({
          %run_scoped3A = tpu.sem_alloc : memref<!tpu.dma_semaphore, #tpu.memory_space<semaphore_mem>>
          %dma_start3A_157 = arith.constant 0 : i32
          %dma_start3A_158 = tpu.memref_slice %arg13[%add3A_116, %dma_start3A_157] : memref<10x40xi32, #tpu.memory_space<vmem>> -> memref<1x40xi32, #tpu.memory_space<vmem>>
          %dma_start3A_159 = tpu.memref_squeeze %dma_start3A_158 : memref<1x40xi32, #tpu.memory_space<vmem>> -> memref<40xi32, #tpu.memory_space<vmem>>
          %dma_start3A_160 = arith.constant 0 : i32
          %dma_start3A_161 = arith.constant 0 : i32
          %dma_start3A_162 = tpu.memref_slice %arg25[%dma_start3A_160, %dma_start3A_161] : memref<10112x128xf32, #tpu.memory_space<vmem_shared>> -> memref<10112x128xf32, #tpu.memory_space<vmem_shared>>
          tpu.enqueue_indirect_dma source(%arg20 : memref<40x128xf32, #tpu.memory_space<vmem>>) target(%dma_start3A_162 : memref<10112x128xf32, #tpu.memory_space<vmem_shared>>) offsets(%dma_start3A_159 : memref<40xi32, #tpu.memory_space<vmem>>) semaphore(%run_scoped3A : memref<!tpu.dma_semaphore, #tpu.memory_space<semaphore_mem>>) {add = true}
          %dma_wait3A_163 = arith.constant 0 : i32
          %dma_wait3A_164 = tpu.memref_slice %arg13[%add3A_116, %dma_wait3A_163] : memref<10x40xi32, #tpu.memory_space<vmem>> -> memref<1x40xi32, #tpu.memory_space<vmem>>
          %dma_wait3A_165 = tpu.memref_squeeze %dma_wait3A_164 : memref<1x40xi32, #tpu.memory_space<vmem>> -> memref<40xi32, #tpu.memory_space<vmem>>
          %dma_wait3A_166 = arith.constant 0 : i32
          %dma_wait3A_167 = arith.constant 0 : i32
          %dma_wait3A_168 = tpu.memref_slice %arg25[%dma_wait3A_166, %dma_wait3A_167] : memref<10112x128xf32, #tpu.memory_space<vmem_shared>> -> memref<10112x128xf32, #tpu.memory_space<vmem_shared>>
          tpu.wait_indirect_dma semaphore(%run_scoped3A : memref<!tpu.dma_semaphore, #tpu.memory_space<semaphore_mem>>) src(%arg20 : memref<40x128xf32, #tpu.memory_space<vmem>>) dst(%dma_wait3A_168 : memref<10112x128xf32, #tpu.memory_space<vmem_shared>>)
          tpu.yield
        }) : () -> ()
      }
      %scan3A_69 = arith.constant 5 : i32
    }
    %scan3A_9 = arith.constant 25 : i32
    %dma_wait3A = arith.constant 0 : i32
    %dma_wait3A_10 = arith.constant 0 : i32
    %dma_wait3A_11 = tpu.memref_slice %arg11[%dma_wait3A, %dma_wait3A_10] : memref<320000x128xf32, #tpu.memory_space<hbm>> -> memref<40x128xf32, #tpu.memory_space<hbm>>
    %dma_wait3A_12 = arith.constant 0 : i32
    %dma_wait3A_13 = arith.constant 0 : i32
    %dma_wait3A_14 = tpu.memref_slice %arg11[%dma_wait3A_12, %dma_wait3A_13] : memref<320000x128xf32, #tpu.memory_space<hbm>> -> memref<40x128xf32, #tpu.memory_space<hbm>>
    tpu.wait_dma2 semaphore(%arg34 : memref<!tpu.dma_semaphore, #tpu.memory_space<semaphore_mem>>) src(%arg17 : memref<40x128xf32, #tpu.memory_space<vmem>>) dst(%dma_wait3A_14 : memref<40x128xf32, #tpu.memory_space<hbm>>)
    %dma_wait3A_15 = arith.constant 0 : i32
    %dma_wait3A_16 = arith.constant 0 : i32
    %dma_wait3A_17 = tpu.memref_slice %arg11[%dma_wait3A_15, %dma_wait3A_16] : memref<320000x128xf32, #tpu.memory_space<hbm>> -> memref<40x128xf32, #tpu.memory_space<hbm>>
    %dma_wait3A_18 = arith.constant 0 : i32
    %dma_wait3A_19 = arith.constant 0 : i32
    %dma_wait3A_20 = tpu.memref_slice %arg11[%dma_wait3A_18, %dma_wait3A_19] : memref<320000x128xf32, #tpu.memory_space<hbm>> -> memref<40x128xf32, #tpu.memory_space<hbm>>
    tpu.wait_dma2 semaphore(%arg35 : memref<!tpu.dma_semaphore, #tpu.memory_space<semaphore_mem>>) src(%arg18 : memref<40x128xf32, #tpu.memory_space<vmem>>) dst(%dma_wait3A_20 : memref<40x128xf32, #tpu.memory_space<hbm>>)
    %barrier3A_21 = arith.constant 0 : index
    tpu.barrier barrier_id(%barrier3A_21)
    %mul3A_22 = arith.constant 632 : i32
    %mul3A_23 = arith.muli %arg1, %mul3A_22 : i32
    %mul3A_24 = arith.constant 10112 : i32
    %mul3A_25 = arith.muli %arg0, %mul3A_24 : i32
    %mul3A_26 = arith.constant 632 : i32
    %mul3A_27 = arith.muli %arg1, %mul3A_26 : i32
    %add3A_28 = arith.addi %mul3A_25, %mul3A_27 : i32
    "tpu.region"() ({
      %run_scoped3A = tpu.sem_alloc : memref<!tpu.dma_semaphore, #tpu.memory_space<semaphore_mem>>
      %dma_start3A = arith.constant 0 : i32
      %dma_start3A_29 = tpu.memref_slice %arg12[%add3A_28, %dma_start3A] : memref<20224x128xf32, #tpu.memory_space<hbm>> -> memref<632x128xf32, #tpu.memory_space<hbm>>
      %dma_start3A_30 = arith.constant 0 : i32
      %dma_start3A_31 = tpu.memref_slice %arg25[%mul3A_23, %dma_start3A_30] : memref<10112x128xf32, #tpu.memory_space<vmem_shared>> -> memref<632x128xf32, #tpu.memory_space<vmem_shared>>
      tpu.enqueue_dma source(%dma_start3A_31 : memref<632x128xf32, #tpu.memory_space<vmem_shared>>) target(%dma_start3A_29 : memref<632x128xf32, #tpu.memory_space<hbm>>) target_semaphore(%run_scoped3A : memref<!tpu.dma_semaphore, #tpu.memory_space<semaphore_mem>>)
      %dma_wait3A_32 = arith.constant 0 : i32
      %dma_wait3A_33 = tpu.memref_slice %arg12[%add3A_28, %dma_wait3A_32] : memref<20224x128xf32, #tpu.memory_space<hbm>> -> memref<632x128xf32, #tpu.memory_space<hbm>>
      %dma_wait3A_34 = arith.constant 0 : i32
      %dma_wait3A_35 = tpu.memref_slice %arg25[%mul3A_23, %dma_wait3A_34] : memref<10112x128xf32, #tpu.memory_space<vmem_shared>> -> memref<632x128xf32, #tpu.memory_space<vmem_shared>>
      tpu.wait_dma2 semaphore(%run_scoped3A : memref<!tpu.dma_semaphore, #tpu.memory_space<semaphore_mem>>) src(%dma_wait3A_35 : memref<632x128xf32, #tpu.memory_space<vmem_shared>>) dst(%dma_wait3A_33 : memref<632x128xf32, #tpu.memory_space<hbm>>)
      tpu.yield
    }) : () -> ()
    return
  }
}

module attributes {stable_mosaic.version = 14 : i64} {
  func.func @_proj_body(%arg0: i32, %arg1: memref<2000x128xf32, #tpu.memory_space<vmem>>, %arg2: memref<128x128xf32, #tpu.memory_space<vmem>>, %arg3: memref<128x128xf32, #tpu.memory_space<vmem>>, %arg4: memref<128x128xf32, #tpu.memory_space<vmem>>, %arg5: memref<1x128xf32, #tpu.memory_space<vmem>>, %arg6: memref<1x128xf32, #tpu.memory_space<vmem>>, %arg7: memref<1x128xf32, #tpu.memory_space<vmem>>, %arg8: memref<2000x128xf32, #tpu.memory_space<vmem>>, %arg9: memref<2000x128xf32, #tpu.memory_space<vmem>>, %arg10: memref<2000x128xf32, #tpu.memory_space<vmem>>) attributes {dimension_semantics = [#tpu.dimension_semantics<arbitrary>], iteration_bounds = array<i64: 5>, scalar_prefetch = 0 : i64, scratch_operands = 0 : i64, tpu.core_type = #tpu.core_type<tc>, window_params = [{transform_indices = @transform_0, window_bounds = array<i64: 2000, 128>}, {pipeline_mode = #tpu.pipeline_mode<synchronous>, transform_indices = @transform_1, window_bounds = array<i64: 128, 128>}, {pipeline_mode = #tpu.pipeline_mode<synchronous>, transform_indices = @transform_2, window_bounds = array<i64: 128, 128>}, {pipeline_mode = #tpu.pipeline_mode<synchronous>, transform_indices = @transform_3, window_bounds = array<i64: 128, 128>}, {pipeline_mode = #tpu.pipeline_mode<synchronous>, transform_indices = @transform_4, window_bounds = array<i64: 1, 128>}, {pipeline_mode = #tpu.pipeline_mode<synchronous>, transform_indices = @transform_5, window_bounds = array<i64: 1, 128>}, {pipeline_mode = #tpu.pipeline_mode<synchronous>, transform_indices = @transform_6, window_bounds = array<i64: 1, 128>}, {transform_indices = @transform_7, window_bounds = array<i64: 2000, 128>}, {transform_indices = @transform_8, window_bounds = array<i64: 2000, 128>}, {transform_indices = @transform_9, window_bounds = array<i64: 2000, 128>}]} {
    %get3A = arith.constant 0 : index
    %get3A_0 = arith.constant 0 : index
    %get3A_1 = vector.load %arg1[%get3A, %get3A_0] : memref<2000x128xf32, #tpu.memory_space<vmem>>, vector<2000x128xf32>
    %get3A_2 = arith.constant 0 : index
    %get3A_3 = arith.constant 0 : index
    %get3A_4 = vector.load %arg2[%get3A_2, %get3A_3] : memref<128x128xf32, #tpu.memory_space<vmem>>, vector<128x128xf32>
    %dot_general3A = arith.constant dense<0.000000e+00> : vector<2000x128xf32>
    %dot_general3A_5 = tpu.matmul %get3A_1, %get3A_4, %dot_general3A {dimension_numbers = #tpu.dot_dimension_numbers<[1], [0], [0], [1], [0, 0, 1, 1], [], []>, transpose_lhs_hint = false} : vector<2000x128xf32>, vector<128x128xf32>, vector<2000x128xf32> -> vector<2000x128xf32>
    %get3A_6 = arith.constant 0 : index
    %get3A_7 = arith.constant 0 : index
    %get3A_8 = vector.load %arg5[%get3A_6, %get3A_7] : memref<1x128xf32, #tpu.memory_space<vmem>>, vector<1x128xf32>
    %add3A = vector.broadcast %get3A_8 : vector<1x128xf32> to vector<2000x128xf32>
    %add3A_9 = arith.addf %dot_general3A_5, %add3A : vector<2000x128xf32>
    %swap3A = arith.constant 0 : index
    %swap3A_10 = arith.constant 0 : index
    %swap3A_11 = vector.load %arg8[%swap3A, %swap3A_10] : memref<2000x128xf32, #tpu.memory_space<vmem>>, vector<2000x128xf32>
    tpu.vector_store %arg8[%swap3A, %swap3A_10], %add3A_9 {strides = array<i32>} : memref<2000x128xf32, #tpu.memory_space<vmem>>, vector<2000x128xf32>,
    %get3A_12 = arith.constant 0 : index
    %get3A_13 = arith.constant 0 : index
    %get3A_14 = vector.load %arg3[%get3A_12, %get3A_13] : memref<128x128xf32, #tpu.memory_space<vmem>>, vector<128x128xf32>
    %dot_general3A_15 = arith.constant dense<0.000000e+00> : vector<2000x128xf32>
    %dot_general3A_16 = tpu.matmul %get3A_1, %get3A_14, %dot_general3A_15 {dimension_numbers = #tpu.dot_dimension_numbers<[1], [0], [0], [1], [0, 0, 1, 1], [], []>, transpose_lhs_hint = false} : vector<2000x128xf32>, vector<128x128xf32>, vector<2000x128xf32> -> vector<2000x128xf32>
    %get3A_17 = arith.constant 0 : index
    %get3A_18 = arith.constant 0 : index
    %get3A_19 = vector.load %arg6[%get3A_17, %get3A_18] : memref<1x128xf32, #tpu.memory_space<vmem>>, vector<1x128xf32>
    %add3A_20 = vector.broadcast %get3A_19 : vector<1x128xf32> to vector<2000x128xf32>
    %add3A_21 = arith.addf %dot_general3A_16, %add3A_20 : vector<2000x128xf32>
    %swap3A_22 = arith.constant 0 : index
    %swap3A_23 = arith.constant 0 : index
    %swap3A_24 = vector.load %arg9[%swap3A_22, %swap3A_23] : memref<2000x128xf32, #tpu.memory_space<vmem>>, vector<2000x128xf32>
    tpu.vector_store %arg9[%swap3A_22, %swap3A_23], %add3A_21 {strides = array<i32>} : memref<2000x128xf32, #tpu.memory_space<vmem>>, vector<2000x128xf32>,
    %get3A_25 = arith.constant 0 : index
    %get3A_26 = arith.constant 0 : index
    %get3A_27 = vector.load %arg4[%get3A_25, %get3A_26] : memref<128x128xf32, #tpu.memory_space<vmem>>, vector<128x128xf32>
    %dot_general3A_28 = arith.constant dense<0.000000e+00> : vector<2000x128xf32>
    %dot_general3A_29 = tpu.matmul %get3A_1, %get3A_27, %dot_general3A_28 {dimension_numbers = #tpu.dot_dimension_numbers<[1], [0], [0], [1], [0, 0, 1, 1], [], []>, transpose_lhs_hint = false} : vector<2000x128xf32>, vector<128x128xf32>, vector<2000x128xf32> -> vector<2000x128xf32>
    %get3A_30 = arith.constant 0 : index
    %get3A_31 = arith.constant 0 : index
    %get3A_32 = vector.load %arg7[%get3A_30, %get3A_31] : memref<1x128xf32, #tpu.memory_space<vmem>>, vector<1x128xf32>
    %add3A_33 = vector.broadcast %get3A_32 : vector<1x128xf32> to vector<2000x128xf32>
    %add3A_34 = arith.addf %dot_general3A_29, %add3A_33 : vector<2000x128xf32>
    %swap3A_35 = arith.constant 0 : index
    %swap3A_36 = arith.constant 0 : index
    %swap3A_37 = vector.load %arg10[%swap3A_35, %swap3A_36] : memref<2000x128xf32, #tpu.memory_space<vmem>>, vector<2000x128xf32>
    tpu.vector_store %arg10[%swap3A_35, %swap3A_36], %add3A_34 {strides = array<i32>} : memref<2000x128xf32, #tpu.memory_space<vmem>>, vector<2000x128xf32>,
    return
  }
  func.func @transform_0(%arg0: i32) -> (i32, i32) {
    %c0_i32 = arith.constant 0 : i32
    %c0_i32_0 = arith.constant 0 : i32
    return %arg0, %c0_i32 : i32, i32
  }
  func.func @transform_1(%arg0: i32) -> (i32, i32) {
    %c0_i32 = arith.constant 0 : i32
    %c0_i32_0 = arith.constant 0 : i32
    %c0_i32_1 = arith.constant 0 : i32
    return %c0_i32, %c0_i32_0 : i32, i32
  }
  func.func @transform_2(%arg0: i32) -> (i32, i32) {
    %c0_i32 = arith.constant 0 : i32
    %c0_i32_0 = arith.constant 0 : i32
    %c0_i32_1 = arith.constant 0 : i32
    return %c0_i32, %c0_i32_0 : i32, i32
  }
  func.func @transform_3(%arg0: i32) -> (i32, i32) {
    %c0_i32 = arith.constant 0 : i32
    %c0_i32_0 = arith.constant 0 : i32
    %c0_i32_1 = arith.constant 0 : i32
    return %c0_i32, %c0_i32_0 : i32, i32
  }
  func.func @transform_4(%arg0: i32) -> (i32, i32) {
    %c0_i32 = arith.constant 0 : i32
    %c0_i32_0 = arith.constant 0 : i32
    %c0_i32_1 = arith.constant 0 : i32
    return %c0_i32, %c0_i32_0 : i32, i32
  }
  func.func @transform_5(%arg0: i32) -> (i32, i32) {
    %c0_i32 = arith.constant 0 : i32
    %c0_i32_0 = arith.constant 0 : i32
    %c0_i32_1 = arith.constant 0 : i32
    return %c0_i32, %c0_i32_0 : i32, i32
  }
  func.func @transform_6(%arg0: i32) -> (i32, i32) {
    %c0_i32 = arith.constant 0 : i32
    %c0_i32_0 = arith.constant 0 : i32
    %c0_i32_1 = arith.constant 0 : i32
    return %c0_i32, %c0_i32_0 : i32, i32
  }
  func.func @transform_7(%arg0: i32) -> (i32, i32) {
    %c0_i32 = arith.constant 0 : i32
    %c0_i32_0 = arith.constant 0 : i32
    return %arg0, %c0_i32 : i32, i32
  }
  func.func @transform_8(%arg0: i32) -> (i32, i32) {
    %c0_i32 = arith.constant 0 : i32
    %c0_i32_0 = arith.constant 0 : i32
    return %arg0, %c0_i32 : i32, i32
  }
  func.func @transform_9(%arg0: i32) -> (i32, i32) {
    %c0_i32 = arith.constant 0 : i32
    %c0_i32_0 = arith.constant 0 : i32
    return %arg0, %c0_i32 : i32, i32
  }
}

module attributes {stable_mosaic.version = 14 : i64} {
  func.func @_eh_body(%arg0: i32, %arg1: memref<2000x128xf32, #tpu.memory_space<vmem>>, %arg2: memref<128x256xbf16, #tpu.memory_space<vmem>>, %arg3: memref<1x256xf32, #tpu.memory_space<vmem>>, %arg4: memref<2000x128xi32, #tpu.memory_space<vmem>>) attributes {dimension_semantics = [#tpu.dimension_semantics<arbitrary>], iteration_bounds = array<i64: 160>, scalar_prefetch = 0 : i64, scratch_operands = 0 : i64, tpu.core_type = #tpu.core_type<tc>, window_params = [{transform_indices = @transform_0, window_bounds = array<i64: 2000, 128>}, {pipeline_mode = #tpu.pipeline_mode<synchronous>, transform_indices = @transform_1, window_bounds = array<i64: 128, 256>}, {pipeline_mode = #tpu.pipeline_mode<synchronous>, transform_indices = @transform_2, window_bounds = array<i64: 1, 256>}, {transform_indices = @transform_3, window_bounds = array<i64: 2000, 128>}]} {
    %get3A = arith.constant 0 : index
    %get3A_0 = arith.constant 0 : index
    %get3A_1 = vector.load %arg1[%get3A, %get3A_0] : memref<2000x128xf32, #tpu.memory_space<vmem>>, vector<2000x128xf32>
    %convert_element_type3A = arith.truncf %get3A_1 : vector<2000x128xf32> to vector<2000x128xbf16>
    %get3A_2 = arith.constant 0 : index
    %get3A_3 = arith.constant 0 : index
    %get3A_4 = vector.load %arg2[%get3A_2, %get3A_3] : memref<128x256xbf16, #tpu.memory_space<vmem>>, vector<128x256xbf16>
    %dot_general3A = arith.constant dense<0.000000e+00> : vector<2000x256xf32>
    %dot_general3A_5 = tpu.matmul %convert_element_type3A, %get3A_4, %dot_general3A {dimension_numbers = #tpu.dot_dimension_numbers<[1], [0], [0], [1], [0, 0, 1, 1], [], []>, transpose_lhs_hint = false} : vector<2000x128xbf16>, vector<128x256xbf16>, vector<2000x256xf32> -> vector<2000x256xf32>
    %get3A_6 = arith.constant 0 : index
    %get3A_7 = arith.constant 0 : index
    %get3A_8 = vector.load %arg3[%get3A_6, %get3A_7] : memref<1x256xf32, #tpu.memory_space<vmem>>, vector<1x256xf32>
    %add3A = vector.broadcast %get3A_8 : vector<1x256xf32> to vector<2000x256xf32>
    %add3A_9 = arith.addf %dot_general3A_5, %add3A : vector<2000x256xf32>
    %slice3A = vector.extract_strided_slice %add3A_9 {offsets = [0, 0], sizes = [2000, 128], strides = [1, 1]} : vector<2000x256xf32> to vector<2000x128xf32>
    %convert_element_type3A_10 = arith.truncf %slice3A : vector<2000x128xf32> to vector<2000x128xbf16>
    %convert_element_type3A_11 = arith.extf %convert_element_type3A_10 : vector<2000x128xbf16> to vector<2000x128xf32>
    %slice3A_12 = vector.extract_strided_slice %add3A_9 {offsets = [0, 128], sizes = [2000, 128], strides = [1, 1]} : vector<2000x256xf32> to vector<2000x128xf32>
    %convert_element_type3A_13 = arith.truncf %slice3A_12 : vector<2000x128xf32> to vector<2000x128xbf16>
    %convert_element_type3A_14 = arith.extf %convert_element_type3A_13 : vector<2000x128xbf16> to vector<2000x128xf32>
    %bitcast_convert_type3A = tpu.bitcast %convert_element_type3A_11 : vector<2000x128xf32> -> vector<2000x128xi32>
    %shift_right_logical3A = arith.constant 16 : i32
    %shift_right_logical3A_15 = vector.broadcast %shift_right_logical3A : i32 to vector<2000x128xi32>
    %shift_right_logical3A_16 = arith.shrui %bitcast_convert_type3A, %shift_right_logical3A_15 : vector<2000x128xi32>
    %bitcast_convert_type3A_17 = tpu.bitcast %convert_element_type3A_14 : vector<2000x128xf32> -> vector<2000x128xi32>
    %and3A = arith.constant -65536 : i32
    %and3A_18 = vector.broadcast %and3A : i32 to vector<2000x128xi32>
    %and3A_19 = arith.andi %bitcast_convert_type3A_17, %and3A_18 : vector<2000x128xi32>
    %or3A = arith.ori %shift_right_logical3A_16, %and3A_19 : vector<2000x128xi32>
    %swap3A = arith.constant 0 : index
    %swap3A_20 = arith.constant 0 : index
    %swap3A_21 = vector.load %arg4[%swap3A, %swap3A_20] : memref<2000x128xi32, #tpu.memory_space<vmem>>, vector<2000x128xi32>
    tpu.vector_store %arg4[%swap3A, %swap3A_20], %or3A {strides = array<i32>} : memref<2000x128xi32, #tpu.memory_space<vmem>>, vector<2000x128xi32>,
    return
  }
  func.func @transform_0(%arg0: i32) -> (i32, i32) {
    %c0_i32 = arith.constant 0 : i32
    %c0_i32_0 = arith.constant 0 : i32
    return %arg0, %c0_i32 : i32, i32
  }
  func.func @transform_1(%arg0: i32) -> (i32, i32) {
    %c0_i32 = arith.constant 0 : i32
    %c0_i32_0 = arith.constant 0 : i32
    %c0_i32_1 = arith.constant 0 : i32
    return %c0_i32, %c0_i32_0 : i32, i32
  }
  func.func @transform_2(%arg0: i32) -> (i32, i32) {
    %c0_i32 = arith.constant 0 : i32
    %c0_i32_0 = arith.constant 0 : i32
    %c0_i32_1 = arith.constant 0 : i32
    return %c0_i32, %c0_i32_0 : i32, i32
  }
  func.func @transform_3(%arg0: i32) -> (i32, i32) {
    %c0_i32 = arith.constant 0 : i32
    %c0_i32_0 = arith.constant 0 : i32
    return %arg0, %c0_i32 : i32, i32
  }
}

module attributes {stable_mosaic.version = 14 : i64} {
  func.func @_final_body(%arg0: i32, %arg1: memref<2x2000x128xf32, #tpu.memory_space<vmem>>, %arg2: memref<2x2000x128xf32, #tpu.memory_space<vmem>>, %arg3: memref<2000x128xf32, #tpu.memory_space<vmem>>, %arg4: memref<128x128xf32, #tpu.memory_space<vmem>>, %arg5: memref<1x128xf32, #tpu.memory_space<vmem>>, %arg6: memref<128x128xf32, #tpu.memory_space<vmem>>, %arg7: memref<1x128xf32, #tpu.memory_space<vmem>>, %arg8: memref<1x128xf32, #tpu.memory_space<vmem>>, %arg9: memref<1x128xf32, #tpu.memory_space<vmem>>, %arg10: memref<2000x128xf32, #tpu.memory_space<vmem>>) attributes {dimension_semantics = [#tpu.dimension_semantics<arbitrary>], iteration_bounds = array<i64: 5>, scalar_prefetch = 0 : i64, scratch_operands = 0 : i64, tpu.core_type = #tpu.core_type<tc>, window_params = [{transform_indices = @transform_0, window_bounds = array<i64: 2, 2000, 128>}, {transform_indices = @transform_1, window_bounds = array<i64: 2, 2000, 128>}, {transform_indices = @transform_2, window_bounds = array<i64: 2000, 128>}, {pipeline_mode = #tpu.pipeline_mode<synchronous>, transform_indices = @transform_3, window_bounds = array<i64: 128, 128>}, {pipeline_mode = #tpu.pipeline_mode<synchronous>, transform_indices = @transform_4, window_bounds = array<i64: 1, 128>}, {pipeline_mode = #tpu.pipeline_mode<synchronous>, transform_indices = @transform_5, window_bounds = array<i64: 128, 128>}, {pipeline_mode = #tpu.pipeline_mode<synchronous>, transform_indices = @transform_6, window_bounds = array<i64: 1, 128>}, {pipeline_mode = #tpu.pipeline_mode<synchronous>, transform_indices = @transform_7, window_bounds = array<i64: 1, 128>}, {pipeline_mode = #tpu.pipeline_mode<synchronous>, transform_indices = @transform_8, window_bounds = array<i64: 1, 128>}, {transform_indices = @transform_9, window_bounds = array<i64: 2000, 128>}]} {
    %get3A = arith.constant 0 : index
    %get3A_0 = arith.constant 0 : index
    %get3A_1 = arith.constant 0 : index
    %get3A_2 = vector.load %arg1[%get3A, %get3A_0, %get3A_1] : memref<2x2000x128xf32, #tpu.memory_space<vmem>>, vector<1x2000x128xf32>
    %get3A_3 = vector.shape_cast %get3A_2 : vector<1x2000x128xf32> to vector<2000x128xf32>
    %get3A_4 = arith.constant 1 : index
    %get3A_5 = arith.constant 0 : index
    %get3A_6 = arith.constant 0 : index
    %get3A_7 = vector.load %arg1[%get3A_4, %get3A_5, %get3A_6] : memref<2x2000x128xf32, #tpu.memory_space<vmem>>, vector<1x2000x128xf32>
    %get3A_8 = vector.shape_cast %get3A_7 : vector<1x2000x128xf32> to vector<2000x128xf32>
    %add3A = arith.addf %get3A_3, %get3A_8 : vector<2000x128xf32>
    %get3A_9 = arith.constant 0 : index
    %get3A_10 = arith.constant 0 : index
    %get3A_11 = arith.constant 0 : index
    %get3A_12 = vector.load %arg2[%get3A_9, %get3A_10, %get3A_11] : memref<2x2000x128xf32, #tpu.memory_space<vmem>>, vector<1x2000x128xf32>
    %get3A_13 = vector.shape_cast %get3A_12 : vector<1x2000x128xf32> to vector<2000x128xf32>
    %get3A_14 = arith.constant 1 : index
    %get3A_15 = arith.constant 0 : index
    %get3A_16 = arith.constant 0 : index
    %get3A_17 = vector.load %arg2[%get3A_14, %get3A_15, %get3A_16] : memref<2x2000x128xf32, #tpu.memory_space<vmem>>, vector<1x2000x128xf32>
    %get3A_18 = vector.shape_cast %get3A_17 : vector<1x2000x128xf32> to vector<2000x128xf32>
    %add3A_19 = arith.addf %get3A_13, %get3A_18 : vector<2000x128xf32>
    %get3A_20 = arith.constant 0 : index
    %get3A_21 = arith.constant 0 : index
    %get3A_22 = vector.load %arg4[%get3A_20, %get3A_21] : memref<128x128xf32, #tpu.memory_space<vmem>>, vector<128x128xf32>
    %dot_general3A = arith.constant dense<0.000000e+00> : vector<2000x128xf32>
    %dot_general3A_23 = tpu.matmul %add3A_19, %get3A_22, %dot_general3A {dimension_numbers = #tpu.dot_dimension_numbers<[1], [0], [0], [1], [0, 0, 1, 1], [], []>, transpose_lhs_hint = false} : vector<2000x128xf32>, vector<128x128xf32>, vector<2000x128xf32> -> vector<2000x128xf32>
    %get3A_24 = arith.constant 0 : index
    %get3A_25 = arith.constant 0 : index
    %get3A_26 = vector.load %arg5[%get3A_24, %get3A_25] : memref<1x128xf32, #tpu.memory_space<vmem>>, vector<1x128xf32>
    %add3A_27 = vector.broadcast %get3A_26 : vector<1x128xf32> to vector<2000x128xf32>
    %add3A_28 = arith.addf %dot_general3A_23, %add3A_27 : vector<2000x128xf32>
    %add3A_29 = arith.addf %add3A, %add3A_28 : vector<2000x128xf32>
    %get3A_30 = arith.constant 0 : index
    %get3A_31 = arith.constant 0 : index
    %get3A_32 = vector.load %arg6[%get3A_30, %get3A_31] : memref<128x128xf32, #tpu.memory_space<vmem>>, vector<128x128xf32>
    %dot_general3A_33 = arith.constant dense<0.000000e+00> : vector<2000x128xf32>
    %dot_general3A_34 = tpu.matmul %add3A_29, %get3A_32, %dot_general3A_33 {dimension_numbers = #tpu.dot_dimension_numbers<[1], [0], [0], [1], [0, 0, 1, 1], [], []>, transpose_lhs_hint = false} : vector<2000x128xf32>, vector<128x128xf32>, vector<2000x128xf32> -> vector<2000x128xf32>
    %get3A_35 = arith.constant 0 : index
    %get3A_36 = arith.constant 0 : index
    %get3A_37 = vector.load %arg7[%get3A_35, %get3A_36] : memref<1x128xf32, #tpu.memory_space<vmem>>, vector<1x128xf32>
    %add3A_38 = vector.broadcast %get3A_37 : vector<1x128xf32> to vector<2000x128xf32>
    %add3A_39 = arith.addf %dot_general3A_34, %add3A_38 : vector<2000x128xf32>
    %get3A_40 = arith.constant 0 : index
    %get3A_41 = arith.constant 0 : index
    %get3A_42 = vector.load %arg3[%get3A_40, %get3A_41] : memref<2000x128xf32, #tpu.memory_space<vmem>>, vector<2000x128xf32>
    %add3A_43 = arith.addf %get3A_42, %add3A_39 : vector<2000x128xf32>
    %reduce_sum3A = arith.constant dense<0.000000e+00> : vector<2000xf32>
    %reduce_sum3A_44 = vector.multi_reduction <add>, %add3A_43, %reduce_sum3A [1] : vector<2000x128xf32> to vector<2000xf32>
    %broadcast_in_dim3A = vector.shape_cast %reduce_sum3A_44 : vector<2000xf32> to vector<2000x1xf32>
    %div3A = arith.constant 1.280000e+02 : f32
    %div3A_45 = vector.broadcast %div3A : f32 to vector<2000x1xf32>
    %div3A_46 = arith.divf %broadcast_in_dim3A, %div3A_45 : vector<2000x1xf32>
    %sub3A = vector.broadcast %div3A_46 : vector<2000x1xf32> to vector<2000x128xf32>
    %sub3A_47 = arith.subf %add3A_43, %sub3A : vector<2000x128xf32>
    %integer_pow3A = arith.mulf %sub3A_47, %sub3A_47 : vector<2000x128xf32>
    %reduce_sum3A_48 = arith.constant dense<0.000000e+00> : vector<2000xf32>
    %reduce_sum3A_49 = vector.multi_reduction <add>, %integer_pow3A, %reduce_sum3A_48 [1] : vector<2000x128xf32> to vector<2000xf32>
    %broadcast_in_dim3A_50 = vector.shape_cast %reduce_sum3A_49 : vector<2000xf32> to vector<2000x1xf32>
    %div3A_51 = arith.constant 1.280000e+02 : f32
    %div3A_52 = vector.broadcast %div3A_51 : f32 to vector<2000x1xf32>
    %div3A_53 = arith.divf %broadcast_in_dim3A_50, %div3A_52 : vector<2000x1xf32>
    %sub3A_54 = vector.broadcast %div3A_46 : vector<2000x1xf32> to vector<2000x128xf32>
    %sub3A_55 = arith.subf %add3A_43, %sub3A_54 : vector<2000x128xf32>
    %add3A_56 = arith.constant 9.99999974E-6 : f32
    %add3A_57 = vector.broadcast %add3A_56 : f32 to vector<2000x1xf32>
    %add3A_58 = arith.addf %div3A_53, %add3A_57 : vector<2000x1xf32>
    %rsqrt3A = math.rsqrt %add3A_58 : vector<2000x1xf32>
    %mul3A = vector.broadcast %rsqrt3A : vector<2000x1xf32> to vector<2000x128xf32>
    %mul3A_59 = arith.mulf %sub3A_55, %mul3A : vector<2000x128xf32>
    %get3A_60 = arith.constant 0 : index
    %get3A_61 = arith.constant 0 : index
    %get3A_62 = vector.load %arg8[%get3A_60, %get3A_61] : memref<1x128xf32, #tpu.memory_space<vmem>>, vector<1x128xf32>
    %mul3A_63 = vector.broadcast %get3A_62 : vector<1x128xf32> to vector<2000x128xf32>
    %mul3A_64 = arith.mulf %mul3A_59, %mul3A_63 : vector<2000x128xf32>
    %get3A_65 = arith.constant 0 : index
    %get3A_66 = arith.constant 0 : index
    %get3A_67 = vector.load %arg9[%get3A_65, %get3A_66] : memref<1x128xf32, #tpu.memory_space<vmem>>, vector<1x128xf32>
    %add3A_68 = vector.broadcast %get3A_67 : vector<1x128xf32> to vector<2000x128xf32>
    %add3A_69 = arith.addf %mul3A_64, %add3A_68 : vector<2000x128xf32>
    %swap3A = arith.constant 0 : index
    %swap3A_70 = arith.constant 0 : index
    %swap3A_71 = vector.load %arg10[%swap3A, %swap3A_70] : memref<2000x128xf32, #tpu.memory_space<vmem>>, vector<2000x128xf32>
    tpu.vector_store %arg10[%swap3A, %swap3A_70], %add3A_69 {strides = array<i32>} : memref<2000x128xf32, #tpu.memory_space<vmem>>, vector<2000x128xf32>,
    return
  }
  func.func @transform_0(%arg0: i32) -> (i32, i32, i32) {
    %c0_i32 = arith.constant 0 : i32
    %c0_i32_0 = arith.constant 0 : i32
    %c0_i32_1 = arith.constant 0 : i32
    return %c0_i32, %arg0, %c0_i32_0 : i32, i32, i32
  }
  func.func @transform_1(%arg0: i32) -> (i32, i32, i32) {
    %c0_i32 = arith.constant 0 : i32
    %c0_i32_0 = arith.constant 0 : i32
    %c0_i32_1 = arith.constant 0 : i32
    return %c0_i32, %arg0, %c0_i32_0 : i32, i32, i32
  }
  func.func @transform_2(%arg0: i32) -> (i32, i32) {
    %c0_i32 = arith.constant 0 : i32
    %c0_i32_0 = arith.constant 0 : i32
    return %arg0, %c0_i32 : i32, i32
  }
  func.func @transform_3(%arg0: i32) -> (i32, i32) {
    %c0_i32 = arith.constant 0 : i32
    %c0_i32_0 = arith.constant 0 : i32
    %c0_i32_1 = arith.constant 0 : i32
    return %c0_i32, %c0_i32_0 : i32, i32
  }
  func.func @transform_4(%arg0: i32) -> (i32, i32) {
    %c0_i32 = arith.constant 0 : i32
    %c0_i32_0 = arith.constant 0 : i32
    %c0_i32_1 = arith.constant 0 : i32
    return %c0_i32, %c0_i32_0 : i32, i32
  }
  func.func @transform_5(%arg0: i32) -> (i32, i32) {
    %c0_i32 = arith.constant 0 : i32
    %c0_i32_0 = arith.constant 0 : i32
    %c0_i32_1 = arith.constant 0 : i32
    return %c0_i32, %c0_i32_0 : i32, i32
  }
  func.func @transform_6(%arg0: i32) -> (i32, i32) {
    %c0_i32 = arith.constant 0 : i32
    %c0_i32_0 = arith.constant 0 : i32
    %c0_i32_1 = arith.constant 0 : i32
    return %c0_i32, %c0_i32_0 : i32, i32
  }
  func.func @transform_7(%arg0: i32) -> (i32, i32) {
    %c0_i32 = arith.constant 0 : i32
    %c0_i32_0 = arith.constant 0 : i32
    %c0_i32_1 = arith.constant 0 : i32
    return %c0_i32, %c0_i32_0 : i32, i32
  }
  func.func @transform_8(%arg0: i32) -> (i32, i32) {
    %c0_i32 = arith.constant 0 : i32
    %c0_i32_0 = arith.constant 0 : i32
    %c0_i32_1 = arith.constant 0 : i32
    return %c0_i32, %c0_i32_0 : i32, i32
  }
  func.func @transform_9(%arg0: i32) -> (i32, i32) {
    %c0_i32 = arith.constant 0 : i32
    %c0_i32_0 = arith.constant 0 : i32
    return %arg0, %c0_i32 : i32, i32
  }
}

</mosaic_0001>

<sc_bundles>
// kernel: kernel.10.cloned.1.call-start
scs
__scs_entry_jumppad:
0x0: {  	(pc) =	sbr.rel $0x88, $3  }
0x1: {  	(tag) =	ssettag $0x0;
	lr =	simm.s32 $0x1  }
0x2: {  	[smem:$0x3F92] =	sst lr;
	_ =	strace $0xD0000000  }
0x3: {  	_ = 	snop  }
0x4: {  	_ = 	snop  }
0x5: {  	_ = 	snop  }
0x6: {  	_ = 	snop  }
0x7: {  	_ = 	snop  }
__scs_overlays_trampoline_lowered:
0x8: {  	[smem:$0x3FA1] =	sst s0  }
0x9: {  	[smem:$0x3FA2] =	sst s1  }
0xa: {  	[smem:$0x3FA3] =	sst s2  }
0xb: {  	[smem:$0x3FA4] =	sst s3  }
0xc: {  	[smem:$0x3FA5] =	sst s4  }
0xd: {  	[smem:$0x3FA6] =	sst s5  }
0xe: {  	[smem:$0x3FA7] =	sst s6  }
0xf: {  	[smem:$0x3FA8] =	sst s7  }
0x10: {  	[smem:$0x3FA9] =	sst s8  }
0x11: {  	[smem:$0x3FAA] =	sst s9;
	s0 =	simm.s32 @!p0 $0x0  }
0x12: {  	s1 =	sld [smem:$0x3F90];
	s0 =	simm.s32 @p0 $0x1  }
0x13: {  	[smem:$0x3FAB] =	sst s0;
	s0 =	simm.s32 @!p1 $0x0  }
0x14: {  	s2 =	sld [smem:$0x3F8F];
	s0 =	simm.s32 @p1 $0x1  }
0x15: {  	[smem:$0x3FAC] =	sst s0;
	s0 =	simm.s32 @!p2 $0x0  }
0x16: {  	s3 =	sld [smem:$0x3FDB];
	s0 =	simm.s32 @p2 $0x1  }
0x17: {  	s4 =	simm.s32 $0x1BF5;
	[smem:$0x3FAE] =	sst s0  }
0x18: {  	s0 =	sld [smem:$0x3F91];
	_ =	swait.ge [sflag:s4], $0x0  }
0x19: {  	s7 =	sld [smem:$0x3F92]  }
0x1a: {  	s8 =	sadd.s32 $0xFFFFE003, lr  }
0x1b: {  	s9 =	sadd.s32 $0xFFFFFEF7, lr;
	s5 =	simm.s32 $0xFFFFFFFF;
	p2 =	slt.u32 s8, $0xFFFFF086  }
0x1c: {  	p1 =	slt.u32 s9, $0xF7A;
	s5 =	simm.s32 @!p2 $0x0  }
0x1d: {  	s5 =	simm.s32 @p1 $0x1;
	p0 =	seq.s32 s7, s2  }
0x1e: {  	s7 =	smul.u32 @!p0 $0xF7A, s2;
	p2 =	seq.s32 @!p0 s5, $0x0  }
0x1f: {  	s9 =	smul.u32 $0xF7A, s1;
	s8 =	simm.s32 @!p0 $0x1BF5;
	p2 =	por !p2, p0  }
0x20: {  	[sflag:s8] =	ssyncset.s32 @!p0 $0xFFFFF086;
	s6 =	sadd.s32 @!p0 s3, s7;
	s7 =	simm.s32 @!p0 $0x108  }
0x21: {  	s3 =	sadd.s32 s3, s9;
	s6 =	sadd.s32 @!p0 $0x88, s6;
	s7 =	simm.s32 @p2 $0x1082  }
0x22: {  	[simem:s7], [sflag:s8] =	dma.local @!p0 [hbm:s6], $0xF7A  }
0x23: {  	s9 =	sor.u32 $0xD0000000, s2;
	s6 =	simm.s32 $0x108;
	_ =	swait.ge @!p0 [sflag:s8], $0x0  }
0x24: {  	s3 =	sadd.s32 $0x88, s3;
	s6 =	simm.s32 @!p1 $0x1082;
	[sflag:s4] =	ssyncset.s32 $0xFFFFF086  }
0x25: {  	[simem:s6], [sflag:s4] =	dma.local [hbm:s3], $0xF7A  }
0x26: {  	[smem:$0x3F92] =	sst s1;
	(tag) =	ssettag s2;
	_ =	strace s9  }
0x27: {  	s1 =	sld [smem:$0x3FA2]  }
0x28: {  	s2 =	sld [smem:$0x3FA3]  }
0x29: {  	s4 =	sld [smem:$0x3FA5]  }
0x2a: {  	p0 =	seq.s32 s5, $0x0;
	s5 =	sld [smem:$0x3FA6]  }
0x2b: {  	s6 =	sld [smem:$0x3FA7]  }
0x2c: {  	s7 =	sld [smem:$0x3FA8]  }
0x2d: {  	s3 =	simm.s32 $0x108;
	s8 =	sld [smem:$0x3FA9]  }
0x2e: {  	s3 =	simm.s32 @!p0 $0x1082;
	s9 =	sld [smem:$0x3FAA]  }
0x2f: {  	lr =	sadd.s32 s0, s3;
	s0 =	sld [smem:$0x3FA1]  }
0x30: {  	s3 =	sld [smem:$0x3FA4]  }
0x31: {  	[smem:$0x3FAD] =	sst s10  }
0x32: {  	s10 =	sld [smem:$0x3FAB];
	_ =	sdelay $0x3  }
0x33: {  	p0 =	seq.s32 s10, $0x1;
	s10 =	sld [smem:$0x3FAD];
	_ =	sdelay $0x3  }
0x34: {  	[smem:$0x3FAD] =	sst s10  }
0x35: {  	s10 =	sld [smem:$0x3FAC];
	_ =	sdelay $0x3  }
0x36: {  	p1 =	seq.s32 s10, $0x1;
	s10 =	sld [smem:$0x3FAD];
	_ =	sdelay $0x3  }
0x37: {  	[smem:$0x3FAD] =	sst s10  }
0x38: {  	s10 =	sld [smem:$0x3FAE]  }
0x39: {  	_ = 	snop;
	(pc) =	sbr.ind lr, $3  }
0x3a: {  	_ = 	snop  }
0x3b: {  	_ = 	snop  }
0x3c: {  	p2 =	seq.s32 s10, $0x1;
	s10 =	sld [smem:$0x3FAD]  }
0x3d: {  	_ =	shalt  }
0x3e: {  	_ =	shalt  }
0x3f: {  	_ =	shalt  }
0x40: {  	_ =	shalt  }
0x41: {  	_ =	shalt  }
0x42: {  	_ =	shalt  }
0x43: {  	_ =	shalt  }
0x44: {  	_ =	shalt  }
0x45: {  	_ =	shalt  }
0x46: {  	_ =	shalt  }
0x47: {  	_ =	shalt  }
0x48: {  	_ =	shalt  }
0x49: {  	_ =	shalt  }
0x4a: {  	_ =	shalt  }
0x4b: {  	_ =	shalt  }
0x4c: {  	_ =	shalt  }
0x4d: {  	_ =	shalt  }
0x4e: {  	_ =	shalt  }
0x4f: {  	_ =	shalt  }
0x50: {  	_ =	shalt  }
0x51: {  	_ =	shalt  }
0x52: {  	_ =	shalt  }
0x53: {  	_ =	shalt  }
0x54: {  	_ =	shalt  }
0x55: {  	_ =	shalt  }
0x56: {  	_ =	shalt  }
0x57: {  	_ =	shalt  }
0x58: {  	_ =	shalt  }
0x59: {  	_ =	shalt  }
0x5a: {  	_ =	shalt  }
0x5b: {  	_ =	shalt  }
0x5c: {  	_ =	shalt  }
0x5d: {  	_ =	shalt  }
0x5e: {  	_ =	shalt  }
0x5f: {  	_ =	shalt  }
0x60: {  	_ =	shalt  }
0x61: {  	_ =	shalt  }
0x62: {  	_ =	shalt  }
0x63: {  	_ =	shalt  }
0x64: {  	_ =	shalt  }
0x65: {  	_ =	shalt  }
0x66: {  	_ =	shalt  }
0x67: {  	_ =	shalt  }
0x68: {  	_ =	shalt  }
0x69: {  	_ =	shalt  }
0x6a: {  	_ =	shalt  }
0x6b: {  	_ =	shalt  }
0x6c: {  	_ =	shalt  }
0x6d: {  	_ =	shalt  }
0x6e: {  	_ =	shalt  }
0x6f: {  	_ =	shalt  }
0x70: {  	_ =	shalt  }
0x71: {  	_ =	shalt  }
0x72: {  	_ =	shalt  }
0x73: {  	_ =	shalt  }
0x74: {  	_ =	shalt  }
0x75: {  	_ =	shalt  }
0x76: {  	_ =	shalt  }
0x77: {  	_ =	shalt  }
0x78: {  	_ =	shalt  }
0x79: {  	_ =	shalt  }
0x7a: {  	_ =	shalt  }
0x7b: {  	_ =	shalt  }
0x7c: {  	_ =	shalt  }
0x7d: {  	_ =	shalt  }
0x7e: {  	_ =	shalt  }
0x7f: {  	_ =	shalt  }
0x80: {  	_ =	shalt  }
0x81: {  	_ =	shalt  }
0x82: {  	_ =	shalt  }
0x83: {  	_ =	shalt  }
0x84: {  	_ =	shalt  }
0x85: {  	_ =	shalt  }
0x86: {  	_ =	shalt  }
0x87: {  	_ =	shalt  }
.Lfunc_end0:
.L_simem_size_0:
called_computation.1_lowered:
.L_overlay_start_0:
0x88: {  	s2 =	sld [smem:$0x3FD9]  }
0x89: {  	s3 =	sld [smem:$0x3FFE];
	_ =	sdelay $0x1  }
0x8a: {  	s1 =	srdreg.scid  }
0x8b: {  	s0 =	sand.u32 $0x1, s1  }
0x8c: {  	s14 =	sshll.u32 s0, $0xA;
	s2 =	sadd.s32 s3, s2  }
0x8d: {  	s2 =	sadd.s32 s2, s14  }
0x8e: {  	[smem:$0x3FB9] =	sst s2  }
0x8f: {  	_ = 	snop  }
0x90: {  	s2 =	sld [smem:$0x3FD0]  }
0x91: {  	s15 =	sld [smem:$0x3FC8]  }
0x92: {  	s4 =	sld [smem:$0x3FBC]  }
0x93: {  	s6 =	simm.s32 $0xB;
	s7 =	simm.s32 $0x10;
	s5 =	sld [smem:$0x3FBB]  }
0x94: {  	[smem:s7], [sflag:s6] =	dma.local [hbm:s2], $0x1  }
0x95: {  	_ =	swait.eq [sflag:s6], $0x1  }
0x96: {  	[sflag:s6] =	ssyncset.done $0x0  }
0x97: {  	[sflag:s6] =	ssyncadd.s32 $0xFFFFFFFF  }
0x98: {  	s16 =	sld [smem:$0x11];
	(tm) =	ssettm $0x1  }
0x99: {  	s17 =	sld [smem:$0x3FFB];
	_ =	sdelay $0x3  }
0x9a: {  	_ =	strace s17  }
0x9b: {  	s6 =	sld [smem:$0x3FFC];
	_ =	sdelay $0x3  }
0x9c: {  	_ =	strace s6  }
0x9d: {  	s6 =	sld [smem:$0x3FFD];
	_ =	sdelay $0x3  }
0x9e: {  	_ =	strace s6  }
0x9f: {  	_ =	strace $0x8FFFFFFF  }
0xa0: {  	s18 =	sld [smem:$0x3FDB];
	_ =	sdelay $0x1  }
0xa1: {  	s19 =	simm.s32 $_scs_section_size  }
0xa2: {  	s8 =	simm.s32 $_size__tile_overlayer_lowered;
	s9 =	simm.s32 $_tile_overlayer_lowered  }
0xa3: {  	s22 =	simm.s32 $0x1BFF;
	s21 =	sshll.u32 s9, $0x1;
	s6 =	sadd.s32 s19, s18  }
0xa4: {  	s10 =	simm.s32 $0x0;
	s20 =	sshll.u32 s8, $0x1;
	s8 =	sadd.s32 s21, s6  }
0xa5: {  	[timem:s10], [sflag:s22] =	dma.local [hbm:s8], s20  }
0xa6: {  	_ =	swait.ge [sflag:s22], s20  }
0xa7: {  	s7 =	ssub.s32 $0x0, s20;
	[sflag:s22] =	ssyncset.done $0x0  }
0xa8: {  	[sflag:s22] =	ssyncadd.s32 s7;
	_ =	sdelay $0x1  }
0xa9: {  	s23 =	simm.s32 $0x1B8B  }
0xaa: {  	_ =	swait.ge [sflag:s23], $0x1  }
0xab: {  	[sflag:s23] =	ssyncset.done $0x0  }
0xac: {  	s25 =	simm.s32 $0x1B8E;
	s24 =	sld [smem:$0x3FFE];
	[sflag:s23] =	ssyncadd.s32 $0xFFFFFFFF  }
0xad: {  	s26 =	simm.s32 $execute0_lowered;
	[smem:$0x3FD2] =	sst s25  }
0xae: {  	s8 =	sshll.u32 s26, $0x1;
	_ =	strace $0x80000046;
	[dreg:$0x1] =	wrdreg $0xFFFFFFFF  }
0xaf: {  	s28 =	simm.s32 $_size_execute0_lowered;
	s6 =	sadd.s32 s6, s8;
	[dreg:$0x0] =	wrdreg $0x0  }
0xb0: {  	s8 =	sshll.u32 s28, $0x1;
	[dreg:$0x2] =	wrdreg s6  }
0xb1: {  	[dreg:$0x3] =	wrdreg s8  }
0xb2: {  	[dreg:$0x4] =	wrdreg $0xC0  }
0xb3: {  	_ =	task [dreg:s10], $0x5FFFF  }
0xb4: {  	[dreg:$0x1] =	wrdreg $0xFFFFFFFF  }
0xb5: {  	[dreg:$0x0] =	wrdreg $0x60  }
0xb6: {  	[dreg:$0x2] =	wrdreg s24  }
0xb7: {  	[dreg:$0x3] =	wrdreg s15  }
0xb8: {  	[dreg:$0x4] =	wrdreg s4  }
0xb9: {  	[dreg:$0x5] =	wrdreg s5  }
0xba: {  	[dreg:$0x6] =	wrdreg s16  }
0xbb: {  	[dreg:$0x7] =	wrdreg $0xB1000  }
0xbc: {  	[dreg:$0x8] =	wrdreg $0xA  }
0xbd: {  	_ =	task.clear_ibuf [dreg:s10], $0x9FFFF;
	_ =	strace $0x90000046  }
0xbe: {  	s29 =	simm.s32 $0xA;
	_ =	strace $0x80000048  }
0xbf: {  	_ =	swait.ge [sflag:s29], $0x1  }
0xc0: {  	[sflag:s29] =	ssyncadd.s32 $0xFFFFFFFF  }
0xc1: {  	_ =	strace $0x90000048  }
0xc2: {  	_ =	sfence  }
0xc3: {  	s30 =	sld [smem:$0x0];
	_ =	sdelay $0x2  }
0xc4: {  	s31 =	sshll.u32 s1, $0xD;
	s1 =	sshrl.u32 s1, $0x2  }
0xc5: {  	s3 =	sand.u32 $0x4000, s31;
	s1 =	sadd.s32 s1, s30  }
0xc6: {  	s0 =	sor.u32 s3, s0;
	s1 =	sshll.u32 s1, $0x11  }
0xc7: {  	s0 =	sor.u32 s1, s0  }
0xc8: {  	s0 =	sadd.s32 $0x8F2B, s0  }
0xc9: {  	[sflag:s0] =	ssyncadd.remote.s32 $0x1  }
0xca: {  	_ =	sfence.sel $0xFFFF  }
0xcb: {  	[dreg:$0x0] =	wrdreg $0xFFFFFFFF;
	(pc) =	sbr.abs _section_cstart, $3  }
0xcc: {  	[dreg:$0x1] =	wrdreg $0xFFFFFFFF  }
0xcd: {  	_ =	task.clear_ibuf [dreg:s10], $0x2FFFF;
	_ =	strace $0x9FFFFFFF  }
0xce: {  	(tm) =	ssettm $0x7FFFFFFF  }
0xcf: {  	_ =	shalt  }
tec
execute0_lowered:
.L_overlay_start_1:
0x0: {  	(tag) =	ssettag $0x1  }
0x1: {  	s0 =	rddreg [dreg:$0x0]  }
0x2: {  	s1 =	rddreg [dreg:$0x1]  }
0x3: {  	s4 =	rddreg [dreg:$0x4]  }
0x4: {  	s5 =	rddreg [dreg:$0x5]  }
0x5: {  	s7 =	simm.s32 $0x0;
	s13 =	stileid.u32;
	s2 =	srdreg.scid  }
0x6: {  	s18 =	simm.s32 $0xB;
	s29 =	simm.s32 $0x3800;
	s30 =	simm.s32 $0x7400  }
0x7: {  	s19 =	simm.s32 $0x5;
	s20 =	simm.s32 $0x7;
	s17 =	simm.s32 $0x4  }
0x8: {  	s15 =	simm.s32 $0x8;
	s14 =	simm.s32 $0x0;
	[smem:$0x7FF] =	sst s7  }
0x9: {  	s3 =	sadd.s32 $0x17600, s0;
	s21 =	smul.u32 $0x2780, s13;
	s2 =	sand.u32 $0x1, s2  }
0xa: {  	s6 =	sadd.s32 $0x49600, s0;
	s10 =	sadd.s32 $0x7B600, s0;
	s11 =	sadd.s32 $0x55D600, s0  }
0xb: {  	v0 =	vimm.s32 $0xFEDCBA98;
	s12 =	sadd.s32 $0x584800, s0;
	_ =	strace $0x80000047;
	[dreg:$0x7] =	wrdreg s3  }
0xc: {  	v1 =	vimm.s32 $0x76543210;
	v2 =	vimm.s32 $0xBA98FEDC;
	s23 =	smul.u32 $0x4F000, s13;
	s25 =	sshll.u32 s13, $0x6;
	[dreg:$0x8] =	wrdreg s6  }
0xd: {  	v3 =	vimm.s32 $0x32107654;
	v4 =	vimm.s32 $0xDCFE98BA;
	s22 =	smul.u32 $0x27800, s2;
	s24 =	ssub.s32 $0x2, s2;
	s2 =	sshll.u32 s2, $0x4  }
0xe: {  	v5 =	vimm.s32 $0x54761032;
	v6 =	vimm.s32 $0xEFCDAB89;
	v7 =	vimm.s32 $0x67452301;
	s8 =	sadd.s32 s21, s0;
	s9 =	sshrl.u32 s24, $0x1;
	s2 =	sor.u32 s13, s2  }
0xf: {  	v0 =	vunpack.c.l.s4.s8 v0;
	v2 =	vunpack.c.l.s4.s8 v2;
	v3 =	vunpack.c.l.s4.s8 v3;
	s6 =	sshrl.u32 s23, $0x2;
	s13 =	simm.s32 $0x2;
	s26 =	smul.u32 $0x19, s2  }
0x10: {  	v4 =	vunpack.c.l.s4.s8 v4;
	v5 =	vunpack.c.l.s4.s8 v5;
	v6 =	vunpack.c.l.s4.s8 v6;
	s3 =	sadd.s32 s21, s22;
	s8 =	sadd.s32 $0x5ABA00, s8;
	s2 =	smul.u32 $0x2710, s2  }
0x11: {  	v7 =	vunpack.c.l.s4.s8 v7;
	v2 =	vunpack.c.0.s8.s32 v2;
	v3 =	vunpack.c.0.s8.s32 v3;
	s28 =	ssub.s32 s24, s9;
	s31 =	sadd.s32 s6, s5;
	[dreg:$0x9] =	wrdreg s8  }
0x12: {  	v1 =	vunpack.c.l.s4.s8 v1;
	v4 =	vunpack.c.0.s8.s32 v4;
	v5 =	vunpack.c.0.s8.s32 v5;
	s24 =	simm.s32 $0x28;
	s6 =	simm.s32 $0x4C00;
	[dreg:$0xa] =	wrdreg s26  }
0x13: {  	v6 =	vunpack.c.0.s8.s32 v6;
	v7 =	vunpack.c.0.s8.s32 v7;
	s21 =	simm.s32 $0x6;
	s8 =	sor.u32 $0x1C0B, s25;
	v2 =	vcombine.low v3, v2;
	[dreg:$0xc] =	wrdreg s2  }
0x14: {  	v0 =	vunpack.c.0.s8.s32 v0;
	s0 =	sadd.s32 s3, s0;
	s9 =	sshrl.u32 s31, $0x3;
	v62 =	vcombine.low v5, v4;
	[dreg:$0xb] =	wrdreg s8  }
0x15: {  	v1 =	vunpack.c.0.s8.s32 v1;
	s25 =	simm.s32 $0x6000;
	v63 =	vcombine.low v7, v6;
	s0 =	sadd.s32 $0x5D3200, s0;
	[dreg:$0xf] =	wrdreg s9;
	v28 =	vand.u32 $0xF, v2  }
0x16: {  	s3 =	simm.s32 $0x3;
	v0 =	vand.u32 $0xF, v0;
	[dreg:$0xd] =	wrdreg s0;
	s0 =	smax.u32 s28, $0x1;
	v29 =	vand.u32 $0xF, v62;
	[tilespmem:$0x1FFE0] =	vst v28  }
0x17: {  	s2 =	simm.s32 $0x1;
	v27 =	vcombine.low v0, v1;
	s26 =	simm.s32 $0x0;
	v33 =	vand.u32 $0xF, v63;
	[dreg:$0xe] =	wrdreg s0;
	[tilespmem:$0x1FFF0] =	vst v29  }
.LBB2_1:
0x18: {  	[dreg:$0x10] =	wrdreg s14  }
0x19: {  	s0 =	rddreg [dreg:$0x9]  }
0x1a: {  	[spmem:s9], [sflag:s8] =	dma.local [hbm:s0], $0x2780  }
0x1b: {  	_ =	swait.ge [sflag:s18], $0x2780  }
0x1c: {  	[sflag:s18] =	ssyncset.done $0x0  }
0x1d: {  	[sflag:s18] =	ssyncadd.s32 $0xFFFFD880  }
0x1e: {  	s23 =	simm.s32 $0xB000;
	s22 =	rddreg [dreg:$0x2]  }
0x1f: {  	[tilespmem:s23], [sflag:$0xB] =	stream.linear.gather [hbm4b:s22+s7], $0x80, $0x38;
	[tilespmem:$0x1ED00] =	vst v63  }
0x20: {  	_ =	swait.ge [sflag:s18], $0x80  }
0x21: {  	[sflag:s18] =	ssyncset.done $0x0  }
0x22: {  	[sflag:s18] =	ssyncadd.s32 $0xFFFFFF80  }
0x23: {  	s31 =	simm.s32 $0xB080;
	s28 =	rddreg [dreg:$0x3]  }
0x24: {  	[tilespmem:s31], [sflag:$0xB] =	stream.linear.gather [hbm4b:s28+s7], $0x80, $0x38;
	[tilespmem:$0x1ED00] =	vst v63  }
0x25: {  	_ =	swait.ge [sflag:s18], $0x80  }
0x26: {  	[sflag:s18] =	ssyncset.done $0x0  }
0x27: {  	[sflag:s18] =	ssyncadd.s32 $0xFFFFFF80  }
0x28: {  	s16 =	simm.s32 $0x0;
	[bflag:$0x0] =	sbarrier.arrive $0xFFFF  }
.LBB2_2:
0x29: {  	s0 =	rddreg [dreg:$0xa]  }
0x2a: {  	s8 =	sadd.s32 s0, s16  }
0x2b: {  	s23 =	rddreg [dreg:$0x7];
	s8 =	sshll.u32 s8, $0x8  }
0x2c: {  	s9 =	sadd.s32 s23, s8  }
0x2d: {  	[tilespmem:s7], [sflag:$0xB] =	stream.linear.gather [hbm4b:s9+s7], $0x500, $0x38;
	[tilespmem:$0x1ED00] =	vst v63  }
0x2e: {  	_ =	swait.ge [sflag:s18], $0x500  }
0x2f: {  	[sflag:s18] =	ssyncset.done $0x0;
	s31 =	rddreg [dreg:$0x8]  }
0x30: {  	s14 =	simm.s32 $0x800;
	[sflag:s18] =	ssyncadd.s32 $0xFFFFFB00;
	s8 =	sadd.s32 s31, s8  }
0x31: {  	[tilespmem:s14], [sflag:$0xB] =	stream.linear.gather [hbm4b:s8+s7], $0x500, $0x38;
	[tilespmem:$0x1ED00] =	vst v63  }
0x32: {  	_ =	swait.ge [sflag:s18], $0x500  }
0x33: {  	p0 =	seq.s32 s16, $0x0;
	[sflag:s18] =	ssyncset.done $0x0  }
0x34: {  	s8 =	simm.s32 @!p0 $0x9;
	[sflag:s18] =	ssyncadd.s32 $0xFFFFFB00  }
0x35: {  	_ =	swait.ge @!p0 [sflag:s8], $0x1400  }
0x36: {  	[sflag:s8] =	ssyncset.done @!p0 $0x0  }
0x37: {  	s0 =	smul.u32 $0x190, s16;
	[sflag:s8] =	ssyncadd.s32 @!p0 $0xFFFFEC00;
	s8 =	rddreg [dreg:$0xc]  }
0x38: {  	[tilespmem:s25], [sflag:$0x1] =	stream.indirect.gather [hbm4b:s11+s24], $0x80, s26, s24, $0xb8;
	[tilespmem:$0x1ED00] =	vst v63  }
0x39: {  	s28 =	sadd.s32 s8, s0  }
0x3a: {  	s9 =	simm.s32 $0x8800;
	s22 =	sshll.u32 s28, $0x4  }
0x3b: {  	[tilespmem:s9], [sflag:$0x3] =	stream.indirect.gather [hbm4b:s12+s24], $0x80, s14, s24, $0xb8;
	[tilespmem:$0x1ED00] =	vst v63  }
0x3c: {  	s31 =	simm.s32 $0x1000;
	s23 =	sadd.s32 s10, s22  }
0x3d: {  	[tilespmem:s31], [sflag:$0x5] =	stream.linear.gather [hbm4b:s23+s26], $0x1400, $0x38;
	[tilespmem:$0x1ED00] =	vst v63  }
0x3e: {  	s8 =	sadd.s32 s1, s22  }
0x3f: {  	[tilespmem:s29], [sflag:$0x7] =	stream.linear.gather [hbm4b:s8+s26], $0x1400, $0x38;
	[tilespmem:$0x1ED00] =	vst v63  }
0x40: {  	[dreg:$0x11] =	wrdreg s16;
	s9 =	simm.s32 $0x0;
	s8 =	smul.u32 $0xA, s16  }
.LBB2_3:
0x41: {  	s16 =	sshllo.u32 s9, $0x1  }
0x42: {  	s14 =	sshll.u32 s16, $0x7;
	s16 =	smul.u32 $0x28, s16  }
0x43: {  	[tilespmem:s30], [sflag:$0x2] =	stream.indirect.gather [hbm4b:s11+s24], $0x80, s14, s24, $0xb8;
	[tilespmem:$0x1ED00] =	vst v63  }
0x44: {  	s0 =	simm.s32 $0x9C00;
	s22 =	sadd.s32 $0x800, s14;
	s16 =	sadd.s32 s28, s16  }
0x45: {  	[tilespmem:s0], [sflag:$0x4] =	stream.indirect.gather [hbm4b:s12+s24], $0x80, s22, s24, $0xb8;
	[tilespmem:$0x1ED00] =	vst v63  }
0x46: {  	s16 =	sshll.u32 s16, $0x4  }
0x47: {  	s31 =	simm.s32 $0x2400;
	s23 =	sadd.s32 s10, s16  }
0x48: {  	[tilespmem:s31], [sflag:$0x6] =	stream.linear.gather [hbm4b:s23+s7], $0x1400, $0x38;
	[tilespmem:$0x1ED00] =	vst v63  }
0x49: {  	s23 =	sor.u32 s8, s9  }
0x4a: {  	p0 =	seq.s32 s23, $0x0  }
0x4b: {  	s22 =	simm.s32 @!p0 $0xA  }
0x4c: {  	_ =	swait.ge @!p0 [sflag:s22], $0x1400  }
0x4d: {  	[sflag:s22] =	ssyncset.done @!p0 $0x0  }
0x4e: {  	s31 =	sadd.s32 s1, s16;
	[sflag:s22] =	ssyncadd.s32 @!p0 $0xFFFFEC00  }
0x4f: {  	[tilespmem:s6], [sflag:$0x8] =	stream.linear.gather [hbm4b:s31+s26], $0x1400, $0x38;
	[tilespmem:$0x1ED00] =	vst v63  }
0x50: {  	_ =	swait.ge [sflag:s2], $0x1400  }
0x51: {  	[sflag:s2] =	ssyncset.done $0x0  }
0x52: {  	[sflag:s2] =	ssyncadd.s32 $0xFFFFEC00  }
0x53: {  	_ =	swait.ge [sflag:s3], $0x1400  }
0x54: {  	[sflag:s3] =	ssyncset.done $0x0  }
0x55: {  	[sflag:s3] =	ssyncadd.s32 $0xFFFFEC00  }
0x56: {  	_ =	swait.ge [sflag:s19], $0x1400  }
0x57: {  	[sflag:s19] =	ssyncset.done $0x0  }
0x58: {  	[sflag:s19] =	ssyncadd.s32 $0xFFFFEC00  }
0x59: {  	_ =	swait.ge [sflag:s20], $0x1400  }
0x5a: {  	[sflag:s20] =	ssyncset.done $0x0  }
0x5b: {  	s23 =	sshll.u32 s9, $0x1;
	s22 =	simm.s32 $0x0;
	[sflag:s20] =	ssyncadd.s32 $0xFFFFEC00  }
.LBB2_4:
0x5c: {  	s31 =	sshll.u32 s22, $0x7  }
0x5d: {  	v0 =	vld [tilespmem:s31+$0x6000]  }
0x5e: {  	v1 =	vld [tilespmem:s31+$0x8800]  }
0x5f: {  	v2 =	vld [tilespmem:s31+$0x1000];
	_ =	sdelay $0x1  }
0x60: {  	v3 =	vld [tilespmem:s31+$0x6010]  }
0x61: {  	v54 =	vld [tilespmem:s31+$0x8810]  }
0x62: {  	v5 =	vld [tilespmem:s31+$0x1010];
	v0 =	vadd.f32 v1, v0  }
0x63: {  	v55 =	vld [tilespmem:s31+$0x6020];
	v4 =	vshll.u32 v2, $0x10  }
0x64: {  	v8 =	vld [tilespmem:s31+$0x1020];
	v0 =	vmul.f32 v4, v0  }
0x65: {  	v6 =	vld [tilespmem:s31+$0x8820]  }
0x66: {  	v62 =	vld [tilespmem:s31+$0x6030];
	v1 =	vadd.f32 v54, v3;
	v7 =	vand.u32 $0x7FFFFFFF, v0  }
0x67: {  	v12 =	vld [tilespmem:s31+$0x8830];
	v57 =	vshll.u32 v5, $0x10;
	v9 =	vshrl.u32 v7, $0x1;
	v7 =	vmul.f32 $5.000000000e-01, v7  }
0x68: {  	v13 =	vld [tilespmem:s31+$0x1030];
	v1 =	vmul.f32 v57, v1;
	v56 =	vsub.s32 $0x5F3759DF, v9  }
0x69: {  	v60 =	vshll.u32 v8, $0x10;
	v7 =	vmul.f32 v56, v7  }
0x6a: {  	v2 =	vand.u32 $0xFFFF0000, v2;
	v4 =	vadd.f32 v6, v55;
	v59 =	vand.u32 $0x7FFFFFFF, v1  }
0x6b: {  	v35 =	vld [tilespmem:s31+$0x1040];
	v10 =	vshrl.u32 v59, $0x1;
	v58 =	vmul.f32 v56, v7;
	v7 =	vmul.f32 $5.000000000e-01, v59  }
0x6c: {  	v44 =	vld [tilespmem:s31+$0x1050];
	v18 =	vadd.f32 v12, v62;
	v4 =	vmul.f32 v60, v4;
	v61 =	vsub.s32 $0x5F3759DF, v10  }
0x6d: {  	v42 =	vld [tilespmem:s31+$0x6050];
	v19 =	vshll.u32 v13, $0x10;
	v5 =	vand.u32 $0xFFFF0000, v5;
	v7 =	vmul.f32 v61, v7  }
0x6e: {  	v46 =	vld [tilespmem:s31+$0x1060];
	v39 =	vand.u32 $0xFFFF0000, v8;
	v11 =	vand.u32 $0x7FFFFFFF, v4;
	v6 =	vsub.f32 $1.500000000e+00, v58  }
0x6f: {  	v15 =	vld [tilespmem:s31+$0x8850];
	v63 =	vshrl.u32 v11, $0x1;
	v11 =	vmul.f32 $5.000000000e-01, v11;
	v7 =	vmul.f32 v61, v7  }
0x70: {  	v49 =	vshll.u32 v35, $0x10;
	v14 =	vsub.s32 $0x5F3759DF, v63;
	v3 =	vmul.f32 v56, v6  }
0x71: {  	v16 =	vld [tilespmem:s31+$0x3800];
	v51 =	vshll.u32 v44, $0x10;
	v6 =	vmul.f32 v14, v11;
	v7 =	vsub.f32 $1.500000000e+00, v7  }
0x72: {  	v37 =	vld [tilespmem:s31+$0x6040];
	v13 =	vand.u32 $0xFFFF0000, v13;
	v22 =	vmul.f32 v19, v18;
	v0 =	vmul.f32 v3, v0  }
0x73: {  	v41 =	vld [tilespmem:s31+$0x8840];
	v19 =	vshll.u32 v46, $0x10;
	v17 =	vmul.f32 v14, v6;
	v7 =	vmul.f32 v61, v7  }
0x74: {  	v54 =	vld [tilespmem:s31+$0x1070];
	v9 =	vand.u32 $0x7FFFFFFF, v22;
	v3 =	vadd.f32 v15, v42;
	v0 =	vadd.f32 v2, v0  }
0x75: {  	v47 =	vld [tilespmem:s31+$0x6060];
	v34 =	vshrl.u32 v9, $0x1;
	v21 =	vsub.f32 $1.500000000e+00, v17;
	v1 =	vmul.f32 v7, v1  }
0x76: {  	v9 =	vmul.f32 $5.000000000e-01, v9;
	v17 =	vld [tilespmem:s31+$0x8860];
	v3 =	vmul.f32 v51, v3;
	v20 =	vmax.f32 v0, $0.0e+00  }
0x77: {  	v23 =	vld [tilespmem:s31+$0x3810];
	v0 =	vmul.f32 v14, v21;
	v1 =	vadd.f32 v5, v1;
	v5 =	vsub.s32 $0x5F3759DF, v34  }
0x78: {  	v50 =	vld [tilespmem:s31+$0x6070];
	v56 =	vand.u32 $0x7FFFFFFF, v3;
	v6 =	vadd.f32 v20, v16;
	v40 =	vmul.f32 v5, v9  }
0x79: {  	v52 =	vld [tilespmem:s31+$0x8870];
	v60 =	vshll.u32 v54, $0x10;
	v57 =	vshrl.u32 v56, $0x1;
	v4 =	vmul.f32 v0, v4  }
0x7a: {  	v32 =	vld [tilespmem:s31+$0x3820];
	v59 =	vsub.s32 $0x5F3759DF, v57;
	v36 =	vadd.f32 $0.0e+00, v6;
	v8 =	vmul.f32 v5, v40  }
0x7b: {  	v43 =	vmul.f32 v6, v6;
	v9 =	vadd.f32 v41, v37;
	v12 =	vadd.f32 v17, v47  }
0x7c: {  	v38 =	vmax.f32 v1, $0.0e+00;
	v1 =	vadd.f32 v39, v4;
	v45 =	vsub.f32 $1.500000000e+00, v8  }
0x7d: {  	v0 =	vadd.f32 v38, v23;
	v7 =	vmul.f32 v49, v9;
	v12 =	vmul.f32 v19, v12  }
0x7e: {  	v9 =	vadd.f32 v52, v50;
	v4 =	vmax.f32 v1, $0.0e+00;
	v5 =	vmul.f32 v5, v45  }
0x7f: {  	v11 =	vadd.f32 v0, v36;
	v16 =	vmul.f32 v0, v0;
	[tilespmem:$0x1FAE0] =	vst v4;
	v4 =	vadd.f32 v4, v32  }
0x80: {  	v53 =	vand.u32 $0x7FFFFFFF, v7;
	v19 =	vand.u32 $0x7FFFFFFF, v12;
	v2 =	vmul.f32 v5, v22  }
0x81: {  	v9 =	vmul.f32 v60, v9;
	v55 =	vshrl.u32 v53, $0x1;
	v15 =	vmul.f32 $5.000000000e-01, v53  }
0x82: {  	[tilespmem:$0x1FAA0] =	vst v20;
	v20 =	vshrl.u32 v19, $0x1;
	v2 =	vadd.f32 v13, v2;
	v13 =	vsub.s32 $0x5F3759DF, v55  }
0x83: {  	v14 =	vadd.f32 v16, v43;
	v16 =	vmul.f32 $5.000000000e-01, v56;
	v15 =	vmul.f32 v13, v15  }
0x84: {  	v19 =	vmul.f32 $5.000000000e-01, v19;
	v18 =	vadd.f32 v4, v11;
	v20 =	vsub.s32 $0x5F3759DF, v20  }
0x85: {  	v21 =	vand.u32 $0x7FFFFFFF, v9;
	v16 =	vmul.f32 v59, v16;
	v58 =	vmul.f32 v13, v15  }
0x86: {  	v61 =	vld [tilespmem:s31+$0x3830];
	v19 =	vmul.f32 v20, v19;
	v22 =	vshrl.u32 v21, $0x1;
	v21 =	vmul.f32 $5.000000000e-01, v21  }
0x87: {  	v63 =	vsub.s32 $0x5F3759DF, v22;
	v16 =	vmul.f32 v59, v16;
	v11 =	vsub.f32 $1.500000000e+00, v58  }
0x88: {  	v10 =	vand.u32 $0xFFFF0000, v35;
	v19 =	vmul.f32 v20, v19;
	v21 =	vmul.f32 v63, v21  }
0x89: {  	v1 =	vand.u32 $0xFFFF0000, v44;
	v16 =	vsub.f32 $1.500000000e+00, v16;
	v62 =	vmul.f32 v13, v11  }
0x8a: {  	v32 =	vsub.f32 $1.500000000e+00, v19;
	v23 =	vmax.f32 v2, $0.0e+00;
	v34 =	vmul.f32 v63, v21  }
0x8b: {  	[tilespmem:$0x1FAF0] =	vst v23;
	v15 =	vmul.f32 v59, v16;
	v11 =	vadd.f32 v23, v61;
	v23 =	vld [tilespmem:s31+$0x3840];
	v2 =	vmul.f32 v62, v7  }
0x8c: {  	v48 =	vmul.f32 v4, v4;
	v43 =	vand.u32 $0xFFFF0000, v46;
	v36 =	vmul.f32 v20, v32  }
0x8d: {  	v35 =	vld [tilespmem:s31+$0x3850];
	v37 =	vsub.f32 $1.500000000e+00, v34;
	v3 =	vmul.f32 v15, v3;
	v2 =	vadd.f32 v10, v2  }
0x8e: {  	v24 =	vld [tilespmem:s31+$0x10B0];
	v14 =	vadd.f32 v48, v14;
	v5 =	vand.u32 $0xFFFF0000, v54;
	v40 =	vmul.f32 v36, v12  }
0x8f: {  	v41 =	vld [tilespmem:s31+$0x3860];
	v42 =	vmul.f32 v63, v37;
	v1 =	vadd.f32 v1, v3;
	v39 =	vmax.f32 v2, $0.0e+00  }
0x90: {  	v47 =	vld [tilespmem:s31+$0x3870];
	[tilespmem:$0x1FAC0] =	vst v38;
	v45 =	vadd.f32 v43, v40;
	v38 =	vmul.f32 v11, v11;
	v13 =	vadd.f32 v39, v23  }
0x91: {  	v21 =	vld [tilespmem:s31+$0x10A0];
	v46 =	vmul.f32 v42, v9;
	v18 =	vadd.f32 v11, v18;
	v44 =	vmax.f32 v1, $0.0e+00  }
0x92: {  	v32 =	vld [tilespmem:s31+$0x8890];
	v14 =	vadd.f32 v38, v14;
	v12 =	vadd.f32 v44, v35;
	v49 =	vmul.f32 v13, v13  }
0x93: {  	v59 =	vld [tilespmem:s31+$0x6080];
	v50 =	vmax.f32 v45, $0.0e+00;
	v51 =	vadd.f32 v5, v46;
	v48 =	vadd.f32 v13, v18  }
0x94: {  	v63 =	vld [tilespmem:s31+$0x1080];
	v9 =	vadd.f32 v50, v41;
	v54 =	vmul.f32 v12, v12;
	v53 =	vadd.f32 v49, v14  }
0x95: {  	v61 =	vld [tilespmem:s31+$0x8880];
	v55 =	vmax.f32 v51, $0.0e+00;
	v52 =	vadd.f32 v12, v48  }
0x96: {  	v46 =	vld [tilespmem:s31+$0x88B0];
	v58 =	vmul.f32 v9, v9;
	v10 =	vadd.f32 v55, v47;
	v57 =	vadd.f32 v54, v53  }
0x97: {  	v35 =	vld [tilespmem:s31+$0x1090];
	v56 =	vadd.f32 v9, v52  }
0x98: {  	[tilespmem:$0x1FB10] =	vst v44;
	v44 =	vld [tilespmem:s31+$0x60B0];
	v60 =	vmul.f32 v10, v10;
	v2 =	vadd.f32 v58, v57  }
0x99: {  	v41 =	vld [tilespmem:s31+$0x88A0];
	v1 =	vadd.f32 v10, v56  }
0x9a: {  	[tilespmem:$0x1FB00] =	vst v39;
	v39 =	vld [tilespmem:s31+$0x60A0];
	v2 =	vadd.f32 v60, v2  }
0x9b: {  	v22 =	vshll.u32 v63, $0x10;
	v15 =	vand.u32 $0xFFFF0000, v63;
	v23 =	vld [tilespmem:s31+$0x6090];
	v62 =	vperm.xlane v1, v27  }
0x9c: {  	v5 =	vadd.f32 v61, v59;
	[tilespmem:$0x1FB30] =	vst v55;
	v55 =	vshll.u32 v24, $0x10;
	v3 =	vperm.xlane v2, v27  }
0x9d: {  	v43 =	vshll.u32 v35, $0x10;
	v18 =	vadd.f32 v46, v44;
	v1 =	vadd.f32 v1, v62  }
0x9e: {  	v49 =	vshll.u32 v21, $0x10;
	v2 =	vadd.f32 v2, v3;
	v3 =	vmul.f32 v22, v5  }
0x9f: {  	v18 =	vmul.f32 v55, v18;
	v7 =	vadd.f32 v41, v39;
	v8 =	vperm.xlane v1, v28  }
0xa0: {  	v5 =	vadd.f32 v32, v23;
	v34 =	vperm.xlane v2, v28;
	v37 =	vand.u32 $0x7FFFFFFF, v3  }
0xa1: {  	v1 =	vadd.f32 v1, v8;
	v38 =	vshrl.u32 v37, $0x1;
	v17 =	vmul.f32 $5.000000000e-01, v37  }
0xa2: {  	v5 =	vmul.f32 v43, v5;
	v2 =	vadd.f32 v2, v34;
	v8 =	vsub.s32 $0x5F3759DF, v38  }
0xa3: {  	v35 =	vand.u32 $0xFFFF0000, v35;
	v7 =	vmul.f32 v49, v7;
	v17 =	vmul.f32 v8, v17  }
0xa4: {  	v36 =	vperm.xlane v1, v29;
	v20 =	vand.u32 $0x7FFFFFFF, v5;
	v40 =	vperm.xlane v2, v29  }
0xa5: {  	v47 =	vshrl.u32 v20, $0x1;
	v20 =	vmul.f32 $5.000000000e-01, v20;
	v17 =	vmul.f32 v8, v17  }
0xa6: {  	v1 =	vadd.f32 v1, v36;
	v48 =	vsub.s32 $0x5F3759DF, v47;
	v2 =	vadd.f32 v2, v40  }
0xa7: {  	v57 =	vand.u32 $0x7FFFFFFF, v18;
	v20 =	vmul.f32 v48, v20;
	v17 =	vsub.f32 $1.500000000e+00, v17  }
0xa8: {  	v26 =	vld [tilespmem:s31+$0x10F0];
	v53 =	vand.u32 $0x7FFFFFFF, v7;
	v42 =	vperm.xlane v1, v33;
	v45 =	vperm.xlane v2, v33  }
0xa9: {  	v61 =	vld [tilespmem:s31+$0x38A0];
	v59 =	vshrl.u32 v57, $0x1;
	v52 =	vmul.f32 v48, v20;
	v8 =	vmul.f32 v8, v17  }
0xaa: {  	[tilespmem:$0x1FB20] =	vst v50;
	v46 =	vld [tilespmem:s31+$0x88D0];
	v54 =	vshrl.u32 v53, $0x1;
	v1 =	vadd.f32 v1, v42;
	v50 =	vadd.f32 v2, v45  }
0xab: {  	v56 =	vld [tilespmem:s31+$0x3880];
	v51 =	vmul.f32 v8, v3;
	v8 =	vmul.f32 $5.000000000e-01, v53;
	v3 =	vsub.f32 $1.500000000e+00, v52  }
0xac: {  	v19 =	vsub.s32 $0x5F3759DF, v54;
	v34 =	vld [tilespmem:s31+$0x60C0];
	v14 =	vmul.f32 $7.812500000e-03, v1;
	v1 =	vmul.f32 $7.812500000e-03, v50  }
0xad: {  	v36 =	vld [tilespmem:s31+$0x88C0];
	v8 =	vmul.f32 v19, v8;
	v2 =	vadd.f32 v15, v51;
	v3 =	vmul.f32 v48, v3  }
0xae: {  	v58 =	vld [tilespmem:s31+$0x3890];
	v22 =	vsub.s32 $0x5F3759DF, v59;
	v60 =	vmul.f32 v14, v14;
	v15 =	vmul.f32 $5.000000000e-01, v57  }
0xaf: {  	v59 =	vld [tilespmem:s31+$0x88E0];
	v8 =	vmul.f32 v19, v8;
	v25 =	vmax.f32 v2, $0.0e+00;
	v3 =	vmul.f32 v3, v5  }
0xb0: {  	v42 =	vld [tilespmem:s31+$0x60D0];
	v39 =	vsub.f32 v1, v60;
	v63 =	vmul.f32 v22, v15;
	v30 =	vadd.f32 v25, v56  }
0xb1: {  	[tilespmem:$0x1FC00] =	vst v25;
	v25 =	vld [tilespmem:s31+$0x88F0];
	v62 =	vsub.f32 $1.500000000e+00, v8;
	v1 =	vadd.f32 v35, v3  }
0xb2: {  	v49 =	vadd.f32 v36, v34;
	v41 =	vsub.f32 v6, v14;
	v38 =	vmul.f32 v22, v63;
	v63 =	vld [tilespmem:s31+$0x60F0]  }
0xb3: {  	v40 =	vadd.f32 $0.0e+00, v30;
	v37 =	vmul.f32 v19, v62;
	v19 =	vld [tilespmem:s31+$0x10C0];
	v43 =	vmax.f32 v1, $0.0e+00  }
0xb4: {  	v48 =	vand.u32 $0xFFFF0000, v21;
	v57 =	vld [tilespmem:s31+$0x60E0];
	v45 =	vsub.f32 $1.500000000e+00, v38;
	v6 =	vadd.f32 v43, v58  }
0xb5: {  	v5 =	vadd.f32 v46, v42;
	v47 =	vmul.f32 v30, v30;
	v62 =	vld [tilespmem:s31+$0x10E0];
	v58 =	vand.u32 $0xFFFF0000, v24  }
0xb6: {  	v17 =	vld [tilespmem:s31+$0x10D0];
	v44 =	vmul.f32 v37, v7;
	v3 =	vmul.f32 v22, v45;
	v8 =	vadd.f32 v6, v40  }
0xb7: {  	v50 =	vmul.f32 v6, v6;
	v40 =	vadd.f32 v25, v63;
	v25 =	vshll.u32 v26, $0x10  }
0xb8: {  	v1 =	vadd.f32 v48, v44;
	v54 =	vmul.f32 v3, v18;
	v52 =	vshll.u32 v19, $0x10  }
0xb9: {  	v18 =	vadd.f32 v59, v57;
	v23 =	vadd.f32 v50, v47;
	v55 =	vmul.f32 v52, v49  }
0xba: {  	v59 =	vmovc v27;
	v27 =	vshll.u32 v62, $0x10;
	v19 =	vand.u32 $0xFFFF0000, v19;
	v53 =	vmax.f32 v1, $0.0e+00  }
0xbb: {  	v7 =	vadd.f32 v53, v61;
	v61 =	vshll.u32 v17, $0x10;
	v60 =	vand.u32 $0x7FFFFFFF, v55  }
0xbc: {  	v5 =	vmul.f32 v61, v5;
	v24 =	vshrl.u32 v60, $0x1;
	v2 =	vmul.f32 $5.000000000e-01, v60  }
0xbd: {  	v51 =	vld [tilespmem:s31+$0x38B0];
	v1 =	vadd.f32 v58, v54;
	v38 =	vmul.f32 v27, v18;
	v24 =	vsub.s32 $0x5F3759DF, v24  }
0xbe: {  	v18 =	vmul.f32 v25, v40;
	v35 =	vand.u32 $0x7FFFFFFF, v5;
	v34 =	vmul.f32 v24, v2  }
0xbf: {  	v49 =	vand.u32 $0xFFFF0000, v17;
	v36 =	vshrl.u32 v35, $0x1;
	v2 =	vmul.f32 $5.000000000e-01, v35  }
0xc0: {  	v28 =	vmax.f32 v1, $0.0e+00;
	v37 =	vsub.s32 $0x5F3759DF, v36;
	v1 =	vmul.f32 v24, v34  }
0xc1: {  	[tilespmem:$0x1FC40] =	vst v53;
	v53 =	vld [tilespmem:s31+$0x8900];
	v42 =	vand.u32 $0x7FFFFFFF, v38;
	v32 =	vadd.f32 v7, v8;
	v2 =	vmul.f32 v37, v2  }
0xc2: {  	v25 =	vand.u32 $0x7FFFFFFF, v18;
	v8 =	vadd.f32 v28, v51;
	v51 =	vld [tilespmem:s31+$0x6100];
	v1 =	vsub.f32 $1.500000000e+00, v1  }
0xc3: {  	v27 =	vshrl.u32 v42, $0x1;
	v21 =	vmul.f32 $5.000000000e-01, v42;
	v2 =	vmul.f32 v37, v2  }
0xc4: {  	v60 =	vand.u32 $0xFFFF0000, v62;
	v1 =	vmul.f32 v24, v1;
	v24 =	vsub.s32 $0x5F3759DF, v27  }
0xc5: {  	v2 =	vsub.f32 $1.500000000e+00, v2;
	v27 =	vshrl.u32 v25, $0x1;
	v25 =	vmul.f32 $5.000000000e-01, v25  }
0xc6: {  	[tilespmem:$0x1FC30] =	vst v43;
	v43 =	vld [tilespmem:s31+$0x38C0];
	v21 =	vmul.f32 v24, v21;
	v45 =	vsub.s32 $0x5F3759DF, v27;
	v27 =	vmul.f32 v7, v7  }
0xc7: {  	v35 =	vld [tilespmem:s31+$0x8910];
	v3 =	vadd.f32 v53, v51;
	v1 =	vmul.f32 v1, v55;
	v2 =	vmul.f32 v37, v2  }
0xc8: {  	v46 =	vmul.f32 v45, v25;
	v25 =	vadd.f32 v8, v32;
	v32 =	vld [tilespmem:s31+$0x6110];
	v44 =	vmul.f32 v24, v21  }
0xc9: {  	v54 =	vadd.f32 v27, v23;
	v27 =	vld [tilespmem:s31+$0x1100];
	v1 =	vadd.f32 v19, v1;
	v2 =	vmul.f32 v2, v5  }
0xca: {  	v47 =	vld [tilespmem:s31+$0x38D0];
	v55 =	vmul.f32 v8, v8;
	v50 =	vmul.f32 v45, v46;
	v20 =	vsub.f32 $1.500000000e+00, v44  }
0xcb: {  	v19 =	vsub.f32 v4, v14;
	v48 =	vmax.f32 v1, $0.0e+00;
	v1 =	vadd.f32 v49, v2  }
0xcc: {  	v15 =	vadd.f32 v48, v43;
	v52 =	vmul.f32 v24, v20;
	v24 =	vsub.f32 $1.500000000e+00, v50  }
0xcd: {  	v58 =	vld [tilespmem:s31+$0x38E0];
	v20 =	vadd.f32 v55, v54;
	v5 =	vadd.f32 v35, v32;
	v56 =	vmax.f32 v1, $0.0e+00  }
0xce: {  	v62 =	vld [tilespmem:s31+$0x38F0];
	v40 =	vshll.u32 v27, $0x10;
	v25 =	vadd.f32 v15, v25;
	v57 =	vmul.f32 v52, v38  }
0xcf: {  	[tilespmem:$0x1FC60] =	vst v48;
	v48 =	vld [tilespmem:s31+$0x8920];
	v17 =	vadd.f32 v56, v47;
	v61 =	vmul.f32 v45, v24;
	v42 =	vmul.f32 v40, v3  }
0xd0: {  	v63 =	vmul.f32 v15, v15;
	v38 =	vand.u32 $0xFFFF0000, v26;
	v45 =	vld [tilespmem:s31+$0x6120];
	v1 =	vadd.f32 v60, v57  }
0xd1: {  	v34 =	vadd.f32 v17, v25;
	v16 =	vmul.f32 v61, v18;
	v25 =	vld [tilespmem:s31+$0x1110];
	v47 =	vand.u32 $0x7FFFFFFF, v42  }
0xd2: {  	v51 =	vld [tilespmem:s31+$0x1120];
	v43 =	vadd.f32 v63, v20;
	v44 =	vmul.f32 v17, v17;
	v49 =	vshrl.u32 v47, $0x1  }
0xd3: {  	v50 =	vmul.f32 $5.000000000e-01, v47;
	v24 =	vmax.f32 v1, $0.0e+00;
	v1 =	vadd.f32 v38, v16  }
0xd4: {  	v38 =	vsub.f32 v0, v14;
	v52 =	vsub.s32 $0x5F3759DF, v49;
	[tilespmem:$0x1FC90] =	vst v24;
	v24 =	vadd.f32 v24, v58  }
0xd5: {  	v53 =	vmul.f32 v52, v50;
	v26 =	vmax.f32 v1, $0.0e+00;
	v1 =	vadd.f32 v48, v45  }
0xd6: {  	v46 =	vadd.f32 v24, v34;
	[tilespmem:$0x1FCA0] =	vst v26;
	v0 =	vadd.f32 v26, v62;
	v26 =	vshll.u32 v25, $0x10  }
0xd7: {  	[tilespmem:$0x1FC50] =	vst v28;
	v54 =	vmul.f32 v24, v24;
	v5 =	vmul.f32 v26, v5;
	v26 =	vshll.u32 v51, $0x10  }
0xd8: {  	[tilespmem:$0x1FC70] =	vst v56;
	v3 =	vadd.f32 v44, v43;
	v4 =	vmul.f32 v52, v53;
	v1 =	vmul.f32 v26, v1;
	v26 =	vld [tilespmem:s31+$0x6130]  }
0xd9: {  	v60 =	vand.u32 $0xFFFF0000, v27;
	v37 =	vand.u32 $0xFFFF0000, v25;
	v22 =	vadd.f32 v0, v46;
	v29 =	vld [tilespmem:s31+$0x8930]  }
0xda: {  	v4 =	vsub.f32 $1.500000000e+00, v4;
	v3 =	vadd.f32 v54, v3;
	v32 =	vld [tilespmem:s31+$0x1130];
	v55 =	vand.u32 $0x7FFFFFFF, v5  }
0xdb: {  	v27 =	vld [tilespmem:s31+$0x3900];
	v56 =	vshrl.u32 v55, $0x1;
	v23 =	vmul.f32 $5.000000000e-01, v55;
	v28 =	vperm.xlane v22, v59  }
0xdc: {  	v61 =	vld [tilespmem:$0x1FFE0];
	v4 =	vmul.f32 v52, v4;
	v58 =	vand.u32 $0x7FFFFFFF, v1;
	v20 =	vsub.s32 $0x5F3759DF, v56  }
0xdd: {  	v36 =	vld [tilespmem:s31+$0x3910];
	v31 =	vshrl.u32 v58, $0x1;
	v21 =	vmul.f32 $5.000000000e-01, v58;
	v23 =	vmul.f32 v20, v23  }
0xde: {  	v25 =	vld [tilespmem:s31+$0x1140];
	v22 =	vadd.f32 v22, v28;
	v2 =	vmul.f32 v4, v42;
	v28 =	vsub.s32 $0x5F3759DF, v31  }
0xdf: {  	v57 =	vmul.f32 v0, v0;
	v43 =	vld [tilespmem:s31+$0x6150];
	v21 =	vmul.f32 v28, v21;
	v34 =	vadd.f32 v29, v26  }
0xe0: {  	v46 =	vld [tilespmem:s31+$0x8950];
	v26 =	vshll.u32 v32, $0x10;
	v23 =	vmul.f32 v20, v23;
	v2 =	vadd.f32 v60, v2  }
0xe1: {  	v47 =	vld [tilespmem:$0x1FFE0];
	v3 =	vadd.f32 v57, v3;
	v63 =	vmul.f32 v28, v21;
	v21 =	vmul.f32 v26, v34  }
0xe2: {  	v44 =	vand.u32 $0xFFFF0000, v51;
	v50 =	vld [tilespmem:s31+$0x6170];
	v23 =	vsub.f32 $1.500000000e+00, v23;
	v31 =	vmax.f32 v2, $0.0e+00  }
0xe3: {  	v35 =	vperm.xlane v3, v59;
	v26 =	vld [tilespmem:s31+$0x6140];
	v4 =	vadd.f32 v31, v27;
	v40 =	vand.u32 $0x7FFFFFFF, v21  }
0xe4: {  	[tilespmem:$0x1FCB0] =	vst v31;
	v31 =	vld [tilespmem:s31+$0x8940];
	v62 =	vmul.f32 v20, v23;
	v27 =	vshrl.u32 v40, $0x1;
	v23 =	vmul.f32 $5.000000000e-01, v40  }
0xe5: {  	v52 =	vld [tilespmem:s31+$0x8970];
	v16 =	vperm.xlane v22, v61;
	v20 =	vsub.f32 $1.500000000e+00, v63;
	v42 =	vsub.s32 $0x5F3759DF, v27  }
0xe6: {  	v29 =	vld [tilespmem:s31+$0x3920];
	v3 =	vadd.f32 v3, v35;
	v5 =	vmul.f32 v62, v5;
	v45 =	vmul.f32 v42, v23  }
0xe7: {  	v32 =	vand.u32 $0xFFFF0000, v32;
	v16 =	vadd.f32 v22, v16;
	v2 =	vld [tilespmem:s31+$0x1150];
	v20 =	vmul.f32 v28, v20  }
0xe8: {  	v35 =	vld [tilespmem:s31+$0x1160];
	v22 =	vperm.xlane v3, v47;
	v5 =	vadd.f32 v37, v5;
	v18 =	vmul.f32 v42, v45  }
0xe9: {  	v28 =	vadd.f32 $0.0e+00, v4;
	v1 =	vmul.f32 v20, v1;
	v49 =	vadd.f32 v31, v26;
	v26 =	vld [tilespmem:s31+$0x6160]  }
0xea: {  	v31 =	vld [tilespmem:s31+$0x8960];
	v20 =	vadd.f32 v46, v43;
	v34 =	vmax.f32 v5, $0.0e+00;
	v18 =	vsub.f32 $1.500000000e+00, v18  }
0xeb: {  	v48 =	vmul.f32 v4, v4;
	v1 =	vadd.f32 v44, v1;
	v27 =	vadd.f32 v34, v36  }
0xec: {  	v23 =	vadd.f32 v52, v50;
	v51 =	vshll.u32 v2, $0x10;
	v5 =	vmul.f32 v42, v18  }
0xed: {  	[tilespmem:$0x1FCC0] =	vst v34;
	v18 =	vmul.f32 v51, v20;
	v34 =	vadd.f32 v27, v28;
	v28 =	vmax.f32 v1, $0.0e+00  }
0xee: {  	v42 =	vshll.u32 v35, $0x10;
	[tilespmem:$0x1FCD0] =	vst v28;
	v28 =	vadd.f32 v28, v29;
	v29 =	vshll.u32 v25, $0x10  }
0xef: {  	v36 =	vmul.f32 v27, v27;
	v26 =	vadd.f32 v31, v26;
	v1 =	vmul.f32 v29, v49  }
0xf0: {  	v20 =	vld [tilespmem:s31+$0x1170];
	v5 =	vmul.f32 v5, v21;
	v40 =	vand.u32 $0x7FFFFFFF, v18;
	v25 =	vand.u32 $0xFFFF0000, v25  }
0xf1: {  	v60 =	vmovc v33;
	v33 =	vadd.f32 v36, v48;
	v55 =	vshrl.u32 v40, $0x1;
	v37 =	vand.u32 $0x7FFFFFFF, v1  }
0xf2: {  	v40 =	vmul.f32 $5.000000000e-01, v40;
	v54 =	vshrl.u32 v37, $0x1;
	v37 =	vmul.f32 $5.000000000e-01, v37  }
0xf3: {  	v26 =	vmul.f32 v42, v26;
	v29 =	vadd.f32 v28, v34;
	v21 =	vsub.s32 $0x5F3759DF, v54  }
0xf4: {  	v53 =	vmul.f32 v28, v28;
	v56 =	vsub.s32 $0x5F3759DF, v55;
	v31 =	vmul.f32 v21, v37  }
0xf5: {  	v5 =	vadd.f32 v32, v5;
	v57 =	vshll.u32 v20, $0x10;
	v40 =	vmul.f32 v56, v40  }
0xf6: {  	v42 =	vand.u32 $0x7FFFFFFF, v26;
	v23 =	vmul.f32 v57, v23;
	v31 =	vmul.f32 v21, v31  }
0xf7: {  	v61 =	vld [tilespmem:s31+$0x3930];
	v58 =	vshrl.u32 v42, $0x1;
	v42 =	vmul.f32 $5.000000000e-01, v42;
	v40 =	vmul.f32 v56, v40  }
0xf8: {  	v37 =	vsub.s32 $0x5F3759DF, v58;
	v43 =	vand.u32 $0x7FFFFFFF, v23;
	v31 =	vsub.f32 $1.500000000e+00, v31  }
0xf9: {  	v42 =	vmul.f32 v37, v42;
	v44 =	vshrl.u32 v43, $0x1;
	v43 =	vmul.f32 $5.000000000e-01, v43  }
0xfa: {  	v40 =	vsub.f32 $1.500000000e+00, v40;
	v21 =	vmul.f32 v21, v31;
	v31 =	vsub.s32 $0x5F3759DF, v44  }
0xfb: {  	v47 =	vmax.f32 v5, $0.0e+00;
	v42 =	vmul.f32 v37, v42;
	v43 =	vmul.f32 v31, v43  }
0xfc: {  	v34 =	vadd.f32 v47, v61;
	v63 =	vmul.f32 v56, v40;
	v1 =	vmul.f32 v21, v1  }
0xfd: {  	v62 =	vld [tilespmem:s31+$0x3940];
	v33 =	vadd.f32 v53, v33;
	v45 =	vsub.f32 $1.500000000e+00, v42;
	v46 =	vmul.f32 v31, v43  }
0xfe: {  	v48 =	vmul.f32 v63, v18;
	v63 =	vmul.f32 v34, v34;
	v1 =	vadd.f32 v25, v1  }
0xff: {  	v3 =	vadd.f32 v3, v22;
	v49 =	vld [tilespmem:s31+$0x3950];
	v25 =	vmul.f32 v37, v45;
	v50 =	vsub.f32 $1.500000000e+00, v46  }
0x100: {  	v52 =	vand.u32 $0xFFFF0000, v2;
	v42 =	vadd.f32 v63, v33;
	v51 =	vmax.f32 v1, $0.0e+00  }
0x101: {  	v54 =	vld [tilespmem:s31+$0x3960];
	v1 =	vadd.f32 v52, v48;
	v53 =	vmul.f32 v25, v26;
	v25 =	vmul.f32 v31, v50  }
0x102: {  	v55 =	vand.u32 $0xFFFF0000, v35;
	v37 =	vld [tilespmem:$0x1FFF0];
	v26 =	vadd.f32 v34, v29;
	v29 =	vadd.f32 v51, v62  }
0x103: {  	v58 =	vld [tilespmem:s31+$0x3970];
	v31 =	vmax.f32 v1, $0.0e+00;
	v56 =	vadd.f32 v55, v53;
	v57 =	vmul.f32 v25, v23  }
0x104: {  	v62 =	vand.u32 $0xFFFF0000, v20;
	v61 =	vadd.f32 v29, v26;
	v35 =	vadd.f32 v31, v49  }
0x105: {  	v22 =	vld [tilespmem:s31+$0x1190];
	v44 =	vmul.f32 v29, v29;
	v25 =	vmax.f32 v56, $0.0e+00;
	v32 =	vadd.f32 v62, v57  }
0x106: {  	[tilespmem:$0x1FCE0] =	vst v47;
	v47 =	vld [tilespmem:$0x1FFF0];
	v40 =	vadd.f32 v35, v61;
	v36 =	vadd.f32 v25, v54  }
0x107: {  	v46 =	vld [tilespmem:s31+$0x6180];
	v2 =	vperm.xlane v16, v37;
	v5 =	vadd.f32 v44, v42;
	v43 =	vmax.f32 v32, $0.0e+00  }
0x108: {  	v48 =	vld [tilespmem:s31+$0x8980];
	v49 =	vmul.f32 v35, v35;
	v45 =	vadd.f32 v36, v40;
	v37 =	vadd.f32 v43, v58  }
0x109: {  	v18 =	vsub.f32 v11, v14;
	v52 =	vld [tilespmem:s31+$0x6190]  }
0x10a: {  	v1 =	vld [tilespmem:s31+$0x1180];
	[tilespmem:$0x1FD10] =	vst v25;
	v5 =	vadd.f32 v49, v5;
	v25 =	vmul.f32 v36, v36;
	v50 =	vadd.f32 v37, v45  }
0x10b: {  	v11 =	vperm.xlane v3, v47;
	v33 =	vsub.f32 v13, v14;
	v2 =	vadd.f32 v16, v2;
	v57 =	vld [tilespmem:$0x1FFE0]  }
0x10c: {  	[tilespmem:$0x1FD00] =	vst v31;
	v31 =	vld [tilespmem:s31+$0x8990];
	v5 =	vadd.f32 v25, v5;
	v25 =	vmul.f32 v37, v37;
	v26 =	vperm.xlane v50, v59  }
0x10d: {  	v3 =	vadd.f32 v3, v11;
	v21 =	vld [tilespmem:s31+$0x11A0];
	[tilespmem:$0x1FCF0] =	vst v51;
	v16 =	vsub.f32 v12, v14;
	v51 =	vperm.xlane v2, v60  }
0x10e: {  	v54 =	vld [tilespmem:s31+$0x61A0];
	v56 =	vadd.f32 v25, v5;
	v20 =	vadd.f32 v50, v26  }
0x10f: {  	v53 =	vperm.xlane v3, v60;
	v55 =	vadd.f32 v48, v46;
	v2 =	vadd.f32 v2, v51;
	v26 =	vld [tilespmem:s31+$0x89A0]  }
0x110: {  	v58 =	vshll.u32 v1, $0x10;
	v61 =	vperm.xlane v56, v59;
	v25 =	vperm.xlane v20, v57  }
0x111: {  	v11 =	vadd.f32 v31, v52;
	v5 =	vmul.f32 $7.812500000e-03, v2;
	v2 =	vmul.f32 v58, v55  }
0x112: {  	v63 =	vadd.f32 v56, v61;
	v56 =	vld [tilespmem:$0x1FFE0];
	v12 =	vadd.f32 v20, v25;
	v25 =	vshll.u32 v22, $0x10  }
0x113: {  	v3 =	vadd.f32 v3, v53;
	v31 =	vand.u32 $0x7FFFFFFF, v2;
	v32 =	vmul.f32 v25, v11  }
0x114: {  	v45 =	vshll.u32 v21, $0x10;
	v44 =	vshrl.u32 v31, $0x1;
	v62 =	vadd.f32 v26, v54  }
0x115: {  	v52 =	vld [tilespmem:s31+$0x61B0];
	v20 =	vsub.s32 $0x5F3759DF, v44;
	v25 =	vmul.f32 $5.000000000e-01, v31;
	v26 =	vand.u32 $0x7FFFFFFF, v32  }
0x116: {  	v58 =	vld [tilespmem:$0x1FFF0];
	v31 =	vmul.f32 v45, v62;
	v46 =	vshrl.u32 v26, $0x1;
	v47 =	vmul.f32 $5.000000000e-01, v26  }
0x117: {  	v25 =	vmul.f32 v20, v25;
	v45 =	vld [tilespmem:s31+$0x89B0];
	v57 =	vperm.xlane v63, v56;
	v26 =	vsub.s32 $0x5F3759DF, v46  }
0x118: {  	v23 =	vsub.f32 v9, v14;
	v3 =	vmul.f32 $7.812500000e-03, v3;
	v46 =	vld [tilespmem:s31+$0x11B0];
	v49 =	vmul.f32 v26, v47  }
0x119: {  	v48 =	vand.u32 $0x7FFFFFFF, v31;
	v51 =	vmul.f32 v20, v25;
	v61 =	vadd.f32 v63, v57;
	v63 =	vld [tilespmem:s31+$0x89C0]  }
0x11a: {  	v50 =	vshrl.u32 v48, $0x1;
	v11 =	vmul.f32 $5.000000000e-01, v48;
	v48 =	vld [tilespmem:s31+$0x61C0];
	v53 =	vmul.f32 v26, v49  }
0x11b: {  	[tilespmem:$0x1FD20] =	vst v43;
	v1 =	vand.u32 $0xFFFF0000, v1;
	v55 =	vmul.f32 v5, v5;
	v43 =	vsub.s32 $0x5F3759DF, v50;
	v50 =	vld [tilespmem:s31+$0x89D0]  }
0x11c: {  	v42 =	vsub.f32 $1.500000000e+00, v51;
	v51 =	vand.u32 $0xFFFF0000, v22;
	v22 =	vld [tilespmem:s31+$0x11D0];
	v9 =	vsub.f32 $1.500000000e+00, v53  }
0x11d: {  	v25 =	vsub.f32 v10, v14;
	v47 =	vperm.xlane v12, v58;
	v54 =	vmul.f32 v43, v11;
	v49 =	vld [tilespmem:s31+$0x61D0]  }
0x11e: {  	v11 =	vsub.f32 v3, v55;
	v42 =	vmul.f32 v20, v42;
	v9 =	vmul.f32 v26, v9;
	v26 =	vld [tilespmem:$0x1FFF0]  }
0x11f: {  	v21 =	vand.u32 $0xFFFF0000, v21;
	v40 =	vadd.f32 v12, v47;
	v45 =	vadd.f32 v45, v52;
	v20 =	vld [tilespmem:s31+$0x11C0]  }
0x120: {  	v62 =	vmul.f32 v43, v54;
	v11 =	vmax.f32 v11, $0.0e+00;
	v2 =	vmul.f32 v42, v2  }
0x121: {  	v47 =	vshll.u32 v46, $0x10;
	v13 =	vadd.f32 v63, v48;
	v11 =	vadd.f32 $9.999999740e-06, v11  }
0x122: {  	v10 =	vsub.f32 $1.500000000e+00, v62;
	v62 =	vshll.u32 v22, $0x10;
	v1 =	vadd.f32 v1, v2  }
0x123: {  	v54 =	vld [tilespmem:s31+$0x3980];
	v12 =	vadd.f32 v50, v49;
	v9 =	vmul.f32 v9, v32;
	v26 =	vperm.xlane v61, v26  }
0x124: {  	v10 =	vmul.f32 v43, v10;
	v53 =	vshll.u32 v20, $0x10;
	v20 =	vand.u32 $0xFFFF0000, v20  }
0x125: {  	v43 =	vperm.xlane v40, v60;
	v3 =	vadd.f32 v61, v26;
	v26 =	vmul.f32 v47, v45  }
0x126: {  	v56 =	vmax.f32 v1, $0.0e+00;
	v42 =	vmul.f32 v62, v12;
	v10 =	vmul.f32 v10, v31  }
0x127: {  	v52 =	vadd.f32 v51, v9;
	v9 =	vmul.f32 v53, v13;
	v55 =	vand.u32 $0x7FFFFFFF, v26  }
0x128: {  	v63 =	vld [tilespmem:s31+$0x39A0];
	v12 =	vadd.f32 v56, v54;
	v10 =	vadd.f32 v21, v10;
	v31 =	vshrl.u32 v55, $0x1  }
0x129: {  	v58 =	vand.u32 $0x7FFFFFFF, v9;
	v14 =	vmul.f32 $5.000000000e-01, v55;
	v21 =	vsub.s32 $0x5F3759DF, v31;
	v31 =	vld [tilespmem:s31+$0x3990]  }
0x12a: {  	v48 =	vld [tilespmem:s31+$0x11F0];
	v54 =	vand.u32 $0x7FFFFFFF, v42;
	v50 =	vmax.f32 v52, $0.0e+00;
	v61 =	vshrl.u32 v58, $0x1  }
0x12b: {  	v52 =	vld [tilespmem:s31+$0x61E0];
	v32 =	vsub.s32 $0x5F3759DF, v61;
	v57 =	vmul.f32 v21, v14;
	v14 =	vmul.f32 $5.000000000e-01, v58  }
0x12c: {  	v53 =	vmax.f32 v10, $0.0e+00;
	v10 =	vshrl.u32 v54, $0x1;
	v61 =	vld [tilespmem:s31+$0x61F0];
	v55 =	vmul.f32 $5.000000000e-01, v54  }
0x12d: {  	v1 =	vmul.f32 v21, v57;
	v51 =	vmul.f32 v32, v14;
	v14 =	vadd.f32 v53, v63;
	v63 =	vld [tilespmem:s31+$0x89F0]  }
0x12e: {  	v40 =	vadd.f32 v40, v43;
	v47 =	vld [tilespmem:s31+$0x11E0];
	v10 =	vsub.s32 $0x5F3759DF, v10;
	v13 =	vadd.f32 v50, v31  }
0x12f: {  	v58 =	vmul.f32 v10, v55;
	v31 =	vld [tilespmem:s31+$0x89E0];
	v1 =	vsub.f32 $1.500000000e+00, v1;
	v2 =	vmul.f32 v32, v51  }
0x130: {  	[tilespmem:$0x1FD30] =	vst v56;
	v43 =	vsub.f32 v0, v5;
	v56 =	vmul.f32 v12, v12;
	v49 =	vmul.f32 v13, v13  }
0x131: {  	v2 =	vsub.f32 $1.500000000e+00, v2;
	v1 =	vmul.f32 v21, v1;
	v21 =	vmul.f32 v10, v58  }
0x132: {  	v62 =	vmul.f32 v14, v14;
	v51 =	vadd.f32 v63, v61;
	v57 =	vadd.f32 v49, v56  }
0x133: {  	v2 =	vmul.f32 v32, v2;
	v1 =	vmul.f32 v1, v26;
	v21 =	vsub.f32 $1.500000000e+00, v21  }
0x134: {  	v26 =	vshll.u32 v47, $0x10;
	v31 =	vadd.f32 v31, v52;
	v52 =	vshll.u32 v48, $0x10  }
0x135: {  	[tilespmem:$0x1FD50] =	vst v53;
	v53 =	vld [tilespmem:s31+$0x39C0];
	v32 =	vadd.f32 v62, v57;
	v2 =	vmul.f32 v2, v9;
	v10 =	vmul.f32 v10, v21  }
0x136: {  	[tilespmem:$0x1FD40] =	vst v50;
	v50 =	vld [tilespmem:s31+$0x39B0];
	v44 =	vmul.f32 v52, v51;
	v49 =	vmul.f32 v26, v31;
	v26 =	vand.u32 $0xFFFF0000, v46  }
0x137: {  	v55 =	vand.u32 $0xFFFF0000, v22;
	v1 =	vadd.f32 v26, v1;
	v2 =	vadd.f32 v20, v2  }
0x138: {  	v10 =	vmul.f32 v10, v42;
	v62 =	vand.u32 $0x7FFFFFFF, v44;
	v26 =	vand.u32 $0x7FFFFFFF, v49  }
0x139: {  	v22 =	vmul.f32 $5.000000000e-01, v62;
	v31 =	vshrl.u32 v26, $0x1;
	v26 =	vmul.f32 $5.000000000e-01, v26  }
0x13a: {  	v54 =	vmax.f32 v1, $0.0e+00;
	v1 =	vadd.f32 v55, v10;
	v57 =	vmax.f32 v2, $0.0e+00  }
0x13b: {  	v55 =	vld [tilespmem:s31+$0x8A10];
	v31 =	vsub.s32 $0x5F3759DF, v31;
	v20 =	vadd.f32 v54, v50;
	v21 =	vadd.f32 v57, v53  }
0x13c: {  	v53 =	vld [tilespmem:s31+$0x6210];
	v56 =	vmul.f32 v31, v26;
	v26 =	vshrl.u32 v62, $0x1;
	v62 =	vadd.f32 $0.0e+00, v12  }
0x13d: {  	[tilespmem:$0x1FD70] =	vst v57;
	v57 =	vsub.f32 v17, v5;
	v42 =	vmul.f32 v20, v20;
	v26 =	vsub.s32 $0x5F3759DF, v26  }
0x13e: {  	v58 =	vmul.f32 v31, v56;
	v56 =	vsub.f32 v15, v5;
	v0 =	vadd.f32 v13, v62  }
0x13f: {  	v63 =	vmul.f32 v26, v22;
	v32 =	vadd.f32 v42, v32;
	v42 =	vsub.f32 v30, v5  }
0x140: {  	v61 =	vld [tilespmem:s31+$0x39D0];
	v45 =	vmul.f32 v21, v21;
	v30 =	vsub.f32 v8, v5;
	v2 =	vsub.f32 $1.500000000e+00, v58  }
0x141: {  	v46 =	vmul.f32 v26, v63;
	v8 =	vadd.f32 v55, v53;
	v0 =	vadd.f32 v14, v0  }
0x142: {  	v2 =	vmul.f32 v31, v2;
	v31 =	vmax.f32 v1, $0.0e+00;
	v1 =	vadd.f32 v45, v32  }
0x143: {  	v48 =	vand.u32 $0xFFFF0000, v48;
	v9 =	vld [tilespmem:s31+$0x6200];
	v10 =	vsub.f32 $1.500000000e+00, v46;
	v32 =	vsub.f32 v7, v5  }
0x144: {  	v63 =	vld [tilespmem:s31+$0x8A20];
	v7 =	vmul.f32 $7.812500000e-03, v40;
	v45 =	vsub.f32 v24, v5;
	v0 =	vadd.f32 v20, v0  }
0x145: {  	v46 =	vld [tilespmem:s31+$0x1200];
	[tilespmem:$0x1FD80] =	vst v31;
	v22 =	vadd.f32 v31, v61;
	v31 =	vand.u32 $0xFFFF0000, v47;
	v2 =	vmul.f32 v2, v49  }
0x146: {  	[tilespmem:$0x1FD60] =	vst v54;
	v10 =	vmul.f32 v26, v10;
	v26 =	vld [tilespmem:s31+$0x8A00];
	v4 =	vsub.f32 v4, v7;
	v54 =	vsub.f32 v28, v7  }
0x147: {  	v61 =	vld [tilespmem:s31+$0x6220];
	v49 =	vperm.xlane v3, v60;
	v0 =	vadd.f32 v21, v0;
	v17 =	vsub.f32 v29, v7  }
0x148: {  	v50 =	vld [tilespmem:s31+$0x39E0];
	v58 =	vmul.f32 v7, v7;
	v40 =	vsub.f32 v35, v7;
	v2 =	vadd.f32 v31, v2  }
0x149: {  	v51 =	vmul.f32 v22, v22;
	v3 =	vadd.f32 v3, v49;
	v31 =	vsub.f32 v6, v5  }
0x14a: {  	v44 =	vmul.f32 v10, v44;
	v0 =	vadd.f32 v22, v0;
	v52 =	vmax.f32 v2, $0.0e+00;
	v2 =	vld [tilespmem:s31+$0x1210]  }
0x14b: {  	v1 =	vadd.f32 v51, v1;
	v49 =	vshll.u32 v46, $0x10;
	v9 =	vadd.f32 v26, v9  }
0x14c: {  	v3 =	vmul.f32 $7.812500000e-03, v3;
	v10 =	vadd.f32 v63, v61;
	v61 =	vsub.f32 v34, v7  }
0x14d: {  	[tilespmem:$0x1FD90] =	vst v52;
	v50 =	vadd.f32 v52, v50;
	v52 =	vsub.f32 v27, v7;
	v9 =	vmul.f32 v49, v9  }
0x14e: {  	[tilespmem:$0x1FA60] =	vst v54;
	v54 =	vand.u32 $0xFFFF0000, v46;
	v5 =	vsub.f32 v3, v58;
	v3 =	vadd.f32 v48, v44  }
0x14f: {  	v58 =	vld [tilespmem:s31+$0x39F0];
	v24 =	vmul.f32 v50, v50;
	v51 =	vshll.u32 v2, $0x10;
	v53 =	vand.u32 $0x7FFFFFFF, v9  }
0x150: {  	[tilespmem:$0x1FA40] =	vst v4;
	v27 =	vld [tilespmem:s31+$0x1220];
	v8 =	vmul.f32 v51, v8;
	v55 =	vshrl.u32 v53, $0x1;
	v4 =	vmul.f32 $5.000000000e-01, v53  }
0x151: {  	v44 =	vsub.f32 v36, v7;
	v0 =	vadd.f32 v50, v0;
	v15 =	vsub.s32 $0x5F3759DF, v55  }
0x152: {  	v1 =	vadd.f32 v24, v1;
	v24 =	vand.u32 $0x7FFFFFFF, v8;
	v4 =	vmul.f32 v15, v4  }
0x153: {  	v62 =	vmax.f32 v3, $0.0e+00;
	v26 =	vshrl.u32 v24, $0x1;
	v24 =	vmul.f32 $5.000000000e-01, v24  }
0x154: {  	v26 =	vsub.s32 $0x5F3759DF, v26;
	v63 =	vmul.f32 v15, v4;
	v4 =	vadd.f32 v62, v58  }
0x155: {  	v36 =	vld [tilespmem:s31+$0x6240];
	v49 =	vsub.f32 v37, v7;
	v28 =	vshll.u32 v27, $0x10;
	v24 =	vmul.f32 v26, v24  }
0x156: {  	v5 =	vmax.f32 v5, $0.0e+00;
	v10 =	vmul.f32 v28, v10;
	v28 =	vld [tilespmem:s31+$0x6230];
	v0 =	vadd.f32 v4, v0  }
0x157: {  	[tilespmem:$0x1FDA0] =	vst v62;
	v2 =	vand.u32 $0xFFFF0000, v2;
	v62 =	vld [tilespmem:s31+$0x8A30];
	v3 =	vsub.f32 $1.500000000e+00, v63;
	v34 =	vmul.f32 v26, v24  }
0x158: {  	v27 =	vand.u32 $0xFFFF0000, v27;
	v58 =	vld [tilespmem:$0x1FFE0];
	v48 =	vmul.f32 v4, v4;
	v24 =	vperm.xlane v0, v59  }
0x159: {  	[tilespmem:$0x1FA80] =	vst v17;
	v37 =	vld [tilespmem:s31+$0x8A40];
	v55 =	vand.u32 $0x7FFFFFFF, v10;
	v3 =	vmul.f32 v15, v3;
	v47 =	vsub.f32 $1.500000000e+00, v34  }
0x15a: {  	[tilespmem:$0x1FA50] =	vst v52;
	v52 =	vld [tilespmem:s31+$0x3A00];
	v17 =	vmul.f32 $5.000000000e-01, v55;
	v1 =	vadd.f32 v48, v1;
	v0 =	vadd.f32 v0, v24  }
0x15b: {  	v3 =	vmul.f32 v3, v9;
	v24 =	vld [tilespmem:s31+$0x1230];
	v51 =	vmul.f32 v26, v47;
	v26 =	vshrl.u32 v55, $0x1  }
0x15c: {  	[tilespmem:$0x1FA70] =	vst v61;
	v46 =	vadd.f32 v62, v28;
	v61 =	vperm.xlane v1, v59;
	v47 =	vld [tilespmem:$0x1FFE0];
	v29 =	vsub.s32 $0x5F3759DF, v26  }
0x15d: {  	v53 =	vld [tilespmem:s31+$0x3A10];
	v26 =	vperm.xlane v0, v58;
	v3 =	vadd.f32 v54, v3;
	v7 =	vmul.f32 v51, v8  }
0x15e: {  	[tilespmem:$0x1FAB0] =	vst v44;
	v1 =	vadd.f32 v1, v61;
	v63 =	vmul.f32 v29, v17;
	v8 =	vadd.f32 v37, v36  }
0x15f: {  	[tilespmem:$0x1FAD0] =	vst v49;
	v0 =	vadd.f32 v0, v26;
	v26 =	vmax.f32 v3, $0.0e+00;
	v3 =	vld [tilespmem:s31+$0x1240];
	v2 =	vadd.f32 v2, v7  }
0x160: {  	[tilespmem:$0x1FDB0] =	vst v26;
	v44 =	vmul.f32 v29, v63;
	v26 =	vadd.f32 v26, v52;
	v49 =	vshll.u32 v24, $0x10  }
0x161: {  	[tilespmem:$0x1FA90] =	vst v40;
	v48 =	vperm.xlane v1, v47;
	v7 =	vmul.f32 v49, v46;
	v40 =	vmax.f32 v2, $0.0e+00  }
0x162: {  	v37 =	vld [tilespmem:s31+$0x1260];
	v6 =	vand.u32 $0xFFFF0000, v24;
	v2 =	vsub.f32 $1.500000000e+00, v44;
	[tilespmem:$0x1FDC0] =	vst v40;
	v40 =	vadd.f32 v40, v53  }
0x163: {  	v15 =	vmul.f32 v26, v26;
	v1 =	vadd.f32 v1, v48;
	v52 =	vand.u32 $0x7FFFFFFF, v7  }
0x164: {  	v2 =	vmul.f32 v29, v2;
	v51 =	vshll.u32 v3, $0x10;
	v28 =	vmul.f32 v40, v40  }
0x165: {  	v49 =	vld [tilespmem:$0x1FFF0];
	v53 =	vmax.f32 v39, $0.0e+00;
	v54 =	vshrl.u32 v52, $0x1;
	v8 =	vmul.f32 v51, v8  }
0x166: {  	v2 =	vmul.f32 v2, v10;
	v10 =	vmul.f32 $5.000000000e-01, v52;
	v9 =	vadd.f32 v28, v15;
	v28 =	vld [tilespmem:s31+$0x3A20]  }
0x167: {  	v47 =	vshll.u32 v37, $0x10;
	v29 =	vsub.s32 $0x5F3759DF, v54;
	v52 =	vld [tilespmem:$0x1FFF0];
	v15 =	vadd.f32 $9.999999740e-06, v53  }
0x168: {  	v63 =	vld [tilespmem:s31+$0x6250];
	v55 =	vand.u32 $0x7FFFFFFF, v8;
	v2 =	vadd.f32 v27, v2;
	v10 =	vmul.f32 v29, v10  }
0x169: {  	v24 =	vld [tilespmem:s31+$0x1270];
	v27 =	vshrl.u32 v55, $0x1;
	v58 =	vmul.f32 $5.000000000e-01, v55;
	v61 =	vshra.s32 v15, $0x1  }
0x16a: {  	v39 =	vld [tilespmem:s31+$0x1250];
	v36 =	vmul.f32 $5.000000000e-01, v15;
	v62 =	vmax.f32 v2, $0.0e+00;
	v2 =	vsub.s32 $0x5F3759DF, v27  }
0x16b: {  	v10 =	vmul.f32 v29, v10;
	v27 =	vmul.f32 v2, v58;
	v17 =	vadd.f32 v62, v28;
	v28 =	vld [tilespmem:s31+$0x8A50]  }
0x16c: {  	v51 =	vperm.xlane v0, v49;
	v48 =	vsub.s32 $0x5F3759DF, v61;
	v53 =	vperm.xlane v1, v52;
	v58 =	vld [tilespmem:s31+$0x6260]  }
0x16d: {  	v54 =	vmul.f32 v48, v36;
	v10 =	vsub.f32 $1.500000000e+00, v10;
	v61 =	vmul.f32 v2, v27;
	v27 =	vld [tilespmem:s31+$0x8A60]  }
0x16e: {  	v3 =	vand.u32 $0xFFFF0000, v3;
	v35 =	vadd.f32 v0, v51;
	v52 =	vshll.u32 v24, $0x10  }
0x16f: {  	v0 =	vadd.f32 v1, v53;
	v10 =	vmul.f32 v29, v10;
	v29 =	vmul.f32 v48, v54  }
0x170: {  	v55 =	vmul.f32 v17, v17;
	v1 =	vsub.f32 $1.500000000e+00, v61;
	v15 =	vadd.f32 v28, v63;
	v28 =	vld [tilespmem:s31+$0x6270]  }
0x171: {  	[tilespmem:$0x1FDD0] =	vst v62;
	v7 =	vmul.f32 v10, v7;
	v62 =	vsub.f32 $1.500000000e+00, v29;
	v29 =	vshll.u32 v39, $0x10;
	v63 =	vld [tilespmem:s31+$0x8A70]  }
0x172: {  	v1 =	vmul.f32 v2, v1;
	v34 =	vadd.f32 v27, v58;
	v2 =	vmul.f32 v29, v15  }
0x173: {  	v9 =	vadd.f32 v55, v9;
	v7 =	vadd.f32 v6, v7;
	v6 =	vand.u32 $0xFFFF0000, v39  }
0x174: {  	v29 =	vmul.f32 v48, v62;
	v27 =	vmul.f32 v47, v34;
	v46 =	vand.u32 $0x7FFFFFFF, v2  }
0x175: {  	v49 =	vld [tilespmem:s31+$0x3A30];
	v1 =	vmul.f32 v1, v8;
	v53 =	vmax.f32 v7, $0.0e+00;
	v48 =	vshrl.u32 v46, $0x1  }
0x176: {  	v8 =	vmul.f32 $5.000000000e-01, v46;
	v28 =	vadd.f32 v63, v28;
	v55 =	vand.u32 $0x7FFFFFFF, v27  }
0x177: {  	v54 =	vld [tilespmem:s31+$0x3A40];
	v1 =	vadd.f32 v3, v1;
	v34 =	vsub.s32 $0x5F3759DF, v48;
	v10 =	vmul.f32 $5.000000000e-01, v55  }
0x178: {  	v51 =	vmul.f32 v34, v8;
	v8 =	vmul.f32 v52, v28;
	v28 =	vshrl.u32 v55, $0x1  }
0x179: {  	v47 =	vand.u32 $0xFFFF0000, v24;
	v58 =	vmax.f32 v1, $0.0e+00;
	v1 =	vsub.s32 $0x5F3759DF, v28  }
0x17a: {  	v15 =	vadd.f32 v53, v49;
	v28 =	vmul.f32 v1, v10;
	v61 =	vand.u32 $0x7FFFFFFF, v8  }
0x17b: {  	v3 =	vmul.f32 v34, v51;
	v62 =	vshrl.u32 v61, $0x1;
	v63 =	vmul.f32 $5.000000000e-01, v61  }
0x17c: {  	v49 =	vadd.f32 v58, v54;
	v51 =	vmul.f32 v1, v28;
	v28 =	vsub.s32 $0x5F3759DF, v62  }
0x17d: {  	v36 =	vmul.f32 v29, v36;
	v3 =	vsub.f32 $1.500000000e+00, v3;
	v52 =	vmul.f32 v28, v63  }
0x17e: {  	[tilespmem:$0x1FDE0] =	vst v53;
	v48 =	vmul.f32 v15, v15;
	v53 =	vmul.f32 v49, v49;
	v7 =	vsub.f32 $1.500000000e+00, v51  }
0x17f: {  	[tilespmem:$0x1FDF0] =	vst v58;
	v54 =	vld [tilespmem:s31+$0x6280];
	v58 =	vadd.f32 $0.0e+00, v26;
	v3 =	vmul.f32 v34, v3;
	v55 =	vmul.f32 v28, v52  }
0x180: {  	v9 =	vadd.f32 v48, v9;
	v61 =	vld [tilespmem:s31+$0x8A80];
	v62 =	vmul.f32 v36, v29;
	v1 =	vmul.f32 v1, v7  }
0x181: {  	v36 =	vld [tilespmem:s31+$0x1280];
	v63 =	vadd.f32 v40, v58;
	v2 =	vmul.f32 v3, v2;
	v3 =	vsub.f32 $1.500000000e+00, v55  }
0x182: {  	v44 =	vadd.f32 v53, v9;
	v7 =	vsub.f32 $1.500000000e+00, v62;
	v1 =	vmul.f32 v1, v27;
	v27 =	vld [tilespmem:s31+$0x3A50]  }
0x183: {  	v9 =	vadd.f32 v17, v63;
	v3 =	vmul.f32 v28, v3;
	v28 =	vand.u32 $0xFFFF0000, v37  }
0x184: {  	v2 =	vadd.f32 v6, v2;
	v29 =	vmul.f32 v7, v29;
	v1 =	vadd.f32 v28, v1;
	v28 =	vld [tilespmem:s31+$0x3A60]  }
0x185: {  	v58 =	vperm.xlane v35, v60;
	v34 =	vadd.f32 v61, v54;
	v37 =	vadd.f32 v15, v9  }
0x186: {  	[tilespmem:$0x1FBD0] =	vst v40;
	v48 =	vld [tilespmem:s31+$0x3A70];
	v40 =	vmul.f32 v29, v41;
	v41 =	vmax.f32 v2, $0.0e+00;
	v3 =	vmul.f32 v3, v8  }
0x187: {  	v39 =	vshll.u32 v36, $0x10;
	v46 =	vadd.f32 v49, v37;
	v62 =	vadd.f32 v41, v27  }
0x188: {  	v34 =	vmul.f32 v39, v34;
	v1 =	vmax.f32 v1, $0.0e+00;
	v3 =	vadd.f32 v47, v3  }
0x189: {  	[tilespmem:$0x1FBC0] =	vst v26;
	v10 =	vld [tilespmem:s31+$0x8AA0];
	v51 =	vmul.f32 v29, v19;
	v2 =	vadd.f32 v62, v46;
	v26 =	vadd.f32 v1, v28  }
0x18a: {  	[tilespmem:$0x1FC20] =	vst v49;
	v52 =	vmul.f32 v29, v18;
	v18 =	vld [tilespmem:s31+$0x1290];
	v49 =	vmul.f32 v29, v38;
	v53 =	vmax.f32 v3, $0.0e+00  }
0x18b: {  	v54 =	vand.u32 $0x7FFFFFFF, v34;
	v38 =	vld [tilespmem:s31+$0x62A0];
	[tilespmem:$0x1FB70] =	vst v51;
	v6 =	vadd.f32 v53, v48;
	v2 =	vadd.f32 v26, v2  }
0x18c: {  	v35 =	vadd.f32 v35, v58;
	v61 =	vmul.f32 v29, v33;
	v55 =	vshrl.u32 v54, $0x1;
	[tilespmem:$0x1FB60] =	vst v49;
	v27 =	vld [tilespmem:s31+$0x8A90]  }
0x18d: {  	v51 =	vperm.xlane v0, v60;
	[tilespmem:$0x1FE10] =	vst v1;
	v49 =	vld [tilespmem:s31+$0x62B0];
	v1 =	vmul.f32 $5.000000000e-01, v54;
	v63 =	vadd.f32 v6, v2  }
0x18e: {  	v58 =	vmul.f32 v29, v25;
	v19 =	vsub.s32 $0x5F3759DF, v55;
	v3 =	vld [tilespmem:s31+$0x6290];
	v24 =	vmul.f32 v62, v62  }
0x18f: {  	[tilespmem:$0x1FB80] =	vst v52;
	v0 =	vadd.f32 v0, v51;
	v28 =	vld [tilespmem:s31+$0x12A0];
	v1 =	vmul.f32 v19, v1;
	v52 =	vperm.xlane v63, v59  }
0x190: {  	v54 =	vmul.f32 v29, v23;
	[tilespmem:$0x1FE20] =	vst v53;
	v53 =	vld [tilespmem:s31+$0x8AB0];
	v24 =	vadd.f32 v24, v44;
	v9 =	vmul.f32 v26, v26  }
0x191: {  	v48 =	vmul.f32 v29, v16;
	v1 =	vmul.f32 v19, v1;
	v25 =	vadd.f32 v63, v52;
	v63 =	vld [tilespmem:$0x1FFE0]  }
0x192: {  	[tilespmem:$0x1FB90] =	vst v61;
	v61 =	vadd.f32 v10, v38;
	v55 =	vmul.f32 v6, v6;
	v24 =	vadd.f32 v9, v24  }
0x193: {  	v47 =	vld [tilespmem:s31+$0x12B0];
	v0 =	vmul.f32 $7.812500000e-03, v0;
	v3 =	vadd.f32 v27, v3;
	v1 =	vsub.f32 $1.500000000e+00, v1  }
0x194: {  	v27 =	vshll.u32 v18, $0x10;
	v18 =	vand.u32 $0xFFFF0000, v18;
	v23 =	vadd.f32 v55, v24  }
0x195: {  	v3 =	vmul.f32 v27, v3;
	v27 =	vshll.u32 v28, $0x10;
	v1 =	vmul.f32 v19, v1  }
0x196: {  	v16 =	vadd.f32 v53, v49;
	v19 =	vmul.f32 v27, v61;
	v24 =	vperm.xlane v25, v63  }
0x197: {  	v9 =	vperm.xlane v23, v59;
	v61 =	vand.u32 $0xFFFF0000, v36;
	v27 =	vmul.f32 v1, v34  }
0x198: {  	v1 =	vmul.f32 $7.812500000e-03, v35;
	v24 =	vadd.f32 v25, v24;
	v25 =	vshll.u32 v47, $0x10  }
0x199: {  	v2 =	vand.u32 $0x7FFFFFFF, v19;
	v16 =	vmul.f32 v25, v16;
	v25 =	vand.u32 $0x7FFFFFFF, v3  }
0x19a: {  	v23 =	vadd.f32 v23, v9;
	v29 =	vshrl.u32 v25, $0x1;
	v25 =	vmul.f32 $5.000000000e-01, v25  }
0x19b: {  	[tilespmem:$0x1FC80] =	vst v6;
	v55 =	vld [tilespmem:$0x1FFE0];
	v6 =	vshrl.u32 v2, $0x1;
	v33 =	vmul.f32 $5.000000000e-01, v2;
	v29 =	vsub.s32 $0x5F3759DF, v29  }
0x19c: {  	v38 =	vld [tilespmem:s31+$0x12C0];
	v34 =	vsub.s32 $0x5F3759DF, v6;
	v7 =	vand.u32 $0x7FFFFFFF, v16;
	v25 =	vmul.f32 v29, v25  }
0x19d: {  	v51 =	vld [tilespmem:$0x1FFF0];
	v33 =	vmul.f32 v34, v33;
	v8 =	vshrl.u32 v7, $0x1;
	v35 =	vmul.f32 $5.000000000e-01, v7  }
0x19e: {  	[tilespmem:$0x1FC10] =	vst v15;
	v15 =	vld [tilespmem:s31+$0x62C0];
	v10 =	vmul.f32 v1, v1;
	v37 =	vsub.s32 $0x5F3759DF, v8;
	v25 =	vmul.f32 v29, v25  }
0x19f: {  	[tilespmem:$0x1FB40] =	vst v40;
	v53 =	vld [tilespmem:s31+$0x8AC0];
	v2 =	vshra.s32 v11, $0x1;
	v33 =	vmul.f32 v34, v33;
	v35 =	vmul.f32 v37, v35  }
0x1a0: {  	[tilespmem:$0x1FBE0] =	vst v58;
	v58 =	vperm.xlane v23, v55;
	v27 =	vadd.f32 v61, v27;
	v25 =	vsub.f32 $1.500000000e+00, v25  }
0x1a1: {  	[tilespmem:$0x1FBB0] =	vst v54;
	v63 =	vshll.u32 v38, $0x10;
	v40 =	vsub.f32 $1.500000000e+00, v33;
	v54 =	vmul.f32 v37, v35  }
0x1a2: {  	[tilespmem:$0x1FE00] =	vst v41;
	v41 =	vld [tilespmem:s31+$0x8AD0];
	v23 =	vadd.f32 v23, v58;
	v52 =	vperm.xlane v24, v51;
	v25 =	vmul.f32 v29, v25  }
0x1a3: {  	v36 =	vld [tilespmem:s31+$0x12D0];
	v33 =	vsub.f32 v0, v10;
	v29 =	vmul.f32 v34, v40;
	v0 =	vsub.f32 $1.500000000e+00, v54  }
0x1a4: {  	v35 =	vmul.f32 $5.000000000e-01, v11;
	v34 =	vld [tilespmem:s31+$0x62D0];
	v3 =	vmul.f32 v25, v3;
	v25 =	vadd.f32 v53, v15  }
0x1a5: {  	v24 =	vadd.f32 v24, v52;
	v19 =	vmul.f32 v29, v19;
	v0 =	vmul.f32 v37, v0;
	v29 =	vld [tilespmem:s31+$0x3A80]  }
0x1a6: {  	v3 =	vadd.f32 v18, v3;
	v18 =	vmul.f32 v63, v25;
	v25 =	vand.u32 $0xFFFF0000, v28;
	v28 =	vld [tilespmem:s31+$0x3A90]  }
0x1a7: {  	v7 =	vmax.f32 v27, $0.0e+00;
	v54 =	vperm.xlane v24, v60;
	v0 =	vmul.f32 v0, v16  }
0x1a8: {  	v16 =	vsub.s32 $0x5F3759DF, v2;
	v19 =	vadd.f32 v25, v19;
	v6 =	vand.u32 $0x7FFFFFFF, v18  }
0x1a9: {  	[tilespmem:$0x1FBA0] =	vst v48;
	v27 =	vld [tilespmem:s31+$0x3AA0];
	v10 =	vmax.f32 v3, $0.0e+00;
	v25 =	vshrl.u32 v6, $0x1;
	v11 =	vmul.f32 $5.000000000e-01, v6  }
0x1aa: {  	[tilespmem:$0x1FE30] =	vst v7;
	v6 =	vadd.f32 v7, v29;
	v48 =	vmax.f32 v19, $0.0e+00;
	v7 =	vadd.f32 v41, v34  }
0x1ab: {  	v34 =	vshll.u32 v36, $0x10;
	v15 =	vsub.s32 $0x5F3759DF, v25;
	v25 =	vld [tilespmem:s31+$0x3AB0];
	v46 =	vadd.f32 v10, v28  }
0x1ac: {  	v28 =	vand.u32 $0xFFFF0000, v47;
	v11 =	vmul.f32 v15, v11;
	v47 =	vld [tilespmem:$0x1FFF0];
	v49 =	vmul.f32 v6, v6  }
0x1ad: {  	v0 =	vadd.f32 v28, v0;
	v28 =	vmul.f32 v16, v35;
	v51 =	vmul.f32 v46, v46  }
0x1ae: {  	[tilespmem:$0x1FE40] =	vst v10;
	v41 =	vsub.f32 v21, v1;
	v10 =	vadd.f32 v48, v27;
	v27 =	vld [tilespmem:s31+$0x12E0];
	v11 =	vmul.f32 v15, v11  }
0x1af: {  	v28 =	vmul.f32 v16, v28;
	v52 =	vmax.f32 v0, $0.0e+00;
	v19 =	vadd.f32 v51, v49  }
0x1b0: {  	v8 =	vadd.f32 v52, v25;
	v11 =	vsub.f32 $1.500000000e+00, v11;
	v25 =	vmul.f32 v10, v10  }
0x1b1: {  	[tilespmem:$0x1FE50] =	vst v48;
	v48 =	vsub.f32 v22, v1;
	v29 =	vperm.xlane v23, v47;
	v28 =	vsub.f32 $1.500000000e+00, v28  }
0x1b2: {  	v58 =	vld [tilespmem:s31+$0x62F0];
	v19 =	vadd.f32 v25, v19;
	v3 =	vmul.f32 v15, v11;
	v61 =	vmul.f32 v8, v8  }
0x1b3: {  	v25 =	vld [tilespmem:s31+$0x8AF0];
	v15 =	vand.u32 $0xFFFF0000, v38;
	v38 =	vshll.u32 v27, $0x10;
	v11 =	vsub.f32 v4, v1  }
0x1b4: {  	v53 =	vld [tilespmem:s31+$0x62E0];
	v27 =	vand.u32 $0xFFFF0000, v27;
	v23 =	vadd.f32 v23, v29;
	v16 =	vmul.f32 v16, v28  }
0x1b5: {  	v29 =	vld [tilespmem:s31+$0x8AE0];
	v28 =	vadd.f32 v24, v54;
	v24 =	vsub.f32 v13, v1;
	v3 =	vmul.f32 v3, v18  }
0x1b6: {  	v19 =	vadd.f32 v61, v19;
	v18 =	vmul.f32 v34, v7;
	v55 =	vperm.xlane v23, v60  }
0x1b7: {  	[tilespmem:$0x1FBF0] =	vst v17;
	v49 =	vld [tilespmem:s31+$0x12F0];
	v7 =	vsub.f32 v12, v1;
	v17 =	vmul.f32 $7.812500000e-03, v28;
	v3 =	vadd.f32 v15, v3  }
0x1b8: {  	v2 =	vmovc v46;
	[tilespmem:$0x1FE90] =	vst v46;
	v46 =	vand.u32 $0x7FFFFFFF, v18;
	v63 =	vadd.f32 v23, v55;
	v39 =	vadd.f32 v25, v58  }
0x1b9: {  	v44 =	vld [tilespmem:s31+$0x3AC0];
	v25 =	vsub.f32 v14, v1;
	v47 =	vshrl.u32 v46, $0x1;
	v14 =	vmul.f32 $5.000000000e-01, v46  }
0x1ba: {  	v46 =	vsub.f32 v50, v1;
	v58 =	vmul.f32 v17, v17;
	v0 =	vadd.f32 v29, v53  }
0x1bb: {  	[tilespmem:$0x1FE60] =	vst v52;
	v50 =	vmul.f32 v16, v35;
	v52 =	vmax.f32 v3, $0.0e+00;
	v3 =	vsub.s32 $0x5F3759DF, v47  }
0x1bc: {  	v40 =	vshll.u32 v49, $0x10;
	v14 =	vmul.f32 v3, v14;
	v38 =	vmul.f32 v38, v0  }
0x1bd: {  	v15 =	vsub.f32 v20, v1;
	v12 =	vmul.f32 v40, v39;
	v21 =	vmul.f32 $7.812500000e-03, v63  }
0x1be: {  	v0 =	vadd.f32 v52, v44;
	v14 =	vmul.f32 v3, v14;
	v51 =	vand.u32 $0x7FFFFFFF, v38  }
0x1bf: {  	v39 =	vsub.f32 v21, v58;
	v21 =	vld [tilespmem:s31+$0x1300];
	v28 =	vshrl.u32 v51, $0x1;
	v22 =	vmul.f32 $5.000000000e-01, v51  }
0x1c0: {  	v61 =	vld [tilespmem:s31+$0x6300];
	v54 =	vand.u32 $0x7FFFFFFF, v12;
	v14 =	vsub.f32 $1.500000000e+00, v14;
	v28 =	vsub.s32 $0x5F3759DF, v28  }
0x1c1: {  	v55 =	vshrl.u32 v54, $0x1;
	v34 =	vmul.f32 v0, v0;
	v51 =	vld [tilespmem:s31+$0x8B00];
	v53 =	vmul.f32 v28, v22  }
0x1c2: {  	v13 =	vsub.s32 $0x5F3759DF, v55;
	v22 =	vmul.f32 $5.000000000e-01, v54;
	v3 =	vmul.f32 v3, v14  }
0x1c3: {  	v19 =	vadd.f32 v34, v19;
	v14 =	vmul.f32 v50, v16;
	v20 =	vmul.f32 v28, v53  }
0x1c4: {  	v50 =	vand.u32 $0xFFFF0000, v49;
	v58 =	vshll.u32 v21, $0x10;
	v22 =	vmul.f32 v13, v22  }
0x1c5: {  	v3 =	vmul.f32 v3, v18;
	v53 =	vadd.f32 $9.999999740e-06, v5;
	v63 =	vsub.f32 $1.500000000e+00, v20  }
0x1c6: {  	v54 =	vadd.f32 v51, v61;
	v61 =	vsub.f32 $1.500000000e+00, v14;
	v44 =	vmul.f32 v13, v22  }
0x1c7: {  	v55 =	vshra.s32 v53, $0x1;
	v9 =	vmul.f32 $5.000000000e-01, v53;
	v47 =	vmul.f32 v28, v63  }
0x1c8: {  	v35 =	vld [tilespmem:s31+$0x8B20];
	v14 =	vsub.s32 $0x5F3759DF, v55;
	v1 =	vsub.f32 $1.500000000e+00, v44;
	v28 =	vand.u32 $0xFFFF0000, v36  }
0x1c9: {  	[tilespmem:$0x1FE70] =	vst v52;
	v63 =	vld [tilespmem:s31+$0x3AD0];
	v23 =	vmul.f32 v14, v9;
	v3 =	vadd.f32 v28, v3;
	v52 =	vmul.f32 v47, v38  }
0x1ca: {  	v40 =	vld [tilespmem:s31+$0x3AE0];
	v21 =	vand.u32 $0xFFFF0000, v21;
	v1 =	vmul.f32 v13, v1;
	v13 =	vmul.f32 v58, v54  }
0x1cb: {  	[tilespmem:$0x1FB50] =	vst v41;
	v51 =	vld [tilespmem:s31+$0x6310];
	v4 =	vmul.f32 v61, v16;
	v41 =	vmul.f32 v14, v23;
	v44 =	vmax.f32 v3, $0.0e+00  }
0x1cc: {  	v54 =	vld [tilespmem:s31+$0x8B10];
	v34 =	vadd.f32 v27, v52;
	v1 =	vmul.f32 v1, v12;
	v28 =	vand.u32 $0x7FFFFFFF, v13  }
0x1cd: {  	v36 =	vld [tilespmem:s31+$0x1310];
	v12 =	vsub.f32 $1.500000000e+00, v41;
	v47 =	vshrl.u32 v28, $0x1;
	v28 =	vmul.f32 $5.000000000e-01, v28  }
0x1ce: {  	v27 =	vld [tilespmem:s31+$0x3AF0];
	v5 =	vadd.f32 v44, v63;
	v3 =	vsub.s32 $0x5F3759DF, v47;
	v1 =	vadd.f32 v50, v1  }
0x1cf: {  	v58 =	vld [tilespmem:s31+$0x6320];
	v52 =	vmax.f32 v34, $0.0e+00;
	v34 =	vadd.f32 $0.0e+00, v6;
	v12 =	vmul.f32 v14, v12  }
0x1d0: {  	v53 =	vmul.f32 v3, v28;
	v20 =	vadd.f32 v52, v40;
	v55 =	vmul.f32 v5, v5  }
0x1d1: {  	v49 =	vadd.f32 v54, v51;
	v28 =	vmul.f32 v4, v45;
	v61 =	vmax.f32 v1, $0.0e+00  }
0x1d2: {  	v51 =	vld [tilespmem:s31+$0x6330];
	v40 =	vadd.f32 v2, v34;
	v9 =	vmul.f32 v12, v9;
	v63 =	vmul.f32 v3, v53  }
0x1d3: {  	[tilespmem:$0x1FE80] =	vst v6;
	v54 =	vld [tilespmem:s31+$0x8B30];
	v18 =	vadd.f32 v55, v19;
	v6 =	vadd.f32 v61, v27;
	v37 =	vmul.f32 v20, v20  }
0x1d4: {  	[tilespmem:$0x1FEE0] =	vst v61;
	v53 =	vshll.u32 v36, $0x10;
	v55 =	vadd.f32 v35, v58;
	v61 =	vmax.f32 v33, $0.0e+00  }
0x1d5: {  	[tilespmem:$0x1FEC0] =	vst v52;
	v36 =	vand.u32 $0xFFFF0000, v36;
	v52 =	vadd.f32 v10, v40;
	v14 =	vmul.f32 v53, v49  }
0x1d6: {  	v27 =	vld [tilespmem:s31+$0x1320];
	v16 =	vadd.f32 $9.999999740e-06, v61;
	v9 =	vmul.f32 v9, v12;
	v1 =	vsub.f32 $1.500000000e+00, v63  }
0x1d7: {  	[tilespmem:$0x1FEA0] =	vst v44;
	v44 =	vadd.f32 v37, v18;
	v50 =	vmul.f32 v6, v6;
	v63 =	vand.u32 $0x7FFFFFFF, v14  }
0x1d8: {  	v22 =	vadd.f32 v54, v51;
	v34 =	vshra.s32 v16, $0x1;
	v51 =	vmul.f32 $5.000000000e-01, v16  }
0x1d9: {  	v18 =	vld [tilespmem:s31+$0x1330];
	v9 =	vsub.f32 $1.500000000e+00, v9;
	v1 =	vmul.f32 v3, v1;
	v19 =	vadd.f32 v50, v44  }
0x1da: {  	v3 =	vadd.f32 v8, v52;
	v2 =	vshrl.u32 v63, $0x1;
	v33 =	vmul.f32 $5.000000000e-01, v63  }
0x1db: {  	v53 =	vld [tilespmem:s31+$0x8B40];
	v49 =	vsub.s32 $0x5F3759DF, v34;
	v58 =	vshll.u32 v27, $0x10;
	v38 =	vsub.s32 $0x5F3759DF, v2  }
0x1dc: {  	v16 =	vld [tilespmem:s31+$0x6340];
	v27 =	vand.u32 $0xFFFF0000, v27;
	v1 =	vmul.f32 v1, v13;
	v13 =	vmul.f32 v58, v55  }
0x1dd: {  	v3 =	vadd.f32 v0, v3;
	v33 =	vmul.f32 v38, v33;
	v58 =	vmul.f32 v49, v51  }
0x1de: {  	[tilespmem:$0x1FED0] =	vst v8;
	v23 =	vshll.u32 v18, $0x10;
	v18 =	vand.u32 $0xFFFF0000, v18;
	v8 =	vand.u32 $0x7FFFFFFF, v13  }
0x1df: {  	[tilespmem:$0x1FEB0] =	vst v10;
	v3 =	vadd.f32 v5, v3;
	v10 =	vshrl.u32 v8, $0x1;
	v41 =	vmul.f32 $5.000000000e-01, v8  }
0x1e0: {  	v63 =	vld [tilespmem:s31+$0x1350];
	v22 =	vmul.f32 v23, v22;
	v33 =	vmul.f32 v38, v33;
	v47 =	vsub.s32 $0x5F3759DF, v10  }
0x1e1: {  	v44 =	vld [tilespmem:s31+$0x8B60];
	v1 =	vadd.f32 v21, v1;
	v16 =	vadd.f32 v53, v16;
	v41 =	vmul.f32 v47, v41  }
0x1e2: {  	v8 =	vld [tilespmem:s31+$0x6360];
	v3 =	vadd.f32 v20, v3;
	v33 =	vsub.f32 $1.500000000e+00, v33;
	v52 =	vand.u32 $0x7FFFFFFF, v22  }
0x1e3: {  	v54 =	vshrl.u32 v52, $0x1;
	v52 =	vmul.f32 $5.000000000e-01, v52;
	v41 =	vmul.f32 v47, v41  }
0x1e4: {  	v50 =	vld [tilespmem:s31+$0x1340];
	v3 =	vadd.f32 v6, v3;
	v54 =	vsub.s32 $0x5F3759DF, v54;
	v33 =	vmul.f32 v38, v33  }
0x1e5: {  	[tilespmem:$0x1FF20] =	vst v6;
	v6 =	vmul.f32 v49, v58;
	v58 =	vld [tilespmem:s31+$0x3B00];
	v35 =	vmul.f32 v54, v52;
	v41 =	vsub.f32 $1.500000000e+00, v41  }
0x1e6: {  	v61 =	vld [tilespmem:s31+$0x6350];
	v23 =	vshll.u32 v63, $0x10;
	v34 =	vmax.f32 v1, $0.0e+00;
	v14 =	vmul.f32 v33, v14  }
0x1e7: {  	v52 =	vld [tilespmem:s31+$0x8B50];
	v8 =	vadd.f32 v44, v8;
	v10 =	vmul.f32 v54, v35;
	v41 =	vmul.f32 v47, v41  }
0x1e8: {  	v55 =	vperm.xlane v3, v59;
	v14 =	vadd.f32 v36, v14;
	v47 =	vsub.f32 $1.500000000e+00, v6  }
0x1e9: {  	v21 =	vsub.f32 $1.500000000e+00, v10;
	v6 =	vshll.u32 v50, $0x10;
	v13 =	vmul.f32 v41, v13;
	v41 =	vld [tilespmem:s31+$0x1360]  }
0x1ea: {  	[tilespmem:$0x1FF00] =	vst v5;
	v5 =	vadd.f32 v3, v55;
	v10 =	vld [tilespmem:s31+$0x3B10];
	v3 =	vadd.f32 v34, v58;
	v38 =	vmul.f32 v6, v16  }
0x1eb: {  	v49 =	vmul.f32 v49, v47;
	v21 =	vmul.f32 v54, v21;
	v47 =	vmax.f32 v14, $0.0e+00  }
0x1ec: {  	v44 =	vand.u32 $0x7FFFFFFF, v38;
	v13 =	vadd.f32 v27, v13;
	v27 =	vadd.f32 v52, v61  }
0x1ed: {  	v61 =	vshrl.u32 v44, $0x1;
	v36 =	vmul.f32 $5.000000000e-01, v44;
	v21 =	vmul.f32 v21, v22  }
0x1ee: {  	v35 =	vld [tilespmem:s31+$0x3B20];
	v53 =	vsub.s32 $0x5F3759DF, v61;
	v27 =	vmul.f32 v23, v27;
	v40 =	vshll.u32 v41, $0x10  }
0x1ef: {  	v10 =	vadd.f32 v47, v10;
	v36 =	vmul.f32 v53, v36;
	v52 =	vmul.f32 v40, v8;
	v40 =	vld [tilespmem:$0x1FFE0]  }
0x1f0: {  	v44 =	vmul.f32 v3, v3;
	v6 =	vmax.f32 v13, $0.0e+00;
	v21 =	vadd.f32 v18, v21  }
0x1f1: {  	[tilespmem:$0x1FF40] =	vst v47;
	v47 =	vmul.f32 v10, v10;
	v16 =	vand.u32 $0x7FFFFFFF, v27;
	v33 =	vmul.f32 v53, v36  }
0x1f2: {  	[tilespmem:$0x1FF10] =	vst v20;
	v36 =	vand.u32 $0xFFFF0000, v41;
	v20 =	vshrl.u32 v16, $0x1;
	v23 =	vmul.f32 $5.000000000e-01, v16  }
0x1f3: {  	[tilespmem:$0x1FEF0] =	vst v0;
	v61 =	vld [tilespmem:s31+$0x6370];
	v16 =	vadd.f32 v6, v35;
	v2 =	vadd.f32 v47, v44;
	v1 =	vsub.s32 $0x5F3759DF, v20  }
0x1f4: {  	[tilespmem:$0x1FF30] =	vst v34;
	v35 =	vand.u32 $0x7FFFFFFF, v52;
	v33 =	vsub.f32 $1.500000000e+00, v33;
	v0 =	vperm.xlane v5, v40;
	v40 =	vld [tilespmem:s31+$0x8B70]  }
0x1f5: {  	[tilespmem:$0x1FF50] =	vst v6;
	v6 =	vld [tilespmem:s31+$0x1370];
	v34 =	vmul.f32 v1, v23;
	v37 =	vshrl.u32 v35, $0x1;
	v55 =	vmul.f32 $5.000000000e-01, v35  }
0x1f6: {  	v35 =	vperm.xlane v19, v59;
	v58 =	vsub.s32 $0x5F3759DF, v37;
	v54 =	vmul.f32 v53, v33  }
0x1f7: {  	v14 =	vmovc v3;
	v33 =	vand.u32 $0xFFFF0000, v50;
	v23 =	vmul.f32 v58, v55;
	v44 =	vmul.f32 v1, v34  }
0x1f8: {  	v37 =	vadd.f32 $0.0e+00, v14;
	v53 =	vmul.f32 v4, v43;
	v8 =	vadd.f32 v5, v0  }
0x1f9: {  	v5 =	vmul.f32 v58, v23;
	v13 =	vsub.f32 $1.500000000e+00, v44;
	v0 =	vadd.f32 v40, v61  }
0x1fa: {  	v45 =	vld [tilespmem:s31+$0x3B50];
	v19 =	vadd.f32 v19, v35;
	v55 =	vmul.f32 v54, v38;
	v61 =	vshll.u32 v6, $0x10  }
0x1fb: {  	v41 =	vld [tilespmem:s31+$0x3B40];
	v5 =	vsub.f32 $1.500000000e+00, v5;
	v1 =	vmul.f32 v1, v13;
	v13 =	vmul.f32 v61, v0  }
0x1fc: {  	[tilespmem:$0x1FF80] =	vst v3;
	v20 =	vld [tilespmem:s31+$0x3B60];
	v35 =	vand.u32 $0xFFFF0000, v63;
	v3 =	vadd.f32 v33, v55;
	v33 =	vadd.f32 v10, v37  }
0x1fd: {  	v43 =	vld [tilespmem:$0x1FA80];
	v5 =	vmul.f32 v58, v5;
	v18 =	vmul.f32 v1, v27;
	v34 =	vand.u32 $0x7FFFFFFF, v13  }
0x1fe: {  	v63 =	vld [tilespmem:s31+$0x6380];
	v58 =	vmul.f32 v4, v30;
	v27 =	vshrl.u32 v34, $0x1;
	v30 =	vmul.f32 $5.000000000e-01, v34  }
0x1ff: {  	v47 =	vmul.f32 v16, v16;
	[tilespmem:$0x1FFC0] =	vst v16;
	v14 =	vadd.f32 v16, v33;
	v16 =	vld [tilespmem:s31+$0x8B80];
	v27 =	vsub.s32 $0x5F3759DF, v27  }
0x200: {  	v38 =	vmul.f32 v4, v31;
	v31 =	vld [tilespmem:s31+$0x3B30];
	v22 =	vadd.f32 v35, v18;
	v30 =	vmul.f32 v27, v30  }
0x201: {  	v9 =	vmul.f32 v9, v12;
	v2 =	vadd.f32 v47, v2;
	v47 =	vld [tilespmem:s31+$0x3B70];
	v5 =	vmul.f32 v5, v52  }
0x202: {  	v52 =	vmul.f32 v4, v57;
	v37 =	vmax.f32 v22, $0.0e+00;
	v22 =	vld [tilespmem:$0x1FA60];
	v30 =	vmul.f32 v27, v30  }
0x203: {  	v55 =	vld [tilespmem:$0x1FFF0];
	v57 =	vmax.f32 v21, $0.0e+00;
	v18 =	vmax.f32 v3, $0.0e+00;
	v34 =	vmul.f32 v4, v56  }
0x204: {  	v56 =	vmul.f32 v49, v51;
	v51 =	vadd.f32 v16, v63;
	v16 =	vld [tilespmem:$0x1FA50];
	v61 =	vsub.f32 $1.500000000e+00, v30  }
0x205: {  	v23 =	vmul.f32 v4, v42;
	v30 =	vadd.f32 v57, v31;
	v31 =	vadd.f32 v18, v41;
	v41 =	vld [tilespmem:s31+$0x1380]  }
0x206: {  	v42 =	vadd.f32 v36, v5;
	v5 =	vld [tilespmem:s31+$0x6390];
	v21 =	vmul.f32 v27, v61;
	v27 =	vmul.f32 v56, v49  }
0x207: {  	v29 =	vmul.f32 v4, v32;
	v32 =	vadd.f32 v37, v45;
	v45 =	vmul.f32 v9, v22;
	v22 =	vld [tilespmem:$0x1FAE0]  }
0x208: {  	[tilespmem:$0x1FF70] =	vst v18;
	v18 =	vld [tilespmem:$0x1FFE0];
	v36 =	vsub.f32 $1.500000000e+00, v27  }
0x209: {  	v4 =	vadd.f32 v30, v14;
	v56 =	vmax.f32 v42, $0.0e+00;
	v14 =	vld [tilespmem:$0x1FAA0]  }
0x20a: {  	v21 =	vmul.f32 v21, v13;
	v63 =	vshll.u32 v41, $0x10;
	v13 =	vmul.f32 v36, v49;
	v36 =	vld [tilespmem:$0x1FA70]  }
0x20b: {  	v61 =	vmul.f32 v30, v30;
	[tilespmem:$0x1FFB0] =	vst v56;
	v56 =	vadd.f32 v56, v20;
	v20 =	vmul.f32 v63, v51;
	v51 =	vld [tilespmem:$0x1FFF0]  }
0x20c: {  	[tilespmem:$0x1FFA0] =	vst v10;
	v6 =	vand.u32 $0xFFFF0000, v6;
	v10 =	vmul.f32 v31, v31;
	v49 =	vmul.f32 v9, v16;
	v16 =	vld [tilespmem:$0x1FAB0]  }
0x20d: {  	v2 =	vadd.f32 v61, v2;
	v6 =	vadd.f32 v6, v21;
	v21 =	vperm.xlane v19, v18;
	v18 =	vld [tilespmem:$0x1FFE0]  }
0x20e: {  	[tilespmem:s31+$0x6000] =	vst v14;
	v14 =	vld [tilespmem:$0x1FAF0]  }
0x20f: {  	[tilespmem:$0x1FF60] =	vst v57;
	v35 =	vmul.f32 v32, v32;
	v2 =	vadd.f32 v10, v2;
	v57 =	vmax.f32 v6, $0.0e+00;
	v6 =	vld [tilespmem:$0x1FA40]  }
0x210: {  	v4 =	vadd.f32 v31, v4;
	v12 =	vadd.f32 v19, v21;
	v19 =	vld [tilespmem:$0x1FAC0]  }
0x211: {  	v44 =	vmul.f32 v56, v56;
	v2 =	vadd.f32 v35, v2;
	v21 =	vld [tilespmem:$0x1FAD0];
	[tilespmem:$0x1FFD0] =	vst v57;
	v57 =	vadd.f32 v57, v47  }
0x212: {  	v42 =	vmul.f32 v9, v43;
	v4 =	vadd.f32 v32, v4;
	v47 =	vld [tilespmem:$0x1FA90]  }
0x213: {  	v2 =	vadd.f32 v44, v2;
	v61 =	vperm.xlane v12, v55;
	v55 =	vld [tilespmem:$0x1FB20];
	v43 =	vmul.f32 v57, v57  }
0x214: {  	[tilespmem:s31+$0x6030] =	vst v14;
	v14 =	vld [tilespmem:$0x1FB30]  }
0x215: {  	v4 =	vadd.f32 v56, v4;
	v2 =	vadd.f32 v43, v2;
	v43 =	vld [tilespmem:s31+$0x1390]  }
0x216: {  	v44 =	vmul.f32 v13, v7;
	v7 =	vand.u32 $0x7FFFFFFF, v20;
	v54 =	vperm.xlane v8, v51;
	[tilespmem:s31+$0x6010] =	vst v19;
	v19 =	vld [tilespmem:$0x1FB00]  }
0x217: {  	v4 =	vadd.f32 v57, v4;
	v50 =	vmul.f32 v9, v36;
	v27 =	vmul.f32 v9, v21;
	v21 =	vld [tilespmem:$0x1FB10]  }
0x218: {  	v51 =	vmul.f32 v9, v16;
	v16 =	vshrl.u32 v7, $0x1;
	v8 =	vadd.f32 v8, v54;
	v54 =	vld [tilespmem:s31+$0x63A0]  }
0x219: {  	[tilespmem:$0x1FF90] =	vst v37;
	v33 =	vmul.f32 v9, v6;
	v37 =	vperm.xlane v4, v59;
	v6 =	vadd.f32 v12, v61;
	v61 =	vld [tilespmem:s31+$0x8BA0]  }
0x21a: {  	v12 =	vsub.s32 $0x5F3759DF, v16;
	v16 =	vld [tilespmem:$0x1FB40];
	v63 =	vmul.f32 v9, v47;
	v9 =	vmul.f32 $5.000000000e-01, v7  }
0x21b: {  	v40 =	vmul.f32 v13, v24;
	v4 =	vadd.f32 v4, v37;
	v24 =	vperm.xlane v6, v60;
	v37 =	vld [tilespmem:$0x1FFF0]  }
0x21c: {  	[tilespmem:s31+$0x6020] =	vst v22;
	v22 =	vmul.f32 v12, v9;
	v9 =	vld [tilespmem:$0x1FBD0]  }
0x21d: {  	v7 =	vadd.f32 v6, v24;
	v6 =	vld [tilespmem:$0x1FBB0]  }
0x21e: {  	v0 =	vperm.xlane v4, v18;
	[tilespmem:s31+$0x6040] =	vst v19;
	v19 =	vld [tilespmem:s31+$0x13A0]  }
0x21f: {  	v18 =	vperm.xlane v8, v60;
	[tilespmem:s31+$0x6050] =	vst v21;
	v21 =	vld [tilespmem:$0x1FB60]  }
0x220: {  	v35 =	vadd.f32 v4, v0;
	v4 =	vld [tilespmem:s31+$0x8B90]  }
0x221: {  	v10 =	vadd.f32 v8, v18;
	v18 =	vld [tilespmem:$0x1FB50]  }
0x222: {  	v8 =	vmul.f32 v12, v22;
	v22 =	vmax.f32 v39, $0.0e+00;
	v39 =	vld [tilespmem:$0x1FB70]  }
0x223: {  	[tilespmem:s31+$0x6070] =	vst v14;
	v0 =	vadd.f32 v61, v54;
	v54 =	vld [tilespmem:$0x1FB90];
	v47 =	vperm.xlane v35, v37  }
0x224: {  	v36 =	vmul.f32 v13, v25;
	v25 =	vperm.xlane v2, v59;
	[tilespmem:s31+$0x3860] =	vst v6;
	v6 =	vld [tilespmem:$0x1FC10]  }
0x225: {  	[tilespmem:s31+$0x3800] =	vst v16;
	v37 =	vmul.f32 v13, v46;
	v8 =	vsub.f32 $1.500000000e+00, v8;
	v14 =	vadd.f32 v35, v47;
	v47 =	vld [tilespmem:$0x1FB80]  }
0x226: {  	v35 =	vmul.f32 v13, v15;
	v15 =	vadd.f32 v2, v25;
	[tilespmem:s31+$0x3810] =	vst v21;
	v21 =	vld [tilespmem:$0x1FC40];
	v4 =	vadd.f32 v4, v5  }
0x227: {  	v25 =	vmul.f32 v13, v48;
	v16 =	vmul.f32 v12, v8;
	v48 =	vshll.u32 v43, $0x10;
	v8 =	vld [tilespmem:$0x1FBC0];
	[tilespmem:s31+$0x3820] =	vst v39  }
0x228: {  	v39 =	vmul.f32 v13, v11;
	[tilespmem:s31+$0x3840] =	vst v54;
	v54 =	vld [tilespmem:$0x1FBE0];
	v11 =	vmul.f32 v48, v4  }
0x229: {  	v46 =	vadd.f32 $9.999999740e-06, v22;
	v61 =	vshll.u32 v19, $0x10;
	v24 =	vmul.f32 v13, v18;
	v5 =	vld [tilespmem:$0x1FC00]  }
0x22a: {  	[tilespmem:s31+$0x3880] =	vst v23;
	v12 =	vmul.f32 v61, v0;
	v23 =	vmul.f32 v16, v20;
	v16 =	vld [tilespmem:s31+$0x13C0];
	v18 =	vand.u32 $0x7FFFFFFF, v11  }
0x22b: {  	v48 =	vsub.f32 v9, v17;
	[tilespmem:s31+$0x60A0] =	vst v21;
	v21 =	vld [tilespmem:$0x1FC60];
	v61 =	vshrl.u32 v18, $0x1;
	v9 =	vmul.f32 $5.000000000e-01, v18  }
0x22c: {  	v22 =	vsub.f32 v26, v17;
	v4 =	vld [tilespmem:$0x1FBA0];
	v1 =	vsub.s32 $0x5F3759DF, v61  }
0x22d: {  	[tilespmem:s31+$0x6060] =	vst v55;
	v55 =	vshra.s32 v46, $0x1;
	v13 =	vmul.f32 $5.000000000e-01, v46;
	v18 =	vld [tilespmem:$0x1FC30];
	v26 =	vmul.f32 v1, v9  }
0x22e: {  	v46 =	vsub.f32 v8, v17;
	v8 =	vld [tilespmem:$0x1FC20];
	v61 =	vand.u32 $0x7FFFFFFF, v12;
	v9 =	vmul.f32 $7.812500000e-03, v10  }
0x22f: {  	[tilespmem:s31+$0x6080] =	vst v5;
	v10 =	vmul.f32 $5.000000000e-01, v61;
	v5 =	vmul.f32 v1, v26;
	v26 =	vshrl.u32 v61, $0x1;
	v61 =	vld [tilespmem:$0x1FC70]  }
0x230: {  	[tilespmem:s31+$0x60C0] =	vst v21;
	v21 =	vld [tilespmem:$0x1FC80]  }
0x231: {  	[tilespmem:s31+$0x3850] =	vst v4;
	v4 =	vsub.s32 $0x5F3759DF, v55;
	v55 =	vld [tilespmem:$0x1FBF0]  }
0x232: {  	[tilespmem:s31+$0x6090] =	vst v18;
	v18 =	vld [tilespmem:$0x1FC50]  }
0x233: {  	v7 =	vmul.f32 $7.812500000e-03, v7;
	[tilespmem:s31+$0x3870] =	vst v54;
	v54 =	vsub.f32 v6, v17;
	v6 =	vld [tilespmem:s31+$0x8BB0];
	v2 =	vmul.f32 v9, v9  }
0x234: {  	v62 =	vsub.f32 v62, v17;
	[tilespmem:s31+$0x60D0] =	vst v61;
	v61 =	vld [tilespmem:$0x1FC90]  }
0x235: {  	v0 =	vsub.s32 $0x5F3759DF, v26;
	v26 =	vsub.f32 v21, v17;
	v21 =	vsub.f32 v7, v2;
	v7 =	vld [tilespmem:$0x1FFE0]  }
0x236: {  	[tilespmem:s31+$0x3830] =	vst v47;
	v47 =	vsub.f32 v55, v17;
	v55 =	vsub.f32 v8, v17;
	v8 =	vld [tilespmem:s31+$0x63B0];
	v17 =	vperm.xlane v14, v60  }
0x237: {  	v3 =	vmul.f32 v4, v13;
	[tilespmem:s31+$0x60B0] =	vst v18;
	v18 =	vld [tilespmem:s31+$0x13B0]  }
0x238: {  	v10 =	vmul.f32 v0, v10;
	v14 =	vadd.f32 v14, v17;
	v17 =	vld [tilespmem:s31+$0x8BC0]  }
0x239: {  	v3 =	vmul.f32 v4, v3;
	v5 =	vsub.f32 $1.500000000e+00, v5;
	[tilespmem:s31+$0x60E0] =	vst v61;
	v61 =	vld [tilespmem:$0x1FCA0]  }
0x23a: {  	v10 =	vmul.f32 v0, v10;
	v2 =	vperm.xlane v15, v7;
	v7 =	vld [tilespmem:s31+$0x63C0]  }
0x23b: {  	[tilespmem:s31+$0x38A0] =	vst v29;
	v3 =	vsub.f32 $1.500000000e+00, v3;
	v1 =	vmul.f32 v1, v5  }
0x23c: {  	[tilespmem:s31+$0x38E0] =	vst v28;
	v10 =	vsub.f32 $1.500000000e+00, v10  }
0x23d: {  	v29 =	vld [tilespmem:$0x1FD00];
	[tilespmem:s31+$0x38C0] =	vst v34;
	v34 =	vshll.u32 v16, $0x10;
	v4 =	vmul.f32 v4, v3;
	v1 =	vmul.f32 v1, v11  }
0x23e: {  	v28 =	vld [tilespmem:s31+$0x63D0];
	v0 =	vmul.f32 v0, v10;
	[tilespmem:s31+$0x60F0] =	vst v61;
	v61 =	vand.u32 $0xFFFF0000, v41;
	v41 =	vadd.f32 v6, v8  }
0x23f: {  	[tilespmem:s31+$0x38F0] =	vst v53;
	v53 =	vld [tilespmem:$0x1FCB0];
	v20 =	vshll.u32 v18, $0x10;
	v2 =	vadd.f32 v15, v2;
	v7 =	vadd.f32 v17, v7  }
0x240: {  	v15 =	vadd.f32 v61, v23;
	v61 =	vld [tilespmem:s31+$0x3B80];
	v23 =	vand.u32 $0xFFFF0000, v43;
	v5 =	vmul.f32 v20, v41  }
0x241: {  	[tilespmem:s31+$0x3890] =	vst v38;
	v38 =	vmul.f32 v4, v13;
	v1 =	vadd.f32 v23, v1;
	v7 =	vmul.f32 v34, v7;
	v23 =	vld [tilespmem:$0x1FCD0]  }
0x242: {  	v11 =	vmul.f32 v0, v12;
	v8 =	vld [tilespmem:s31+$0x3B90];
	v3 =	vmax.f32 v15, $0.0e+00;
	v41 =	vand.u32 $0x7FFFFFFF, v5  }
0x243: {  	[tilespmem:s31+$0x38D0] =	vst v52;
	v12 =	vld [tilespmem:s31+$0x3BA0];
	v20 =	vand.u32 $0x7FFFFFFF, v7;
	v43 =	vshrl.u32 v41, $0x1;
	v52 =	vmul.f32 $5.000000000e-01, v41  }
0x244: {  	v15 =	vmul.f32 v38, v4;
	v38 =	vld [tilespmem:$0x1FCE0];
	v34 =	vshrl.u32 v20, $0x1;
	v6 =	vsub.s32 $0x5F3759DF, v43  }
0x245: {  	[tilespmem:s31+$0x6150] =	vst v29;
	v13 =	vmul.f32 $5.000000000e-01, v20;
	v0 =	vadd.f32 v3, v61;
	v43 =	vld [tilespmem:$0x1FFF0];
	v61 =	vmul.f32 v6, v52  }
0x246: {  	v19 =	vand.u32 $0xFFFF0000, v19;
	v10 =	vmax.f32 v1, $0.0e+00;
	v41 =	vld [tilespmem:$0x1FCF0];
	[tilespmem:s31+$0x6120] =	vst v23;
	v23 =	vsub.s32 $0x5F3759DF, v34  }
0x247: {  	[tilespmem:s31+$0x6100] =	vst v53;
	v8 =	vadd.f32 v10, v8;
	v20 =	vld [tilespmem:s31+$0x13D0];
	v13 =	vmul.f32 v23, v13;
	v1 =	vmul.f32 v6, v61  }
0x248: {  	[tilespmem:s31+$0x3920] =	vst v45;
	v16 =	vand.u32 $0xFFFF0000, v16;
	v45 =	vmax.f32 v21, $0.0e+00;
	v15 =	vsub.f32 $1.500000000e+00, v15;
	v52 =	vld [tilespmem:s31+$0x8BD0]  }
0x249: {  	v53 =	vmul.f32 v8, v8;
	[tilespmem:s31+$0x6130] =	vst v38;
	v38 =	vld [tilespmem:s31+$0x63E0];
	v13 =	vmul.f32 v23, v13;
	v1 =	vsub.f32 $1.500000000e+00, v1  }
0x24a: {  	[tilespmem:s31+$0x3900] =	vst v33;
	v11 =	vadd.f32 v19, v11;
	v29 =	vmul.f32 v0, v0;
	v61 =	vld [tilespmem:$0x1FD20];
	v17 =	vperm.xlane v2, v43  }
0x24b: {  	v33 =	vmul.f32 v15, v4;
	[tilespmem:s31+$0x6140] =	vst v41;
	v41 =	vsub.f32 $1.500000000e+00, v13;
	v1 =	vmul.f32 v6, v1;
	v6 =	vld [tilespmem:s31+$0x8BE0]  }
0x24c: {  	v29 =	vadd.f32 v53, v29;
	v43 =	vld [tilespmem:s31+$0x13E0];
	v2 =	vadd.f32 v2, v17;
	v17 =	vmax.f32 v11, $0.0e+00  }
0x24d: {  	[tilespmem:s31+$0x38B0] =	vst v58;
	v34 =	vshll.u32 v20, $0x10;
	v15 =	vadd.f32 v17, v12;
	v4 =	vmul.f32 v23, v41  }
0x24e: {  	v58 =	vld [tilespmem:$0x1FCC0];
	[tilespmem:s31+$0x3910] =	vst v49;
	v52 =	vadd.f32 v52, v28;
	v1 =	vmul.f32 v1, v5;
	v53 =	vperm.xlane v2, v60  }
0x24f: {  	v49 =	vld [tilespmem:s31+$0x3BB0];
	[tilespmem:s31+$0x6170] =	vst v61;
	v41 =	vand.u32 $0xFFFF0000, v18;
	v61 =	vmul.f32 v15, v15;
	v4 =	vmul.f32 v4, v7  }
0x250: {  	[tilespmem:s31+$0x3940] =	vst v42;
	v12 =	vadd.f32 v2, v53;
	v2 =	vmul.f32 v34, v52;
	v42 =	vadd.f32 v6, v38;
	v38 =	vld [tilespmem:$0x1FD50]  }
0x251: {  	[tilespmem:s31+$0x3970] =	vst v27;
	v27 =	vld [tilespmem:$0x1FD30];
	v1 =	vadd.f32 v41, v1;
	v53 =	vshll.u32 v43, $0x10;
	v18 =	vadd.f32 v61, v29  }
0x252: {  	[tilespmem:s31+$0x3930] =	vst v50;
	v6 =	vadd.f32 $9.999999740e-06, v45;
	v50 =	vand.u32 $0x7FFFFFFF, v2;
	v5 =	vmul.f32 v53, v42  }
0x253: {  	[tilespmem:s31+$0x6110] =	vst v58;
	v61 =	vld [tilespmem:$0x1FD40];
	v4 =	vadd.f32 v16, v4;
	v41 =	vmax.f32 v1, $0.0e+00;
	v52 =	vshrl.u32 v50, $0x1  }
0x254: {  	v58 =	vld [tilespmem:$0x1FD10];
	[tilespmem:s31+$0x3960] =	vst v51;
	v19 =	vmul.f32 $5.000000000e-01, v50;
	v34 =	vshra.s32 v6, $0x1;
	v42 =	vand.u32 $0x7FFFFFFF, v5  }
0x255: {  	v29 =	vld [tilespmem:s31+$0x3BC0];
	[tilespmem:s31+$0x61A0] =	vst v38;
	v38 =	vadd.f32 v41, v49;
	v49 =	vshrl.u32 v42, $0x1;
	v7 =	vmul.f32 $5.000000000e-01, v42  }
0x256: {  	[tilespmem:s31+$0x6180] =	vst v27;
	v27 =	vmul.f32 $5.000000000e-01, v6;
	v13 =	vsub.s32 $0x5F3759DF, v52;
	v51 =	vsub.s32 $0x5F3759DF, v49  }
0x257: {  	[tilespmem:s31+$0x3950] =	vst v63;
	v45 =	vld [tilespmem:$0x1FD60];
	v63 =	vmul.f32 v13, v19;
	v19 =	vsub.s32 $0x5F3759DF, v34;
	v7 =	vmul.f32 v51, v7  }
0x258: {  	[tilespmem:s31+$0x6190] =	vst v61;
	v61 =	vmul.f32 v19, v27  }
0x259: {  	[tilespmem:s31+$0x6160] =	vst v58;
	v58 =	vld [tilespmem:s31+$0x8BF0];
	v23 =	vmax.f32 v4, $0.0e+00;
	v7 =	vmul.f32 v51, v7  }
0x25a: {  	v11 =	vld [tilespmem:s31+$0x63F0];
	v4 =	vadd.f32 v23, v29;
	v52 =	vmul.f32 v38, v38;
	v16 =	vmul.f32 v19, v61  }
0x25b: {  	[tilespmem:s31+$0x39C0] =	vst v24;
	v28 =	vld [tilespmem:s31+$0x13F0];
	v7 =	vsub.f32 $1.500000000e+00, v7  }
0x25c: {  	[tilespmem:s31+$0x61B0] =	vst v45;
	v24 =	vmul.f32 v4, v4;
	v18 =	vadd.f32 v52, v18;
	v45 =	vsub.f32 $1.500000000e+00, v16  }
0x25d: {  	[tilespmem:s31+$0x39B0] =	vst v35;
	v35 =	vld [tilespmem:$0x1FDD0];
	v6 =	vmul.f32 v51, v7  }
0x25e: {  	v7 =	vmul.f32 v19, v45;
	v51 =	vadd.f32 v24, v18;
	v24 =	vmul.f32 v33, v47  }
0x25f: {  	v11 =	vadd.f32 v58, v11  }
0x260: {  	v58 =	vshll.u32 v28, $0x10;
	v1 =	vmul.f32 v13, v63;
	[tilespmem:s31+$0x3A20] =	vst v24;
	v24 =	vmul.f32 v7, v27  }
0x261: {  	v11 =	vmul.f32 v58, v11  }
0x262: {  	[tilespmem:s31+$0x6220] =	vst v35;
	v1 =	vsub.f32 $1.500000000e+00, v1;
	v35 =	vmul.f32 v24, v7;
	v24 =	vld [tilespmem:$0x1FE30]  }
0x263: {  	v34 =	vand.u32 $0x7FFFFFFF, v11  }
0x264: {  	[tilespmem:s31+$0x3990] =	vst v40;
	v50 =	vld [tilespmem:$0x1FD70];
	v42 =	vshrl.u32 v34, $0x1;
	v1 =	vmul.f32 v13, v1;
	v13 =	vmul.f32 $5.000000000e-01, v34  }
0x265: {  	[tilespmem:s31+$0x3980] =	vst v44;
	v58 =	vld [tilespmem:$0x1FD90];
	v21 =	vsub.s32 $0x5F3759DF, v42  }
0x266: {  	[tilespmem:s31+$0x39D0] =	vst v25;
	v63 =	vld [tilespmem:$0x1FDA0];
	v44 =	vmul.f32 v21, v13  }
0x267: {  	v49 =	vadd.f32 $0.0e+00, v0;
	[tilespmem:s31+$0x6280] =	vst v24;
	v24 =	vld [tilespmem:$0x1FE40]  }
0x268: {  	[tilespmem:s31+$0x39F0] =	vst v39;
	v39 =	vld [tilespmem:$0x1FDE0];
	v1 =	vmul.f32 v1, v2;
	v2 =	vmul.f32 v21, v44  }
0x269: {  	v25 =	vmul.f32 v33, v55;
	v55 =	vmul.f32 v33, v62;
	[tilespmem:s31+$0x61C0] =	vst v50;
	v50 =	vld [tilespmem:s31+$0x3BD0];
	v13 =	vadd.f32 v8, v49  }
0x26a: {  	v20 =	vand.u32 $0xFFFF0000, v20;
	v12 =	vmul.f32 $7.812500000e-03, v12;
	v53 =	vld [tilespmem:$0x1FD80];
	[tilespmem:s31+$0x61E0] =	vst v58;
	v52 =	vsub.f32 $1.500000000e+00, v2  }
0x26b: {  	v58 =	vld [tilespmem:s31+$0x3BE0];
	[tilespmem:s31+$0x61F0] =	vst v63;
	v18 =	vmul.f32 $7.812500000e-03, v14;
	v1 =	vadd.f32 v20, v1;
	v13 =	vadd.f32 v15, v13  }
0x26c: {  	v63 =	vand.u32 $0xFFFF0000, v43;
	v5 =	vmul.f32 v6, v5;
	v6 =	vmul.f32 v21, v52;
	[tilespmem:s31+$0x6290] =	vst v24;
	v24 =	vld [tilespmem:$0x1FE50]  }
0x26d: {  	[tilespmem:s31+$0x39A0] =	vst v36;
	v34 =	vmul.f32 v18, v18;
	v2 =	vmax.f32 v1, $0.0e+00;
	v13 =	vadd.f32 v38, v13  }
0x26e: {  	[tilespmem:s31+$0x39E0] =	vst v37;
	v37 =	vld [tilespmem:s31+$0x3BF0];
	v1 =	vadd.f32 v2, v50;
	v5 =	vadd.f32 v63, v5;
	v6 =	vmul.f32 v6, v11  }
0x26f: {  	[tilespmem:s31+$0x6230] =	vst v39;
	v40 =	vand.u32 $0xFFFF0000, v28;
	v12 =	vsub.f32 v12, v34;
	v13 =	vadd.f32 v4, v13  }
0x270: {  	[tilespmem:s31+$0x61D0] =	vst v53;
	v53 =	vld [tilespmem:$0x1FDB0];
	v36 =	vmul.f32 v1, v1;
	v19 =	vmax.f32 v5, $0.0e+00;
	v6 =	vadd.f32 v40, v6  }
0x271: {  	v22 =	vmul.f32 v33, v22;
	v13 =	vadd.f32 v1, v13;
	v5 =	vadd.f32 v19, v58;
	[tilespmem:s31+$0x62A0] =	vst v24;
	v24 =	vld [tilespmem:$0x1FE60]  }
0x272: {  	[tilespmem:s31+$0x3A40] =	vst v25;
	v61 =	vld [tilespmem:$0x1FDC0];
	v12 =	vmax.f32 v12, $0.0e+00;
	v43 =	vadd.f32 v36, v51;
	v11 =	vmax.f32 v6, $0.0e+00  }
0x273: {  	[tilespmem:s31+$0x3A50] =	vst v55;
	v13 =	vadd.f32 v5, v13;
	v51 =	vmul.f32 v5, v5;
	v6 =	vadd.f32 v11, v37  }
0x274: {  	[tilespmem:s31+$0x3A60] =	vst v22;
	v55 =	vld [tilespmem:$0x1FF30];
	v52 =	vmul.f32 v33, v54;
	v12 =	vadd.f32 $9.999999740e-06, v12  }
0x275: {  	v28 =	vld [tilespmem:$0x1FFE0];
	[tilespmem:s31+$0x6200] =	vst v53;
	v53 =	vadd.f32 v51, v43;
	v13 =	vadd.f32 v6, v13;
	v54 =	vmul.f32 v6, v6  }
0x276: {  	v25 =	vshra.s32 v12, $0x1;
	[tilespmem:s31+$0x62B0] =	vst v24;
	v24 =	vld [tilespmem:$0x1FEA0]  }
0x277: {  	[tilespmem:s31+$0x6210] =	vst v61;
	v62 =	vsub.s32 $0x5F3759DF, v25;
	v25 =	vld [tilespmem:$0x1FEC0];
	v14 =	vadd.f32 v54, v53;
	v61 =	vperm.xlane v13, v59  }
0x278: {  	[tilespmem:s31+$0x6380] =	vst v3;
	v29 =	vld [tilespmem:$0x1FFF0]  }
0x279: {  	[tilespmem:s31+$0x6390] =	vst v10;
	v42 =	vld [tilespmem:$0x1FDF0];
	v13 =	vadd.f32 v13, v61;
	v63 =	vperm.xlane v14, v59  }
0x27a: {  	[tilespmem:s31+$0x63A0] =	vst v17;
	v44 =	vld [tilespmem:$0x1FE00]  }
0x27b: {  	v14 =	vadd.f32 v14, v63;
	v36 =	vperm.xlane v13, v28;
	[tilespmem:s31+$0x62D0] =	vst v24;
	v24 =	vld [tilespmem:$0x1FEB0]  }
0x27c: {  	v12 =	vmul.f32 $5.000000000e-01, v12;
	[tilespmem:s31+$0x62E0] =	vst v25;
	v25 =	vld [tilespmem:$0x1FED0]  }
0x27d: {  	[tilespmem:s31+$0x6300] =	vst v55;
	v58 =	vmul.f32 v33, v26;
	v26 =	vld [tilespmem:$0x1FEE0];
	v13 =	vadd.f32 v13, v36;
	v37 =	vperm.xlane v14, v28  }
0x27e: {  	[tilespmem:s31+$0x63B0] =	vst v41;
	v45 =	vmul.f32 v33, v46;
	v46 =	vld [tilespmem:$0x1FE10];
	v20 =	vsub.f32 $1.500000000e+00, v35;
	v34 =	vmul.f32 v62, v12  }
0x27f: {  	v49 =	vmul.f32 v33, v48;
	[tilespmem:s31+$0x6250] =	vst v44;
	v44 =	vld [tilespmem:$0x1FE90];
	v14 =	vadd.f32 v14, v37;
	v39 =	vperm.xlane v13, v29  }
0x280: {  	[tilespmem:s31+$0x6240] =	vst v42;
	v48 =	vld [tilespmem:$0x1FF10];
	v7 =	vmul.f32 v20, v7;
	v22 =	vmul.f32 v62, v34;
	v24 =	vsub.f32 v24, v9  }
0x281: {  	[tilespmem:s31+$0x3A00] =	vst v45;
	v43 =	vld [tilespmem:$0x1FE80];
	v25 =	vsub.f32 v25, v9;
	v13 =	vadd.f32 v13, v39;
	v45 =	vperm.xlane v14, v29  }
0x282: {  	[tilespmem:s31+$0x62F0] =	vst v26;
	v26 =	vld [tilespmem:$0x1FF00];
	v22 =	vsub.f32 $1.500000000e+00, v22;
	v24 =	vmul.f32 v7, v24  }
0x283: {  	[tilespmem:s31+$0x6260] =	vst v46;
	v47 =	vmul.f32 v7, v25;
	v25 =	vld [tilespmem:$0x1FEF0];
	v14 =	vadd.f32 v14, v45;
	v46 =	vperm.xlane v13, v60  }
0x284: {  	v42 =	vmul.f32 v62, v22;
	v22 =	vsub.f32 v44, v9;
	[tilespmem:s31+$0x3AA0] =	vst v24;
	v24 =	vld [tilespmem:$0x1FF20]  }
0x285: {  	[tilespmem:s31+$0x3A10] =	vst v49;
	v50 =	vld [tilespmem:$0x1FE20];
	v13 =	vadd.f32 v13, v46;
	v49 =	vperm.xlane v14, v60  }
0x286: {  	[tilespmem:s31+$0x63C0] =	vst v23;
	v21 =	vsub.f32 v43, v9;
	v22 =	vmul.f32 v7, v22  }
0x287: {  	[tilespmem:s31+$0x63D0] =	vst v2;
	v26 =	vsub.f32 v26, v9;
	v14 =	vadd.f32 v14, v49;
	v13 =	vmul.f32 $7.812500000e-03, v13  }
0x288: {  	v21 =	vmul.f32 v7, v21;
	[tilespmem:s31+$0x3A90] =	vst v22;
	v22 =	vsub.f32 v48, v9;
	v25 =	vsub.f32 v25, v9  }
0x289: {  	[tilespmem:s31+$0x3A30] =	vst v52;
	v52 =	vmul.f32 $7.812500000e-03, v14;
	v53 =	vmul.f32 v13, v13;
	v9 =	vsub.f32 v24, v9  }
0x28a: {  	[tilespmem:s31+$0x6270] =	vst v50;
	v50 =	vmul.f32 v7, v22;
	v24 =	vmul.f32 v7, v25  }
0x28b: {  	[tilespmem:s31+$0x63E0] =	vst v19;
	v40 =	vld [tilespmem:$0x1FE70];
	v54 =	vsub.f32 v52, v53;
	v25 =	vmul.f32 v7, v26;
	v7 =	vmul.f32 v7, v9  }
0x28c: {  	[tilespmem:s31+$0x3A70] =	vst v58;
	v58 =	vld [tilespmem:$0x1FF40]  }
0x28d: {  	v34 =	vld [tilespmem:$0x1FFB0];
	[tilespmem:s31+$0x3AF0] =	vst v7;
	v7 =	vmax.f32 v54, $0.0e+00  }
0x28e: {  	[tilespmem:s31+$0x63F0] =	vst v11;
	v62 =	vld [tilespmem:$0x1FF60];
	v7 =	vadd.f32 $9.999999740e-06, v7  }
0x28f: {  	[tilespmem:s31+$0x3A80] =	vst v21;
	v21 =	vld [tilespmem:$0x1FF90]  }
0x290: {  	[tilespmem:s31+$0x62C0] =	vst v40;
	v61 =	vld [tilespmem:$0x1FF50];
	v20 =	vshra.s32 v7, $0x1;
	v7 =	vmul.f32 $5.000000000e-01, v7  }
0x291: {  	v16 =	vld [tilespmem:$0x1FF80];
	[tilespmem:s31+$0x6310] =	vst v58;
	v14 =	vsub.s32 $0x5F3759DF, v20  }
0x292: {  	[tilespmem:s31+$0x6360] =	vst v34;
	v51 =	vmul.f32 v42, v12;
	v63 =	vld [tilespmem:$0x1FF70];
	v36 =	vmul.f32 v14, v7  }
0x293: {  	[tilespmem:s31+$0x6330] =	vst v62;
	v22 =	vld [tilespmem:$0x1FFA0]  }
0x294: {  	v37 =	vld [tilespmem:$0x1FFD0];
	[tilespmem:s31+$0x6350] =	vst v21;
	v9 =	vmul.f32 v51, v42;
	v21 =	vmul.f32 v14, v36  }
0x295: {  	[tilespmem:s31+$0x6320] =	vst v61  }
0x296: {  	[tilespmem:s31+$0x3AB0] =	vst v47;
	v9 =	vsub.f32 $1.500000000e+00, v9;
	v21 =	vsub.f32 $1.500000000e+00, v21  }
0x297: {  	[tilespmem:s31+$0x3AE0] =	vst v50  }
0x298: {  	v12 =	vsub.f32 v16, v18;
	[tilespmem:s31+$0x6340] =	vst v63;
	v9 =	vmul.f32 v9, v42;
	v49 =	vmul.f32 v14, v21  }
0x299: {  	v35 =	vld [tilespmem:$0x1FFC0];
	v16 =	vsub.f32 v22, v18;
	[tilespmem:s31+$0x6370] =	vst v37  }
0x29a: {  	v39 =	vsub.f32 v30, v18;
	[tilespmem:s31+$0x3AC0] =	vst v24;
	v12 =	vmul.f32 v9, v12;
	v7 =	vmul.f32 v49, v7  }
0x29b: {  	[tilespmem:s31+$0x3AD0] =	vst v25;
	v42 =	vsub.f32 v31, v18;
	v16 =	vmul.f32 v9, v16  }
0x29c: {  	v44 =	vsub.f32 v32, v18;
	v43 =	vmul.f32 v9, v39;
	[tilespmem:s31+$0x3B00] =	vst v12;
	v51 =	vmul.f32 v7, v49  }
0x29d: {  	v46 =	vsub.f32 v56, v18;
	v45 =	vmul.f32 v9, v42;
	[tilespmem:s31+$0x3B10] =	vst v16  }
0x29e: {  	v20 =	vsub.f32 v35, v18;
	v48 =	vmul.f32 v9, v44;
	[tilespmem:s31+$0x3B30] =	vst v43;
	v3 =	vsub.f32 $1.500000000e+00, v51  }
0x29f: {  	v47 =	vsub.f32 v57, v18;
	v50 =	vmul.f32 v9, v46;
	[tilespmem:s31+$0x3B40] =	vst v45  }
0x2a0: {  	v0 =	vsub.f32 v0, v13;
	v40 =	vmul.f32 v9, v20;
	[tilespmem:s31+$0x3B50] =	vst v48;
	v3 =	vmul.f32 v3, v49  }
0x2a1: {  	v52 =	vsub.f32 v8, v13;
	v9 =	vmul.f32 v9, v47;
	[tilespmem:s31+$0x3B60] =	vst v50  }
0x2a2: {  	v53 =	vsub.f32 v15, v13;
	[tilespmem:s31+$0x3B20] =	vst v40;
	v0 =	vmul.f32 v3, v0  }
0x2a3: {  	v54 =	vsub.f32 v38, v13;
	[tilespmem:s31+$0x3B70] =	vst v9;
	v2 =	vmul.f32 v3, v52  }
0x2a4: {  	v4 =	vsub.f32 v4, v13;
	v55 =	vmul.f32 v3, v53;
	[tilespmem:s31+$0x3B80] =	vst v0  }
0x2a5: {  	v1 =	vsub.f32 v1, v13;
	v56 =	vmul.f32 v3, v54;
	[tilespmem:s31+$0x3B90] =	vst v2  }
0x2a6: {  	p0 =	slt.u32 s22, $0x20;
	v58 =	vsub.f32 v5, v13;
	v57 =	vmul.f32 v3, v4;
	[tilespmem:s31+$0x3BA0] =	vst v55  }
.Ltmp0:
0x2a7: {  	v61 =	vsub.f32 v6, v13;
	v1 =	vmul.f32 v3, v1;
	[tilespmem:s31+$0x3BB0] =	vst v56;
	(pc) =	sbr.rel @p0 .LBB2_4-.Ltmp0, $4  }
0x2a8: {  	v62 =	vmul.f32 v3, v58;
	[tilespmem:s31+$0x3BC0] =	vst v57  }
0x2a9: {  	v63 =	vmul.f32 v3, v61;
	[tilespmem:s31+$0x3BD0] =	vst v1  }
0x2aa: {  	[tilespmem:s31+$0x3BE0] =	vst v62  }
0x2ab: {  	s22 =	sadd.s32 $0x8, s22;
	v27 =	vmov v59;
	v33 =	vmov v60;
	[tilespmem:s31+$0x3BF0] =	vst v63  }
0x2ac: {  	s22 =	smul.u32 $0x50, s9;
	_ =	sdelay $0x1  }
0x2ad: {  	s22 =	sadd.s32 s28, s22  }
0x2ae: {  	s22 =	sshll.u32 s22, $0x4  }
0x2af: {  	s31 =	sshll.u32 s9, $0x8;
	s22 =	sadd.s32 s4, s22  }
0x2b0: {  	[hbm4b:s22+s7] =	stream.linear.scatter [tilespmem:s29], [sflag:$0x9], $0x1400, $0x38;
	[tilespmem:$0x1ED00] =	vst v63  }
0x2b1: {  	s22 =	sand.u32 $0x3FFFFF00, s31  }
0x2b2: {  	[spmem:s5] =	stream.indirect.scatter.add.f32 [tilespmem:s25], [sflag:$0xB], $0x80, s22, s24, $0xb8;
	[tilespmem:$0x1ED00] =	vst v63  }
0x2b3: {  	p0 =	seq.s32 s9, $0x4;
	_ =	swait.ge [sflag:s18], $0x1400  }
0x2b4: {  	s0 =	simm.s32 @!p0 $0x6000;
	s22 =	sadd.s32 @!p0 $0x2, s23;
	[sflag:s18] =	ssyncset.done $0x0  }
0x2b5: {  	s31 =	simm.s32 @!p0 $0x28;
	s23 =	sshll.u32 @!p0 s22, $0x7;
	[sflag:s18] =	ssyncadd.s32 $0xFFFFEC00  }
0x2b6: {  	[tilespmem:s0], [sflag:$0x1] =	stream.indirect.gather @!p0 [hbm4b:s11+s31], $0x80, s23, s31, $0xb8;
	[tilespmem:$0x1ED00] =	vst v63  }
0x2b7: {  	s22 =	smul.u32 @!p0 $0x28, s22;
	s0 =	sadd.s32 @!p0 $0x800, s23;
	s23 =	simm.s32 @!p0 $0x8800  }
0x2b8: {  	[tilespmem:s23], [sflag:$0x3] =	stream.indirect.gather @!p0 [hbm4b:s12+s31], $0x80, s0, s31, $0xb8;
	[tilespmem:$0x1ED00] =	vst v63  }
0x2b9: {  	s0 =	sadd.s32 @!p0 s28, s22  }
0x2ba: {  	s0 =	sshll.u32 @!p0 s0, $0x4  }
0x2bb: {  	s23 =	simm.s32 @!p0 $0x0;
	s31 =	simm.s32 @!p0 $0x1000;
	s22 =	sadd.s32 @!p0 s10, s0  }
0x2bc: {  	[tilespmem:s31], [sflag:$0x5] =	stream.linear.gather @!p0 [hbm4b:s22+s23], $0x1400, $0x38;
	[tilespmem:$0x1ED00] =	vst v63  }
0x2bd: {  	s22 =	simm.s32 @!p0 $0x9  }
0x2be: {  	_ =	swait.ge @!p0 [sflag:s22], $0x1400  }
0x2bf: {  	[sflag:s22] =	ssyncset.done @!p0 $0x0  }
0x2c0: {  	s0 =	sadd.s32 @!p0 s1, s0;
	[sflag:s22] =	ssyncadd.s32 @!p0 $0xFFFFEC00;
	s22 =	simm.s32 @!p0 $0x3800  }
0x2c1: {  	[tilespmem:s22], [sflag:$0x7] =	stream.linear.gather @!p0 [hbm4b:s0+s23], $0x1400, $0x38;
	[tilespmem:$0x1ED00] =	vst v63  }
0x2c2: {  	_ =	swait.ge [sflag:s13], $0x1400  }
0x2c3: {  	[sflag:s13] =	ssyncset.done $0x0  }
0x2c4: {  	[sflag:s13] =	ssyncadd.s32 $0xFFFFEC00  }
0x2c5: {  	_ =	swait.ge [sflag:s17], $0x1400  }
0x2c6: {  	[sflag:s17] =	ssyncset.done $0x0  }
0x2c7: {  	[sflag:s17] =	ssyncadd.s32 $0xFFFFEC00  }
0x2c8: {  	_ =	swait.ge [sflag:s21], $0x1400  }
0x2c9: {  	[sflag:s21] =	ssyncset.done $0x0  }
0x2ca: {  	[sflag:s21] =	ssyncadd.s32 $0xFFFFEC00  }
0x2cb: {  	_ =	swait.ge [sflag:s15], $0x1400  }
0x2cc: {  	[sflag:s15] =	ssyncset.done $0x0  }
0x2cd: {  	s22 =	simm.s32 $0x0;
	[sflag:s15] =	ssyncadd.s32 $0xFFFFEC00  }
.LBB2_6:
0x2ce: {  	s23 =	sshll.u32 s22, $0x7  }
0x2cf: {  	v0 =	vld [tilespmem:s23+$0x7400]  }
0x2d0: {  	v1 =	vld [tilespmem:s23+$0x9C00]  }
0x2d1: {  	v2 =	vld [tilespmem:s23+$0x2400]  }
0x2d2: {  	v3 =	vld [tilespmem:s23+$0x7410]  }
0x2d3: {  	v61 =	vld [tilespmem:s23+$0x9C10]  }
0x2d4: {  	v5 =	vld [tilespmem:s23+$0x2410]  }
0x2d5: {  	v62 =	vld [tilespmem:s23+$0x7420]  }
0x2d6: {  	v6 =	vld [tilespmem:s23+$0x9C20]  }
0x2d7: {  	v8 =	vld [tilespmem:s23+$0x2420];
	v0 =	vadd.f32 v1, v0  }
0x2d8: {  	v21 =	vld [tilespmem:s23+$0x7430];
	v4 =	vshll.u32 v2, $0x10  }
0x2d9: {  	v12 =	vld [tilespmem:s23+$0x9C30];
	v0 =	vmul.f32 v4, v0  }
0x2da: {  	v13 =	vld [tilespmem:s23+$0x2430]  }
0x2db: {  	v1 =	vadd.f32 v61, v3;
	v16 =	vshll.u32 v5, $0x10;
	v7 =	vand.u32 $0x7FFFFFFF, v0  }
0x2dc: {  	v19 =	vshll.u32 v8, $0x10;
	v9 =	vshrl.u32 v7, $0x1;
	v7 =	vmul.f32 $5.000000000e-01, v7  }
0x2dd: {  	v42 =	vld [tilespmem:s23+$0x2440];
	v1 =	vmul.f32 v16, v1;
	v4 =	vadd.f32 v6, v62;
	v63 =	vsub.s32 $0x5F3759DF, v9  }
0x2de: {  	v2 =	vand.u32 $0xFFFF0000, v2;
	v34 =	vadd.f32 v12, v21;
	v7 =	vmul.f32 v63, v7  }
0x2df: {  	v49 =	vld [tilespmem:s23+$0x7450];
	v35 =	vshll.u32 v13, $0x10;
	v18 =	vand.u32 $0x7FFFFFFF, v1;
	v4 =	vmul.f32 v19, v4  }
0x2e0: {  	v51 =	vld [tilespmem:s23+$0x2450];
	v10 =	vshrl.u32 v18, $0x1;
	v17 =	vmul.f32 v63, v7;
	v7 =	vmul.f32 $5.000000000e-01, v18  }
0x2e1: {  	v15 =	vld [tilespmem:s23+$0x9C50];
	v5 =	vand.u32 $0xFFFF0000, v5;
	v46 =	vand.u32 $0xFFFF0000, v8;
	v20 =	vsub.s32 $0x5F3759DF, v10  }
0x2e2: {  	v54 =	vld [tilespmem:s23+$0x7460];
	v56 =	vshll.u32 v42, $0x10;
	v11 =	vand.u32 $0x7FFFFFFF, v4;
	v7 =	vmul.f32 v20, v7  }
0x2e3: {  	v22 =	vshrl.u32 v11, $0x1;
	v11 =	vmul.f32 $5.000000000e-01, v11;
	v6 =	vsub.f32 $1.500000000e+00, v17;
	v17 =	vld [tilespmem:s23+$0x9C60]  }
0x2e4: {  	v38 =	vmul.f32 v35, v34;
	v14 =	vsub.s32 $0x5F3759DF, v22;
	v7 =	vmul.f32 v20, v7  }
0x2e5: {  	v53 =	vld [tilespmem:s23+$0x2460];
	v58 =	vshll.u32 v51, $0x10;
	v3 =	vmul.f32 v63, v6;
	v6 =	vmul.f32 v14, v11  }
0x2e6: {  	v13 =	vand.u32 $0xFFFF0000, v13;
	v9 =	vand.u32 $0x7FFFFFFF, v38;
	v7 =	vsub.f32 $1.500000000e+00, v7  }
0x2e7: {  	v23 =	vld [tilespmem:s23+$0x4C00];
	v41 =	vshrl.u32 v9, $0x1;
	v0 =	vmul.f32 v3, v0;
	v32 =	vmul.f32 v14, v6  }
0x2e8: {  	v63 =	vld [tilespmem:s23+$0x2470];
	v3 =	vadd.f32 v15, v49;
	v12 =	vadd.f32 v17, v54;
	v7 =	vmul.f32 v20, v7  }
0x2e9: {  	v9 =	vmul.f32 $5.000000000e-01, v9;
	v0 =	vadd.f32 v2, v0;
	v37 =	vsub.f32 $1.500000000e+00, v32  }
0x2ea: {  	v44 =	vld [tilespmem:s23+$0x7440];
	v19 =	vshll.u32 v53, $0x10;
	v3 =	vmul.f32 v58, v3;
	v1 =	vmul.f32 v7, v1  }
0x2eb: {  	v48 =	vld [tilespmem:s23+$0x9C40];
	v12 =	vmul.f32 v19, v12;
	v36 =	vmax.f32 v0, $0.0e+00;
	v0 =	vmul.f32 v14, v37  }
0x2ec: {  	v32 =	vand.u32 $0x7FFFFFFF, v3;
	v1 =	vadd.f32 v5, v1;
	v5 =	vsub.s32 $0x5F3759DF, v41  }
0x2ed: {  	v39 =	vld [tilespmem:s23+$0x4C10];
	v37 =	vshll.u32 v63, $0x10;
	v6 =	vadd.f32 v36, v23;
	v47 =	vmul.f32 v5, v9  }
0x2ee: {  	v57 =	vld [tilespmem:s23+$0x7470];
	v34 =	vshrl.u32 v32, $0x1;
	v19 =	vand.u32 $0x7FFFFFFF, v12;
	v4 =	vmul.f32 v0, v4  }
0x2ef: {  	v61 =	vld [tilespmem:s23+$0x9C70];
	v20 =	vshrl.u32 v19, $0x1;
	v19 =	vmul.f32 $5.000000000e-01, v19;
	v8 =	vmul.f32 v5, v47  }
0x2f0: {  	v43 =	vadd.f32 $0.0e+00, v6;
	v50 =	vmul.f32 v6, v6;
	v9 =	vadd.f32 v48, v44  }
0x2f1: {  	v20 =	vsub.s32 $0x5F3759DF, v20;
	v45 =	vmax.f32 v1, $0.0e+00;
	v52 =	vsub.f32 $1.500000000e+00, v8  }
0x2f2: {  	v1 =	vadd.f32 v46, v4;
	v19 =	vmul.f32 v20, v19;
	v0 =	vadd.f32 v45, v39  }
0x2f3: {  	[tilespmem:$0x1F510] =	vst v36;
	v36 =	vsub.s32 $0x5F3759DF, v34;
	v7 =	vmul.f32 v56, v9;
	v5 =	vmul.f32 v5, v52  }
0x2f4: {  	v40 =	vld [tilespmem:s23+$0x4C20];
	v9 =	vadd.f32 v61, v57;
	v4 =	vmax.f32 v1, $0.0e+00;
	v11 =	vadd.f32 v0, v43  }
0x2f5: {  	v16 =	vmul.f32 v0, v0;
	v62 =	vand.u32 $0x7FFFFFFF, v7;
	v2 =	vmul.f32 v5, v38  }
0x2f6: {  	v9 =	vmul.f32 v37, v9;
	v23 =	vshrl.u32 v62, $0x1;
	v15 =	vmul.f32 $5.000000000e-01, v62  }
0x2f7: {  	v14 =	vadd.f32 v16, v50;
	v2 =	vadd.f32 v13, v2;
	v13 =	vsub.s32 $0x5F3759DF, v23  }
0x2f8: {  	v16 =	vmul.f32 $5.000000000e-01, v32;
	v21 =	vand.u32 $0x7FFFFFFF, v9;
	v15 =	vmul.f32 v13, v15  }
0x2f9: {  	[tilespmem:$0x1F550] =	vst v4;
	v4 =	vadd.f32 v4, v40;
	v22 =	vshrl.u32 v21, $0x1;
	v21 =	vmul.f32 $5.000000000e-01, v21  }
0x2fa: {  	v16 =	vmul.f32 v36, v16;
	v35 =	vmul.f32 v13, v15  }
0x2fb: {  	v19 =	vmul.f32 v20, v19;
	v18 =	vadd.f32 v4, v11;
	v40 =	vsub.s32 $0x5F3759DF, v22  }
0x2fc: {  	v21 =	vmul.f32 v40, v21;
	v16 =	vmul.f32 v36, v16;
	v11 =	vsub.f32 $1.500000000e+00, v35  }
0x2fd: {  	v10 =	vand.u32 $0xFFFF0000, v42;
	v1 =	vand.u32 $0xFFFF0000, v51;
	v42 =	vsub.f32 $1.500000000e+00, v19  }
0x2fe: {  	v38 =	vld [tilespmem:s23+$0x4C30];
	v43 =	vmul.f32 v40, v21;
	v16 =	vsub.f32 $1.500000000e+00, v16;
	v39 =	vmul.f32 v13, v11  }
0x2ff: {  	[tilespmem:$0x1F530] =	vst v45;
	v55 =	vmul.f32 v4, v4;
	v45 =	vmul.f32 v20, v42;
	v23 =	vmax.f32 v2, $0.0e+00  }
0x300: {  	v41 =	vld [tilespmem:s23+$0x4C40];
	v46 =	vsub.f32 $1.500000000e+00, v43;
	v15 =	vmul.f32 v36, v16;
	v2 =	vmul.f32 v39, v7  }
0x301: {  	v52 =	vand.u32 $0xFFFF0000, v53;
	v14 =	vadd.f32 v55, v14;
	v49 =	vmul.f32 v45, v12  }
0x302: {  	v44 =	vld [tilespmem:s23+$0x4C50];
	v51 =	vmul.f32 v40, v46;
	v3 =	vmul.f32 v15, v3;
	v2 =	vadd.f32 v10, v2  }
0x303: {  	v50 =	vld [tilespmem:s23+$0x4C60];
	v5 =	vand.u32 $0xFFFF0000, v63;
	v54 =	vadd.f32 v52, v49;
	v11 =	vadd.f32 v23, v38  }
0x304: {  	v55 =	vmul.f32 v51, v9;
	v1 =	vadd.f32 v1, v3;
	v48 =	vmax.f32 v2, $0.0e+00  }
0x305: {  	v56 =	vld [tilespmem:s23+$0x4C70];
	v61 =	vmax.f32 v54, $0.0e+00;
	v47 =	vmul.f32 v11, v11;
	v13 =	vadd.f32 v48, v41  }
0x306: {  	v21 =	vld [tilespmem:s23+$0x7480];
	v18 =	vadd.f32 v11, v18;
	v62 =	vadd.f32 v5, v55;
	v53 =	vmax.f32 v1, $0.0e+00  }
0x307: {  	[tilespmem:$0x1F560] =	vst v23;
	v23 =	vld [tilespmem:s23+$0x9C80];
	v14 =	vadd.f32 v47, v14;
	v12 =	vadd.f32 v53, v44;
	v58 =	vmul.f32 v13, v13  }
0x308: {  	v24 =	vld [tilespmem:s23+$0x24B0];
	v9 =	vadd.f32 v61, v50;
	v17 =	vmax.f32 v62, $0.0e+00  }
0x309: {  	v34 =	vld [tilespmem:s23+$0x2480];
	v16 =	vmul.f32 v12, v12;
	v57 =	vadd.f32 v13, v18;
	v15 =	vadd.f32 v58, v14  }
0x30a: {  	v45 =	vld [tilespmem:s23+$0x9CA0];
	v10 =	vadd.f32 v17, v56  }
0x30b: {  	v43 =	vld [tilespmem:s23+$0x74A0];
	v20 =	vmul.f32 v9, v9;
	v63 =	vadd.f32 v12, v57;
	v19 =	vadd.f32 v16, v15  }
0x30c: {  	v5 =	vadd.f32 v23, v21;
	v21 =	vld [tilespmem:s23+$0x24A0]  }
0x30d: {  	v39 =	vld [tilespmem:s23+$0x2490];
	v22 =	vmul.f32 v10, v10;
	v18 =	vadd.f32 v9, v63;
	v2 =	vadd.f32 v20, v19;
	_ =	sdelay $0x1  }
0x30e: {  	v37 =	vld [tilespmem:s23+$0x9C90];
	v1 =	vadd.f32 v10, v18;
	v2 =	vadd.f32 v22, v2  }
0x30f: {  	[tilespmem:$0x1F590] =	vst v61;
	v36 =	vld [tilespmem:s23+$0x7490];
	v35 =	vshll.u32 v34, $0x10;
	v7 =	vadd.f32 v45, v43  }
0x310: {  	v50 =	vld [tilespmem:s23+$0x9CB0];
	[tilespmem:$0x1F580] =	vst v53;
	v53 =	vshll.u32 v21, $0x10;
	v32 =	vperm.xlane v1, v27;
	v3 =	vperm.xlane v2, v27  }
0x311: {  	v61 =	vshll.u32 v24, $0x10;
	[tilespmem:$0x1F570] =	vst v48;
	v47 =	vshll.u32 v39, $0x10;
	v48 =	vld [tilespmem:s23+$0x74B0];
	v7 =	vmul.f32 v53, v7  }
0x312: {  	v1 =	vadd.f32 v1, v32;
	v2 =	vadd.f32 v2, v3;
	v3 =	vmul.f32 v35, v5  }
0x313: {  	v45 =	vand.u32 $0xFFFF0000, v39;
	v57 =	vand.u32 $0x7FFFFFFF, v7;
	v15 =	vand.u32 $0xFFFF0000, v34  }
0x314: {  	v8 =	vperm.xlane v1, v28;
	v5 =	vadd.f32 v37, v36;
	v41 =	vand.u32 $0x7FFFFFFF, v3  }
0x315: {  	v38 =	vperm.xlane v2, v28;
	v42 =	vshrl.u32 v41, $0x1;
	v16 =	vmul.f32 $5.000000000e-01, v41  }
0x316: {  	v18 =	vadd.f32 v50, v48;
	v1 =	vadd.f32 v1, v8;
	v8 =	vsub.s32 $0x5F3759DF, v42  }
0x317: {  	v5 =	vmul.f32 v47, v5;
	v2 =	vadd.f32 v2, v38;
	v16 =	vmul.f32 v8, v16  }
0x318: {  	v58 =	vshrl.u32 v57, $0x1;
	v18 =	vmul.f32 v61, v18;
	v40 =	vperm.xlane v1, v29  }
0x319: {  	v20 =	vand.u32 $0x7FFFFFFF, v5;
	v44 =	vperm.xlane v2, v29;
	v16 =	vmul.f32 v8, v16  }
0x31a: {  	v51 =	vshrl.u32 v20, $0x1;
	v20 =	vmul.f32 $5.000000000e-01, v20;
	v1 =	vadd.f32 v1, v40  }
0x31b: {  	v52 =	vsub.s32 $0x5F3759DF, v51;
	v2 =	vadd.f32 v2, v44;
	v16 =	vsub.f32 $1.500000000e+00, v16  }
0x31c: {  	v19 =	vsub.s32 $0x5F3759DF, v58;
	v20 =	vmul.f32 v52, v20;
	v46 =	vperm.xlane v1, v33  }
0x31d: {  	v62 =	vld [tilespmem:s23+$0x4C80];
	v63 =	vand.u32 $0x7FFFFFFF, v18;
	v49 =	vperm.xlane v2, v33;
	v8 =	vmul.f32 v8, v16  }
0x31e: {  	v38 =	vld [tilespmem:s23+$0x74C0];
	v56 =	vmul.f32 v52, v20;
	v1 =	vadd.f32 v1, v46;
	v33 =	vshrl.u32 v63, $0x1  }
0x31f: {  	v46 =	vld [tilespmem:s23+$0x9CC0];
	v54 =	vadd.f32 v2, v49;
	v55 =	vmul.f32 v8, v3;
	v8 =	vmul.f32 $5.000000000e-01, v57  }
0x320: {  	v50 =	vld [tilespmem:s23+$0x74D0];
	v25 =	vsub.s32 $0x5F3759DF, v33;
	v14 =	vmul.f32 $7.812500000e-03, v1;
	v3 =	vsub.f32 $1.500000000e+00, v56  }
0x321: {  	v56 =	vand.u32 $0xFFFF0000, v21;
	v57 =	vld [tilespmem:s23+$0x24D0];
	v1 =	vmul.f32 $7.812500000e-03, v54;
	v8 =	vmul.f32 v19, v8  }
0x322: {  	v34 =	vmul.f32 v14, v14;
	v54 =	vld [tilespmem:s23+$0x9CD0];
	v2 =	vadd.f32 v15, v55;
	v15 =	vmul.f32 $5.000000000e-01, v63  }
0x323: {  	v39 =	vld [tilespmem:s23+$0x74F0];
	v41 =	vsub.f32 v6, v14;
	v3 =	vmul.f32 v52, v3;
	v8 =	vmul.f32 v19, v8  }
0x324: {  	v32 =	vld [tilespmem:s23+$0x4C90];
	v58 =	vadd.f32 v46, v38;
	v42 =	vsub.f32 v1, v34;
	v37 =	vmul.f32 v25, v15  }
0x325: {  	v27 =	vld [tilespmem:s23+$0x24F0];
	v26 =	vmax.f32 v2, $0.0e+00;
	v3 =	vmul.f32 v3, v5;
	v36 =	vsub.f32 $1.500000000e+00, v8  }
0x326: {  	[tilespmem:$0x1F650] =	vst v26;
	v16 =	vadd.f32 v26, v62;
	v38 =	vshll.u32 v57, $0x10;
	v26 =	vld [tilespmem:s23+$0x9CF0];
	v48 =	vmul.f32 v25, v37  }
0x327: {  	v1 =	vadd.f32 v45, v3;
	v5 =	vadd.f32 v54, v50;
	v47 =	vmul.f32 v19, v36;
	v19 =	vld [tilespmem:s23+$0x24C0]  }
0x328: {  	v49 =	vadd.f32 $0.0e+00, v16;
	v55 =	vmul.f32 v16, v16;
	v53 =	vsub.f32 $1.500000000e+00, v48  }
0x329: {  	v51 =	vmax.f32 v1, $0.0e+00;
	v5 =	vmul.f32 v38, v5;
	v38 =	vsub.f32 v0, v14  }
0x32a: {  	v35 =	vld [tilespmem:s23+$0x4CA0];
	v6 =	vadd.f32 v51, v32;
	v52 =	vmul.f32 v47, v7;
	v3 =	vmul.f32 v25, v53  }
0x32b: {  	v44 =	vand.u32 $0x7FFFFFFF, v5;
	v48 =	vadd.f32 v26, v39;
	v26 =	vshll.u32 v27, $0x10  }
0x32c: {  	v34 =	vld [tilespmem:s23+$0x74E0];
	v8 =	vadd.f32 v6, v49;
	v1 =	vadd.f32 v56, v52;
	v63 =	vshll.u32 v19, $0x10  }
0x32d: {  	v36 =	vld [tilespmem:s23+$0x9CE0];
	v61 =	vmul.f32 v6, v6;
	v45 =	vshrl.u32 v44, $0x1;
	v33 =	vmul.f32 v63, v58  }
0x32e: {  	v62 =	vld [tilespmem:s23+$0x4CB0];
	v32 =	vmul.f32 v3, v18;
	v46 =	vsub.s32 $0x5F3759DF, v45;
	v25 =	vmax.f32 v1, $0.0e+00  }
0x32f: {  	v7 =	vadd.f32 v25, v35;
	v35 =	vand.u32 $0xFFFF0000, v24;
	v24 =	vld [tilespmem:s23+$0x24E0];
	v37 =	vand.u32 $0x7FFFFFFF, v33  }
0x330: {  	v56 =	vand.u32 $0xFFFF0000, v57;
	v57 =	vld [tilespmem:s23+$0x7500];
	[tilespmem:$0x1F6A0] =	vst v25;
	v25 =	vshrl.u32 v37, $0x1;
	v2 =	vmul.f32 $5.000000000e-01, v37  }
0x331: {  	v23 =	vadd.f32 v61, v55;
	v61 =	vld [tilespmem:s23+$0x9D00];
	v1 =	vadd.f32 v35, v32;
	v25 =	vsub.s32 $0x5F3759DF, v25  }
0x332: {  	v45 =	vand.u32 $0xFFFF0000, v27;
	v18 =	vadd.f32 v36, v34;
	v43 =	vmul.f32 v25, v2  }
0x333: {  	v40 =	vadd.f32 v7, v8;
	v29 =	vmax.f32 v1, $0.0e+00;
	v2 =	vmul.f32 $5.000000000e-01, v44  }
0x334: {  	v8 =	vadd.f32 v29, v62;
	v28 =	vshll.u32 v24, $0x10;
	v1 =	vmul.f32 v25, v43  }
0x335: {  	v19 =	vand.u32 $0xFFFF0000, v19;
	v2 =	vmul.f32 v46, v2;
	v47 =	vmul.f32 v28, v18  }
0x336: {  	v3 =	vadd.f32 v61, v57;
	v18 =	vmul.f32 v26, v48;
	v63 =	vmul.f32 v8, v8  }
0x337: {  	v1 =	vsub.f32 $1.500000000e+00, v1;
	v2 =	vmul.f32 v46, v2;
	v49 =	vand.u32 $0x7FFFFFFF, v47  }
0x338: {  	v27 =	vld [tilespmem:s23+$0x2510];
	v26 =	vand.u32 $0x7FFFFFFF, v18;
	v28 =	vshrl.u32 v49, $0x1;
	v22 =	vmul.f32 $5.000000000e-01, v49  }
0x339: {  	v44 =	vld [tilespmem:s23+$0x9D10];
	v1 =	vmul.f32 v25, v1;
	v25 =	vsub.s32 $0x5F3759DF, v28;
	v2 =	vsub.f32 $1.500000000e+00, v2  }
0x33a: {  	v43 =	vld [tilespmem:s23+$0x7510];
	v28 =	vshrl.u32 v26, $0x1;
	v26 =	vmul.f32 $5.000000000e-01, v26;
	v22 =	vmul.f32 v25, v22  }
0x33b: {  	v52 =	vsub.s32 $0x5F3759DF, v28;
	v28 =	vmul.f32 v7, v7;
	v1 =	vmul.f32 v1, v33  }
0x33c: {  	v50 =	vld [tilespmem:s23+$0x4CC0];
	v34 =	vand.u32 $0xFFFF0000, v24;
	v2 =	vmul.f32 v46, v2;
	v53 =	vmul.f32 v52, v26  }
0x33d: {  	[tilespmem:$0x1F680] =	vst v51;
	v26 =	vadd.f32 v8, v40;
	v51 =	vmul.f32 v25, v22;
	v62 =	vadd.f32 v28, v23  }
0x33e: {  	v1 =	vadd.f32 v19, v1;
	v2 =	vmul.f32 v2, v5;
	v19 =	vmul.f32 v52, v53  }
0x33f: {  	v54 =	vld [tilespmem:s23+$0x4CD0];
	v5 =	vadd.f32 v44, v43;
	v43 =	vand.u32 $0xFFFF0000, v27;
	v20 =	vsub.f32 $1.500000000e+00, v51  }
0x340: {  	v55 =	vmax.f32 v1, $0.0e+00;
	v1 =	vadd.f32 v56, v2;
	v19 =	vsub.f32 $1.500000000e+00, v19  }
0x341: {  	v56 =	vshll.u32 v27, $0x10;
	v15 =	vadd.f32 v55, v50;
	v58 =	vmul.f32 v25, v20;
	v25 =	vld [tilespmem:s23+$0x2500]  }
0x342: {  	v20 =	vadd.f32 v63, v62;
	v5 =	vmul.f32 v56, v5;
	v28 =	vmax.f32 v1, $0.0e+00  }
0x343: {  	v33 =	vld [tilespmem:s23+$0x4CE0];
	v19 =	vmul.f32 v52, v19;
	v26 =	vadd.f32 v15, v26;
	v32 =	vmul.f32 v58, v47  }
0x344: {  	[tilespmem:$0x1F5A0] =	vst v17;
	v17 =	vadd.f32 v28, v54;
	v40 =	vmul.f32 v15, v15;
	v23 =	vand.u32 $0x7FFFFFFF, v5  }
0x345: {  	v18 =	vmul.f32 v19, v18;
	v61 =	vshrl.u32 v23, $0x1;
	v1 =	vadd.f32 v34, v32  }
0x346: {  	[tilespmem:$0x1F6B0] =	vst v29;
	v23 =	vmul.f32 $5.000000000e-01, v23;
	v26 =	vadd.f32 v17, v26;
	v46 =	vshll.u32 v25, $0x10  }
0x347: {  	v35 =	vld [tilespmem:s23+$0x4CF0];
	[tilespmem:$0x1F6C0] =	vst v55;
	v24 =	vmax.f32 v1, $0.0e+00;
	v1 =	vadd.f32 v45, v18;
	v47 =	vmul.f32 v46, v3  }
0x348: {  	v53 =	vld [tilespmem:s23+$0x9D20];
	v48 =	vadd.f32 v40, v20;
	v20 =	vsub.s32 $0x5F3759DF, v61;
	[tilespmem:$0x1F6F0] =	vst v24;
	v24 =	vadd.f32 v24, v33  }
0x349: {  	v50 =	vld [tilespmem:s23+$0x7520];
	[tilespmem:$0x1F6D0] =	vst v28;
	v23 =	vmul.f32 v20, v23;
	v29 =	vmax.f32 v1, $0.0e+00;
	v52 =	vand.u32 $0x7FFFFFFF, v47  }
0x34a: {  	v51 =	vadd.f32 v24, v26;
	[tilespmem:$0x1F700] =	vst v29;
	v54 =	vshrl.u32 v52, $0x1;
	v26 =	vmul.f32 $5.000000000e-01, v52  }
0x34b: {  	v49 =	vmul.f32 v17, v17;
	v23 =	vmul.f32 v20, v23;
	v28 =	vld [tilespmem:s23+$0x2520];
	v55 =	vsub.s32 $0x5F3759DF, v54  }
0x34c: {  	v19 =	vsub.f32 v4, v14;
	v0 =	vadd.f32 v29, v35;
	v57 =	vmul.f32 v55, v26  }
0x34d: {  	v3 =	vadd.f32 v49, v48;
	v58 =	vmul.f32 v24, v24;
	v23 =	vsub.f32 $1.500000000e+00, v23  }
0x34e: {  	v1 =	vadd.f32 v53, v50;
	v21 =	vadd.f32 v0, v51;
	v4 =	vmul.f32 v55, v57  }
0x34f: {  	v30 =	vld [tilespmem:s23+$0x9D30];
	v3 =	vadd.f32 v58, v3;
	v62 =	vmul.f32 v0, v0;
	v35 =	vmul.f32 v20, v23  }
0x350: {  	v34 =	vld [tilespmem:$0x1FFE0];
	v29 =	vperm.xlane v21, v59;
	v26 =	vshll.u32 v28, $0x10;
	v4 =	vsub.f32 $1.500000000e+00, v4  }
0x351: {  	v3 =	vadd.f32 v62, v3;
	v5 =	vmul.f32 v35, v5;
	v1 =	vmul.f32 v26, v1;
	v26 =	vld [tilespmem:s23+$0x7530]  }
0x352: {  	v33 =	vand.u32 $0xFFFF0000, v25;
	v32 =	vld [tilespmem:s23+$0x2530];
	v21 =	vadd.f32 v21, v29;
	v4 =	vmul.f32 v55, v4  }
0x353: {  	v25 =	vld [tilespmem:s23+$0x4D00];
	v39 =	vperm.xlane v3, v59;
	v5 =	vadd.f32 v43, v5;
	v63 =	vand.u32 $0x7FFFFFFF, v1  }
0x354: {  	v50 =	vld [tilespmem:$0x1FFE0];
	v31 =	vshrl.u32 v63, $0x1;
	v22 =	vmul.f32 $5.000000000e-01, v63;
	v2 =	vmul.f32 v4, v47  }
0x355: {  	v40 =	vld [tilespmem:s23+$0x4D10];
	v48 =	vand.u32 $0xFFFF0000, v28;
	v18 =	vperm.xlane v21, v34;
	v29 =	vsub.s32 $0x5F3759DF, v31  }
0x356: {  	v49 =	vld [tilespmem:s23+$0x9D50];
	v22 =	vmul.f32 v29, v22;
	v2 =	vadd.f32 v33, v2;
	v37 =	vadd.f32 v30, v26  }
0x357: {  	v3 =	vadd.f32 v3, v39;
	v45 =	vmax.f32 v5, $0.0e+00;
	v47 =	vld [tilespmem:s23+$0x7550];
	v26 =	vshll.u32 v32, $0x10  }
0x358: {  	v36 =	vmul.f32 v29, v22;
	v31 =	vmax.f32 v2, $0.0e+00;
	v22 =	vmul.f32 v26, v37;
	v26 =	vld [tilespmem:s23+$0x7540]  }
0x359: {  	v21 =	vadd.f32 v21, v18;
	v18 =	vperm.xlane v3, v50;
	[tilespmem:$0x1F710] =	vst v31;
	v4 =	vadd.f32 v31, v25;
	v31 =	vld [tilespmem:s23+$0x9D40]  }
0x35a: {  	v32 =	vand.u32 $0xFFFF0000, v32;
	v2 =	vld [tilespmem:s23+$0x2550];
	v20 =	vsub.f32 $1.500000000e+00, v36;
	v44 =	vand.u32 $0x7FFFFFFF, v22  }
0x35b: {  	v35 =	vld [tilespmem:s23+$0x2560];
	v3 =	vadd.f32 v3, v18;
	v27 =	vshrl.u32 v44, $0x1;
	v23 =	vmul.f32 $5.000000000e-01, v44  }
0x35c: {  	v30 =	vld [tilespmem:s23+$0x4D20];
	v18 =	vsub.f32 v11, v14;
	v20 =	vmul.f32 v29, v20;
	v46 =	vsub.s32 $0x5F3759DF, v27  }
0x35d: {  	v25 =	vld [tilespmem:s23+$0x2540];
	v34 =	vmul.f32 v4, v4;
	v27 =	vadd.f32 v45, v40;
	v23 =	vmul.f32 v46, v23  }
0x35e: {  	v1 =	vmul.f32 v20, v1;
	v51 =	vadd.f32 v31, v26;
	v26 =	vld [tilespmem:s23+$0x7560];
	v20 =	vadd.f32 v49, v47  }
0x35f: {  	v29 =	vadd.f32 $0.0e+00, v4;
	v52 =	vshll.u32 v2, $0x10;
	v31 =	vld [tilespmem:s23+$0x9D60];
	v23 =	vmul.f32 v46, v23  }
0x360: {  	v36 =	vmul.f32 v27, v27;
	v1 =	vadd.f32 v48, v1;
	v20 =	vmul.f32 v52, v20  }
0x361: {  	v40 =	vshll.u32 v35, $0x10;
	v29 =	vadd.f32 v27, v29;
	v23 =	vsub.f32 $1.500000000e+00, v23  }
0x362: {  	v34 =	vadd.f32 v36, v34;
	v28 =	vmax.f32 v1, $0.0e+00;
	v39 =	vand.u32 $0x7FFFFFFF, v20  }
0x363: {  	v53 =	vld [tilespmem:s23+$0x9D70];
	[tilespmem:$0x1F730] =	vst v28;
	v28 =	vadd.f32 v28, v30;
	v30 =	vshll.u32 v25, $0x10;
	v5 =	vmul.f32 v46, v23  }
0x364: {  	v26 =	vadd.f32 v31, v26;
	v56 =	vshrl.u32 v39, $0x1;
	v1 =	vmul.f32 v30, v51;
	v30 =	vld [tilespmem:s23+$0x7570]  }
0x365: {  	v23 =	vld [tilespmem:s23+$0x2570];
	v39 =	vmul.f32 $5.000000000e-01, v39;
	v25 =	vand.u32 $0xFFFF0000, v25;
	v57 =	vsub.s32 $0x5F3759DF, v56  }
0x366: {  	v54 =	vmul.f32 v28, v28;
	v26 =	vmul.f32 v40, v26;
	v37 =	vand.u32 $0x7FFFFFFF, v1  }
0x367: {  	v39 =	vmul.f32 v57, v39;
	v55 =	vshrl.u32 v37, $0x1;
	v37 =	vmul.f32 $5.000000000e-01, v37  }
0x368: {  	v5 =	vmul.f32 v5, v22;
	v40 =	vand.u32 $0x7FFFFFFF, v26;
	v22 =	vsub.s32 $0x5F3759DF, v55  }
0x369: {  	v39 =	vmul.f32 v57, v39;
	v31 =	vmul.f32 v22, v37;
	v30 =	vadd.f32 v53, v30  }
0x36a: {  	v58 =	vshll.u32 v23, $0x10;
	v61 =	vshrl.u32 v40, $0x1;
	v40 =	vmul.f32 $5.000000000e-01, v40  }
0x36b: {  	v62 =	vld [tilespmem:s23+$0x4D30];
	v5 =	vadd.f32 v32, v5;
	v31 =	vmul.f32 v22, v31;
	v30 =	vmul.f32 v58, v30  }
0x36c: {  	v48 =	vadd.f32 v54, v34;
	v37 =	vsub.s32 $0x5F3759DF, v61;
	v39 =	vsub.f32 $1.500000000e+00, v39  }
0x36d: {  	v40 =	vmul.f32 v37, v40;
	v31 =	vsub.f32 $1.500000000e+00, v31;
	v43 =	vand.u32 $0x7FFFFFFF, v30  }
0x36e: {  	[tilespmem:$0x1F720] =	vst v45;
	v45 =	vmul.f32 v57, v39;
	v39 =	vld [tilespmem:$0x1FFF0];
	v44 =	vshrl.u32 v43, $0x1;
	v43 =	vmul.f32 $5.000000000e-01, v43  }
0x36f: {  	v49 =	vmax.f32 v5, $0.0e+00;
	v22 =	vmul.f32 v22, v31;
	v31 =	vsub.s32 $0x5F3759DF, v44  }
0x370: {  	v34 =	vadd.f32 v49, v62;
	v40 =	vmul.f32 v37, v40;
	v43 =	vmul.f32 v31, v43  }
0x371: {  	v29 =	vadd.f32 v28, v29;
	v54 =	vand.u32 $0xFFFF0000, v2;
	v1 =	vmul.f32 v22, v1  }
0x372: {  	v63 =	vld [tilespmem:s23+$0x4D40];
	v32 =	vmul.f32 v34, v34;
	v46 =	vsub.f32 $1.500000000e+00, v40;
	v47 =	vmul.f32 v31, v43  }
0x373: {  	v50 =	vmul.f32 v45, v20;
	v2 =	vperm.xlane v21, v39;
	v1 =	vadd.f32 v25, v1  }
0x374: {  	v51 =	vld [tilespmem:s23+$0x4D50];
	v44 =	vadd.f32 v32, v48;
	v25 =	vmul.f32 v37, v46;
	v52 =	vsub.f32 $1.500000000e+00, v47  }
0x375: {  	v48 =	vld [tilespmem:$0x1FFF0];
	v39 =	vsub.f32 v12, v14;
	v2 =	vadd.f32 v21, v2;
	v53 =	vmax.f32 v1, $0.0e+00  }
0x376: {  	v56 =	vld [tilespmem:s23+$0x4D60];
	v1 =	vadd.f32 v54, v50;
	v55 =	vmul.f32 v25, v26;
	v25 =	vmul.f32 v31, v52  }
0x377: {  	v57 =	vand.u32 $0xFFFF0000, v35;
	v26 =	vadd.f32 v34, v29;
	v29 =	vadd.f32 v53, v63  }
0x378: {  	v62 =	vld [tilespmem:s23+$0x4D70];
	v31 =	vmax.f32 v1, $0.0e+00;
	v58 =	vadd.f32 v57, v55;
	v61 =	vmul.f32 v25, v30  }
0x379: {  	[tilespmem:$0x1F740] =	vst v49;
	v49 =	vld [tilespmem:s23+$0x9D80];
	v63 =	vand.u32 $0xFFFF0000, v23;
	v25 =	vadd.f32 v29, v26;
	v35 =	vadd.f32 v31, v51  }
0x37a: {  	v21 =	vld [tilespmem:s23+$0x25A0];
	v11 =	vperm.xlane v3, v48;
	v26 =	vmax.f32 v58, $0.0e+00;
	v33 =	vadd.f32 v63, v61  }
0x37b: {  	v47 =	vld [tilespmem:s23+$0x7580];
	v43 =	vadd.f32 v35, v25;
	v36 =	vadd.f32 v26, v56  }
0x37c: {  	v3 =	vadd.f32 v3, v11;
	v52 =	vld [tilespmem:s23+$0x7590];
	v46 =	vmul.f32 v29, v29;
	v45 =	vmax.f32 v33, $0.0e+00  }
0x37d: {  	v1 =	vld [tilespmem:s23+$0x2580];
	v20 =	vadd.f32 v36, v43;
	v37 =	vadd.f32 v45, v62  }
0x37e: {  	v23 =	vsub.f32 v9, v14;
	[tilespmem:$0x1F770] =	vst v26;
	v5 =	vadd.f32 v46, v44;
	v50 =	vmul.f32 v35, v35;
	v26 =	vld [tilespmem:s23+$0x9D90]  }
0x37f: {  	v51 =	vperm.xlane v2, v60;
	v54 =	vperm.xlane v3, v60;
	v20 =	vadd.f32 v37, v20  }
0x380: {  	[tilespmem:$0x1F750] =	vst v53;
	v30 =	vld [tilespmem:s23+$0x2590];
	v57 =	vadd.f32 v49, v47;
	v5 =	vadd.f32 v50, v5;
	v53 =	vmul.f32 v36, v36  }
0x381: {  	v55 =	vld [tilespmem:s23+$0x75A0];
	v2 =	vadd.f32 v2, v51;
	v3 =	vadd.f32 v3, v54;
	v25 =	vperm.xlane v20, v59  }
0x382: {  	v61 =	vld [tilespmem:$0x1FFE0];
	v46 =	vshll.u32 v21, $0x10;
	v5 =	vadd.f32 v53, v5;
	v56 =	vmul.f32 v37, v37  }
0x383: {  	[tilespmem:$0x1F760] =	vst v31;
	v31 =	vshll.u32 v1, $0x10;
	v11 =	vadd.f32 v26, v52;
	v20 =	vadd.f32 v20, v25;
	v25 =	vld [tilespmem:s23+$0x9DA0]  }
0x384: {  	v58 =	vadd.f32 v56, v5;
	v5 =	vmul.f32 $7.812500000e-03, v2;
	v2 =	vmul.f32 v31, v57  }
0x385: {  	v21 =	vand.u32 $0xFFFF0000, v21;
	v33 =	vsub.f32 v13, v14;
	v44 =	vshll.u32 v30, $0x10  }
0x386: {  	v3 =	vmul.f32 $7.812500000e-03, v3;
	v11 =	vmul.f32 v44, v11;
	v26 =	vand.u32 $0x7FFFFFFF, v2  }
0x387: {  	[tilespmem:$0x1F780] =	vst v45;
	v43 =	vperm.xlane v58, v59;
	v45 =	vshrl.u32 v26, $0x1;
	v62 =	vperm.xlane v20, v61  }
0x388: {  	v13 =	vadd.f32 v25, v55;
	v25 =	vmul.f32 $5.000000000e-01, v26;
	v26 =	vand.u32 $0x7FFFFFFF, v11  }
0x389: {  	v22 =	vsub.s32 $0x5F3759DF, v45;
	v55 =	vld [tilespmem:$0x1FFE0];
	v47 =	vshrl.u32 v26, $0x1;
	v26 =	vmul.f32 $5.000000000e-01, v26  }
0x38a: {  	v52 =	vld [tilespmem:s23+$0x75B0];
	v13 =	vmul.f32 v46, v13;
	v25 =	vmul.f32 v22, v25;
	v31 =	vsub.s32 $0x5F3759DF, v47  }
0x38b: {  	v1 =	vand.u32 $0xFFFF0000, v1;
	v45 =	vld [tilespmem:s23+$0x9DB0];
	v63 =	vadd.f32 v20, v62;
	v26 =	vmul.f32 v31, v26  }
0x38c: {  	v20 =	vadd.f32 v58, v43;
	v58 =	vld [tilespmem:s23+$0x9DC0];
	v48 =	vand.u32 $0x7FFFFFFF, v13;
	v51 =	vmul.f32 v22, v25  }
0x38d: {  	v49 =	vshrl.u32 v48, $0x1;
	v50 =	vmul.f32 $5.000000000e-01, v48;
	v53 =	vmul.f32 v31, v26;
	v26 =	vld [tilespmem:$0x1FFF0]  }
0x38e: {  	v25 =	vsub.f32 v10, v14;
	v14 =	vperm.xlane v20, v55;
	v48 =	vld [tilespmem:s23+$0x75C0];
	v32 =	vsub.s32 $0x5F3759DF, v49  }
0x38f: {  	v30 =	vand.u32 $0xFFFF0000, v30;
	v46 =	vld [tilespmem:s23+$0x25B0];
	v43 =	vsub.f32 $1.500000000e+00, v51;
	v40 =	vmul.f32 v32, v50  }
0x390: {  	v54 =	vmul.f32 v5, v5;
	v9 =	vsub.f32 $1.500000000e+00, v53;
	v56 =	vadd.f32 v20, v14;
	v20 =	vld [tilespmem:s23+$0x25C0]  }
0x391: {  	v44 =	vld [tilespmem:s23+$0x9DD0];
	v62 =	vadd.f32 v45, v52;
	v61 =	vmul.f32 v22, v43;
	v57 =	vmul.f32 v32, v40  }
0x392: {  	v43 =	vld [tilespmem:s23+$0x75D0];
	v9 =	vmul.f32 v31, v9;
	v47 =	vperm.xlane v63, v26;
	v26 =	vsub.f32 v3, v54  }
0x393: {  	v31 =	vld [tilespmem:$0x1FFF0];
	v2 =	vmul.f32 v61, v2;
	v14 =	vadd.f32 v58, v48;
	v10 =	vsub.f32 $1.500000000e+00, v57  }
0x394: {  	v9 =	vmul.f32 v9, v11;
	v40 =	vadd.f32 v63, v47;
	v63 =	vshll.u32 v46, $0x10  }
0x395: {  	v50 =	vld [tilespmem:s23+$0x4D90];
	v1 =	vadd.f32 v1, v2;
	v47 =	vshll.u32 v20, $0x10;
	v20 =	vand.u32 $0xFFFF0000, v20  }
0x396: {  	v48 =	vld [tilespmem:s23+$0x4D80];
	v26 =	vmax.f32 v26, $0.0e+00;
	v10 =	vmul.f32 v32, v10;
	v11 =	vmul.f32 v63, v62  }
0x397: {  	v58 =	vld [tilespmem:s23+$0x75E0];
	v45 =	vadd.f32 v30, v9;
	v9 =	vmul.f32 v47, v14;
	v12 =	vadd.f32 v44, v43  }
0x398: {  	v30 =	vld [tilespmem:s23+$0x25D0];
	v26 =	vadd.f32 $9.999999740e-06, v26;
	v31 =	vperm.xlane v56, v31;
	v51 =	vmax.f32 v1, $0.0e+00  }
0x399: {  	v63 =	vld [tilespmem:s23+$0x9DE0];
	v10 =	vmul.f32 v10, v13;
	v49 =	vand.u32 $0x7FFFFFFF, v11;
	v53 =	vand.u32 $0x7FFFFFFF, v9  }
0x39a: {  	v3 =	vadd.f32 v56, v31;
	v31 =	vshrl.u32 v49, $0x1;
	v14 =	vmul.f32 $5.000000000e-01, v49  }
0x39b: {  	v55 =	vld [tilespmem:s23+$0x4DA0];
	v56 =	vmax.f32 v45, $0.0e+00;
	v10 =	vadd.f32 v21, v10;
	v21 =	vsub.s32 $0x5F3759DF, v31  }
0x39c: {  	v31 =	vshrl.u32 v53, $0x1;
	v13 =	vadd.f32 v56, v50;
	v52 =	vmul.f32 v21, v14  }
0x39d: {  	v14 =	vmul.f32 $5.000000000e-01, v53;
	v54 =	vshll.u32 v30, $0x10;
	v31 =	vsub.s32 $0x5F3759DF, v31  }
0x39e: {  	v47 =	vld [tilespmem:s23+$0x25E0];
	v22 =	vadd.f32 v63, v58;
	v32 =	vmul.f32 v54, v12;
	v12 =	vadd.f32 v51, v48  }
0x39f: {  	v61 =	vmax.f32 v10, $0.0e+00;
	v49 =	vmul.f32 v13, v13;
	v57 =	vmul.f32 v31, v14  }
0x3a0: {  	[tilespmem:$0x1F7A0] =	vst v56;
	v56 =	vld [tilespmem:s23+$0x75F0];
	v1 =	vmul.f32 v21, v52;
	v14 =	vadd.f32 v61, v55;
	v62 =	vand.u32 $0x7FFFFFFF, v32  }
0x3a1: {  	v2 =	vmul.f32 v31, v57;
	v52 =	vmul.f32 $5.000000000e-01, v62;
	v10 =	vshrl.u32 v62, $0x1;
	v57 =	vld [tilespmem:s23+$0x9DF0]  }
0x3a2: {  	v53 =	vmul.f32 v12, v12;
	v1 =	vsub.f32 $1.500000000e+00, v1;
	v10 =	vsub.s32 $0x5F3759DF, v10  }
0x3a3: {  	v48 =	vld [tilespmem:s23+$0x25F0];
	[tilespmem:$0x1F7B0] =	vst v61;
	v61 =	vshll.u32 v47, $0x10;
	v2 =	vsub.f32 $1.500000000e+00, v2;
	v55 =	vmul.f32 v10, v52  }
0x3a4: {  	v62 =	vand.u32 $0xFFFF0000, v46;
	v54 =	vadd.f32 v49, v53;
	v1 =	vmul.f32 v21, v1  }
0x3a5: {  	v53 =	vand.u32 $0xFFFF0000, v30;
	v2 =	vmul.f32 v31, v2;
	v58 =	vmul.f32 v10, v55  }
0x3a6: {  	v63 =	vld [tilespmem:s23+$0x4DB0];
	v31 =	vmul.f32 v14, v14;
	v1 =	vmul.f32 v1, v11;
	v45 =	vadd.f32 v57, v56  }
0x3a7: {  	v2 =	vmul.f32 v2, v9;
	v9 =	vmul.f32 v61, v22;
	v11 =	vsub.f32 $1.500000000e+00, v58  }
0x3a8: {  	v50 =	vshll.u32 v48, $0x10;
	v31 =	vadd.f32 v31, v54;
	v1 =	vadd.f32 v62, v1  }
0x3a9: {  	v2 =	vadd.f32 v20, v2;
	v10 =	vmul.f32 v10, v11;
	v46 =	vand.u32 $0x7FFFFFFF, v9  }
0x3aa: {  	v11 =	vmul.f32 v50, v45;
	v52 =	vmax.f32 v1, $0.0e+00;
	v49 =	vshrl.u32 v46, $0x1  }
0x3ab: {  	v21 =	vmul.f32 $5.000000000e-01, v46;
	v20 =	vadd.f32 v52, v63;
	v63 =	vperm.xlane v40, v60  }
0x3ac: {  	[tilespmem:$0x1F790] =	vst v51;
	v51 =	vld [tilespmem:s23+$0x4DC0];
	v10 =	vmul.f32 v10, v32;
	v22 =	vsub.s32 $0x5F3759DF, v49;
	v54 =	vmax.f32 v2, $0.0e+00  }
0x3ad: {  	v57 =	vand.u32 $0x7FFFFFFF, v11;
	v49 =	vperm.xlane v3, v60;
	v32 =	vsub.f32 v7, v5  }
0x3ae: {  	v21 =	vmul.f32 v22, v21;
	v30 =	vshrl.u32 v57, $0x1;
	v58 =	vmul.f32 $5.000000000e-01, v57  }
0x3af: {  	v61 =	vmul.f32 v20, v20;
	v40 =	vadd.f32 v40, v63;
	v57 =	vsub.f32 v17, v5  }
0x3b0: {  	v56 =	vld [tilespmem:s23+$0x4DD0];
	v1 =	vadd.f32 v53, v10;
	v30 =	vsub.s32 $0x5F3759DF, v30;
	v3 =	vadd.f32 v3, v49  }
0x3b1: {  	v55 =	vmul.f32 v22, v21;
	v21 =	vadd.f32 v54, v51;
	v31 =	vadd.f32 v61, v31  }
0x3b2: {  	v62 =	vmul.f32 v30, v58;
	v7 =	vmul.f32 $7.812500000e-03, v40;
	v44 =	vmax.f32 v1, $0.0e+00  }
0x3b3: {  	v63 =	vld [tilespmem:s23+$0x9E20];
	v3 =	vmul.f32 $7.812500000e-03, v3;
	v2 =	vsub.f32 $1.500000000e+00, v55;
	v45 =	vmul.f32 v21, v21  }
0x3b4: {  	v53 =	vld [tilespmem:s23+$0x7610];
	v46 =	vmul.f32 v30, v62;
	v62 =	vadd.f32 $0.0e+00, v12;
	v4 =	vsub.f32 v4, v7  }
0x3b5: {  	v61 =	vld [tilespmem:s23+$0x7620];
	v49 =	vsub.f32 v27, v7;
	v2 =	vmul.f32 v22, v2;
	v22 =	vadd.f32 v44, v56  }
0x3b6: {  	v55 =	vld [tilespmem:s23+$0x9E10];
	v58 =	vmul.f32 v7, v7;
	v1 =	vadd.f32 v45, v31;
	v10 =	vsub.f32 $1.500000000e+00, v46  }
0x3b7: {  	[tilespmem:$0x1F7E0] =	vst v44;
	v31 =	vand.u32 $0xFFFF0000, v47;
	v44 =	vsub.f32 v16, v5;
	v47 =	vld [tilespmem:s23+$0x9E00];
	v56 =	vsub.f32 v15, v5  }
0x3b8: {  	v46 =	vsub.f32 v0, v5;
	v0 =	vadd.f32 v13, v62;
	v2 =	vmul.f32 v2, v9;
	v9 =	vld [tilespmem:s23+$0x7600]  }
0x3b9: {  	v45 =	vld [tilespmem:s23+$0x2600];
	v16 =	vsub.f32 v24, v5;
	v40 =	vsub.f32 v3, v58;
	v51 =	vmul.f32 v22, v22  }
0x3ba: {  	v10 =	vmul.f32 v30, v10;
	v30 =	vsub.f32 v8, v5;
	v0 =	vadd.f32 v14, v0  }
0x3bb: {  	v8 =	vadd.f32 v55, v53;
	v2 =	vadd.f32 v31, v2  }
0x3bc: {  	v50 =	vld [tilespmem:s23+$0x4DE0];
	v17 =	vand.u32 $0xFFFF0000, v48;
	v1 =	vadd.f32 v51, v1;
	v31 =	vsub.f32 v6, v5  }
0x3bd: {  	[tilespmem:$0x1F7C0] =	vst v52;
	v6 =	vmul.f32 v10, v11;
	v52 =	vmax.f32 v2, $0.0e+00;
	v2 =	vld [tilespmem:s23+$0x2610];
	v9 =	vadd.f32 v47, v9  }
0x3be: {  	v5 =	vadd.f32 v63, v61;
	v0 =	vadd.f32 v20, v0;
	v47 =	vshll.u32 v45, $0x10  }
0x3bf: {  	v61 =	vsub.f32 v34, v7;
	v11 =	vsub.f32 v29, v7;
	v9 =	vmul.f32 v47, v9  }
0x3c0: {  	v34 =	vsub.f32 v35, v7;
	v3 =	vadd.f32 v17, v6  }
0x3c1: {  	[tilespmem:$0x1F7D0] =	vst v54;
	v0 =	vadd.f32 v21, v0;
	v50 =	vadd.f32 v52, v50;
	v51 =	vand.u32 $0x7FFFFFFF, v9  }
0x3c2: {  	v54 =	vld [tilespmem:s23+$0x4DF0];
	[tilespmem:$0x1F4B0] =	vst v4;
	v48 =	vshll.u32 v2, $0x10;
	v53 =	vshrl.u32 v51, $0x1;
	v4 =	vmul.f32 $5.000000000e-01, v51  }
0x3c3: {  	v24 =	vmul.f32 v50, v50;
	v8 =	vmul.f32 v48, v8;
	v10 =	vsub.s32 $0x5F3759DF, v53  }
0x3c4: {  	v35 =	vsub.f32 v36, v7;
	v0 =	vadd.f32 v22, v0;
	v4 =	vmul.f32 v10, v4  }
0x3c5: {  	v62 =	vmax.f32 v3, $0.0e+00;
	v1 =	vadd.f32 v24, v1;
	v24 =	vld [tilespmem:s23+$0x2620];
	v55 =	vand.u32 $0x7FFFFFFF, v8  }
0x3c6: {  	v58 =	vshrl.u32 v55, $0x1;
	v15 =	vmul.f32 $5.000000000e-01, v55;
	v63 =	vmul.f32 v10, v4  }
0x3c7: {  	v0 =	vadd.f32 v50, v0;
	v17 =	vsub.s32 $0x5F3759DF, v58;
	v4 =	vadd.f32 v62, v54  }
0x3c8: {  	[tilespmem:$0x1F7F0] =	vst v52;
	v52 =	vsub.f32 v28, v7;
	v15 =	vmul.f32 v17, v15;
	v3 =	vsub.f32 $1.500000000e+00, v63  }
0x3c9: {  	[tilespmem:$0x1F4E0] =	vst v61;
	v61 =	vld [tilespmem:s23+$0x9E30];
	v2 =	vand.u32 $0xFFFF0000, v2;
	v48 =	vsub.f32 v37, v7;
	v0 =	vadd.f32 v4, v0  }
0x3ca: {  	v27 =	vshll.u32 v24, $0x10;
	v58 =	vld [tilespmem:$0x1FFE0];
	v15 =	vmul.f32 v17, v15;
	v3 =	vmul.f32 v10, v3  }
0x3cb: {  	[tilespmem:$0x1F4D0] =	vst v52;
	v52 =	vld [tilespmem:s23+$0x4E10];
	v53 =	vand.u32 $0xFFFF0000, v45;
	v47 =	vperm.xlane v0, v59;
	v10 =	vmul.f32 v27, v5  }
0x3cc: {  	v24 =	vand.u32 $0xFFFF0000, v24;
	v43 =	vmul.f32 v4, v4;
	v27 =	vld [tilespmem:s23+$0x7630];
	v36 =	vsub.f32 $1.500000000e+00, v15  }
0x3cd: {  	[tilespmem:$0x1F4C0] =	vst v49;
	v51 =	vld [tilespmem:s23+$0x4E00];
	v0 =	vadd.f32 v0, v47;
	v3 =	vmul.f32 v3, v9;
	v54 =	vand.u32 $0x7FFFFFFF, v10  }
0x3ce: {  	[tilespmem:$0x1F4F0] =	vst v11;
	v15 =	vld [tilespmem:s23+$0x2630];
	v49 =	vmul.f32 v17, v36;
	v55 =	vshrl.u32 v54, $0x1;
	v11 =	vmul.f32 $5.000000000e-01, v54  }
0x3cf: {  	v45 =	vld [tilespmem:$0x1FFE0];
	v1 =	vadd.f32 v43, v1;
	v17 =	vsub.s32 $0x5F3759DF, v55;
	v28 =	vperm.xlane v0, v58  }
0x3d0: {  	[tilespmem:$0x1F800] =	vst v62;
	v63 =	vld [tilespmem:s23+$0x7640];
	v3 =	vadd.f32 v53, v3;
	v7 =	vmul.f32 v49, v8;
	v62 =	vmul.f32 v17, v11  }
0x3d1: {  	v29 =	vperm.xlane v1, v59;
	v43 =	vadd.f32 v61, v27;
	v0 =	vadd.f32 v0, v28;
	v28 =	vld [tilespmem:s23+$0x9E40]  }
0x3d2: {  	[tilespmem:$0x1F520] =	vst v35;
	v35 =	vmax.f32 v3, $0.0e+00;
	v3 =	vld [tilespmem:s23+$0x2640];
	v2 =	vadd.f32 v2, v7;
	v37 =	vmul.f32 v17, v62  }
0x3d3: {  	[tilespmem:$0x1F540] =	vst v48;
	v1 =	vadd.f32 v1, v29;
	v48 =	vshll.u32 v15, $0x10;
	v11 =	vadd.f32 v35, v51  }
0x3d4: {  	v7 =	vmul.f32 v48, v43;
	v36 =	vmax.f32 v2, $0.0e+00;
	v2 =	vsub.f32 $1.500000000e+00, v37  }
0x3d5: {  	v47 =	vperm.xlane v1, v45;
	v15 =	vand.u32 $0xFFFF0000, v15;
	v27 =	vmul.f32 v11, v11  }
0x3d6: {  	v51 =	vand.u32 $0x7FFFFFFF, v7;
	v6 =	vadd.f32 v36, v52;
	v2 =	vmul.f32 v17, v2  }
0x3d7: {  	v52 =	vmax.f32 v42, $0.0e+00;
	v8 =	vadd.f32 v28, v63;
	v49 =	vshll.u32 v3, $0x10  }
0x3d8: {  	v55 =	vld [tilespmem:$0x1FFF0];
	v17 =	vadd.f32 $9.999999740e-06, v52;
	v29 =	vmul.f32 v6, v6;
	v2 =	vmul.f32 v2, v10  }
0x3d9: {  	v1 =	vadd.f32 v1, v47;
	v28 =	vld [tilespmem:s23+$0x4E20];
	v8 =	vmul.f32 v49, v8;
	v10 =	vmul.f32 $5.000000000e-01, v51  }
0x3da: {  	v61 =	vld [tilespmem:$0x1FFF0];
	v53 =	vshra.s32 v17, $0x1;
	v9 =	vadd.f32 v29, v27;
	v27 =	vshrl.u32 v51, $0x1  }
0x3db: {  	v54 =	vld [tilespmem:s23+$0x7650];
	v27 =	vsub.s32 $0x5F3759DF, v27;
	v2 =	vadd.f32 v24, v2;
	v24 =	vand.u32 $0x7FFFFFFF, v8  }
0x3dc: {  	v48 =	vld [tilespmem:s23+$0x7660];
	v10 =	vmul.f32 v27, v10;
	v29 =	vshrl.u32 v24, $0x1;
	v24 =	vmul.f32 $5.000000000e-01, v24  }
0x3dd: {  	v37 =	vld [tilespmem:s23+$0x2660];
	v17 =	vmul.f32 $5.000000000e-01, v17;
	v2 =	vmax.f32 v2, $0.0e+00;
	v29 =	vsub.s32 $0x5F3759DF, v29  }
0x3de: {  	v49 =	vadd.f32 v2, v28;
	v10 =	vmul.f32 v27, v10;
	v24 =	vmul.f32 v29, v24;
	v28 =	vld [tilespmem:s23+$0x9E50]  }
0x3df: {  	[tilespmem:$0x1F500] =	vst v34;
	v58 =	vperm.xlane v0, v55;
	v62 =	vperm.xlane v1, v61;
	v42 =	vld [tilespmem:s23+$0x2650];
	v34 =	vsub.s32 $0x5F3759DF, v53  }
0x3e0: {  	v63 =	vmul.f32 v34, v17;
	v10 =	vsub.f32 $1.500000000e+00, v10;
	v51 =	vmul.f32 v29, v24;
	v24 =	vld [tilespmem:s23+$0x9E60]  }
0x3e1: {  	[tilespmem:$0x1F820] =	vst v36;
	v36 =	vadd.f32 v0, v58;
	v3 =	vand.u32 $0xFFFF0000, v3;
	v0 =	vadd.f32 v1, v62  }
0x3e2: {  	v52 =	vld [tilespmem:s23+$0x7670];
	v61 =	vshll.u32 v37, $0x10;
	v10 =	vmul.f32 v27, v10;
	v27 =	vmul.f32 v34, v63  }
0x3e3: {  	v5 =	vmul.f32 v49, v49;
	v1 =	vsub.f32 $1.500000000e+00, v51;
	v28 =	vadd.f32 v28, v54;
	v54 =	vld [tilespmem:s23+$0x9E70]  }
0x3e4: {  	v7 =	vmul.f32 v10, v7;
	v53 =	vsub.f32 $1.500000000e+00, v27;
	v27 =	vshll.u32 v42, $0x10  }
0x3e5: {  	v63 =	vld [tilespmem:s23+$0x4E30];
	v1 =	vmul.f32 v29, v1;
	v27 =	vmul.f32 v27, v28;
	v55 =	vadd.f32 v24, v48  }
0x3e6: {  	v9 =	vadd.f32 v5, v9;
	v28 =	vld [tilespmem:s23+$0x2670];
	v29 =	vmul.f32 v34, v53;
	v7 =	vadd.f32 v15, v7  }
0x3e7: {  	v1 =	vmul.f32 v1, v8;
	v58 =	vand.u32 $0x7FFFFFFF, v27;
	v24 =	vmul.f32 v61, v55  }
0x3e8: {  	v62 =	vshrl.u32 v58, $0x1;
	v8 =	vmul.f32 $5.000000000e-01, v58;
	v43 =	vadd.f32 v54, v52  }
0x3e9: {  	v51 =	vld [tilespmem:s23+$0x4E40];
	v1 =	vadd.f32 v3, v1;
	v48 =	vmax.f32 v7, $0.0e+00;
	v17 =	vmul.f32 v29, v17  }
0x3ea: {  	[tilespmem:$0x1F810] =	vst v35;
	v35 =	vsub.s32 $0x5F3759DF, v62;
	v52 =	vand.u32 $0x7FFFFFFF, v24;
	v5 =	vadd.f32 v48, v63  }
0x3eb: {  	v45 =	vmul.f32 v35, v8;
	v47 =	vshll.u32 v28, $0x10;
	v53 =	vshrl.u32 v52, $0x1  }
0x3ec: {  	v10 =	vmul.f32 $5.000000000e-01, v52;
	v54 =	vmax.f32 v1, $0.0e+00;
	v8 =	vmul.f32 v47, v43  }
0x3ed: {  	v1 =	vsub.s32 $0x5F3759DF, v53;
	v62 =	vmul.f32 v5, v5;
	v3 =	vmul.f32 v35, v45  }
0x3ee: {  	[tilespmem:$0x1F850] =	vst v54;
	v34 =	vmul.f32 v1, v10;
	v10 =	vadd.f32 v54, v51;
	v54 =	vadd.f32 $0.0e+00, v11  }
0x3ef: {  	v55 =	vand.u32 $0x7FFFFFFF, v8;
	v9 =	vadd.f32 v62, v9;
	v62 =	vand.u32 $0xFFFF0000, v42  }
0x3f0: {  	v53 =	vld [tilespmem:s23+$0x7680];
	v3 =	vsub.f32 $1.500000000e+00, v3;
	v58 =	vshrl.u32 v55, $0x1;
	v61 =	vmul.f32 $5.000000000e-01, v55  }
0x3f1: {  	[tilespmem:$0x1F840] =	vst v48;
	v63 =	vmul.f32 v1, v34;
	v52 =	vmul.f32 v10, v10;
	v55 =	vld [tilespmem:s23+$0x9E80];
	v48 =	vsub.s32 $0x5F3759DF, v58  }
0x3f2: {  	v42 =	vand.u32 $0xFFFF0000, v28;
	v3 =	vmul.f32 v35, v3;
	v51 =	vmul.f32 v48, v61  }
0x3f3: {  	v58 =	vmul.f32 v17, v29;
	v17 =	vld [tilespmem:s23+$0x2680];
	v7 =	vsub.f32 $1.500000000e+00, v63;
	v61 =	vadd.f32 v6, v54  }
0x3f4: {  	v43 =	vadd.f32 v52, v9;
	v3 =	vmul.f32 v3, v27;
	v27 =	vmul.f32 v48, v51  }
0x3f5: {  	v1 =	vmul.f32 v1, v7;
	v7 =	vsub.f32 $1.500000000e+00, v58;
	v9 =	vadd.f32 v49, v61  }
0x3f6: {  	[tilespmem:$0x1F830] =	vst v2;
	v63 =	vand.u32 $0xFFFF0000, v37;
	v2 =	vadd.f32 v55, v53;
	v27 =	vsub.f32 $1.500000000e+00, v27  }
0x3f7: {  	v3 =	vadd.f32 v62, v3;
	v1 =	vmul.f32 v1, v24;
	v24 =	vld [tilespmem:s23+$0x4E50];
	v29 =	vmul.f32 v7, v29  }
0x3f8: {  	[tilespmem:$0x1F620] =	vst v11;
	v9 =	vadd.f32 v5, v9;
	v11 =	vshll.u32 v17, $0x10;
	v17 =	vand.u32 $0xFFFF0000, v17  }
0x3f9: {  	v34 =	vmul.f32 v11, v2;
	v27 =	vmul.f32 v48, v27;
	v1 =	vadd.f32 v63, v1  }
0x3fa: {  	v54 =	vld [tilespmem:s23+$0x9E90];
	v15 =	vmul.f32 v29, v41;
	v35 =	vmax.f32 v3, $0.0e+00;
	v45 =	vmul.f32 v29, v38  }
0x3fb: {  	v37 =	vadd.f32 v10, v9;
	v47 =	vmul.f32 v29, v19;
	v8 =	vmul.f32 v27, v8;
	v27 =	vld [tilespmem:s23+$0x4E60]  }
0x3fc: {  	[tilespmem:$0x1F670] =	vst v10;
	v48 =	vmul.f32 v29, v18;
	v58 =	vmul.f32 v29, v33;
	v41 =	vadd.f32 v35, v24;
	v24 =	vld [tilespmem:s23+$0x4E70]  }
0x3fd: {  	v53 =	vld [tilespmem:s23+$0x7690];
	v10 =	vperm.xlane v0, v60;
	v52 =	vand.u32 $0x7FFFFFFF, v34;
	[tilespmem:$0x1F5C0] =	vst v45;
	v8 =	vadd.f32 v42, v8  }
0x3fe: {  	[tilespmem:$0x1F5E0] =	vst v48;
	v1 =	vmax.f32 v1, $0.0e+00;
	v45 =	vmul.f32 v29, v23;
	v48 =	vmul.f32 v29, v25  }
0x3ff: {  	v55 =	vld [tilespmem:s23+$0x76A0];
	v0 =	vadd.f32 v0, v10;
	v3 =	vadd.f32 v41, v37;
	v51 =	vmax.f32 v8, $0.0e+00  }
0x400: {  	v62 =	vld [tilespmem:s23+$0x9EA0];
	[tilespmem:$0x1F870] =	vst v1;
	v63 =	vadd.f32 v1, v27;
	v27 =	vshrl.u32 v52, $0x1;
	v1 =	vmul.f32 $5.000000000e-01, v52  }
0x401: {  	v18 =	vld [tilespmem:s23+$0x2690];
	v28 =	vmul.f32 v41, v41;
	v2 =	vadd.f32 v51, v24;
	v24 =	vsub.s32 $0x5F3759DF, v27  }
0x402: {  	v19 =	vadd.f32 v54, v53;
	v37 =	vld [tilespmem:s23+$0x26A0];
	v3 =	vadd.f32 v63, v3;
	v1 =	vmul.f32 v24, v1  }
0x403: {  	v9 =	vld [tilespmem:s23+$0x76B0];
	[tilespmem:$0x1F5D0] =	vst v47;
	v0 =	vmul.f32 $7.812500000e-03, v0;
	v27 =	vadd.f32 v28, v43;
	v61 =	vmul.f32 v63, v63  }
0x404: {  	[tilespmem:$0x1F690] =	vst v41;
	v41 =	vld [tilespmem:s23+$0x26F0];
	v28 =	vperm.xlane v36, v60;
	v3 =	vadd.f32 v2, v3;
	v1 =	vmul.f32 v24, v1  }
0x405: {  	v8 =	vmul.f32 v29, v39;
	[tilespmem:$0x1F880] =	vst v51;
	v51 =	vld [tilespmem:$0x1FFE0];
	v47 =	vmul.f32 v2, v2;
	v27 =	vadd.f32 v61, v27  }
0x406: {  	[tilespmem:$0x1F5B0] =	vst v15;
	v15 =	vld [tilespmem:s23+$0x9EB0];
	v28 =	vadd.f32 v36, v28;
	v11 =	vperm.xlane v3, v59;
	v1 =	vsub.f32 $1.500000000e+00, v1  }
0x407: {  	v38 =	vld [tilespmem:s23+$0x26C0];
	v29 =	vshll.u32 v37, $0x10;
	v23 =	vadd.f32 v47, v27;
	v27 =	vshll.u32 v18, $0x10  }
0x408: {  	[tilespmem:$0x1F5F0] =	vst v58;
	v43 =	vld [tilespmem:s23+$0x26B0];
	v3 =	vadd.f32 v3, v11;
	v1 =	vmul.f32 v24, v1;
	v24 =	vadd.f32 v62, v55  }
0x409: {  	[tilespmem:$0x1F610] =	vst v45;
	v45 =	vshll.u32 v41, $0x10;
	v19 =	vmul.f32 v27, v19;
	v58 =	vperm.xlane v23, v59  }
0x40a: {  	v18 =	vand.u32 $0xFFFF0000, v18;
	v25 =	vperm.xlane v3, v51;
	v24 =	vmul.f32 v29, v24  }
0x40b: {  	v27 =	vadd.f32 v15, v9;
	v11 =	vld [tilespmem:$0x1FFE0];
	v29 =	vmul.f32 v1, v34;
	v1 =	vmul.f32 $7.812500000e-03, v28  }
0x40c: {  	v47 =	vshll.u32 v38, $0x10;
	v23 =	vadd.f32 v23, v58;
	v3 =	vadd.f32 v3, v25  }
0x40d: {  	v25 =	vshll.u32 v43, $0x10;
	v52 =	vand.u32 $0x7FFFFFFF, v24;
	v61 =	vmul.f32 v1, v1  }
0x40e: {  	v7 =	vld [tilespmem:$0x1FFF0];
	v17 =	vadd.f32 v17, v29;
	v25 =	vmul.f32 v25, v27;
	v27 =	vand.u32 $0x7FFFFFFF, v19  }
0x40f: {  	v53 =	vshrl.u32 v52, $0x1;
	v28 =	vshrl.u32 v27, $0x1;
	v27 =	vmul.f32 $5.000000000e-01, v27  }
0x410: {  	v33 =	vmul.f32 $5.000000000e-01, v52;
	v15 =	vperm.xlane v23, v11;
	v28 =	vsub.s32 $0x5F3759DF, v28  }
0x411: {  	v34 =	vsub.s32 $0x5F3759DF, v53;
	v54 =	vand.u32 $0x7FFFFFFF, v25;
	v27 =	vmul.f32 v28, v27  }
0x412: {  	[tilespmem:$0x1F860] =	vst v35;
	v9 =	vld [tilespmem:s23+$0x9EC0];
	v33 =	vmul.f32 v34, v33;
	v55 =	vshrl.u32 v54, $0x1;
	v35 =	vmul.f32 $5.000000000e-01, v54  }
0x413: {  	[tilespmem:$0x1F600] =	vst v8;
	v29 =	vld [tilespmem:s23+$0x4E80];
	v8 =	vperm.xlane v3, v7;
	v36 =	vsub.s32 $0x5F3759DF, v55;
	v27 =	vmul.f32 v28, v27  }
0x414: {  	v38 =	vand.u32 $0xFFFF0000, v38;
	v62 =	vld [tilespmem:s23+$0x76C0];
	v33 =	vmul.f32 v34, v33;
	v35 =	vmul.f32 v36, v35  }
0x415: {  	[tilespmem:$0x1F630] =	vst v6;
	v51 =	vmax.f32 v17, $0.0e+00;
	v23 =	vadd.f32 v23, v15;
	v6 =	vsub.f32 $1.500000000e+00, v27  }
0x416: {  	v33 =	vsub.f32 $1.500000000e+00, v33;
	v27 =	vsub.f32 v0, v61;
	v10 =	vmul.f32 v36, v35;
	v61 =	vld [tilespmem:$0x1FFF0]  }
0x417: {  	v3 =	vadd.f32 v3, v8;
	v8 =	vsub.f32 v12, v1;
	v28 =	vmul.f32 v28, v6  }
0x418: {  	v54 =	vadd.f32 v51, v29;
	v33 =	vmul.f32 v34, v33;
	v0 =	vsub.f32 $1.500000000e+00, v10  }
0x419: {  	v29 =	vand.u32 $0xFFFF0000, v43;
	v19 =	vmul.f32 v28, v19;
	v28 =	vadd.f32 v9, v62  }
0x41a: {  	[tilespmem:$0x1F640] =	vst v48;
	v48 =	vld [tilespmem:s23+$0x4E90];
	v34 =	vsub.f32 v22, v1;
	v24 =	vmul.f32 v33, v24;
	v0 =	vmul.f32 v36, v0  }
0x41b: {  	v39 =	vld [tilespmem:s23+$0x9ED0];
	v35 =	vperm.xlane v23, v61;
	v18 =	vadd.f32 v18, v19;
	v19 =	vmul.f32 v47, v28  }
0x41c: {  	v33 =	vld [tilespmem:s23+$0x26D0];
	v28 =	vand.u32 $0xFFFF0000, v37;
	v0 =	vmul.f32 v0, v25;
	v25 =	vshra.s32 v26, $0x1  }
0x41d: {  	v36 =	vld [tilespmem:s23+$0x76D0];
	v26 =	vmul.f32 $5.000000000e-01, v26;
	v24 =	vadd.f32 v28, v24;
	v25 =	vsub.s32 $0x5F3759DF, v25  }
0x41e: {  	v53 =	vld [tilespmem:s23+$0x4EA0];
	v23 =	vadd.f32 v23, v35;
	v28 =	vand.u32 $0x7FFFFFFF, v19;
	v55 =	vmax.f32 v18, $0.0e+00  }
0x41f: {  	[tilespmem:$0x1F6E0] =	vst v2;
	v0 =	vadd.f32 v29, v0;
	v29 =	vmul.f32 v25, v26;
	v52 =	vshrl.u32 v28, $0x1  }
0x420: {  	v58 =	vld [tilespmem:s23+$0x4EB0];
	v2 =	vmovc v54;
	[tilespmem:$0x1F8E0] =	vst v54;
	v28 =	vmul.f32 $5.000000000e-01, v28;
	v62 =	vmax.f32 v24, $0.0e+00;
	v24 =	vmul.f32 v54, v54  }
0x421: {  	[tilespmem:$0x1F8A0] =	vst v55;
	v6 =	vadd.f32 v55, v48;
	v54 =	vperm.xlane v3, v60;
	v55 =	vperm.xlane v23, v60  }
0x422: {  	v36 =	vadd.f32 v39, v36;
	v39 =	vshll.u32 v33, $0x10;
	v17 =	vsub.s32 $0x5F3759DF, v52  }
0x423: {  	v35 =	vld [tilespmem:s23+$0x26E0];
	v33 =	vand.u32 $0xFFFF0000, v33;
	v9 =	vadd.f32 v62, v53;
	v28 =	vmul.f32 v17, v28  }
0x424: {  	[tilespmem:$0x1F660] =	vst v5;
	v29 =	vmul.f32 v25, v29;
	v10 =	vmax.f32 v0, $0.0e+00;
	v5 =	vmul.f32 v6, v6  }
0x425: {  	v11 =	vld [tilespmem:s23+$0x76E0];
	v7 =	vadd.f32 v10, v58;
	v3 =	vadd.f32 v3, v54;
	v28 =	vmul.f32 v17, v28  }
0x426: {  	[tilespmem:$0x1F8B0] =	vst v62;
	v53 =	vld [tilespmem:s23+$0x9EE0];
	v62 =	vadd.f32 v23, v55;
	v36 =	vmul.f32 v39, v36;
	v29 =	vsub.f32 $1.500000000e+00, v29  }
0x427: {  	v24 =	vadd.f32 v5, v24;
	v52 =	vsub.f32 $1.500000000e+00, v28;
	v28 =	vmul.f32 v9, v9  }
0x428: {  	v58 =	vld [tilespmem:s23+$0x76F0];
	v42 =	vshll.u32 v35, $0x10;
	v35 =	vand.u32 $0xFFFF0000, v35;
	v61 =	vmul.f32 v7, v7  }
0x429: {  	v15 =	vmul.f32 $7.812500000e-03, v3;
	v24 =	vadd.f32 v28, v24;
	v17 =	vmul.f32 v17, v52;
	v28 =	vld [tilespmem:s23+$0x9EF0]  }
0x42a: {  	v47 =	vmul.f32 v25, v29;
	v25 =	vsub.f32 v14, v1;
	v29 =	vsub.f32 v20, v1  }
0x42b: {  	v0 =	vadd.f32 v53, v11;
	v52 =	vand.u32 $0x7FFFFFFF, v36;
	v17 =	vmul.f32 v17, v19  }
0x42c: {  	v53 =	vmul.f32 $7.812500000e-03, v62;
	v54 =	vshrl.u32 v52, $0x1;
	v12 =	vmul.f32 $5.000000000e-01, v52  }
0x42d: {  	[tilespmem:$0x1F890] =	vst v51;
	v51 =	vld [tilespmem:s23+$0x4EC0];
	v48 =	vadd.f32 v61, v24;
	v17 =	vadd.f32 v38, v17;
	v38 =	vmul.f32 v42, v0  }
0x42e: {  	v24 =	vsub.f32 v13, v1;
	v43 =	vadd.f32 v28, v58;
	v28 =	vmul.f32 v15, v15  }
0x42f: {  	v55 =	vand.u32 $0x7FFFFFFF, v38;
	v61 =	vmax.f32 v17, $0.0e+00;
	v17 =	vsub.s32 $0x5F3759DF, v54  }
0x430: {  	v54 =	vmax.f32 v40, $0.0e+00;
	v13 =	vmul.f32 v45, v43;
	v45 =	vsub.f32 v21, v1  }
0x431: {  	v58 =	vshrl.u32 v55, $0x1;
	v20 =	vmul.f32 $5.000000000e-01, v55;
	v12 =	vmul.f32 v17, v12  }
0x432: {  	v0 =	vadd.f32 v61, v51;
	v52 =	vsub.f32 v53, v28;
	v21 =	vsub.s32 $0x5F3759DF, v58  }
0x433: {  	[tilespmem:$0x1F8C0] =	vst v10;
	v62 =	vmul.f32 v21, v20;
	v10 =	vand.u32 $0x7FFFFFFF, v13;
	v12 =	vmul.f32 v17, v12  }
0x434: {  	[tilespmem:$0x1F8D0] =	vst v61;
	v61 =	vmul.f32 v0, v0;
	v11 =	vshrl.u32 v10, $0x1;
	v20 =	vmul.f32 $5.000000000e-01, v10  }
0x435: {  	v37 =	vld [tilespmem:s23+$0x7700];
	v18 =	vmul.f32 v21, v62;
	v3 =	vsub.s32 $0x5F3759DF, v11;
	v12 =	vsub.f32 $1.500000000e+00, v12  }
0x436: {  	v53 =	vmul.f32 v47, v26;
	v55 =	vadd.f32 $9.999999740e-06, v54;
	v62 =	vld [tilespmem:s23+$0x9F00];
	v19 =	vmul.f32 v3, v20  }
0x437: {  	v14 =	vld [tilespmem:s23+$0x2700];
	v22 =	vadd.f32 v61, v48;
	v58 =	vsub.f32 $1.500000000e+00, v18;
	v48 =	vmul.f32 v17, v12  }
0x438: {  	v42 =	vsub.f32 v4, v1;
	v17 =	vmul.f32 v53, v47;
	v10 =	vmul.f32 v3, v19  }
0x439: {  	v11 =	vsub.f32 v50, v1;
	v12 =	vmul.f32 $5.000000000e-01, v55;
	v51 =	vmul.f32 v21, v58  }
0x43a: {  	v26 =	vmul.f32 v48, v36;
	v21 =	vshra.s32 v55, $0x1;
	v1 =	vsub.f32 $1.500000000e+00, v10  }
0x43b: {  	v58 =	vadd.f32 v62, v37;
	v62 =	vsub.f32 $1.500000000e+00, v17;
	v17 =	vsub.s32 $0x5F3759DF, v21  }
0x43c: {  	v61 =	vshll.u32 v14, $0x10;
	v10 =	vld [tilespmem:s23+$0x4ED0];
	v28 =	vmul.f32 v51, v38;
	v18 =	vmul.f32 v17, v12  }
0x43d: {  	v19 =	vld [tilespmem:s23+$0x4EE0];
	v26 =	vadd.f32 v33, v26;
	v1 =	vmul.f32 v3, v1;
	v3 =	vmul.f32 v61, v58  }
0x43e: {  	v39 =	vld [tilespmem:s23+$0x7710];
	v55 =	vand.u32 $0xFFFF0000, v41;
	v5 =	vmul.f32 v62, v47;
	v28 =	vadd.f32 v35, v28  }
0x43f: {  	v40 =	vld [tilespmem:s23+$0x7720];
	v43 =	vmul.f32 v17, v18;
	v53 =	vmax.f32 v26, $0.0e+00;
	v51 =	vand.u32 $0x7FFFFFFF, v3  }
0x440: {  	v47 =	vld [tilespmem:s23+$0x4EF0];
	v1 =	vmul.f32 v1, v13;
	v26 =	vshrl.u32 v51, $0x1;
	v54 =	vmul.f32 $5.000000000e-01, v51  }
0x441: {  	v62 =	vld [tilespmem:s23+$0x9F10];
	v4 =	vadd.f32 v53, v10;
	v58 =	vmax.f32 v28, $0.0e+00;
	v51 =	vadd.f32 $0.0e+00, v2  }
0x442: {  	v38 =	vld [tilespmem:s23+$0x2710];
	v26 =	vsub.s32 $0x5F3759DF, v26;
	v1 =	vadd.f32 v55, v1;
	v10 =	vadd.f32 v58, v19  }
0x443: {  	[tilespmem:$0x1F900] =	vst v53;
	v13 =	vsub.f32 $1.500000000e+00, v43;
	v53 =	vld [tilespmem:s23+$0x9F20];
	v61 =	vmul.f32 v26, v54;
	v28 =	vmul.f32 v4, v4  }
0x444: {  	[tilespmem:$0x1F8F0] =	vst v6;
	v55 =	vadd.f32 v6, v51;
	v6 =	vld [tilespmem:s23+$0x7730];
	v48 =	vmax.f32 v1, $0.0e+00;
	v54 =	vmul.f32 v10, v10  }
0x445: {  	v50 =	vmul.f32 v26, v61;
	v43 =	vadd.f32 v28, v22;
	v2 =	vadd.f32 v48, v47;
	v47 =	vld [tilespmem:s23+$0x2720]  }
0x446: {  	[tilespmem:$0x1F910] =	vst v9;
	v22 =	vmul.f32 v17, v13;
	v61 =	vadd.f32 v62, v39;
	v13 =	vadd.f32 v9, v55;
	v9 =	vld [tilespmem:s23+$0x9F30]  }
0x447: {  	v35 =	vld [tilespmem:s23+$0x2730];
	[tilespmem:$0x1F920] =	vst v58;
	v1 =	vsub.f32 $1.500000000e+00, v50;
	v58 =	vadd.f32 v54, v43;
	v62 =	vmul.f32 v2, v2  }
0x448: {  	v14 =	vand.u32 $0xFFFF0000, v14;
	v19 =	vadd.f32 v7, v13;
	v12 =	vmul.f32 v22, v12  }
0x449: {  	v1 =	vmul.f32 v26, v1;
	v26 =	vshll.u32 v38, $0x10;
	v17 =	vadd.f32 v62, v58  }
0x44a: {  	v38 =	vand.u32 $0xFFFF0000, v38;
	v12 =	vmul.f32 v12, v22;
	v21 =	vmul.f32 v26, v61  }
0x44b: {  	v26 =	vadd.f32 v53, v40;
	v20 =	vshll.u32 v47, $0x10;
	v37 =	vadd.f32 v9, v6  }
0x44c: {  	v1 =	vmul.f32 v1, v3;
	v3 =	vadd.f32 v0, v19;
	v19 =	vshll.u32 v35, $0x10  }
0x44d: {  	v35 =	vand.u32 $0xFFFF0000, v35;
	v12 =	vsub.f32 $1.500000000e+00, v12;
	v13 =	vmul.f32 v20, v26  }
0x44e: {  	v26 =	vmax.f32 v27, $0.0e+00;
	v27 =	vand.u32 $0x7FFFFFFF, v21;
	v37 =	vmul.f32 v19, v37  }
0x44f: {  	v19 =	vand.u32 $0xFFFF0000, v47;
	v23 =	vshrl.u32 v27, $0x1;
	v26 =	vadd.f32 $9.999999740e-06, v26  }
0x450: {  	v27 =	vmul.f32 $5.000000000e-01, v27;
	v3 =	vadd.f32 v4, v3;
	v1 =	vadd.f32 v14, v1  }
0x451: {  	v33 =	vsub.s32 $0x5F3759DF, v23;
	v9 =	vand.u32 $0x7FFFFFFF, v13;
	v23 =	vand.u32 $0x7FFFFFFF, v37  }
0x452: {  	v51 =	vld [tilespmem:s23+$0x9F40];
	v27 =	vmul.f32 v33, v27;
	v18 =	vshrl.u32 v9, $0x1;
	v40 =	vmul.f32 $5.000000000e-01, v9  }
0x453: {  	[tilespmem:$0x1F940] =	vst v48;
	v48 =	vld [tilespmem:s23+$0x2740];
	v3 =	vadd.f32 v10, v3;
	v53 =	vmul.f32 $5.000000000e-01, v26;
	v41 =	vsub.s32 $0x5F3759DF, v18  }
0x454: {  	v58 =	vld [tilespmem:s23+$0x2750];
	v20 =	vshra.s32 v26, $0x1;
	v27 =	vmul.f32 v33, v27;
	v40 =	vmul.f32 v41, v40  }
0x455: {  	v26 =	vld [tilespmem:s23+$0x7740];
	v54 =	vshrl.u32 v23, $0x1;
	v43 =	vsub.s32 $0x5F3759DF, v20;
	v3 =	vadd.f32 v2, v3  }
0x456: {  	v62 =	vld [tilespmem:s23+$0x7750];
	v61 =	vmul.f32 v43, v53;
	v27 =	vsub.f32 $1.500000000e+00, v27;
	v40 =	vmul.f32 v41, v40  }
0x457: {  	[tilespmem:$0x1F960] =	vst v4;
	v4 =	vld [tilespmem:s23+$0x9F50];
	v50 =	vmul.f32 $5.000000000e-01, v23;
	v54 =	vsub.s32 $0x5F3759DF, v54;
	v55 =	vperm.xlane v3, v59  }
0x458: {  	[tilespmem:$0x1F930] =	vst v7;
	v7 =	vmul.f32 v43, v61;
	v61 =	vld [tilespmem:s23+$0x2760];
	v40 =	vsub.f32 $1.500000000e+00, v40;
	v27 =	vmul.f32 v33, v27  }
0x459: {  	v12 =	vmul.f32 v12, v22;
	v6 =	vadd.f32 v3, v55;
	v33 =	vmul.f32 v54, v50;
	v55 =	vld [tilespmem:s23+$0x7760]  }
0x45a: {  	v26 =	vadd.f32 v51, v26;
	v40 =	vmul.f32 v41, v40;
	v9 =	vmul.f32 v27, v21;
	v27 =	vld [tilespmem:s23+$0x9F60]  }
0x45b: {  	[tilespmem:$0x1F970] =	vst v10;
	v18 =	vsub.f32 $1.500000000e+00, v7;
	v7 =	vshll.u32 v48, $0x10;
	v10 =	vmul.f32 v54, v33;
	v33 =	vld [tilespmem:s23+$0x4F00]  }
0x45c: {  	v39 =	vld [tilespmem:s23+$0x4F10];
	v4 =	vadd.f32 v4, v62;
	v26 =	vmul.f32 v7, v26;
	v13 =	vmul.f32 v40, v13  }
0x45d: {  	v14 =	vadd.f32 v38, v9;
	v21 =	vsub.f32 $1.500000000e+00, v10;
	v9 =	vshll.u32 v58, $0x10  }
0x45e: {  	v47 =	vmul.f32 v43, v18;
	v10 =	vmax.f32 v1, $0.0e+00;
	v41 =	vmul.f32 v9, v4  }
0x45f: {  	v13 =	vadd.f32 v19, v13;
	v38 =	vmul.f32 v54, v21;
	v19 =	vshll.u32 v61, $0x10  }
0x460: {  	v18 =	vld [tilespmem:s23+$0x4F20];
	v36 =	vmax.f32 v14, $0.0e+00;
	v27 =	vadd.f32 v27, v55;
	v20 =	vadd.f32 v10, v33  }
0x461: {  	[tilespmem:$0x1F990] =	vst v10;
	v33 =	vand.u32 $0x7FFFFFFF, v26;
	v62 =	vand.u32 $0x7FFFFFFF, v41;
	v10 =	vadd.f32 v36, v39  }
0x462: {  	v50 =	vshrl.u32 v33, $0x1;
	v40 =	vmul.f32 $5.000000000e-01, v33;
	v51 =	vmax.f32 v13, $0.0e+00  }
0x463: {  	v4 =	vshrl.u32 v62, $0x1;
	v7 =	vmul.f32 $5.000000000e-01, v62;
	v37 =	vmul.f32 v38, v37  }
0x464: {  	v38 =	vmul.f32 v5, v16;
	v27 =	vmul.f32 v19, v27;
	v54 =	vsub.s32 $0x5F3759DF, v50  }
0x465: {  	[tilespmem:$0x1F9A0] =	vst v36;
	v33 =	vld [tilespmem:$0x1FFE0];
	v14 =	vadd.f32 v51, v18;
	v36 =	vmul.f32 v20, v20;
	v43 =	vmul.f32 v10, v10  }
0x466: {  	v16 =	vld [tilespmem:$0x1F4F0];
	v1 =	vsub.s32 $0x5F3759DF, v4;
	v19 =	vperm.xlane v17, v59;
	v40 =	vmul.f32 v54, v40  }
0x467: {  	[tilespmem:$0x1F980] =	vst v2;
	v50 =	vld [tilespmem:s23+$0x7770];
	v18 =	vmul.f32 v1, v7;
	v35 =	vadd.f32 v35, v37;
	v37 =	vmul.f32 v47, v53  }
0x468: {  	[tilespmem:$0x1F9E0] =	vst v20;
	v13 =	vmovc v20;
	v20 =	vld [tilespmem:s23+$0x9F70];
	v53 =	vmul.f32 v5, v46;
	v21 =	vand.u32 $0x7FFFFFFF, v27;
	v2 =	vadd.f32 v43, v36  }
0x469: {  	v7 =	vld [tilespmem:s23+$0x2770];
	v39 =	vmul.f32 v54, v40;
	v23 =	vshrl.u32 v21, $0x1;
	v55 =	vmul.f32 $5.000000000e-01, v21  }
0x46a: {  	[tilespmem:$0x1F950] =	vst v0;
	v36 =	vld [tilespmem:s23+$0x4F70];
	v21 =	vmul.f32 v1, v18;
	v0 =	vperm.xlane v6, v33;
	v62 =	vsub.s32 $0x5F3759DF, v23  }
0x46b: {  	[tilespmem:$0x1F9B0] =	vst v51;
	v18 =	vld [tilespmem:$0x1F500];
	v46 =	vmul.f32 v12, v16;
	v51 =	vmul.f32 v62, v55;
	v55 =	vadd.f32 v17, v19  }
0x46c: {  	v16 =	vld [tilespmem:$0x1F5C0];
	v33 =	vsub.f32 $1.500000000e+00, v39;
	v3 =	vsub.f32 $1.500000000e+00, v21;
	v39 =	vmul.f32 v5, v32  }
0x46d: {  	v9 =	vadd.f32 v6, v0;
	v0 =	vadd.f32 v20, v50;
	v20 =	vld [tilespmem:s23+$0x4F40];
	v6 =	vmul.f32 v62, v51  }
0x46e: {  	v50 =	vshll.u32 v7, $0x10;
	v17 =	vmul.f32 v54, v33;
	v1 =	vmul.f32 v1, v3;
	v33 =	vld [tilespmem:s23+$0x4F50]  }
0x46f: {  	[tilespmem:s23+$0x4CA0] =	vst v39;
	v39 =	vld [tilespmem:$0x1F710];
	v0 =	vmul.f32 v50, v0;
	v6 =	vsub.f32 $1.500000000e+00, v6  }
0x470: {  	v50 =	vld [tilespmem:s23+$0x7780];
	v40 =	vmul.f32 v17, v26;
	v51 =	vmul.f32 v1, v41  }
0x471: {  	v54 =	vand.u32 $0xFFFF0000, v48;
	v41 =	vmul.f32 v5, v31;
	v17 =	vld [tilespmem:s23+$0x4F60];
	v43 =	vmul.f32 v62, v6  }
0x472: {  	v3 =	vadd.f32 v54, v40;
	v6 =	vand.u32 $0x7FFFFFFF, v0;
	v62 =	vmul.f32 v5, v30;
	v54 =	vld [tilespmem:$0x1F4C0]  }
0x473: {  	v30 =	vadd.f32 $0.0e+00, v13;
	v13 =	vld [tilespmem:$0x1F4E0];
	v26 =	vshrl.u32 v6, $0x1;
	v6 =	vmul.f32 $5.000000000e-01, v6  }
0x474: {  	v4 =	vmul.f32 v43, v27;
	v27 =	vand.u32 $0xFFFF0000, v58;
	v31 =	vsub.s32 $0x5F3759DF, v26;
	v58 =	vld [tilespmem:s23+$0x4F30]  }
0x475: {  	v40 =	vmul.f32 v5, v56;
	[tilespmem:s23+$0x7500] =	vst v39;
	v39 =	vld [tilespmem:$0x1F750];
	v6 =	vmul.f32 v31, v6  }
0x476: {  	v23 =	vmul.f32 v14, v14;
	v26 =	vand.u32 $0xFFFF0000, v61;
	v21 =	vadd.f32 v10, v30;
	[tilespmem:s23+$0x4CB0] =	vst v62;
	v62 =	vld [tilespmem:s23+$0x4F90]  }
0x477: {  	v43 =	vmax.f32 v35, $0.0e+00;
	[tilespmem:s23+$0x4CC0] =	vst v40;
	v40 =	vld [tilespmem:$0x1F720];
	v27 =	vadd.f32 v27, v51;
	v6 =	vmul.f32 v31, v6  }
0x478: {  	v4 =	vadd.f32 v26, v4;
	v26 =	vmul.f32 v5, v57;
	v57 =	vadd.f32 v14, v21;
	v21 =	vld [tilespmem:$0x1FFF0]  }
0x479: {  	v61 =	vmul.f32 v37, v47;
	v6 =	vsub.f32 $1.500000000e+00, v6;
	v30 =	vadd.f32 v43, v58;
	v58 =	vld [tilespmem:s23+$0x9F80]  }
0x47a: {  	[tilespmem:$0x1FA00] =	vst v10;
	v35 =	vmax.f32 v27, $0.0e+00;
	v28 =	vmul.f32 v12, v54;
	v54 =	vmul.f32 v12, v18;
	v18 =	vld [tilespmem:$0x1F560]  }
0x47b: {  	v10 =	vmax.f32 v3, $0.0e+00;
	[tilespmem:$0x1F9F0] =	vst v35;
	v32 =	vadd.f32 v35, v33;
	v35 =	vld [tilespmem:$0x1FFF0];
	v6 =	vmul.f32 v31, v6  }
0x47c: {  	v2 =	vadd.f32 v23, v2;
	v23 =	vmul.f32 v5, v44;
	v31 =	vadd.f32 v10, v20;
	v20 =	vld [tilespmem:s23+$0x2780]  }
0x47d: {  	v7 =	vand.u32 $0xFFFF0000, v7;
	v22 =	vsub.f32 $1.500000000e+00, v61;
	v0 =	vmul.f32 v6, v0;
	v6 =	vld [tilespmem:$0x1F4D0]  }
0x47e: {  	[tilespmem:$0x1F9C0] =	vst v43;
	v43 =	vmax.f32 v4, $0.0e+00;
	v5 =	vadd.f32 v30, v57;
	v37 =	vadd.f32 v58, v50;
	v50 =	vld [tilespmem:$0x1F4B0]  }
0x47f: {  	v4 =	vmul.f32 v22, v47;
	v47 =	vmul.f32 v30, v30;
	v58 =	vld [tilespmem:$0x1FFE0];
	v0 =	vadd.f32 v7, v0  }
0x480: {  	v56 =	vadd.f32 v43, v17;
	[tilespmem:s23+$0x7430] =	vst v18;
	v18 =	vld [tilespmem:s23+$0x27A0];
	v5 =	vadd.f32 v31, v5;
	v51 =	vmul.f32 v31, v31  }
0x481: {  	v48 =	vshll.u32 v20, $0x10;
	v44 =	vmax.f32 v0, $0.0e+00;
	v0 =	vadd.f32 v47, v2;
	v47 =	vld [tilespmem:$0x1F510]  }
0x482: {  	v5 =	vadd.f32 v32, v5;
	v19 =	vmul.f32 v48, v37;
	v48 =	vmul.f32 v12, v6;
	v6 =	vld [tilespmem:$0x1F540]  }
0x483: {  	[tilespmem:$0x1F9D0] =	vst v10;
	v10 =	vmul.f32 v32, v32;
	v27 =	vmul.f32 v12, v50;
	v0 =	vadd.f32 v51, v0;
	v50 =	vld [tilespmem:$0x1F520]  }
0x484: {  	v5 =	vadd.f32 v56, v5;
	v61 =	vperm.xlane v55, v58;
	v51 =	vld [tilespmem:$0x1FFE0]  }
0x485: {  	v17 =	vmul.f32 v56, v56;
	v57 =	vadd.f32 v44, v36;
	v58 =	vld [tilespmem:$0x1F530];
	v0 =	vadd.f32 v10, v0  }
0x486: {  	v7 =	vadd.f32 v55, v61;
	v61 =	vmul.f32 v12, v13;
	v13 =	vld [tilespmem:$0x1F5A0]  }
0x487: {  	v5 =	vadd.f32 v57, v5;
	v33 =	vadd.f32 v17, v0;
	v17 =	vld [tilespmem:s23+$0x2790]  }
0x488: {  	v22 =	vperm.xlane v9, v21;
	[tilespmem:s23+$0x7400] =	vst v47;
	v47 =	vmul.f32 v12, v6;
	v6 =	vld [tilespmem:s23+$0x9F90]  }
0x489: {  	[tilespmem:$0x1FA20] =	vst v14;
	v14 =	vperm.xlane v5, v59;
	v36 =	vperm.xlane v7, v35;
	v35 =	vld [tilespmem:$0x1F580]  }
0x48a: {  	[tilespmem:$0x1FA30] =	vst v44;
	v37 =	vmul.f32 v57, v57;
	v44 =	vmul.f32 v12, v50;
	v50 =	vld [tilespmem:s23+$0x77A0]  }
0x48b: {  	v5 =	vadd.f32 v5, v14;
	v14 =	vld [tilespmem:$0x1F5B0]  }
0x48c: {  	v9 =	vadd.f32 v9, v22;
	v3 =	vadd.f32 v37, v33;
	v33 =	vld [tilespmem:$0x1F570]  }
0x48d: {  	v2 =	vadd.f32 v7, v36;
	v36 =	vld [tilespmem:$0x1FFF0]  }
0x48e: {  	v22 =	vperm.xlane v9, v60;
	v10 =	vand.u32 $0x7FFFFFFF, v19;
	v7 =	vld [tilespmem:$0x1F550];
	v0 =	vperm.xlane v5, v51  }
0x48f: {  	v55 =	vmul.f32 v4, v8;
	v21 =	vshrl.u32 v10, $0x1;
	v51 =	vld [tilespmem:$0x1F590]  }
0x490: {  	[tilespmem:$0x1FA10] =	vst v43;
	v1 =	vadd.f32 v5, v0;
	v5 =	vmul.f32 $5.000000000e-01, v10;
	v10 =	vadd.f32 v9, v22;
	v9 =	vld [tilespmem:$0x1F630]  }
0x491: {  	v37 =	vmul.f32 v4, v24;
	[tilespmem:s23+$0x7440] =	vst v33;
	v33 =	vmul.f32 v4, v25;
	v25 =	vld [tilespmem:s23+$0x9FA0]  }
0x492: {  	[tilespmem:s23+$0x7410] =	vst v58;
	v12 =	vsub.s32 $0x5F3759DF, v21;
	v24 =	vperm.xlane v2, v60;
	v43 =	vperm.xlane v1, v36;
	v36 =	vld [tilespmem:$0x1F5D0]  }
0x493: {  	v58 =	vperm.xlane v3, v59;
	v22 =	vmax.f32 v52, $0.0e+00;
	[tilespmem:s23+$0x7420] =	vst v7;
	v7 =	vld [tilespmem:s23+$0x7790];
	v5 =	vmul.f32 v12, v5  }
0x494: {  	v8 =	vadd.f32 v2, v24;
	v24 =	vmul.f32 v4, v29;
	v29 =	vmul.f32 v4, v45;
	v45 =	vld [tilespmem:$0x1F5E0]  }
0x495: {  	[tilespmem:s23+$0x7450] =	vst v35;
	v21 =	vadd.f32 v3, v58;
	v3 =	vadd.f32 $9.999999740e-06, v22;
	v22 =	vld [tilespmem:$0x1F640];
	v5 =	vmul.f32 v12, v5  }
0x496: {  	v34 =	vmul.f32 v4, v34;
	v35 =	vmul.f32 v4, v11;
	[tilespmem:s23+$0x7460] =	vst v51;
	v51 =	vld [tilespmem:$0x1F5F0]  }
0x497: {  	v5 =	vsub.f32 $1.500000000e+00, v5;
	[tilespmem:s23+$0x4C20] =	vst v36;
	v36 =	vmul.f32 v4, v42;
	v0 =	vadd.f32 v25, v50;
	v4 =	vld [tilespmem:$0x1F600]  }
0x498: {  	[tilespmem:s23+$0x7470] =	vst v13;
	v58 =	vshll.u32 v18, $0x10;
	v13 =	vadd.f32 v1, v43;
	v43 =	vadd.f32 v6, v7;
	v6 =	vld [tilespmem:$0x1F620]  }
0x499: {  	[tilespmem:s23+$0x4C00] =	vst v14;
	v14 =	vmul.f32 v12, v5;
	v12 =	vmul.f32 v58, v0;
	v58 =	vld [tilespmem:$0x1F660]  }
0x49a: {  	v5 =	vld [tilespmem:$0x1F610]  }
0x49b: {  	v50 =	vshll.u32 v17, $0x10;
	[tilespmem:s23+$0x4C40] =	vst v51;
	v51 =	vld [tilespmem:$0x1F650]  }
0x49c: {  	[tilespmem:s23+$0x4C10] =	vst v16;
	v52 =	vshra.s32 v3, $0x1;
	v11 =	vmul.f32 v50, v43;
	v43 =	vsub.f32 v9, v15;
	v9 =	vld [tilespmem:$0x1F690]  }
0x49d: {  	[tilespmem:s23+$0x4C70] =	vst v22;
	v7 =	vsub.s32 $0x5F3759DF, v52;
	v22 =	vand.u32 $0x7FFFFFFF, v12;
	v52 =	vsub.f32 v6, v15;
	v6 =	vld [tilespmem:$0x1F680]  }
0x49e: {  	v16 =	vand.u32 $0x7FFFFFFF, v11;
	[tilespmem:s23+$0x4C50] =	vst v4;
	v4 =	vld [tilespmem:$0x1F670];
	v50 =	vsub.f32 v58, v15;
	v58 =	vshrl.u32 v22, $0x1  }
0x49f: {  	v42 =	vshrl.u32 v16, $0x1;
	v0 =	vsub.s32 $0x5F3759DF, v58;
	v58 =	vld [tilespmem:$0x1F6F0]  }
0x4a0: {  	v1 =	vsub.s32 $0x5F3759DF, v42;
	v42 =	vld [tilespmem:$0x1F6B0]  }
0x4a1: {  	[tilespmem:s23+$0x4C60] =	vst v5;
	v5 =	vmul.f32 $5.000000000e-01, v16;
	v16 =	vld [tilespmem:$0x1F6A0]  }
0x4a2: {  	[tilespmem:s23+$0x7490] =	vst v6;
	v6 =	vld [tilespmem:$0x1F6C0]  }
0x4a3: {  	[tilespmem:s23+$0x7480] =	vst v51;
	v51 =	vsub.f32 v9, v15;
	v9 =	vmul.f32 $7.812500000e-03, v10;
	v10 =	vmul.f32 $5.000000000e-01, v22;
	v22 =	vld [tilespmem:$0x1F6D0]  }
0x4a4: {  	v5 =	vmul.f32 v1, v5;
	[tilespmem:s23+$0x74E0] =	vst v58;
	v58 =	vld [tilespmem:$0x1FFE0]  }
0x4a5: {  	v8 =	vmul.f32 $7.812500000e-03, v8;
	v25 =	vmul.f32 $5.000000000e-01, v3;
	[tilespmem:s23+$0x74B0] =	vst v42;
	v42 =	vld [tilespmem:$0x1F6E0]  }
0x4a6: {  	[tilespmem:s23+$0x4C30] =	vst v45;
	v10 =	vmul.f32 v0, v10;
	v45 =	vsub.f32 v4, v15;
	v4 =	vmul.f32 v1, v5;
	v5 =	vld [tilespmem:s23+$0x9FB0]  }
0x4a7: {  	v3 =	vmul.f32 v7, v25;
	v2 =	vmul.f32 v9, v9;
	[tilespmem:s23+$0x74C0] =	vst v6;
	v6 =	vld [tilespmem:s23+$0x77B0]  }
0x4a8: {  	v49 =	vsub.f32 v49, v15;
	v63 =	vsub.f32 v63, v15;
	[tilespmem:s23+$0x74A0] =	vst v16;
	v16 =	vld [tilespmem:s23+$0x27B0];
	v10 =	vmul.f32 v0, v10  }
0x4a9: {  	[tilespmem:s23+$0x74D0] =	vst v22;
	v22 =	vsub.f32 v8, v2;
	v8 =	vmul.f32 v7, v3;
	v3 =	vperm.xlane v21, v58;
	v58 =	vld [tilespmem:$0x1F700]  }
0x4aa: {  	[tilespmem:s23+$0x7510] =	vst v40;
	v40 =	vld [tilespmem:$0x1FFF0];
	v4 =	vsub.f32 $1.500000000e+00, v4;
	v42 =	vsub.f32 v42, v15;
	v15 =	vperm.xlane v13, v60  }
0x4ab: {  	v14 =	vmul.f32 v14, v19;
	v2 =	vld [tilespmem:s23+$0x77C0];
	v10 =	vsub.f32 $1.500000000e+00, v10  }
0x4ac: {  	[tilespmem:s23+$0x4C90] =	vst v41;
	v1 =	vmul.f32 v1, v4;
	v13 =	vadd.f32 v13, v15;
	v15 =	vld [tilespmem:s23+$0x9FC0];
	v5 =	vadd.f32 v5, v6  }
0x4ad: {  	[tilespmem:s23+$0x4DD0] =	vst v34;
	v19 =	vld [tilespmem:s23+$0x27C0];
	v8 =	vsub.f32 $1.500000000e+00, v8;
	v0 =	vmul.f32 v0, v10;
	v41 =	vshll.u32 v16, $0x10  }
0x4ae: {  	v34 =	vld [tilespmem:$0x1F810];
	v1 =	vmul.f32 v1, v11;
	v5 =	vmul.f32 v41, v5;
	[tilespmem:s23+$0x74F0] =	vst v58;
	v58 =	vand.u32 $0xFFFF0000, v20  }
0x4af: {  	v3 =	vadd.f32 v21, v3;
	v6 =	vld [tilespmem:s23+$0x4F80];
	v4 =	vadd.f32 v58, v14;
	v58 =	vand.u32 $0xFFFF0000, v17  }
0x4b0: {  	[tilespmem:s23+$0x4CE0] =	vst v38;
	v20 =	vmul.f32 v7, v8;
	v21 =	vand.u32 $0x7FFFFFFF, v5;
	v1 =	vadd.f32 v58, v1;
	v58 =	vld [tilespmem:$0x1F730]  }
0x4b1: {  	[tilespmem:s23+$0x4C80] =	vst v23;
	v2 =	vadd.f32 v15, v2;
	v23 =	vshrl.u32 v21, $0x1;
	v38 =	vmul.f32 $5.000000000e-01, v21;
	v21 =	vld [tilespmem:s23+$0x27D0]  }
0x4b2: {  	v11 =	vmul.f32 v0, v12;
	v15 =	vshll.u32 v19, $0x10;
	v17 =	vmul.f32 v20, v25;
	v25 =	vld [tilespmem:s23+$0x9FD0]  }
0x4b3: {  	v2 =	vmul.f32 v15, v2;
	v7 =	vmax.f32 v4, $0.0e+00;
	v4 =	vsub.s32 $0x5F3759DF, v23;
	v23 =	vld [tilespmem:$0x1F740]  }
0x4b4: {  	[tilespmem:s23+$0x4CF0] =	vst v53;
	v0 =	vadd.f32 v7, v6;
	v41 =	vmul.f32 v4, v38;
	v6 =	vld [tilespmem:s23+$0x4FA0];
	v38 =	vand.u32 $0xFFFF0000, v18  }
0x4b5: {  	[tilespmem:s23+$0x4D40] =	vst v46;
	v10 =	vmax.f32 v1, $0.0e+00;
	v53 =	vand.u32 $0x7FFFFFFF, v2;
	v11 =	vadd.f32 v38, v11;
	v38 =	vld [tilespmem:s23+$0x77E0]  }
0x4b6: {  	[tilespmem:s23+$0x4CD0] =	vst v26;
	v8 =	vadd.f32 v10, v62;
	v62 =	vshrl.u32 v53, $0x1;
	v1 =	vmul.f32 v4, v41;
	v41 =	vld [tilespmem:$0x1F760]  }
0x4b7: {  	[tilespmem:s23+$0x7540] =	vst v39;
	v14 =	vmul.f32 v17, v20;
	v18 =	vsub.s32 $0x5F3759DF, v62;
	v62 =	vld [tilespmem:$0x1F780]  }
0x4b8: {  	v15 =	vperm.xlane v3, v40;
	v12 =	vmul.f32 $5.000000000e-01, v53;
	[tilespmem:s23+$0x7520] =	vst v58;
	v58 =	vld [tilespmem:$0x1F770]  }
0x4b9: {  	v53 =	vmul.f32 v0, v0;
	v14 =	vsub.f32 $1.500000000e+00, v14;
	v26 =	vmul.f32 v8, v8;
	[tilespmem:s23+$0x7530] =	vst v23;
	v23 =	vld [tilespmem:s23+$0x77D0]  }
0x4ba: {  	[tilespmem:s23+$0x4D10] =	vst v28;
	v12 =	vmul.f32 v18, v12;
	v17 =	vmax.f32 v11, $0.0e+00;
	v11 =	vld [tilespmem:s23+$0x77F0];
	v1 =	vsub.f32 $1.500000000e+00, v1  }
0x4bb: {  	[tilespmem:s23+$0x4D50] =	vst v54;
	v3 =	vadd.f32 v3, v15;
	v40 =	vadd.f32 v26, v53;
	v26 =	vmul.f32 v14, v20;
	v14 =	vld [tilespmem:s23+$0x9FF0]  }
0x4bc: {  	[tilespmem:s23+$0x7600] =	vst v34;
	v46 =	vmax.f32 v22, $0.0e+00;
	v12 =	vmul.f32 v18, v12;
	v1 =	vmul.f32 v4, v1;
	v4 =	vld [tilespmem:s23+$0x9FE0]  }
0x4bd: {  	v39 =	vld [tilespmem:s23+$0x27E0];
	v19 =	vand.u32 $0xFFFF0000, v19;
	v15 =	vadd.f32 v17, v6;
	v53 =	vperm.xlane v3, v60;
	[tilespmem:s23+$0x7550] =	vst v41  }
0x4be: {  	[tilespmem:s23+$0x7570] =	vst v62;
	v20 =	vsub.f32 $1.500000000e+00, v12;
	v62 =	vshll.u32 v21, $0x10;
	v41 =	vadd.f32 v25, v23  }
0x4bf: {  	v34 =	vld [tilespmem:$0x1F880];
	v3 =	vadd.f32 v3, v53;
	[tilespmem:s23+$0x7560] =	vst v58;
	v1 =	vmul.f32 v1, v5;
	v58 =	vmul.f32 v15, v15  }
0x4c0: {  	[tilespmem:s23+$0x4D20] =	vst v48;
	v48 =	vld [tilespmem:s23+$0x4FB0];
	v6 =	vmul.f32 v18, v20;
	v11 =	vadd.f32 v14, v11;
	v5 =	vmul.f32 v62, v41  }
0x4c1: {  	[tilespmem:s23+$0x4D00] =	vst v27;
	v25 =	vld [tilespmem:$0x1F790];
	v41 =	vand.u32 $0xFFFF0000, v16;
	v16 =	vadd.f32 v58, v40;
	v4 =	vadd.f32 v4, v38  }
0x4c2: {  	[tilespmem:s23+$0x4D30] =	vst v61;
	v23 =	vld [tilespmem:s23+$0x27F0];
	v2 =	vmul.f32 v6, v2;
	v6 =	vadd.f32 $9.999999740e-06, v46;
	v58 =	vshll.u32 v39, $0x10  }
0x4c3: {  	v27 =	vld [tilespmem:$0x1F7F0];
	[tilespmem:s23+$0x4D80] =	vst v55;
	v1 =	vadd.f32 v41, v1;
	v53 =	vand.u32 $0x7FFFFFFF, v5;
	v20 =	vmul.f32 v58, v4  }
0x4c4: {  	[tilespmem:s23+$0x7670] =	vst v34;
	v40 =	vshra.s32 v6, $0x1;
	v54 =	vshrl.u32 v53, $0x1;
	v18 =	vmul.f32 $5.000000000e-01, v53  }
0x4c5: {  	[tilespmem:s23+$0x4D60] =	vst v44;
	v44 =	vld [tilespmem:$0x1F7B0];
	v41 =	vmax.f32 v1, $0.0e+00;
	v4 =	vsub.s32 $0x5F3759DF, v54;
	v46 =	vand.u32 $0x7FFFFFFF, v20  }
0x4c6: {  	[tilespmem:s23+$0x7580] =	vst v25;
	v25 =	vld [tilespmem:$0x1F7E0];
	v38 =	vadd.f32 v41, v48;
	v48 =	vshrl.u32 v46, $0x1;
	v12 =	vmul.f32 $5.000000000e-01, v46  }
0x4c7: {  	[tilespmem:s23+$0x4D70] =	vst v47;
	v47 =	vld [tilespmem:$0x1F7C0];
	v61 =	vshll.u32 v23, $0x10;
	v22 =	vmul.f32 v4, v18;
	v54 =	vsub.s32 $0x5F3759DF, v48  }
0x4c8: {  	v34 =	vld [tilespmem:$0x1F8D0];
	[tilespmem:s23+$0x75E0] =	vst v27;
	v2 =	vadd.f32 v19, v2;
	v11 =	vmul.f32 v61, v11;
	v12 =	vmul.f32 v54, v12  }
0x4c9: {  	[tilespmem:s23+$0x4D90] =	vst v37;
	v62 =	vld [tilespmem:$0x1F7A0];
	v14 =	vsub.s32 $0x5F3759DF, v40;
	v58 =	vmul.f32 v38, v38;
	v1 =	vmul.f32 v4, v22  }
0x4ca: {  	[tilespmem:s23+$0x75A0] =	vst v44;
	v44 =	vand.u32 $0x7FFFFFFF, v11;
	v22 =	vmul.f32 $5.000000000e-01, v6;
	v40 =	vmul.f32 v54, v12  }
0x4cb: {  	v27 =	vshrl.u32 v44, $0x1;
	[tilespmem:s23+$0x75D0] =	vst v25;
	v25 =	vld [tilespmem:s23+$0x4FC0];
	v1 =	vsub.f32 $1.500000000e+00, v1;
	v12 =	vmul.f32 $5.000000000e-01, v44  }
0x4cc: {  	[tilespmem:s23+$0x75B0] =	vst v47;
	v18 =	vadd.f32 v58, v16;
	v27 =	vsub.s32 $0x5F3759DF, v27;
	v47 =	vsub.f32 $1.500000000e+00, v40  }
0x4cd: {  	[tilespmem:s23+$0x76C0] =	vst v34;
	v53 =	vld [tilespmem:$0x1F7D0];
	v16 =	vmax.f32 v2, $0.0e+00;
	v1 =	vmul.f32 v4, v1;
	v48 =	vmul.f32 v27, v12  }
0x4ce: {  	[tilespmem:s23+$0x7590] =	vst v62;
	v62 =	vld [tilespmem:$0x1F800];
	v61 =	vmul.f32 v14, v22;
	v2 =	vmul.f32 v54, v47;
	v54 =	vadd.f32 $0.0e+00, v0  }
0x4cf: {  	[tilespmem:s23+$0x4DE0] =	vst v35;
	v1 =	vmul.f32 v1, v5;
	v5 =	vmul.f32 v27, v48  }
0x4d0: {  	v55 =	vld [tilespmem:s23+$0x4FD0];
	v37 =	vand.u32 $0xFFFF0000, v39;
	[tilespmem:s23+$0x4DB0] =	vst v24;
	v4 =	vadd.f32 v16, v25;
	v58 =	vadd.f32 v8, v54  }
0x4d1: {  	[tilespmem:s23+$0x4DF0] =	vst v36;
	v36 =	vld [tilespmem:$0x1F820];
	v21 =	vand.u32 $0xFFFF0000, v21;
	v46 =	vmul.f32 v14, v61;
	v5 =	vsub.f32 $1.500000000e+00, v5  }
0x4d2: {  	[tilespmem:s23+$0x75C0] =	vst v53;
	v24 =	vmul.f32 v4, v4;
	v1 =	vadd.f32 v21, v1;
	v6 =	vadd.f32 v15, v58  }
0x4d3: {  	v35 =	vld [tilespmem:s23+$0x4FE0];
	[tilespmem:s23+$0x75F0] =	vst v62;
	v53 =	vsub.f32 $1.500000000e+00, v46;
	v62 =	vmul.f32 v2, v20;
	v5 =	vmul.f32 v27, v5  }
0x4d4: {  	[tilespmem:s23+$0x4DC0] =	vst v29;
	v61 =	vadd.f32 v24, v18;
	v2 =	vmax.f32 v1, $0.0e+00;
	v6 =	vadd.f32 v38, v6  }
0x4d5: {  	[tilespmem:s23+$0x4DA0] =	vst v33;
	v46 =	vld [tilespmem:s23+$0x4FF0];
	v18 =	vadd.f32 v37, v62;
	v1 =	vadd.f32 v2, v55;
	v5 =	vmul.f32 v5, v11  }
0x4d6: {  	[tilespmem:s23+$0x7610] =	vst v36;
	v3 =	vmul.f32 $7.812500000e-03, v3;
	v48 =	vand.u32 $0xFFFF0000, v23;
	v6 =	vadd.f32 v4, v6  }
0x4d7: {  	[tilespmem:s23+$0x7780] =	vst v7;
	v40 =	vld [tilespmem:$0x1F830];
	v25 =	vmax.f32 v18, $0.0e+00;
	v44 =	vmul.f32 v1, v1;
	v5 =	vadd.f32 v48, v5  }
0x4d8: {  	[tilespmem:s23+$0x7790] =	vst v10;
	v47 =	vld [tilespmem:$0x1F840];
	v14 =	vmul.f32 v14, v53;
	v23 =	vadd.f32 v25, v35;
	v6 =	vadd.f32 v1, v6  }
0x4d9: {  	[tilespmem:s23+$0x77A0] =	vst v17;
	v24 =	vmul.f32 $7.812500000e-03, v13;
	v12 =	vadd.f32 v44, v61;
	v11 =	vmax.f32 v5, $0.0e+00  }
0x4da: {  	[tilespmem:s23+$0x77B0] =	vst v41;
	v36 =	vmul.f32 v23, v23;
	v35 =	vadd.f32 v23, v6;
	v6 =	vadd.f32 v11, v46  }
0x4db: {  	v28 =	vld [tilespmem:$0x1FFE0];
	[tilespmem:s23+$0x77C0] =	vst v16;
	v62 =	vmul.f32 v26, v49;
	v39 =	vmul.f32 v24, v24  }
0x4dc: {  	v53 =	vld [tilespmem:$0x1F850];
	[tilespmem:s23+$0x7620] =	vst v40;
	v12 =	vadd.f32 v36, v12;
	v5 =	vadd.f32 v6, v35;
	v40 =	vmul.f32 v6, v6  }
0x4dd: {  	v54 =	vld [tilespmem:$0x1F860];
	v37 =	vmul.f32 v26, v50;
	[tilespmem:s23+$0x7630] =	vst v47;
	v55 =	vmul.f32 v26, v52  }
0x4de: {  	v29 =	vld [tilespmem:$0x1FFF0];
	[tilespmem:s23+$0x77D0] =	vst v2;
	v3 =	vsub.f32 v3, v39;
	v12 =	vadd.f32 v40, v12;
	v46 =	vperm.xlane v5, v59  }
0x4df: {  	v58 =	vld [tilespmem:$0x1F870];
	v47 =	vmul.f32 v14, v22;
	[tilespmem:s23+$0x4E20] =	vst v62;
	v39 =	vmul.f32 v26, v45  }
0x4e0: {  	[tilespmem:s23+$0x4E30] =	vst v37;
	v62 =	vld [tilespmem:$0x1F8C0];
	v3 =	vmax.f32 v3, $0.0e+00;
	v5 =	vadd.f32 v5, v46;
	v50 =	vperm.xlane v12, v59  }
0x4e1: {  	v37 =	vld [tilespmem:$0x1F8F0];
	[tilespmem:s23+$0x7640] =	vst v53;
	v45 =	vmul.f32 v26, v42;
	v61 =	vmul.f32 v26, v43;
	v3 =	vadd.f32 $9.999999740e-06, v3  }
0x4e2: {  	[tilespmem:s23+$0x7650] =	vst v54;
	v54 =	vld [tilespmem:$0x1F890];
	v43 =	vmul.f32 v26, v51;
	v12 =	vadd.f32 v12, v50;
	v53 =	vperm.xlane v5, v28  }
0x4e3: {  	[tilespmem:s23+$0x4E00] =	vst v55;
	v44 =	vmul.f32 v26, v63;
	v26 =	vld [tilespmem:$0x1F940];
	v48 =	vshra.s32 v3, $0x1;
	v3 =	vmul.f32 $5.000000000e-01, v3  }
0x4e4: {  	v55 =	vld [tilespmem:$0x1F8A0];
	[tilespmem:s23+$0x7660] =	vst v58;
	v49 =	vsub.s32 $0x5F3759DF, v48;
	v5 =	vadd.f32 v5, v53;
	v58 =	vperm.xlane v12, v28  }
0x4e5: {  	v52 =	vmul.f32 v47, v14;
	v47 =	vld [tilespmem:$0x1F950];
	[tilespmem:s23+$0x77E0] =	vst v25;
	v51 =	vmul.f32 v49, v3  }
0x4e6: {  	[tilespmem:s23+$0x4E60] =	vst v44;
	v44 =	vld [tilespmem:$0x1F930];
	v12 =	vadd.f32 v12, v58;
	v63 =	vperm.xlane v5, v29  }
0x4e7: {  	[tilespmem:s23+$0x4E40] =	vst v39;
	v36 =	vld [tilespmem:$0x1F8E0];
	v20 =	vmul.f32 v49, v51  }
0x4e8: {  	v18 =	vsub.f32 $1.500000000e+00, v52;
	[tilespmem:s23+$0x76F0] =	vst v26;
	v26 =	vld [tilespmem:$0x1F960];
	v5 =	vadd.f32 v5, v63;
	v42 =	vperm.xlane v12, v29  }
0x4e9: {  	[tilespmem:s23+$0x4E70] =	vst v45;
	v48 =	vld [tilespmem:$0x1F970];
	v20 =	vsub.f32 $1.500000000e+00, v20  }
0x4ea: {  	[tilespmem:s23+$0x4E10] =	vst v61;
	v14 =	vmul.f32 v18, v14;
	v40 =	vld [tilespmem:$0x1F910];
	v12 =	vadd.f32 v12, v42;
	v45 =	vperm.xlane v5, v60  }
0x4eb: {  	[tilespmem:s23+$0x4E50] =	vst v43;
	v22 =	vsub.f32 v44, v9;
	v50 =	vld [tilespmem:$0x1F980];
	v35 =	vmul.f32 v49, v20;
	v20 =	vsub.f32 v37, v9  }
0x4ec: {  	v39 =	vld [tilespmem:$0x1F900];
	[tilespmem:s23+$0x76B0] =	vst v62;
	v19 =	vsub.f32 v36, v9;
	v5 =	vadd.f32 v5, v45;
	v49 =	vperm.xlane v12, v60  }
0x4ed: {  	v61 =	vld [tilespmem:$0x1F8B0];
	[tilespmem:s23+$0x77F0] =	vst v11;
	v46 =	vmul.f32 v14, v22;
	v22 =	vsub.f32 v47, v9;
	v20 =	vmul.f32 v14, v20  }
0x4ee: {  	v43 =	vld [tilespmem:$0x1F920];
	[tilespmem:s23+$0x7680] =	vst v54;
	v26 =	vsub.f32 v26, v9;
	v12 =	vadd.f32 v12, v49;
	v5 =	vmul.f32 $7.812500000e-03, v5  }
0x4ef: {  	v21 =	vsub.f32 v40, v9;
	[tilespmem:s23+$0x4E90] =	vst v20;
	v20 =	vsub.f32 v48, v9  }
0x4f0: {  	v62 =	vld [tilespmem:$0x1F9B0];
	[tilespmem:s23+$0x7690] =	vst v55;
	v9 =	vsub.f32 v50, v9;
	v12 =	vmul.f32 $7.812500000e-03, v12;
	v54 =	vmul.f32 v5, v5  }
0x4f1: {  	[tilespmem:s23+$0x76D0] =	vst v39  }
0x4f2: {  	[tilespmem:s23+$0x76A0] =	vst v61;
	v9 =	vmul.f32 v14, v9;
	v55 =	vsub.f32 v12, v54  }
0x4f3: {  	[tilespmem:s23+$0x76E0] =	vst v43  }
0x4f4: {  	v39 =	vld [tilespmem:$0x1FA30];
	v19 =	vmul.f32 v14, v19;
	[tilespmem:s23+$0x4EF0] =	vst v9;
	v9 =	vmax.f32 v55, $0.0e+00  }
0x4f5: {  	v61 =	vld [tilespmem:$0x1F9A0];
	[tilespmem:s23+$0x7720] =	vst v62;
	v21 =	vmul.f32 v14, v21;
	v9 =	vadd.f32 $9.999999740e-06, v9  }
0x4f6: {  	[tilespmem:s23+$0x4E80] =	vst v19;
	v19 =	vld [tilespmem:$0x1F9D0];
	v3 =	vmul.f32 v35, v3  }
0x4f7: {  	v34 =	vld [tilespmem:$0x1FA00];
	[tilespmem:s23+$0x4EA0] =	vst v21;
	v21 =	vshra.s32 v9, $0x1;
	v9 =	vmul.f32 $5.000000000e-01, v9  }
0x4f8: {  	v36 =	vld [tilespmem:$0x1FA20];
	[tilespmem:s23+$0x4EB0] =	vst v46;
	v3 =	vmul.f32 v3, v35;
	v13 =	vsub.s32 $0x5F3759DF, v21  }
0x4f9: {  	v51 =	vmul.f32 v14, v22;
	v22 =	vld [tilespmem:$0x1F9F0];
	[tilespmem:s23+$0x7770] =	vst v39;
	v37 =	vmul.f32 v13, v9  }
0x4fa: {  	v52 =	vmul.f32 v14, v26;
	[tilespmem:s23+$0x7710] =	vst v61;
	v58 =	vld [tilespmem:$0x1F990];
	v3 =	vsub.f32 $1.500000000e+00, v3  }
0x4fb: {  	[tilespmem:s23+$0x7740] =	vst v19;
	v53 =	vmul.f32 v14, v20;
	v20 =	vld [tilespmem:$0x1F9E0];
	v19 =	vmul.f32 v13, v37  }
0x4fc: {  	v43 =	vsub.f32 v31, v24;
	[tilespmem:s23+$0x4EC0] =	vst v51;
	v63 =	vld [tilespmem:$0x1F9C0];
	v14 =	vsub.f32 v34, v24;
	v3 =	vmul.f32 v3, v35  }
0x4fd: {  	v18 =	vsub.f32 v36, v24;
	[tilespmem:s23+$0x4ED0] =	vst v52;
	v19 =	vsub.f32 $1.500000000e+00, v19  }
0x4fe: {  	v47 =	vsub.f32 v56, v24;
	v40 =	vsub.f32 v30, v24;
	[tilespmem:s23+$0x7750] =	vst v22;
	v14 =	vmul.f32 v3, v14  }
0x4ff: {  	[tilespmem:s23+$0x4EE0] =	vst v53;
	v45 =	vsub.f32 v32, v24;
	v42 =	vmul.f32 v3, v18;
	v49 =	vmul.f32 v13, v19  }
0x500: {  	[tilespmem:s23+$0x7700] =	vst v58;
	v44 =	vmul.f32 v3, v40;
	v46 =	vmul.f32 v3, v43;
	v12 =	vsub.f32 v20, v24  }
0x501: {  	v48 =	vsub.f32 v57, v24;
	[tilespmem:s23+$0x7730] =	vst v63;
	v50 =	vmul.f32 v3, v47;
	v9 =	vmul.f32 v49, v9  }
0x502: {  	[tilespmem:s23+$0x4F10] =	vst v14;
	v20 =	vmul.f32 v3, v45;
	v12 =	vmul.f32 v3, v12  }
0x503: {  	v35 =	vld [tilespmem:$0x1FA10];
	[tilespmem:s23+$0x4F20] =	vst v42;
	v3 =	vmul.f32 v3, v48;
	v51 =	vmul.f32 v9, v49  }
0x504: {  	[tilespmem:s23+$0x4F30] =	vst v44  }
0x505: {  	[tilespmem:s23+$0x4F70] =	vst v3;
	v3 =	vsub.f32 $1.500000000e+00, v51  }
0x506: {  	[tilespmem:s23+$0x4F40] =	vst v46  }
0x507: {  	[tilespmem:s23+$0x4F60] =	vst v50;
	v0 =	vsub.f32 v0, v5;
	v3 =	vmul.f32 v3, v49  }
0x508: {  	[tilespmem:s23+$0x7760] =	vst v35;
	v52 =	vsub.f32 v8, v5  }
0x509: {  	v53 =	vsub.f32 v15, v5;
	[tilespmem:s23+$0x4F50] =	vst v20;
	v0 =	vmul.f32 v3, v0  }
0x50a: {  	v54 =	vsub.f32 v38, v5;
	[tilespmem:s23+$0x4F00] =	vst v12;
	v2 =	vmul.f32 v3, v52  }
0x50b: {  	v4 =	vsub.f32 v4, v5;
	v55 =	vmul.f32 v3, v53;
	[tilespmem:s23+$0x4F80] =	vst v0  }
0x50c: {  	v1 =	vsub.f32 v1, v5;
	v56 =	vmul.f32 v3, v54;
	[tilespmem:s23+$0x4F90] =	vst v2  }
0x50d: {  	p0 =	slt.u32 s22, $0x20;
	v58 =	vsub.f32 v23, v5;
	v57 =	vmul.f32 v3, v4;
	[tilespmem:s23+$0x4FA0] =	vst v55  }
.Ltmp1:
0x50e: {  	v61 =	vsub.f32 v6, v5;
	v1 =	vmul.f32 v3, v1;
	[tilespmem:s23+$0x4FB0] =	vst v56;
	(pc) =	sbr.rel @p0 .LBB2_6-.Ltmp1, $4  }
0x50f: {  	v62 =	vmul.f32 v3, v58;
	[tilespmem:s23+$0x4FC0] =	vst v57  }
0x510: {  	v63 =	vmul.f32 v3, v61;
	[tilespmem:s23+$0x4FD0] =	vst v1  }
0x511: {  	[tilespmem:s23+$0x4FE0] =	vst v62  }
0x512: {  	s22 =	sadd.s32 $0x8, s22;
	v33 =	vmov v60;
	v27 =	vmov v59;
	[tilespmem:s23+$0x4FF0] =	vst v63  }
0x513: {  	s0 =	sadd.s32 s4, s16;
	s9 =	sadd.s32 $0x1, s9  }
0x514: {  	[hbm4b:s0+s7] =	stream.linear.scatter [tilespmem:s6], [sflag:$0xA], $0x1400, $0x38;
	[tilespmem:$0x1ED00] =	vst v63  }
0x515: {  	p0 =	sne.s32 s9, $0x5  }
.Ltmp2:
0x516: {  	s31 =	sand.u32 $0x3FFFFF80, s14;
	(pc) =	sbr.rel @p0 .LBB2_3-.Ltmp2, $4  }
0x517: {  	[spmem:s5] =	stream.indirect.scatter.add.f32 [tilespmem:s30], [sflag:$0xB], $0x80, s31, s24, $0xb8;
	[tilespmem:$0x1ED00] =	vst v63  }
0x518: {  	_ =	swait.ge [sflag:s18], $0x1400  }
0x519: {  	[sflag:s18] =	ssyncset.done $0x0  }
0x51a: {  	[sflag:s18] =	ssyncadd.s32 $0xFFFFEC00  }
0x51b: {  	s16 =	rddreg [dreg:$0x11]  }
0x51c: {  	s16 =	sadd.s32 $0x1, s16  }
0x51d: {  	p0 =	sne.s32 s16, $0x19  }
.Ltmp3:
0x51e: {  	_ = 	snop;
	(pc) =	sbr.rel @p0 .LBB2_2-.Ltmp3, $1  }
0x51f: {  	_ =	sdelay $0x3  }
0x520: {  	s0 =	simm.s32 $0x9  }
0x521: {  	_ =	swait.ge [sflag:s0], $0x1400  }
0x522: {  	[sflag:s0] =	ssyncset.done $0x0  }
0x523: {  	s23 =	simm.s32 $0xA;
	[sflag:s0] =	ssyncadd.s32 $0xFFFFEC00  }
0x524: {  	_ =	swait.ge [sflag:s23], $0x1400  }
0x525: {  	[sflag:s23] =	ssyncset.done $0x0  }
0x526: {  	[sflag:s23] =	ssyncadd.s32 $0xFFFFEC00  }
0x527: {  	[bflag:$0x0] =	sbarrier.arrive $0xFFFF  }
0x528: {  	s8 =	rddreg [dreg:$0xb]  }
0x529: {  	s28 =	rddreg [dreg:$0xd]  }
0x52a: {  	s9 =	rddreg [dreg:$0xf]  }
0x52b: {  	[hbm:s28], [sflag:s8] =	dma.local [spmem:s9], $0x2780  }
0x52c: {  	_ =	swait.ge [sflag:s18], $0x2780  }
0x52d: {  	s14 =	rddreg [dreg:$0x10]  }
0x52e: {  	s31 =	rddreg [dreg:$0xe];
	s14 =	sadd.s32 $0x1, s14  }
0x52f: {  	p0 =	sne.s32 s14, s31  }
.Ltmp4:
0x530: {  	_ = 	snop;
	(pc) =	sbr.rel @p0 .LBB2_1-.Ltmp4, $3  }
0x531: {  	_ =	sdelay $0x1  }
0x532: {  	[sflag:s18] =	ssyncset.done $0x0  }
0x533: {  	[sflag:s18] =	ssyncadd.s32 $0xFFFFD880  }
0x534: {  	_ =	sfence.sel $0x180000  }
0x535: {  	[bflag:$0x0] =	sbarrier.arrive $0xFFFF  }
0x536: {  	_ =	strace $0x90000047  }
0x537: {  	s0 =	stileid.u32;
	[bflag:$0x2] =	sbarrier.arrive $0xFFFF  }
0x538: {  	p0 =	sne.s32 s0, $0x0;
	s0 =	rddreg [dreg:$0x6]  }
0x539: {  	s0 =	sadd.s32 @!p0 $0x100000, s0  }
0x53a: {  	[sflag:s0] =	ssyncadd.tile.s32 @!p0 $0x1;
	_ =	shalt  }
.Lfunc_end2:
_tile_overlayer_lowered:
.L_overlay_start_2:
0x53b: {  	(tag) =	ssettag $0x2  }
0x53c: {  	s0 =	rddreg [dreg:$0x0];
	s2 =	stileid.u32  }
0x53d: {  	s1 =	rddreg [dreg:$0x1];
	p0 =	sne.s32 s2, $0x0  }
0x53e: {  	s3 =	rddreg [dreg:$0x2];
	[bflag:$0x3] =	sbarrier.arrive $0xFFFF;
	s2 =	simm.s32 @!p0 $0x1C0B  }
0x53f: {  	[timem:s3], [sflag:s2] =	dma.local @!p0 [hbm:s0], s1  }
0x540: {  	s0 =	simm.s32 @!p0 $0xB  }
0x541: {  	_ =	swait.ge @!p0 [sflag:s0], s1  }
0x542: {  	s1 =	ssub.s32 @!p0 $0x0, s1;
	[sflag:s0] =	ssyncset.done @!p0 $0x0  }
0x543: {  	[sflag:s0] =	ssyncadd.s32 @!p0 s1  }
0x544: {  	[bflag:$0x3] =	sbarrier.arrive $0xFFFF  }
0x545: {  	_ =	shalt  }

// kernel: kernel.7.cloned.1.call-start
scs
__scs_entry_jumppad:
0x0: {  	(pc) =	sbr.rel $0x88, $3  }
0x1: {  	(tag) =	ssettag $0x0;
	lr =	simm.s32 $0x1  }
0x2: {  	[smem:$0x3F92] =	sst lr;
	_ =	strace $0xD0000000  }
0x3: {  	_ = 	snop  }
0x4: {  	_ = 	snop  }
0x5: {  	_ = 	snop  }
0x6: {  	_ = 	snop  }
0x7: {  	_ = 	snop  }
__scs_overlays_trampoline_lowered:
0x8: {  	[smem:$0x3FA1] =	sst s0  }
0x9: {  	[smem:$0x3FA2] =	sst s1  }
0xa: {  	[smem:$0x3FA3] =	sst s2  }
0xb: {  	[smem:$0x3FA4] =	sst s3  }
0xc: {  	[smem:$0x3FA5] =	sst s4  }
0xd: {  	[smem:$0x3FA6] =	sst s5  }
0xe: {  	[smem:$0x3FA7] =	sst s6  }
0xf: {  	[smem:$0x3FA8] =	sst s7  }
0x10: {  	[smem:$0x3FA9] =	sst s8  }
0x11: {  	[smem:$0x3FAA] =	sst s9;
	s0 =	simm.s32 @!p0 $0x0  }
0x12: {  	s1 =	sld [smem:$0x3F90];
	s0 =	simm.s32 @p0 $0x1  }
0x13: {  	[smem:$0x3FAB] =	sst s0;
	s0 =	simm.s32 @!p1 $0x0  }
0x14: {  	s2 =	sld [smem:$0x3F8F];
	s0 =	simm.s32 @p1 $0x1  }
0x15: {  	[smem:$0x3FAC] =	sst s0;
	s0 =	simm.s32 @!p2 $0x0  }
0x16: {  	s3 =	sld [smem:$0x3FDB];
	s0 =	simm.s32 @p2 $0x1  }
0x17: {  	s4 =	simm.s32 $0x1BF5;
	[smem:$0x3FAE] =	sst s0  }
0x18: {  	s0 =	sld [smem:$0x3F91];
	_ =	swait.ge [sflag:s4], $0x0  }
0x19: {  	s7 =	sld [smem:$0x3F92]  }
0x1a: {  	s8 =	sadd.s32 $0xFFFFE003, lr  }
0x1b: {  	s9 =	sadd.s32 $0xFFFFFEF7, lr;
	s5 =	simm.s32 $0xFFFFFFFF;
	p2 =	slt.u32 s8, $0xFFFFF086  }
0x1c: {  	p1 =	slt.u32 s9, $0xF7A;
	s5 =	simm.s32 @!p2 $0x0  }
0x1d: {  	s5 =	simm.s32 @p1 $0x1;
	p0 =	seq.s32 s7, s2  }
0x1e: {  	s7 =	smul.u32 @!p0 $0xF7A, s2;
	p2 =	seq.s32 @!p0 s5, $0x0  }
0x1f: {  	s9 =	smul.u32 $0xF7A, s1;
	s8 =	simm.s32 @!p0 $0x1BF5;
	p2 =	por !p2, p0  }
0x20: {  	[sflag:s8] =	ssyncset.s32 @!p0 $0xFFFFF086;
	s6 =	sadd.s32 @!p0 s3, s7;
	s7 =	simm.s32 @!p0 $0x108  }
0x21: {  	s3 =	sadd.s32 s3, s9;
	s6 =	sadd.s32 @!p0 $0x88, s6;
	s7 =	simm.s32 @p2 $0x1082  }
0x22: {  	[simem:s7], [sflag:s8] =	dma.local @!p0 [hbm:s6], $0xF7A  }
0x23: {  	s9 =	sor.u32 $0xD0000000, s2;
	s6 =	simm.s32 $0x108;
	_ =	swait.ge @!p0 [sflag:s8], $0x0  }
0x24: {  	s3 =	sadd.s32 $0x88, s3;
	s6 =	simm.s32 @!p1 $0x1082;
	[sflag:s4] =	ssyncset.s32 $0xFFFFF086  }
0x25: {  	[simem:s6], [sflag:s4] =	dma.local [hbm:s3], $0xF7A  }
0x26: {  	[smem:$0x3F92] =	sst s1;
	(tag) =	ssettag s2;
	_ =	strace s9  }
0x27: {  	s1 =	sld [smem:$0x3FA2]  }
0x28: {  	s2 =	sld [smem:$0x3FA3]  }
0x29: {  	s4 =	sld [smem:$0x3FA5]  }
0x2a: {  	p0 =	seq.s32 s5, $0x0;
	s5 =	sld [smem:$0x3FA6]  }
0x2b: {  	s6 =	sld [smem:$0x3FA7]  }
0x2c: {  	s7 =	sld [smem:$0x3FA8]  }
0x2d: {  	s3 =	simm.s32 $0x108;
	s8 =	sld [smem:$0x3FA9]  }
0x2e: {  	s3 =	simm.s32 @!p0 $0x1082;
	s9 =	sld [smem:$0x3FAA]  }
0x2f: {  	lr =	sadd.s32 s0, s3;
	s0 =	sld [smem:$0x3FA1]  }
0x30: {  	s3 =	sld [smem:$0x3FA4]  }
0x31: {  	[smem:$0x3FAD] =	sst s10  }
0x32: {  	s10 =	sld [smem:$0x3FAB];
	_ =	sdelay $0x3  }
0x33: {  	p0 =	seq.s32 s10, $0x1;
	s10 =	sld [smem:$0x3FAD];
	_ =	sdelay $0x3  }
0x34: {  	[smem:$0x3FAD] =	sst s10  }
0x35: {  	s10 =	sld [smem:$0x3FAC];
	_ =	sdelay $0x3  }
0x36: {  	p1 =	seq.s32 s10, $0x1;
	s10 =	sld [smem:$0x3FAD];
	_ =	sdelay $0x3  }
0x37: {  	[smem:$0x3FAD] =	sst s10  }
0x38: {  	s10 =	sld [smem:$0x3FAE]  }
0x39: {  	_ = 	snop;
	(pc) =	sbr.ind lr, $3  }
0x3a: {  	_ = 	snop  }
0x3b: {  	_ = 	snop  }
0x3c: {  	p2 =	seq.s32 s10, $0x1;
	s10 =	sld [smem:$0x3FAD]  }
0x3d: {  	_ =	shalt  }
0x3e: {  	_ =	shalt  }
0x3f: {  	_ =	shalt  }
0x40: {  	_ =	shalt  }
0x41: {  	_ =	shalt  }
0x42: {  	_ =	shalt  }
0x43: {  	_ =	shalt  }
0x44: {  	_ =	shalt  }
0x45: {  	_ =	shalt  }
0x46: {  	_ =	shalt  }
0x47: {  	_ =	shalt  }
0x48: {  	_ =	shalt  }
0x49: {  	_ =	shalt  }
0x4a: {  	_ =	shalt  }
0x4b: {  	_ =	shalt  }
0x4c: {  	_ =	shalt  }
0x4d: {  	_ =	shalt  }
0x4e: {  	_ =	shalt  }
0x4f: {  	_ =	shalt  }
0x50: {  	_ =	shalt  }
0x51: {  	_ =	shalt  }
0x52: {  	_ =	shalt  }
0x53: {  	_ =	shalt  }
0x54: {  	_ =	shalt  }
0x55: {  	_ =	shalt  }
0x56: {  	_ =	shalt  }
0x57: {  	_ =	shalt  }
0x58: {  	_ =	shalt  }
0x59: {  	_ =	shalt  }
0x5a: {  	_ =	shalt  }
0x5b: {  	_ =	shalt  }
0x5c: {  	_ =	shalt  }
0x5d: {  	_ =	shalt  }
0x5e: {  	_ =	shalt  }
0x5f: {  	_ =	shalt  }
0x60: {  	_ =	shalt  }
0x61: {  	_ =	shalt  }
0x62: {  	_ =	shalt  }
0x63: {  	_ =	shalt  }
0x64: {  	_ =	shalt  }
0x65: {  	_ =	shalt  }
0x66: {  	_ =	shalt  }
0x67: {  	_ =	shalt  }
0x68: {  	_ =	shalt  }
0x69: {  	_ =	shalt  }
0x6a: {  	_ =	shalt  }
0x6b: {  	_ =	shalt  }
0x6c: {  	_ =	shalt  }
0x6d: {  	_ =	shalt  }
0x6e: {  	_ =	shalt  }
0x6f: {  	_ =	shalt  }
0x70: {  	_ =	shalt  }
0x71: {  	_ =	shalt  }
0x72: {  	_ =	shalt  }
0x73: {  	_ =	shalt  }
0x74: {  	_ =	shalt  }
0x75: {  	_ =	shalt  }
0x76: {  	_ =	shalt  }
0x77: {  	_ =	shalt  }
0x78: {  	_ =	shalt  }
0x79: {  	_ =	shalt  }
0x7a: {  	_ =	shalt  }
0x7b: {  	_ =	shalt  }
0x7c: {  	_ =	shalt  }
0x7d: {  	_ =	shalt  }
0x7e: {  	_ =	shalt  }
0x7f: {  	_ =	shalt  }
0x80: {  	_ =	shalt  }
0x81: {  	_ =	shalt  }
0x82: {  	_ =	shalt  }
0x83: {  	_ =	shalt  }
0x84: {  	_ =	shalt  }
0x85: {  	_ =	shalt  }
0x86: {  	_ =	shalt  }
0x87: {  	_ =	shalt  }
.Lfunc_end0:
.L_simem_size_0:
called_computation_lowered:
.L_overlay_start_0:
0x88: {  	s2 =	sld [smem:$0x3FD9]  }
0x89: {  	s3 =	sld [smem:$0x3FFE];
	_ =	sdelay $0x1  }
0x8a: {  	s1 =	srdreg.scid  }
0x8b: {  	s0 =	sand.u32 $0x1, s1  }
0x8c: {  	s15 =	sshll.u32 s0, $0xA;
	s2 =	sadd.s32 s3, s2  }
0x8d: {  	s2 =	sadd.s32 s2, s15  }
0x8e: {  	[smem:$0x3FB9] =	sst s2  }
0x8f: {  	_ = 	snop  }
0x90: {  	s2 =	sld [smem:$0x3FD0];
	_ =	sdelay $0x2  }
0x91: {  	s16 =	simm.s32 $0xB;
	s4 =	simm.s32 $0x10  }
0x92: {  	[smem:s4], [sflag:s16] =	dma.local [hbm:s2], $0x1  }
0x93: {  	_ =	swait.eq [sflag:s16], $0x1  }
0x94: {  	[sflag:s16] =	ssyncset.done $0x0  }
0x95: {  	[sflag:s16] =	ssyncadd.s32 $0xFFFFFFFF  }
0x96: {  	s17 =	sld [smem:$0x10];
	(tm) =	ssettm $0x1  }
0x97: {  	s18 =	sld [smem:$0x3FFB];
	_ =	sdelay $0x3  }
0x98: {  	_ =	strace s18  }
0x99: {  	s2 =	sld [smem:$0x3FFC];
	_ =	sdelay $0x3  }
0x9a: {  	_ =	strace s2  }
0x9b: {  	s2 =	sld [smem:$0x3FFD];
	_ =	sdelay $0x3  }
0x9c: {  	_ =	strace s2  }
0x9d: {  	_ =	strace $0x8FFFFFFF  }
0x9e: {  	s19 =	sld [smem:$0x3FDB];
	_ =	sdelay $0x1  }
0x9f: {  	s20 =	simm.s32 $_scs_section_size  }
0xa0: {  	s5 =	simm.s32 $_size__tile_overlayer_lowered;
	s6 =	simm.s32 $_tile_overlayer_lowered  }
0xa1: {  	s7 =	simm.s32 $0x1BFF;
	s21 =	sshll.u32 s6, $0x1;
	s4 =	sadd.s32 s20, s19  }
0xa2: {  	s22 =	simm.s32 $0x0;
	s5 =	sshll.u32 s5, $0x1;
	s6 =	sadd.s32 s21, s4  }
0xa3: {  	[timem:s22], [sflag:s7] =	dma.local [hbm:s6], s5  }
0xa4: {  	_ =	swait.ge [sflag:s7], s5  }
0xa5: {  	s5 =	ssub.s32 $0x0, s5;
	[sflag:s7] =	ssyncset.done $0x0  }
0xa6: {  	[sflag:s7] =	ssyncadd.s32 s5;
	_ =	sdelay $0x1  }
0xa7: {  	s23 =	simm.s32 $0x1B8B  }
0xa8: {  	_ =	swait.ge [sflag:s23], $0x1  }
0xa9: {  	[sflag:s23] =	ssyncset.done $0x0  }
0xaa: {  	[sflag:s23] =	ssyncadd.s32 $0xFFFFFFFF  }
0xab: {  	s5 =	sld [smem:$0x0]  }
0xac: {  	s6 =	sand.u32 $0xFFFFFFFE, s1  }
0xad: {  	p0 =	sne.s32 s1, s6  }
0xae: {  	s6 =	sshll.u32 @p0 s6, $0xE  }
0xaf: {  	s6 =	sadd.s32 @p0 $0x11B8D, s6;
	s7 =	sshll.u32 @p0 s5, $0x11  }
0xb0: {  	s6 =	sor.u32 @p0 s7, s6  }
0xb1: {  	[sflag:s6] =	ssyncadd.remote.s32 @p0 $0x1;
	_ =	sdelay $0x1  }
0xb2: {  	s6 =	simm.s32 @p0 $0x1B8D  }
0xb3: {  	_ =	swait.eq @p0 [sflag:s6], $0x1  }
0xb4: {  	[sflag:s6] =	ssyncadd.s32 @p0 $0xFFFFFFFF  }
0xb5: {  	s7 =	sshll.u32 @!p0 s1, $0xE  }
0xb6: {  	s7 =	sor.u32 @!p0 $0x4000, s7;
	s6 =	simm.s32 @!p0 $0x1B8D  }
0xb7: {  	s5 =	sshll.u32 @!p0 s5, $0x11;
	s7 =	sadd.s32 @!p0 $0x11B8D, s7;
	_ =	swait.eq @!p0 [sflag:s6], $0x1  }
0xb8: {  	s5 =	sor.u32 @!p0 s5, s7;
	[sflag:s6] =	ssyncadd.s32 @!p0 $0xFFFFFFFF  }
0xb9: {  	s25 =	simm.s32 $0x1B8E;
	s24 =	sld [smem:$0x3FFE];
	[sflag:s5] =	ssyncadd.remote.s32 @!p0 $0x1  }
0xba: {  	s26 =	simm.s32 $execute0_lowered;
	[smem:$0x3FD2] =	sst s25  }
0xbb: {  	s6 =	sshll.u32 s26, $0x1;
	_ =	strace $0x80000049;
	[dreg:$0x1] =	wrdreg $0xFFFFFFFF  }
0xbc: {  	s28 =	simm.s32 $_size_execute0_lowered;
	s4 =	sadd.s32 s4, s6;
	[dreg:$0x0] =	wrdreg $0x0  }
0xbd: {  	s6 =	sshll.u32 s28, $0x1;
	[dreg:$0x2] =	wrdreg s4  }
0xbe: {  	[dreg:$0x3] =	wrdreg s6  }
0xbf: {  	[dreg:$0x4] =	wrdreg $0xC0  }
0xc0: {  	_ =	task [dreg:s22], $0x5FFFF  }
0xc1: {  	[dreg:$0x1] =	wrdreg $0xFFFFFFFF  }
0xc2: {  	[dreg:$0x0] =	wrdreg $0x60  }
0xc3: {  	[dreg:$0x2] =	wrdreg s24  }
0xc4: {  	[dreg:$0x3] =	wrdreg s17  }
0xc5: {  	[dreg:$0x4] =	wrdreg $0x80000  }
0xc6: {  	[dreg:$0x5] =	wrdreg $0x9  }
0xc7: {  	_ =	task.clear_ibuf [dreg:s22], $0x6FFFF;
	_ =	strace $0x90000049  }
0xc8: {  	s29 =	simm.s32 $0x9;
	_ =	strace $0x8000004B  }
0xc9: {  	_ =	swait.ge [sflag:s29], $0x1  }
0xca: {  	[sflag:s29] =	ssyncadd.s32 $0xFFFFFFFF  }
0xcb: {  	_ =	strace $0x9000004B  }
0xcc: {  	_ =	sfence  }
0xcd: {  	s30 =	sld [smem:$0x0];
	_ =	sdelay $0x2  }
0xce: {  	s31 =	sshll.u32 s1, $0xD;
	s1 =	sshrl.u32 s1, $0x2  }
0xcf: {  	s4 =	sand.u32 $0x4000, s31;
	s1 =	sadd.s32 s1, s30  }
0xd0: {  	s0 =	sor.u32 s4, s0;
	s1 =	sshll.u32 s1, $0x11  }
0xd1: {  	s0 =	sor.u32 s1, s0  }
0xd2: {  	s0 =	sadd.s32 $0x8F2B, s0  }
0xd3: {  	[sflag:s0] =	ssyncadd.remote.s32 $0x1  }
0xd4: {  	_ =	sfence.sel $0xFFFF  }
0xd5: {  	[dreg:$0x0] =	wrdreg $0xFFFFFFFF;
	(pc) =	sbr.abs _section_cstart, $3  }
0xd6: {  	[dreg:$0x1] =	wrdreg $0xFFFFFFFF  }
0xd7: {  	_ =	task.clear_ibuf [dreg:s22], $0x2FFFF;
	_ =	strace $0x9FFFFFFF  }
0xd8: {  	(tm) =	ssettm $0x7FFFFFFF  }
0xd9: {  	_ =	shalt  }
tec
execute0_lowered:
.L_overlay_start_1:
0x0: {  	(tag) =	ssettag $0x1  }
0x1: {  	s0 =	rddreg [dreg:$0x0]  }
0x2: {  	s2 =	rddreg [dreg:$0x1]  }
0x3: {  	s3 =	rddreg [dreg:$0x2];
	s12 =	stileid.u32  }
0x4: {  	s1 =	srdreg.scid;
	s4 =	simm.s32 $0x0;
	s18 =	simm.s32 $0x80  }
0x5: {  	s19 =	simm.s32 $0x100;
	s20 =	simm.s32 $0xC80;
	s22 =	simm.s32 $0x180  }
0x6: {  	s23 =	simm.s32 $0xD00;
	s24 =	simm.s32 $0x200;
	[smem:$0x7FF] =	sst s4  }
0x7: {  	s25 =	simm.s32 $0xD80;
	_ =	strace $0x8000004A;
	[dreg:$0x6] =	wrdreg s18  }
0x8: {  	s28 =	simm.s32 $0x800;
	s29 =	simm.s32 $0x1380;
	[dreg:$0x7] =	wrdreg s19  }
0x9: {  	s30 =	simm.s32 $0x880;
	s31 =	simm.s32 $0x1400;
	[dreg:$0x8] =	wrdreg s20  }
0xa: {  	s5 =	smul.u32 $0x2780, s12;
	s1 =	sand.u32 $0x1, s1;
	[dreg:$0x9] =	wrdreg s22  }
0xb: {  	s8 =	sadd.s32 $0x622200, s0;
	s10 =	smul.u32 $0x780, s12;
	[dreg:$0xa] =	wrdreg s23  }
0xc: {  	s9 =	sadd.s32 $0x3A00, s0;
	s21 =	smul.u32 $0x4F000, s12;
	[dreg:$0xb] =	wrdreg s24  }
0xd: {  	s6 =	smul.u32 $0x27800, s1;
	[dreg:$0xc] =	wrdreg s25;
	s18 =	simm.s32 $0x400  }
0xe: {  	s7 =	smul.u32 $0x7800, s1;
	s20 =	simm.s32 $0xF80;
	[dreg:$0x13] =	wrdreg s18  }
0xf: {  	s15 =	ssub.s32 $0x2, s1;
	s22 =	simm.s32 $0x1000;
	[dreg:$0x14] =	wrdreg s20  }
0x10: {  	s1 =	sshll.u32 s1, $0x4;
	s23 =	simm.s32 $0x500;
	[dreg:$0x16] =	wrdreg s22  }
0x11: {  	s24 =	simm.s32 $0x1080;
	s25 =	simm.s32 $0x580;
	[dreg:$0x17] =	wrdreg s23  }
0x12: {  	s11 =	sadd.s32 s5, s0;
	s17 =	sshrl.u32 s15, $0x1;
	[dreg:$0x18] =	wrdreg s24  }
0x13: {  	s1 =	sor.u32 s12, s1;
	s12 =	sshll.u32 s12, $0x6;
	[dreg:$0x19] =	wrdreg s25  }
0x14: {  	s18 =	simm.s32 $0x2;
	s20 =	simm.s32 $0x1180;
	s22 =	simm.s32 $0x1200  }
0x15: {  	s23 =	simm.s32 $0x700;
	s24 =	simm.s32 $0x1280;
	s25 =	simm.s32 $0x780  }
0x16: {  	s5 =	sadd.s32 s5, s6;
	s26 =	sadd.s32 s7, s8;
	s14 =	sadd.s32 s7, s9  }
0x17: {  	s6 =	ssub.s32 s15, s17;
	s7 =	sshrl.u32 s21, $0x2;
	s15 =	simm.s32 $0xE80  }
0x18: {  	s1 =	smul.u32 $0x180, s1;
	s17 =	simm.s32 $0xF00;
	[dreg:$0x10] =	wrdreg s15  }
0x19: {  	s21 =	simm.s32 $0x480;
	s0 =	sadd.s32 s5, s0;
	[dreg:$0x12] =	wrdreg s17  }
0x1a: {  	s13 =	sadd.s32 s10, s26;
	s16 =	sadd.s32 s10, s14;
	[dreg:$0x15] =	wrdreg s21  }
0x1b: {  	s7 =	sadd.s32 s7, s3;
	s26 =	sadd.s32 $0x5ABA00, s11;
	[dreg:$0x4] =	wrdreg s13  }
0x1c: {  	s11 =	simm.s32 $0x280;
	s14 =	simm.s32 $0x300;
	[dreg:$0x5] =	wrdreg s16  }
0x1d: {  	s10 =	sor.u32 $0x1C03, s12;
	s19 =	smax.u32 s6, $0x1;
	[dreg:$0x1b] =	wrdreg s26  }
0x1e: {  	s12 =	simm.s32 $0x3;
	s15 =	simm.s32 $0x1800;
	[dreg:$0xd] =	wrdreg s11  }
0x1f: {  	s17 =	simm.s32 $0x1;
	s21 =	simm.s32 $0x680;
	[dreg:$0xf] =	wrdreg s14  }
0x20: {  	s5 =	simm.s32 $0x980;
	s13 =	simm.s32 $0xE00;
	[smem:$0x7FC] =	sst s19  }
0x21: {  	s8 =	sadd.s32 s8, s1;
	s16 =	simm.s32 $0x380;
	[dreg:$0x1c] =	wrdreg s10  }
0x22: {  	s1 =	sadd.s32 s9, s1;
	s0 =	sadd.s32 $0x631200, s0;
	[dreg:$0xe] =	wrdreg s13  }
0x23: {  	s9 =	sshrl.u32 s7, $0x3;
	s14 =	simm.s32 $0x64;
	[dreg:$0x1d] =	wrdreg s8  }
0x24: {  	s26 =	simm.s32 $0x1100;
	s19 =	simm.s32 $0x600;
	[dreg:$0x1e] =	wrdreg s1  }
0x25: {  	s7 =	simm.s32 $0x1500;
	s11 =	simm.s32 $0x0;
	[dreg:$0x11] =	wrdreg s16  }
0x26: {  	[dreg:$0x1f] =	wrdreg s0;
	s13 =	simm.s32 $0xC00;
	s16 =	simm.s32 $0x4C00  }
0x27: {  	[dreg:$0x1a] =	wrdreg s26;
	s26 =	simm.s32 $0x1300;
	s0 =	simm.s32 $0x900  }
0x28: {  	s1 =	simm.s32 $0x1480;
	s8 =	simm.s32 $0x1580;
	[smem:$0x7FD] =	sst s9  }
.LBB2_1:
0x29: {  	[smem:$0x7FB] =	sst s11  }
0x2a: {  	s6 =	rddreg [dreg:$0x1b]  }
0x2b: {  	[spmem:s9], [sflag:s10] =	dma.local [hbm:s6], $0x2780  }
0x2c: {  	_ =	swait.ge [sflag:s12], $0x2780  }
0x2d: {  	[sflag:s12] =	ssyncset.done $0x0  }
0x2e: {  	s11 =	rddreg [dreg:$0x1d];
	[sflag:s12] =	ssyncadd.s32 $0xFFFFD880  }
0x2f: {  	[tilespmem:s4], [sflag:$0x3] =	stream.linear.gather [hbm4b:s11+s4], $0xA00, $0x38;
	[tilespmem:$0x1BC00] =	vst v63  }
0x30: {  	_ =	swait.ge [sflag:s12], $0xA00  }
0x31: {  	[sflag:s12] =	ssyncset.done $0x0  }
0x32: {  	s9 =	rddreg [dreg:$0x1e];
	[sflag:s12] =	ssyncadd.s32 $0xFFFFF600  }
0x33: {  	[tilespmem:s13], [sflag:$0x3] =	stream.linear.gather [hbm4b:s9+s4], $0xA00, $0x38;
	[tilespmem:$0x1BC00] =	vst v63  }
0x34: {  	_ =	swait.ge [sflag:s12], $0xA00  }
0x35: {  	[sflag:s12] =	ssyncset.done $0x0  }
0x36: {  	[sflag:s12] =	ssyncadd.s32 $0xFFFFF600  }
0x37: {  	[bflag:$0x0] =	sbarrier.arrive $0xFFFF  }
0x38: {  	s10 =	rddreg [dreg:$0x4]  }
0x39: {  	s6 =	sadd.s32 $0x0, s10  }
0x3a: {  	[tilespmem:s4], [sflag:$0x3] =	stream.linear.gather [hbm4b:s6+s4], $0xA00, $0x38;
	[tilespmem:$0x1BC00] =	vst v63  }
0x3b: {  	_ =	swait.ge [sflag:s12], $0xA00  }
0x3c: {  	s11 =	rddreg [dreg:$0x5];
	[sflag:s12] =	ssyncset.done $0x0  }
0x3d: {  	[sflag:s12] =	ssyncadd.s32 $0xFFFFF600;
	s6 =	sadd.s32 $0x0, s11  }
0x3e: {  	[tilespmem:s13], [sflag:$0x3] =	stream.linear.gather [hbm4b:s6+s4], $0xA00, $0x38;
	[tilespmem:$0x1BC00] =	vst v63  }
0x3f: {  	_ =	swait.ge [sflag:s12], $0xA00  }
0x40: {  	[sflag:s12] =	ssyncset.done $0x0  }
0x41: {  	[sflag:s12] =	ssyncadd.s32 $0xFFFFF600  }
0x42: {  	[tilespmem:s15], [sflag:$0x1] =	stream.indirect.gather [hbm4b:s2+s14], $0x80, s4, s14, $0xb8;
	[tilespmem:$0x1BC00] =	vst v63  }
0x43: {  	s9 =	rddreg [dreg:$0x6]  }
0x44: {  	[tilespmem:s16], [sflag:$0x2] =	stream.indirect.gather [hbm4b:s2+s14], $0x80, s9, s14, $0xb8;
	[tilespmem:$0x1BC00] =	vst v63  }
0x45: {  	_ =	swait.ge [sflag:s17], $0x3200  }
0x46: {  	[sflag:s17] =	ssyncset.done $0x0  }
0x47: {  	[sflag:s17] =	ssyncadd.s32 $0xFFFFCE00  }
0x48: {  	[spmem:s3] =	stream.indirect.scatter.add.f32 [tilespmem:s15], [sflag:$0x3], $0x80, s13, s14, $0xb8;
	[tilespmem:$0x1BC00] =	vst v63  }
0x49: {  	_ =	swait.ge [sflag:s12], $0x3200  }
0x4a: {  	[sflag:s12] =	ssyncset.done $0x0  }
0x4b: {  	s10 =	rddreg [dreg:$0x7];
	[sflag:s12] =	ssyncadd.s32 $0xFFFFCE00  }
0x4c: {  	[tilespmem:s15], [sflag:$0x1] =	stream.indirect.gather [hbm4b:s2+s14], $0x80, s10, s14, $0xb8;
	[tilespmem:$0x1BC00] =	vst v63  }
0x4d: {  	_ =	swait.ge [sflag:s18], $0x3200  }
0x4e: {  	[sflag:s18] =	ssyncset.done $0x0  }
0x4f: {  	s11 =	rddreg [dreg:$0x8];
	[sflag:s18] =	ssyncadd.s32 $0xFFFFCE00  }
0x50: {  	[spmem:s3] =	stream.indirect.scatter.add.f32 [tilespmem:s16], [sflag:$0x3], $0x80, s11, s14, $0xb8;
	[tilespmem:$0x1BC00] =	vst v63  }
0x51: {  	_ =	swait.ge [sflag:s12], $0x3200  }
0x52: {  	[sflag:s12] =	ssyncset.done $0x0  }
0x53: {  	s9 =	rddreg [dreg:$0x9];
	[sflag:s12] =	ssyncadd.s32 $0xFFFFCE00  }
0x54: {  	[tilespmem:s16], [sflag:$0x2] =	stream.indirect.gather [hbm4b:s2+s14], $0x80, s9, s14, $0xb8;
	[tilespmem:$0x1BC00] =	vst v63  }
0x55: {  	_ =	swait.ge [sflag:s17], $0x3200  }
0x56: {  	[sflag:s17] =	ssyncset.done $0x0  }
0x57: {  	s10 =	rddreg [dreg:$0xa];
	[sflag:s17] =	ssyncadd.s32 $0xFFFFCE00  }
0x58: {  	[spmem:s3] =	stream.indirect.scatter.add.f32 [tilespmem:s15], [sflag:$0x3], $0x80, s10, s14, $0xb8;
	[tilespmem:$0x1BC00] =	vst v63  }
0x59: {  	_ =	swait.ge [sflag:s12], $0x3200  }
0x5a: {  	[sflag:s12] =	ssyncset.done $0x0  }
0x5b: {  	s11 =	rddreg [dreg:$0xb];
	[sflag:s12] =	ssyncadd.s32 $0xFFFFCE00  }
0x5c: {  	[tilespmem:s15], [sflag:$0x1] =	stream.indirect.gather [hbm4b:s2+s14], $0x80, s11, s14, $0xb8;
	[tilespmem:$0x1BC00] =	vst v63  }
0x5d: {  	_ =	swait.ge [sflag:s18], $0x3200  }
0x5e: {  	[sflag:s18] =	ssyncset.done $0x0  }
0x5f: {  	s9 =	rddreg [dreg:$0xc];
	[sflag:s18] =	ssyncadd.s32 $0xFFFFCE00  }
0x60: {  	[spmem:s3] =	stream.indirect.scatter.add.f32 [tilespmem:s16], [sflag:$0x3], $0x80, s9, s14, $0xb8;
	[tilespmem:$0x1BC00] =	vst v63  }
0x61: {  	_ =	swait.ge [sflag:s12], $0x3200  }
0x62: {  	[sflag:s12] =	ssyncset.done $0x0  }
0x63: {  	s10 =	rddreg [dreg:$0xd];
	[sflag:s12] =	ssyncadd.s32 $0xFFFFCE00  }
0x64: {  	[tilespmem:s16], [sflag:$0x2] =	stream.indirect.gather [hbm4b:s2+s14], $0x80, s10, s14, $0xb8;
	[tilespmem:$0x1BC00] =	vst v63  }
0x65: {  	_ =	swait.ge [sflag:s17], $0x3200  }
0x66: {  	[sflag:s17] =	ssyncset.done $0x0  }
0x67: {  	s11 =	rddreg [dreg:$0xe];
	[sflag:s17] =	ssyncadd.s32 $0xFFFFCE00  }
0x68: {  	[spmem:s3] =	stream.indirect.scatter.add.f32 [tilespmem:s15], [sflag:$0x3], $0x80, s11, s14, $0xb8;
	[tilespmem:$0x1BC00] =	vst v63  }
0x69: {  	_ =	swait.ge [sflag:s12], $0x3200  }
0x6a: {  	[sflag:s12] =	ssyncset.done $0x0  }
0x6b: {  	s9 =	rddreg [dreg:$0xf];
	[sflag:s12] =	ssyncadd.s32 $0xFFFFCE00  }
0x6c: {  	[tilespmem:s15], [sflag:$0x1] =	stream.indirect.gather [hbm4b:s2+s14], $0x80, s9, s14, $0xb8;
	[tilespmem:$0x1BC00] =	vst v63  }
0x6d: {  	_ =	swait.ge [sflag:s18], $0x3200  }
0x6e: {  	[sflag:s18] =	ssyncset.done $0x0  }
0x6f: {  	s10 =	rddreg [dreg:$0x10];
	[sflag:s18] =	ssyncadd.s32 $0xFFFFCE00  }
0x70: {  	[spmem:s3] =	stream.indirect.scatter.add.f32 [tilespmem:s16], [sflag:$0x3], $0x80, s10, s14, $0xb8;
	[tilespmem:$0x1BC00] =	vst v63  }
0x71: {  	_ =	swait.ge [sflag:s12], $0x3200  }
0x72: {  	[sflag:s12] =	ssyncset.done $0x0  }
0x73: {  	s11 =	rddreg [dreg:$0x11];
	[sflag:s12] =	ssyncadd.s32 $0xFFFFCE00  }
0x74: {  	[tilespmem:s16], [sflag:$0x2] =	stream.indirect.gather [hbm4b:s2+s14], $0x80, s11, s14, $0xb8;
	[tilespmem:$0x1BC00] =	vst v63  }
0x75: {  	_ =	swait.ge [sflag:s17], $0x3200  }
0x76: {  	[sflag:s17] =	ssyncset.done $0x0  }
0x77: {  	s9 =	rddreg [dreg:$0x12];
	[sflag:s17] =	ssyncadd.s32 $0xFFFFCE00  }
0x78: {  	[spmem:s3] =	stream.indirect.scatter.add.f32 [tilespmem:s15], [sflag:$0x3], $0x80, s9, s14, $0xb8;
	[tilespmem:$0x1BC00] =	vst v63  }
0x79: {  	_ =	swait.ge [sflag:s12], $0x3200  }
0x7a: {  	[sflag:s12] =	ssyncset.done $0x0  }
0x7b: {  	s10 =	rddreg [dreg:$0x13];
	[sflag:s12] =	ssyncadd.s32 $0xFFFFCE00  }
0x7c: {  	[tilespmem:s15], [sflag:$0x1] =	stream.indirect.gather [hbm4b:s2+s14], $0x80, s10, s14, $0xb8;
	[tilespmem:$0x1BC00] =	vst v63  }
0x7d: {  	_ =	swait.ge [sflag:s18], $0x3200  }
0x7e: {  	[sflag:s18] =	ssyncset.done $0x0  }
0x7f: {  	s11 =	rddreg [dreg:$0x14];
	[sflag:s18] =	ssyncadd.s32 $0xFFFFCE00  }
0x80: {  	[spmem:s3] =	stream.indirect.scatter.add.f32 [tilespmem:s16], [sflag:$0x3], $0x80, s11, s14, $0xb8;
	[tilespmem:$0x1BC00] =	vst v63  }
0x81: {  	_ =	swait.ge [sflag:s12], $0x3200  }
0x82: {  	[sflag:s12] =	ssyncset.done $0x0  }
0x83: {  	s9 =	rddreg [dreg:$0x15];
	[sflag:s12] =	ssyncadd.s32 $0xFFFFCE00  }
0x84: {  	[tilespmem:s16], [sflag:$0x2] =	stream.indirect.gather [hbm4b:s2+s14], $0x80, s9, s14, $0xb8;
	[tilespmem:$0x1BC00] =	vst v63  }
0x85: {  	_ =	swait.ge [sflag:s17], $0x3200  }
0x86: {  	[sflag:s17] =	ssyncset.done $0x0  }
0x87: {  	s10 =	rddreg [dreg:$0x16];
	[sflag:s17] =	ssyncadd.s32 $0xFFFFCE00  }
0x88: {  	[spmem:s3] =	stream.indirect.scatter.add.f32 [tilespmem:s15], [sflag:$0x3], $0x80, s10, s14, $0xb8;
	[tilespmem:$0x1BC00] =	vst v63  }
0x89: {  	_ =	swait.ge [sflag:s12], $0x3200  }
0x8a: {  	[sflag:s12] =	ssyncset.done $0x0  }
0x8b: {  	s11 =	rddreg [dreg:$0x17];
	[sflag:s12] =	ssyncadd.s32 $0xFFFFCE00  }
0x8c: {  	[tilespmem:s15], [sflag:$0x1] =	stream.indirect.gather [hbm4b:s2+s14], $0x80, s11, s14, $0xb8;
	[tilespmem:$0x1BC00] =	vst v63  }
0x8d: {  	_ =	swait.ge [sflag:s18], $0x3200  }
0x8e: {  	[sflag:s18] =	ssyncset.done $0x0  }
0x8f: {  	s9 =	rddreg [dreg:$0x18];
	[sflag:s18] =	ssyncadd.s32 $0xFFFFCE00  }
0x90: {  	[spmem:s3] =	stream.indirect.scatter.add.f32 [tilespmem:s16], [sflag:$0x3], $0x80, s9, s14, $0xb8;
	[tilespmem:$0x1BC00] =	vst v63  }
0x91: {  	_ =	swait.ge [sflag:s12], $0x3200  }
0x92: {  	[sflag:s12] =	ssyncset.done $0x0  }
0x93: {  	s10 =	rddreg [dreg:$0x19];
	[sflag:s12] =	ssyncadd.s32 $0xFFFFCE00  }
0x94: {  	[tilespmem:s16], [sflag:$0x2] =	stream.indirect.gather [hbm4b:s2+s14], $0x80, s10, s14, $0xb8;
	[tilespmem:$0x1BC00] =	vst v63  }
0x95: {  	_ =	swait.ge [sflag:s17], $0x3200  }
0x96: {  	[sflag:s17] =	ssyncset.done $0x0  }
0x97: {  	s11 =	rddreg [dreg:$0x1a];
	[sflag:s17] =	ssyncadd.s32 $0xFFFFCE00  }
0x98: {  	[spmem:s3] =	stream.indirect.scatter.add.f32 [tilespmem:s15], [sflag:$0x3], $0x80, s11, s14, $0xb8;
	[tilespmem:$0x1BC00] =	vst v63  }
0x99: {  	_ =	swait.ge [sflag:s12], $0x3200  }
0x9a: {  	[sflag:s12] =	ssyncset.done $0x0  }
0x9b: {  	[sflag:s12] =	ssyncadd.s32 $0xFFFFCE00  }
0x9c: {  	[tilespmem:s15], [sflag:$0x1] =	stream.indirect.gather [hbm4b:s2+s14], $0x80, s19, s14, $0xb8;
	[tilespmem:$0x1BC00] =	vst v63  }
0x9d: {  	_ =	swait.ge [sflag:s18], $0x3200  }
0x9e: {  	[sflag:s18] =	ssyncset.done $0x0  }
0x9f: {  	[sflag:s18] =	ssyncadd.s32 $0xFFFFCE00  }
0xa0: {  	[spmem:s3] =	stream.indirect.scatter.add.f32 [tilespmem:s16], [sflag:$0x3], $0x80, s20, s14, $0xb8;
	[tilespmem:$0x1BC00] =	vst v63  }
0xa1: {  	_ =	swait.ge [sflag:s12], $0x3200  }
0xa2: {  	[sflag:s12] =	ssyncset.done $0x0  }
0xa3: {  	[sflag:s12] =	ssyncadd.s32 $0xFFFFCE00  }
0xa4: {  	[tilespmem:s16], [sflag:$0x2] =	stream.indirect.gather [hbm4b:s2+s14], $0x80, s21, s14, $0xb8;
	[tilespmem:$0x1BC00] =	vst v63  }
0xa5: {  	_ =	swait.ge [sflag:s17], $0x3200  }
0xa6: {  	[sflag:s17] =	ssyncset.done $0x0  }
0xa7: {  	[sflag:s17] =	ssyncadd.s32 $0xFFFFCE00  }
0xa8: {  	[spmem:s3] =	stream.indirect.scatter.add.f32 [tilespmem:s15], [sflag:$0x3], $0x80, s22, s14, $0xb8;
	[tilespmem:$0x1BC00] =	vst v63  }
0xa9: {  	_ =	swait.ge [sflag:s12], $0x3200  }
0xaa: {  	[sflag:s12] =	ssyncset.done $0x0  }
0xab: {  	[sflag:s12] =	ssyncadd.s32 $0xFFFFCE00  }
0xac: {  	[tilespmem:s15], [sflag:$0x1] =	stream.indirect.gather [hbm4b:s2+s14], $0x80, s23, s14, $0xb8;
	[tilespmem:$0x1BC00] =	vst v63  }
0xad: {  	_ =	swait.ge [sflag:s18], $0x3200  }
0xae: {  	[sflag:s18] =	ssyncset.done $0x0  }
0xaf: {  	[sflag:s18] =	ssyncadd.s32 $0xFFFFCE00  }
0xb0: {  	[spmem:s3] =	stream.indirect.scatter.add.f32 [tilespmem:s16], [sflag:$0x3], $0x80, s24, s14, $0xb8;
	[tilespmem:$0x1BC00] =	vst v63  }
0xb1: {  	_ =	swait.ge [sflag:s12], $0x3200  }
0xb2: {  	[sflag:s12] =	ssyncset.done $0x0  }
0xb3: {  	[sflag:s12] =	ssyncadd.s32 $0xFFFFCE00  }
0xb4: {  	[tilespmem:s16], [sflag:$0x2] =	stream.indirect.gather [hbm4b:s2+s14], $0x80, s25, s14, $0xb8;
	[tilespmem:$0x1BC00] =	vst v63  }
0xb5: {  	_ =	swait.ge [sflag:s17], $0x3200  }
0xb6: {  	[sflag:s17] =	ssyncset.done $0x0  }
0xb7: {  	[sflag:s17] =	ssyncadd.s32 $0xFFFFCE00  }
0xb8: {  	[spmem:s3] =	stream.indirect.scatter.add.f32 [tilespmem:s15], [sflag:$0x3], $0x80, s26, s14, $0xb8;
	[tilespmem:$0x1BC00] =	vst v63  }
0xb9: {  	_ =	swait.ge [sflag:s12], $0x3200  }
0xba: {  	[sflag:s12] =	ssyncset.done $0x0  }
0xbb: {  	[sflag:s12] =	ssyncadd.s32 $0xFFFFCE00  }
0xbc: {  	[tilespmem:s15], [sflag:$0x1] =	stream.indirect.gather [hbm4b:s2+s14], $0x80, s28, s14, $0xb8;
	[tilespmem:$0x1BC00] =	vst v63  }
0xbd: {  	_ =	swait.ge [sflag:s18], $0x3200  }
0xbe: {  	[sflag:s18] =	ssyncset.done $0x0  }
0xbf: {  	[sflag:s18] =	ssyncadd.s32 $0xFFFFCE00  }
0xc0: {  	[spmem:s3] =	stream.indirect.scatter.add.f32 [tilespmem:s16], [sflag:$0x3], $0x80, s29, s14, $0xb8;
	[tilespmem:$0x1BC00] =	vst v63  }
0xc1: {  	_ =	swait.ge [sflag:s12], $0x3200  }
0xc2: {  	[sflag:s12] =	ssyncset.done $0x0  }
0xc3: {  	[sflag:s12] =	ssyncadd.s32 $0xFFFFCE00  }
0xc4: {  	[tilespmem:s16], [sflag:$0x2] =	stream.indirect.gather [hbm4b:s2+s14], $0x80, s30, s14, $0xb8;
	[tilespmem:$0x1BC00] =	vst v63  }
0xc5: {  	_ =	swait.ge [sflag:s17], $0x3200  }
0xc6: {  	[sflag:s17] =	ssyncset.done $0x0  }
0xc7: {  	[sflag:s17] =	ssyncadd.s32 $0xFFFFCE00  }
0xc8: {  	[spmem:s3] =	stream.indirect.scatter.add.f32 [tilespmem:s15], [sflag:$0x3], $0x80, s31, s14, $0xb8;
	[tilespmem:$0x1BC00] =	vst v63  }
0xc9: {  	_ =	swait.ge [sflag:s12], $0x3200  }
0xca: {  	[sflag:s12] =	ssyncset.done $0x0  }
0xcb: {  	[sflag:s12] =	ssyncadd.s32 $0xFFFFCE00  }
0xcc: {  	[tilespmem:s15], [sflag:$0x1] =	stream.indirect.gather [hbm4b:s2+s14], $0x80, s0, s14, $0xb8;
	[tilespmem:$0x1BC00] =	vst v63  }
0xcd: {  	_ =	swait.ge [sflag:s18], $0x3200  }
0xce: {  	[sflag:s18] =	ssyncset.done $0x0  }
0xcf: {  	[sflag:s18] =	ssyncadd.s32 $0xFFFFCE00  }
0xd0: {  	[spmem:s3] =	stream.indirect.scatter.add.f32 [tilespmem:s16], [sflag:$0x3], $0x80, s1, s14, $0xb8;
	[tilespmem:$0x1BC00] =	vst v63  }
0xd1: {  	_ =	swait.ge [sflag:s12], $0x3200  }
0xd2: {  	[sflag:s12] =	ssyncset.done $0x0  }
0xd3: {  	[sflag:s12] =	ssyncadd.s32 $0xFFFFCE00  }
0xd4: {  	[tilespmem:s16], [sflag:$0x2] =	stream.indirect.gather [hbm4b:s2+s14], $0x80, s5, s14, $0xb8;
	[tilespmem:$0x1BC00] =	vst v63  }
0xd5: {  	_ =	swait.ge [sflag:s17], $0x3200  }
0xd6: {  	[sflag:s17] =	ssyncset.done $0x0  }
0xd7: {  	[sflag:s17] =	ssyncadd.s32 $0xFFFFCE00  }
0xd8: {  	[spmem:s3] =	stream.indirect.scatter.add.f32 [tilespmem:s15], [sflag:$0x3], $0x80, s7, s14, $0xb8;
	[tilespmem:$0x1BC00] =	vst v63  }
0xd9: {  	_ =	swait.ge [sflag:s12], $0x3200  }
0xda: {  	[sflag:s12] =	ssyncset.done $0x0  }
0xdb: {  	[sflag:s12] =	ssyncadd.s32 $0xFFFFCE00  }
0xdc: {  	_ =	swait.ge [sflag:s18], $0x3200  }
0xdd: {  	[sflag:s18] =	ssyncset.done $0x0  }
0xde: {  	[sflag:s18] =	ssyncadd.s32 $0xFFFFCE00  }
0xdf: {  	[spmem:s3] =	stream.indirect.scatter.add.f32 [tilespmem:s16], [sflag:$0x3], $0x80, s8, s14, $0xb8;
	[tilespmem:$0x1BC00] =	vst v63  }
0xe0: {  	s6 =	simm.s32 $0x300;
	_ =	swait.ge [sflag:s12], $0x3200  }
0xe1: {  	s10 =	simm.s32 $0x180;
	s11 =	rddreg [dreg:$0x4];
	[sflag:s12] =	ssyncset.done $0x0  }
.LBB2_2:
0xe2: {  	[sflag:s12] =	ssyncadd.s32 $0xFFFFCE00;
	s11 =	sadd.s32 s10, s11  }
0xe3: {  	[tilespmem:s4], [sflag:$0x3] =	stream.linear.gather [hbm4b:s11+s4], $0xA00, $0x38;
	[tilespmem:$0x1BC00] =	vst v63  }
0xe4: {  	_ =	swait.ge [sflag:s12], $0xA00  }
0xe5: {  	s11 =	rddreg [dreg:$0x5];
	[sflag:s12] =	ssyncset.done $0x0  }
0xe6: {  	[sflag:s12] =	ssyncadd.s32 $0xFFFFF600;
	s11 =	sadd.s32 s10, s11  }
0xe7: {  	[tilespmem:s13], [sflag:$0x3] =	stream.linear.gather [hbm4b:s11+s4], $0xA00, $0x38;
	[tilespmem:$0x1BC00] =	vst v63  }
0xe8: {  	_ =	swait.ge [sflag:s12], $0xA00  }
0xe9: {  	[sflag:s12] =	ssyncset.done $0x0  }
0xea: {  	[sflag:s12] =	ssyncadd.s32 $0xFFFFF600  }
0xeb: {  	[tilespmem:s15], [sflag:$0x1] =	stream.indirect.gather [hbm4b:s2+s14], $0x80, s4, s14, $0xb8;
	[tilespmem:$0x1BC00] =	vst v63  }
0xec: {  	s11 =	rddreg [dreg:$0x6]  }
0xed: {  	[tilespmem:s16], [sflag:$0x2] =	stream.indirect.gather [hbm4b:s2+s14], $0x80, s11, s14, $0xb8;
	[tilespmem:$0x1BC00] =	vst v63  }
0xee: {  	_ =	swait.ge [sflag:s17], $0x3200  }
0xef: {  	[sflag:s17] =	ssyncset.done $0x0  }
0xf0: {  	[sflag:s17] =	ssyncadd.s32 $0xFFFFCE00  }
0xf1: {  	[spmem:s3] =	stream.indirect.scatter.add.f32 [tilespmem:s15], [sflag:$0x3], $0x80, s13, s14, $0xb8;
	[tilespmem:$0x1BC00] =	vst v63  }
0xf2: {  	_ =	swait.ge [sflag:s12], $0x3200  }
0xf3: {  	[sflag:s12] =	ssyncset.done $0x0  }
0xf4: {  	s11 =	rddreg [dreg:$0x7];
	[sflag:s12] =	ssyncadd.s32 $0xFFFFCE00  }
0xf5: {  	[tilespmem:s15], [sflag:$0x1] =	stream.indirect.gather [hbm4b:s2+s14], $0x80, s11, s14, $0xb8;
	[tilespmem:$0x1BC00] =	vst v63  }
0xf6: {  	_ =	swait.ge [sflag:s18], $0x3200  }
0xf7: {  	[sflag:s18] =	ssyncset.done $0x0  }
0xf8: {  	s11 =	rddreg [dreg:$0x8];
	[sflag:s18] =	ssyncadd.s32 $0xFFFFCE00  }
0xf9: {  	[spmem:s3] =	stream.indirect.scatter.add.f32 [tilespmem:s16], [sflag:$0x3], $0x80, s11, s14, $0xb8;
	[tilespmem:$0x1BC00] =	vst v63  }
0xfa: {  	_ =	swait.ge [sflag:s12], $0x3200  }
0xfb: {  	[sflag:s12] =	ssyncset.done $0x0  }
0xfc: {  	s11 =	rddreg [dreg:$0x9];
	[sflag:s12] =	ssyncadd.s32 $0xFFFFCE00  }
0xfd: {  	[tilespmem:s16], [sflag:$0x2] =	stream.indirect.gather [hbm4b:s2+s14], $0x80, s11, s14, $0xb8;
	[tilespmem:$0x1BC00] =	vst v63  }
0xfe: {  	_ =	swait.ge [sflag:s17], $0x3200  }
0xff: {  	[sflag:s17] =	ssyncset.done $0x0  }
0x100: {  	s11 =	rddreg [dreg:$0xa];
	[sflag:s17] =	ssyncadd.s32 $0xFFFFCE00  }
0x101: {  	[spmem:s3] =	stream.indirect.scatter.add.f32 [tilespmem:s15], [sflag:$0x3], $0x80, s11, s14, $0xb8;
	[tilespmem:$0x1BC00] =	vst v63  }
0x102: {  	_ =	swait.ge [sflag:s12], $0x3200  }
0x103: {  	[sflag:s12] =	ssyncset.done $0x0  }
0x104: {  	s11 =	rddreg [dreg:$0xb];
	[sflag:s12] =	ssyncadd.s32 $0xFFFFCE00  }
0x105: {  	[tilespmem:s15], [sflag:$0x1] =	stream.indirect.gather [hbm4b:s2+s14], $0x80, s11, s14, $0xb8;
	[tilespmem:$0x1BC00] =	vst v63  }
0x106: {  	_ =	swait.ge [sflag:s18], $0x3200  }
0x107: {  	[sflag:s18] =	ssyncset.done $0x0  }
0x108: {  	s11 =	rddreg [dreg:$0xc];
	[sflag:s18] =	ssyncadd.s32 $0xFFFFCE00  }
0x109: {  	[spmem:s3] =	stream.indirect.scatter.add.f32 [tilespmem:s16], [sflag:$0x3], $0x80, s11, s14, $0xb8;
	[tilespmem:$0x1BC00] =	vst v63  }
0x10a: {  	_ =	swait.ge [sflag:s12], $0x3200  }
0x10b: {  	[sflag:s12] =	ssyncset.done $0x0  }
0x10c: {  	s11 =	rddreg [dreg:$0xd];
	[sflag:s12] =	ssyncadd.s32 $0xFFFFCE00  }
0x10d: {  	[tilespmem:s16], [sflag:$0x2] =	stream.indirect.gather [hbm4b:s2+s14], $0x80, s11, s14, $0xb8;
	[tilespmem:$0x1BC00] =	vst v63  }
0x10e: {  	_ =	swait.ge [sflag:s17], $0x3200  }
0x10f: {  	[sflag:s17] =	ssyncset.done $0x0  }
0x110: {  	s11 =	rddreg [dreg:$0xe];
	[sflag:s17] =	ssyncadd.s32 $0xFFFFCE00  }
0x111: {  	[spmem:s3] =	stream.indirect.scatter.add.f32 [tilespmem:s15], [sflag:$0x3], $0x80, s11, s14, $0xb8;
	[tilespmem:$0x1BC00] =	vst v63  }
0x112: {  	_ =	swait.ge [sflag:s12], $0x3200  }
0x113: {  	[sflag:s12] =	ssyncset.done $0x0  }
0x114: {  	s11 =	rddreg [dreg:$0xf];
	[sflag:s12] =	ssyncadd.s32 $0xFFFFCE00  }
0x115: {  	[tilespmem:s15], [sflag:$0x1] =	stream.indirect.gather [hbm4b:s2+s14], $0x80, s11, s14, $0xb8;
	[tilespmem:$0x1BC00] =	vst v63  }
0x116: {  	_ =	swait.ge [sflag:s18], $0x3200  }
0x117: {  	[sflag:s18] =	ssyncset.done $0x0  }
0x118: {  	s11 =	rddreg [dreg:$0x10];
	[sflag:s18] =	ssyncadd.s32 $0xFFFFCE00  }
0x119: {  	[spmem:s3] =	stream.indirect.scatter.add.f32 [tilespmem:s16], [sflag:$0x3], $0x80, s11, s14, $0xb8;
	[tilespmem:$0x1BC00] =	vst v63  }
0x11a: {  	_ =	swait.ge [sflag:s12], $0x3200  }
0x11b: {  	[sflag:s12] =	ssyncset.done $0x0  }
0x11c: {  	s11 =	rddreg [dreg:$0x11];
	[sflag:s12] =	ssyncadd.s32 $0xFFFFCE00  }
0x11d: {  	[tilespmem:s16], [sflag:$0x2] =	stream.indirect.gather [hbm4b:s2+s14], $0x80, s11, s14, $0xb8;
	[tilespmem:$0x1BC00] =	vst v63  }
0x11e: {  	_ =	swait.ge [sflag:s17], $0x3200  }
0x11f: {  	[sflag:s17] =	ssyncset.done $0x0  }
0x120: {  	s11 =	rddreg [dreg:$0x12];
	[sflag:s17] =	ssyncadd.s32 $0xFFFFCE00  }
0x121: {  	[spmem:s3] =	stream.indirect.scatter.add.f32 [tilespmem:s15], [sflag:$0x3], $0x80, s11, s14, $0xb8;
	[tilespmem:$0x1BC00] =	vst v63  }
0x122: {  	_ =	swait.ge [sflag:s12], $0x3200  }
0x123: {  	[sflag:s12] =	ssyncset.done $0x0  }
0x124: {  	s11 =	rddreg [dreg:$0x13];
	[sflag:s12] =	ssyncadd.s32 $0xFFFFCE00  }
0x125: {  	[tilespmem:s15], [sflag:$0x1] =	stream.indirect.gather [hbm4b:s2+s14], $0x80, s11, s14, $0xb8;
	[tilespmem:$0x1BC00] =	vst v63  }
0x126: {  	_ =	swait.ge [sflag:s18], $0x3200  }
0x127: {  	[sflag:s18] =	ssyncset.done $0x0  }
0x128: {  	s11 =	rddreg [dreg:$0x14];
	[sflag:s18] =	ssyncadd.s32 $0xFFFFCE00  }
0x129: {  	[spmem:s3] =	stream.indirect.scatter.add.f32 [tilespmem:s16], [sflag:$0x3], $0x80, s11, s14, $0xb8;
	[tilespmem:$0x1BC00] =	vst v63  }
0x12a: {  	_ =	swait.ge [sflag:s12], $0x3200  }
0x12b: {  	[sflag:s12] =	ssyncset.done $0x0  }
0x12c: {  	s11 =	rddreg [dreg:$0x15];
	[sflag:s12] =	ssyncadd.s32 $0xFFFFCE00  }
0x12d: {  	[tilespmem:s16], [sflag:$0x2] =	stream.indirect.gather [hbm4b:s2+s14], $0x80, s11, s14, $0xb8;
	[tilespmem:$0x1BC00] =	vst v63  }
0x12e: {  	_ =	swait.ge [sflag:s17], $0x3200  }
0x12f: {  	[sflag:s17] =	ssyncset.done $0x0  }
0x130: {  	s11 =	rddreg [dreg:$0x16];
	[sflag:s17] =	ssyncadd.s32 $0xFFFFCE00  }
0x131: {  	[spmem:s3] =	stream.indirect.scatter.add.f32 [tilespmem:s15], [sflag:$0x3], $0x80, s11, s14, $0xb8;
	[tilespmem:$0x1BC00] =	vst v63  }
0x132: {  	_ =	swait.ge [sflag:s12], $0x3200  }
0x133: {  	[sflag:s12] =	ssyncset.done $0x0  }
0x134: {  	s11 =	rddreg [dreg:$0x17];
	[sflag:s12] =	ssyncadd.s32 $0xFFFFCE00  }
0x135: {  	[tilespmem:s15], [sflag:$0x1] =	stream.indirect.gather [hbm4b:s2+s14], $0x80, s11, s14, $0xb8;
	[tilespmem:$0x1BC00] =	vst v63  }
0x136: {  	_ =	swait.ge [sflag:s18], $0x3200  }
0x137: {  	[sflag:s18] =	ssyncset.done $0x0  }
0x138: {  	s11 =	rddreg [dreg:$0x18];
	[sflag:s18] =	ssyncadd.s32 $0xFFFFCE00  }
0x139: {  	[spmem:s3] =	stream.indirect.scatter.add.f32 [tilespmem:s16], [sflag:$0x3], $0x80, s11, s14, $0xb8;
	[tilespmem:$0x1BC00] =	vst v63  }
0x13a: {  	_ =	swait.ge [sflag:s12], $0x3200  }
0x13b: {  	[sflag:s12] =	ssyncset.done $0x0  }
0x13c: {  	s11 =	rddreg [dreg:$0x19];
	[sflag:s12] =	ssyncadd.s32 $0xFFFFCE00  }
0x13d: {  	[tilespmem:s16], [sflag:$0x2] =	stream.indirect.gather [hbm4b:s2+s14], $0x80, s11, s14, $0xb8;
	[tilespmem:$0x1BC00] =	vst v63  }
0x13e: {  	_ =	swait.ge [sflag:s17], $0x3200  }
0x13f: {  	[sflag:s17] =	ssyncset.done $0x0  }
0x140: {  	s11 =	rddreg [dreg:$0x1a];
	[sflag:s17] =	ssyncadd.s32 $0xFFFFCE00  }
0x141: {  	[spmem:s3] =	stream.indirect.scatter.add.f32 [tilespmem:s15], [sflag:$0x3], $0x80, s11, s14, $0xb8;
	[tilespmem:$0x1BC00] =	vst v63  }
0x142: {  	_ =	swait.ge [sflag:s12], $0x3200  }
0x143: {  	[sflag:s12] =	ssyncset.done $0x0  }
0x144: {  	[sflag:s12] =	ssyncadd.s32 $0xFFFFCE00  }
0x145: {  	[tilespmem:s15], [sflag:$0x1] =	stream.indirect.gather [hbm4b:s2+s14], $0x80, s19, s14, $0xb8;
	[tilespmem:$0x1BC00] =	vst v63  }
0x146: {  	_ =	swait.ge [sflag:s18], $0x3200  }
0x147: {  	[sflag:s18] =	ssyncset.done $0x0  }
0x148: {  	[sflag:s18] =	ssyncadd.s32 $0xFFFFCE00  }
0x149: {  	[spmem:s3] =	stream.indirect.scatter.add.f32 [tilespmem:s16], [sflag:$0x3], $0x80, s20, s14, $0xb8;
	[tilespmem:$0x1BC00] =	vst v63  }
0x14a: {  	_ =	swait.ge [sflag:s12], $0x3200  }
0x14b: {  	[sflag:s12] =	ssyncset.done $0x0  }
0x14c: {  	[sflag:s12] =	ssyncadd.s32 $0xFFFFCE00  }
0x14d: {  	[tilespmem:s16], [sflag:$0x2] =	stream.indirect.gather [hbm4b:s2+s14], $0x80, s21, s14, $0xb8;
	[tilespmem:$0x1BC00] =	vst v63  }
0x14e: {  	_ =	swait.ge [sflag:s17], $0x3200  }
0x14f: {  	[sflag:s17] =	ssyncset.done $0x0  }
0x150: {  	[sflag:s17] =	ssyncadd.s32 $0xFFFFCE00  }
0x151: {  	[spmem:s3] =	stream.indirect.scatter.add.f32 [tilespmem:s15], [sflag:$0x3], $0x80, s22, s14, $0xb8;
	[tilespmem:$0x1BC00] =	vst v63  }
0x152: {  	_ =	swait.ge [sflag:s12], $0x3200  }
0x153: {  	[sflag:s12] =	ssyncset.done $0x0  }
0x154: {  	[sflag:s12] =	ssyncadd.s32 $0xFFFFCE00  }
0x155: {  	[tilespmem:s15], [sflag:$0x1] =	stream.indirect.gather [hbm4b:s2+s14], $0x80, s23, s14, $0xb8;
	[tilespmem:$0x1BC00] =	vst v63  }
0x156: {  	_ =	swait.ge [sflag:s18], $0x3200  }
0x157: {  	[sflag:s18] =	ssyncset.done $0x0  }
0x158: {  	[sflag:s18] =	ssyncadd.s32 $0xFFFFCE00  }
0x159: {  	[spmem:s3] =	stream.indirect.scatter.add.f32 [tilespmem:s16], [sflag:$0x3], $0x80, s24, s14, $0xb8;
	[tilespmem:$0x1BC00] =	vst v63  }
0x15a: {  	_ =	swait.ge [sflag:s12], $0x3200  }
0x15b: {  	[sflag:s12] =	ssyncset.done $0x0  }
0x15c: {  	[sflag:s12] =	ssyncadd.s32 $0xFFFFCE00  }
0x15d: {  	[tilespmem:s16], [sflag:$0x2] =	stream.indirect.gather [hbm4b:s2+s14], $0x80, s25, s14, $0xb8;
	[tilespmem:$0x1BC00] =	vst v63  }
0x15e: {  	_ =	swait.ge [sflag:s17], $0x3200  }
0x15f: {  	[sflag:s17] =	ssyncset.done $0x0  }
0x160: {  	[sflag:s17] =	ssyncadd.s32 $0xFFFFCE00  }
0x161: {  	[spmem:s3] =	stream.indirect.scatter.add.f32 [tilespmem:s15], [sflag:$0x3], $0x80, s26, s14, $0xb8;
	[tilespmem:$0x1BC00] =	vst v63  }
0x162: {  	_ =	swait.ge [sflag:s12], $0x3200  }
0x163: {  	[sflag:s12] =	ssyncset.done $0x0  }
0x164: {  	[sflag:s12] =	ssyncadd.s32 $0xFFFFCE00  }
0x165: {  	[tilespmem:s15], [sflag:$0x1] =	stream.indirect.gather [hbm4b:s2+s14], $0x80, s28, s14, $0xb8;
	[tilespmem:$0x1BC00] =	vst v63  }
0x166: {  	_ =	swait.ge [sflag:s18], $0x3200  }
0x167: {  	[sflag:s18] =	ssyncset.done $0x0  }
0x168: {  	[sflag:s18] =	ssyncadd.s32 $0xFFFFCE00  }
0x169: {  	[spmem:s3] =	stream.indirect.scatter.add.f32 [tilespmem:s16], [sflag:$0x3], $0x80, s29, s14, $0xb8;
	[tilespmem:$0x1BC00] =	vst v63  }
0x16a: {  	_ =	swait.ge [sflag:s12], $0x3200  }
0x16b: {  	[sflag:s12] =	ssyncset.done $0x0  }
0x16c: {  	[sflag:s12] =	ssyncadd.s32 $0xFFFFCE00  }
0x16d: {  	[tilespmem:s16], [sflag:$0x2] =	stream.indirect.gather [hbm4b:s2+s14], $0x80, s30, s14, $0xb8;
	[tilespmem:$0x1BC00] =	vst v63  }
0x16e: {  	_ =	swait.ge [sflag:s17], $0x3200  }
0x16f: {  	[sflag:s17] =	ssyncset.done $0x0  }
0x170: {  	[sflag:s17] =	ssyncadd.s32 $0xFFFFCE00  }
0x171: {  	[spmem:s3] =	stream.indirect.scatter.add.f32 [tilespmem:s15], [sflag:$0x3], $0x80, s31, s14, $0xb8;
	[tilespmem:$0x1BC00] =	vst v63  }
0x172: {  	_ =	swait.ge [sflag:s12], $0x3200  }
0x173: {  	[sflag:s12] =	ssyncset.done $0x0  }
0x174: {  	[sflag:s12] =	ssyncadd.s32 $0xFFFFCE00  }
0x175: {  	[tilespmem:s15], [sflag:$0x1] =	stream.indirect.gather [hbm4b:s2+s14], $0x80, s0, s14, $0xb8;
	[tilespmem:$0x1BC00] =	vst v63  }
0x176: {  	_ =	swait.ge [sflag:s18], $0x3200  }
0x177: {  	[sflag:s18] =	ssyncset.done $0x0  }
0x178: {  	[sflag:s18] =	ssyncadd.s32 $0xFFFFCE00  }
0x179: {  	[spmem:s3] =	stream.indirect.scatter.add.f32 [tilespmem:s16], [sflag:$0x3], $0x80, s1, s14, $0xb8;
	[tilespmem:$0x1BC00] =	vst v63  }
0x17a: {  	_ =	swait.ge [sflag:s12], $0x3200  }
0x17b: {  	[sflag:s12] =	ssyncset.done $0x0  }
0x17c: {  	[sflag:s12] =	ssyncadd.s32 $0xFFFFCE00  }
0x17d: {  	[tilespmem:s16], [sflag:$0x2] =	stream.indirect.gather [hbm4b:s2+s14], $0x80, s5, s14, $0xb8;
	[tilespmem:$0x1BC00] =	vst v63  }
0x17e: {  	_ =	swait.ge [sflag:s17], $0x3200  }
0x17f: {  	[sflag:s17] =	ssyncset.done $0x0  }
0x180: {  	[sflag:s17] =	ssyncadd.s32 $0xFFFFCE00  }
0x181: {  	[spmem:s3] =	stream.indirect.scatter.add.f32 [tilespmem:s15], [sflag:$0x3], $0x80, s7, s14, $0xb8;
	[tilespmem:$0x1BC00] =	vst v63  }
0x182: {  	_ =	swait.ge [sflag:s12], $0x3200  }
0x183: {  	[sflag:s12] =	ssyncset.done $0x0  }
0x184: {  	[sflag:s12] =	ssyncadd.s32 $0xFFFFCE00  }
0x185: {  	p0 =	sne.s32 s6, $0x600;
	_ =	swait.ge [sflag:s18], $0x3200  }
.Ltmp0:
0x186: {  	[sflag:s18] =	ssyncset.done $0x0;
	(pc) =	sbr.rel @p0 .LBB2_2-.Ltmp0, $4  }
0x187: {  	[sflag:s18] =	ssyncadd.s32 $0xFFFFCE00  }
0x188: {  	[spmem:s3] =	stream.indirect.scatter.add.f32 [tilespmem:s16], [sflag:$0x3], $0x80, s8, s14, $0xb8;
	[tilespmem:$0x1BC00] =	vst v63  }
0x189: {  	s9 =	smov.u32 s6;
	s6 =	sadd.s32 $0x180, s6;
	_ =	swait.ge [sflag:s12], $0x3200  }
0x18a: {  	s10 =	smov.u32 s9;
	s11 =	rddreg [dreg:$0x4];
	[sflag:s12] =	ssyncset.done $0x0  }
0x18b: {  	[sflag:s12] =	ssyncadd.s32 $0xFFFFCE00;
	s6 =	sadd.s32 s10, s11  }
0x18c: {  	[tilespmem:s4], [sflag:$0x3] =	stream.linear.gather [hbm4b:s6+s4], $0xA00, $0x38;
	[tilespmem:$0x1BC00] =	vst v63  }
0x18d: {  	_ =	swait.ge [sflag:s12], $0xA00  }
0x18e: {  	s9 =	rddreg [dreg:$0x5];
	[sflag:s12] =	ssyncset.done $0x0  }
0x18f: {  	s6 =	sadd.s32 s10, s9;
	[sflag:s12] =	ssyncadd.s32 $0xFFFFF600  }
0x190: {  	[tilespmem:s13], [sflag:$0x3] =	stream.linear.gather [hbm4b:s6+s4], $0xA00, $0x38;
	[tilespmem:$0x1BC00] =	vst v63  }
0x191: {  	_ =	swait.ge [sflag:s12], $0xA00  }
0x192: {  	[sflag:s12] =	ssyncset.done $0x0  }
0x193: {  	[sflag:s12] =	ssyncadd.s32 $0xFFFFF600  }
0x194: {  	[tilespmem:s15], [sflag:$0x1] =	stream.indirect.gather [hbm4b:s2+s14], $0x80, s4, s14, $0xb8;
	[tilespmem:$0x1BC00] =	vst v63  }
0x195: {  	s11 =	rddreg [dreg:$0x6]  }
0x196: {  	[tilespmem:s16], [sflag:$0x2] =	stream.indirect.gather [hbm4b:s2+s14], $0x80, s11, s14, $0xb8;
	[tilespmem:$0x1BC00] =	vst v63  }
0x197: {  	_ =	swait.ge [sflag:s17], $0x3200  }
0x198: {  	[sflag:s17] =	ssyncset.done $0x0  }
0x199: {  	[sflag:s17] =	ssyncadd.s32 $0xFFFFCE00  }
0x19a: {  	[spmem:s3] =	stream.indirect.scatter.add.f32 [tilespmem:s15], [sflag:$0x3], $0x80, s13, s14, $0xb8;
	[tilespmem:$0x1BC00] =	vst v63  }
0x19b: {  	_ =	swait.ge [sflag:s12], $0x3200  }
0x19c: {  	[sflag:s12] =	ssyncset.done $0x0  }
0x19d: {  	s9 =	rddreg [dreg:$0x7];
	[sflag:s12] =	ssyncadd.s32 $0xFFFFCE00  }
0x19e: {  	[tilespmem:s15], [sflag:$0x1] =	stream.indirect.gather [hbm4b:s2+s14], $0x80, s9, s14, $0xb8;
	[tilespmem:$0x1BC00] =	vst v63  }
0x19f: {  	_ =	swait.ge [sflag:s18], $0x3200  }
0x1a0: {  	[sflag:s18] =	ssyncset.done $0x0  }
0x1a1: {  	s10 =	rddreg [dreg:$0x8];
	[sflag:s18] =	ssyncadd.s32 $0xFFFFCE00  }
0x1a2: {  	[spmem:s3] =	stream.indirect.scatter.add.f32 [tilespmem:s16], [sflag:$0x3], $0x80, s10, s14, $0xb8;
	[tilespmem:$0x1BC00] =	vst v63  }
0x1a3: {  	_ =	swait.ge [sflag:s12], $0x3200  }
0x1a4: {  	[sflag:s12] =	ssyncset.done $0x0  }
0x1a5: {  	s11 =	rddreg [dreg:$0x9];
	[sflag:s12] =	ssyncadd.s32 $0xFFFFCE00  }
0x1a6: {  	[tilespmem:s16], [sflag:$0x2] =	stream.indirect.gather [hbm4b:s2+s14], $0x80, s11, s14, $0xb8;
	[tilespmem:$0x1BC00] =	vst v63  }
0x1a7: {  	_ =	swait.ge [sflag:s17], $0x3200  }
0x1a8: {  	[sflag:s17] =	ssyncset.done $0x0  }
0x1a9: {  	s9 =	rddreg [dreg:$0xa];
	[sflag:s17] =	ssyncadd.s32 $0xFFFFCE00  }
0x1aa: {  	[spmem:s3] =	stream.indirect.scatter.add.f32 [tilespmem:s15], [sflag:$0x3], $0x80, s9, s14, $0xb8;
	[tilespmem:$0x1BC00] =	vst v63  }
0x1ab: {  	_ =	swait.ge [sflag:s12], $0x3200  }
0x1ac: {  	[sflag:s12] =	ssyncset.done $0x0  }
0x1ad: {  	s10 =	rddreg [dreg:$0xb];
	[sflag:s12] =	ssyncadd.s32 $0xFFFFCE00  }
0x1ae: {  	[tilespmem:s15], [sflag:$0x1] =	stream.indirect.gather [hbm4b:s2+s14], $0x80, s10, s14, $0xb8;
	[tilespmem:$0x1BC00] =	vst v63  }
0x1af: {  	_ =	swait.ge [sflag:s18], $0x3200  }
0x1b0: {  	[sflag:s18] =	ssyncset.done $0x0  }
0x1b1: {  	s11 =	rddreg [dreg:$0xc];
	[sflag:s18] =	ssyncadd.s32 $0xFFFFCE00  }
0x1b2: {  	[spmem:s3] =	stream.indirect.scatter.add.f32 [tilespmem:s16], [sflag:$0x3], $0x80, s11, s14, $0xb8;
	[tilespmem:$0x1BC00] =	vst v63  }
0x1b3: {  	_ =	swait.ge [sflag:s12], $0x3200  }
0x1b4: {  	[sflag:s12] =	ssyncset.done $0x0  }
0x1b5: {  	s9 =	rddreg [dreg:$0xd];
	[sflag:s12] =	ssyncadd.s32 $0xFFFFCE00  }
0x1b6: {  	[tilespmem:s16], [sflag:$0x2] =	stream.indirect.gather [hbm4b:s2+s14], $0x80, s9, s14, $0xb8;
	[tilespmem:$0x1BC00] =	vst v63  }
0x1b7: {  	_ =	swait.ge [sflag:s17], $0x3200  }
0x1b8: {  	[sflag:s17] =	ssyncset.done $0x0  }
0x1b9: {  	s10 =	rddreg [dreg:$0xe];
	[sflag:s17] =	ssyncadd.s32 $0xFFFFCE00  }
0x1ba: {  	[spmem:s3] =	stream.indirect.scatter.add.f32 [tilespmem:s15], [sflag:$0x3], $0x80, s10, s14, $0xb8;
	[tilespmem:$0x1BC00] =	vst v63  }
0x1bb: {  	_ =	swait.ge [sflag:s12], $0x3200  }
0x1bc: {  	[sflag:s12] =	ssyncset.done $0x0  }
0x1bd: {  	s11 =	rddreg [dreg:$0xf];
	[sflag:s12] =	ssyncadd.s32 $0xFFFFCE00  }
0x1be: {  	[tilespmem:s15], [sflag:$0x1] =	stream.indirect.gather [hbm4b:s2+s14], $0x80, s11, s14, $0xb8;
	[tilespmem:$0x1BC00] =	vst v63  }
0x1bf: {  	_ =	swait.ge [sflag:s18], $0x3200  }
0x1c0: {  	[sflag:s18] =	ssyncset.done $0x0  }
0x1c1: {  	s9 =	rddreg [dreg:$0x10];
	[sflag:s18] =	ssyncadd.s32 $0xFFFFCE00  }
0x1c2: {  	[spmem:s3] =	stream.indirect.scatter.add.f32 [tilespmem:s16], [sflag:$0x3], $0x80, s9, s14, $0xb8;
	[tilespmem:$0x1BC00] =	vst v63  }
0x1c3: {  	_ =	swait.ge [sflag:s12], $0x3200  }
0x1c4: {  	[sflag:s12] =	ssyncset.done $0x0  }
0x1c5: {  	s10 =	rddreg [dreg:$0x11];
	[sflag:s12] =	ssyncadd.s32 $0xFFFFCE00  }
0x1c6: {  	[tilespmem:s16], [sflag:$0x2] =	stream.indirect.gather [hbm4b:s2+s14], $0x80, s10, s14, $0xb8;
	[tilespmem:$0x1BC00] =	vst v63  }
0x1c7: {  	_ =	swait.ge [sflag:s17], $0x3200  }
0x1c8: {  	[sflag:s17] =	ssyncset.done $0x0  }
0x1c9: {  	s11 =	rddreg [dreg:$0x12];
	[sflag:s17] =	ssyncadd.s32 $0xFFFFCE00  }
0x1ca: {  	[spmem:s3] =	stream.indirect.scatter.add.f32 [tilespmem:s15], [sflag:$0x3], $0x80, s11, s14, $0xb8;
	[tilespmem:$0x1BC00] =	vst v63  }
0x1cb: {  	_ =	swait.ge [sflag:s12], $0x3200  }
0x1cc: {  	[sflag:s12] =	ssyncset.done $0x0  }
0x1cd: {  	s9 =	rddreg [dreg:$0x13];
	[sflag:s12] =	ssyncadd.s32 $0xFFFFCE00  }
0x1ce: {  	[tilespmem:s15], [sflag:$0x1] =	stream.indirect.gather [hbm4b:s2+s14], $0x80, s9, s14, $0xb8;
	[tilespmem:$0x1BC00] =	vst v63  }
0x1cf: {  	_ =	swait.ge [sflag:s18], $0x3200  }
0x1d0: {  	[sflag:s18] =	ssyncset.done $0x0  }
0x1d1: {  	s10 =	rddreg [dreg:$0x14];
	[sflag:s18] =	ssyncadd.s32 $0xFFFFCE00  }
0x1d2: {  	[spmem:s3] =	stream.indirect.scatter.add.f32 [tilespmem:s16], [sflag:$0x3], $0x80, s10, s14, $0xb8;
	[tilespmem:$0x1BC00] =	vst v63  }
0x1d3: {  	_ =	swait.ge [sflag:s12], $0x3200  }
0x1d4: {  	[sflag:s12] =	ssyncset.done $0x0  }
0x1d5: {  	s11 =	rddreg [dreg:$0x15];
	[sflag:s12] =	ssyncadd.s32 $0xFFFFCE00  }
0x1d6: {  	[tilespmem:s16], [sflag:$0x2] =	stream.indirect.gather [hbm4b:s2+s14], $0x80, s11, s14, $0xb8;
	[tilespmem:$0x1BC00] =	vst v63  }
0x1d7: {  	_ =	swait.ge [sflag:s17], $0x3200  }
0x1d8: {  	[sflag:s17] =	ssyncset.done $0x0  }
0x1d9: {  	s9 =	rddreg [dreg:$0x16];
	[sflag:s17] =	ssyncadd.s32 $0xFFFFCE00  }
0x1da: {  	[spmem:s3] =	stream.indirect.scatter.add.f32 [tilespmem:s15], [sflag:$0x3], $0x80, s9, s14, $0xb8;
	[tilespmem:$0x1BC00] =	vst v63  }
0x1db: {  	_ =	swait.ge [sflag:s12], $0x3200  }
0x1dc: {  	[sflag:s12] =	ssyncset.done $0x0  }
0x1dd: {  	s10 =	rddreg [dreg:$0x17];
	[sflag:s12] =	ssyncadd.s32 $0xFFFFCE00  }
0x1de: {  	[tilespmem:s15], [sflag:$0x1] =	stream.indirect.gather [hbm4b:s2+s14], $0x80, s10, s14, $0xb8;
	[tilespmem:$0x1BC00] =	vst v63  }
0x1df: {  	_ =	swait.ge [sflag:s18], $0x3200  }
0x1e0: {  	[sflag:s18] =	ssyncset.done $0x0  }
0x1e1: {  	s11 =	rddreg [dreg:$0x18];
	[sflag:s18] =	ssyncadd.s32 $0xFFFFCE00  }
0x1e2: {  	[spmem:s3] =	stream.indirect.scatter.add.f32 [tilespmem:s16], [sflag:$0x3], $0x80, s11, s14, $0xb8;
	[tilespmem:$0x1BC00] =	vst v63  }
0x1e3: {  	_ =	swait.ge [sflag:s12], $0x3200  }
0x1e4: {  	[sflag:s12] =	ssyncset.done $0x0  }
0x1e5: {  	s9 =	rddreg [dreg:$0x19];
	[sflag:s12] =	ssyncadd.s32 $0xFFFFCE00  }
0x1e6: {  	[tilespmem:s16], [sflag:$0x2] =	stream.indirect.gather [hbm4b:s2+s14], $0x80, s9, s14, $0xb8;
	[tilespmem:$0x1BC00] =	vst v63  }
0x1e7: {  	_ =	swait.ge [sflag:s17], $0x3200  }
0x1e8: {  	[sflag:s17] =	ssyncset.done $0x0  }
0x1e9: {  	s10 =	rddreg [dreg:$0x1a];
	[sflag:s17] =	ssyncadd.s32 $0xFFFFCE00  }
0x1ea: {  	[spmem:s3] =	stream.indirect.scatter.add.f32 [tilespmem:s15], [sflag:$0x3], $0x80, s10, s14, $0xb8;
	[tilespmem:$0x1BC00] =	vst v63  }
0x1eb: {  	_ =	swait.ge [sflag:s12], $0x3200  }
0x1ec: {  	[sflag:s12] =	ssyncset.done $0x0  }
0x1ed: {  	[sflag:s12] =	ssyncadd.s32 $0xFFFFCE00  }
0x1ee: {  	[tilespmem:s15], [sflag:$0x1] =	stream.indirect.gather [hbm4b:s2+s14], $0x80, s19, s14, $0xb8;
	[tilespmem:$0x1BC00] =	vst v63  }
0x1ef: {  	_ =	swait.ge [sflag:s18], $0x3200  }
0x1f0: {  	[sflag:s18] =	ssyncset.done $0x0  }
0x1f1: {  	[sflag:s18] =	ssyncadd.s32 $0xFFFFCE00  }
0x1f2: {  	[spmem:s3] =	stream.indirect.scatter.add.f32 [tilespmem:s16], [sflag:$0x3], $0x80, s20, s14, $0xb8;
	[tilespmem:$0x1BC00] =	vst v63  }
0x1f3: {  	_ =	swait.ge [sflag:s12], $0x3200  }
0x1f4: {  	[sflag:s12] =	ssyncset.done $0x0  }
0x1f5: {  	[sflag:s12] =	ssyncadd.s32 $0xFFFFCE00  }
0x1f6: {  	[tilespmem:s16], [sflag:$0x2] =	stream.indirect.gather [hbm4b:s2+s14], $0x80, s21, s14, $0xb8;
	[tilespmem:$0x1BC00] =	vst v63  }
0x1f7: {  	_ =	swait.ge [sflag:s17], $0x3200  }
0x1f8: {  	[sflag:s17] =	ssyncset.done $0x0  }
0x1f9: {  	[sflag:s17] =	ssyncadd.s32 $0xFFFFCE00  }
0x1fa: {  	[spmem:s3] =	stream.indirect.scatter.add.f32 [tilespmem:s15], [sflag:$0x3], $0x80, s22, s14, $0xb8;
	[tilespmem:$0x1BC00] =	vst v63  }
0x1fb: {  	_ =	swait.ge [sflag:s12], $0x3200  }
0x1fc: {  	[sflag:s12] =	ssyncset.done $0x0  }
0x1fd: {  	[sflag:s12] =	ssyncadd.s32 $0xFFFFCE00  }
0x1fe: {  	[tilespmem:s15], [sflag:$0x1] =	stream.indirect.gather [hbm4b:s2+s14], $0x80, s23, s14, $0xb8;
	[tilespmem:$0x1BC00] =	vst v63  }
0x1ff: {  	_ =	swait.ge [sflag:s18], $0x3200  }
0x200: {  	[sflag:s18] =	ssyncset.done $0x0  }
0x201: {  	[sflag:s18] =	ssyncadd.s32 $0xFFFFCE00  }
0x202: {  	[spmem:s3] =	stream.indirect.scatter.add.f32 [tilespmem:s16], [sflag:$0x3], $0x80, s24, s14, $0xb8;
	[tilespmem:$0x1BC00] =	vst v63  }
0x203: {  	_ =	swait.ge [sflag:s12], $0x3200  }
0x204: {  	[sflag:s12] =	ssyncset.done $0x0  }
0x205: {  	[sflag:s12] =	ssyncadd.s32 $0xFFFFCE00  }
0x206: {  	[tilespmem:s16], [sflag:$0x2] =	stream.indirect.gather [hbm4b:s2+s14], $0x80, s25, s14, $0xb8;
	[tilespmem:$0x1BC00] =	vst v63  }
0x207: {  	_ =	swait.ge [sflag:s17], $0x3200  }
0x208: {  	[sflag:s17] =	ssyncset.done $0x0  }
0x209: {  	[sflag:s17] =	ssyncadd.s32 $0xFFFFCE00  }
0x20a: {  	[spmem:s3] =	stream.indirect.scatter.add.f32 [tilespmem:s15], [sflag:$0x3], $0x80, s26, s14, $0xb8;
	[tilespmem:$0x1BC00] =	vst v63  }
0x20b: {  	_ =	swait.ge [sflag:s12], $0x3200  }
0x20c: {  	[sflag:s12] =	ssyncset.done $0x0  }
0x20d: {  	[sflag:s12] =	ssyncadd.s32 $0xFFFFCE00  }
0x20e: {  	[tilespmem:s15], [sflag:$0x1] =	stream.indirect.gather [hbm4b:s2+s14], $0x80, s28, s14, $0xb8;
	[tilespmem:$0x1BC00] =	vst v63  }
0x20f: {  	_ =	swait.ge [sflag:s18], $0x3200  }
0x210: {  	[sflag:s18] =	ssyncset.done $0x0  }
0x211: {  	[sflag:s18] =	ssyncadd.s32 $0xFFFFCE00  }
0x212: {  	[spmem:s3] =	stream.indirect.scatter.add.f32 [tilespmem:s16], [sflag:$0x3], $0x80, s29, s14, $0xb8;
	[tilespmem:$0x1BC00] =	vst v63  }
0x213: {  	_ =	swait.ge [sflag:s12], $0x3200  }
0x214: {  	[sflag:s12] =	ssyncset.done $0x0  }
0x215: {  	[sflag:s12] =	ssyncadd.s32 $0xFFFFCE00  }
0x216: {  	[tilespmem:s16], [sflag:$0x2] =	stream.indirect.gather [hbm4b:s2+s14], $0x80, s30, s14, $0xb8;
	[tilespmem:$0x1BC00] =	vst v63  }
0x217: {  	_ =	swait.ge [sflag:s17], $0x3200  }
0x218: {  	[sflag:s17] =	ssyncset.done $0x0  }
0x219: {  	[sflag:s17] =	ssyncadd.s32 $0xFFFFCE00  }
0x21a: {  	[spmem:s3] =	stream.indirect.scatter.add.f32 [tilespmem:s15], [sflag:$0x3], $0x80, s31, s14, $0xb8;
	[tilespmem:$0x1BC00] =	vst v63  }
0x21b: {  	_ =	swait.ge [sflag:s12], $0x3200  }
0x21c: {  	[sflag:s12] =	ssyncset.done $0x0  }
0x21d: {  	[sflag:s12] =	ssyncadd.s32 $0xFFFFCE00  }
0x21e: {  	[tilespmem:s15], [sflag:$0x1] =	stream.indirect.gather [hbm4b:s2+s14], $0x80, s0, s14, $0xb8;
	[tilespmem:$0x1BC00] =	vst v63  }
0x21f: {  	_ =	swait.ge [sflag:s18], $0x3200  }
0x220: {  	[sflag:s18] =	ssyncset.done $0x0  }
0x221: {  	[sflag:s18] =	ssyncadd.s32 $0xFFFFCE00  }
0x222: {  	[spmem:s3] =	stream.indirect.scatter.add.f32 [tilespmem:s16], [sflag:$0x3], $0x80, s1, s14, $0xb8;
	[tilespmem:$0x1BC00] =	vst v63  }
0x223: {  	_ =	swait.ge [sflag:s12], $0x3200  }
0x224: {  	[sflag:s12] =	ssyncset.done $0x0  }
0x225: {  	[sflag:s12] =	ssyncadd.s32 $0xFFFFCE00  }
0x226: {  	[tilespmem:s16], [sflag:$0x2] =	stream.indirect.gather [hbm4b:s2+s14], $0x80, s5, s14, $0xb8;
	[tilespmem:$0x1BC00] =	vst v63  }
0x227: {  	_ =	swait.ge [sflag:s17], $0x3200  }
0x228: {  	[sflag:s17] =	ssyncset.done $0x0  }
0x229: {  	[sflag:s17] =	ssyncadd.s32 $0xFFFFCE00  }
0x22a: {  	[spmem:s3] =	stream.indirect.scatter.add.f32 [tilespmem:s15], [sflag:$0x3], $0x80, s7, s14, $0xb8;
	[tilespmem:$0x1BC00] =	vst v63  }
0x22b: {  	_ =	swait.ge [sflag:s12], $0x3200  }
0x22c: {  	[sflag:s12] =	ssyncset.done $0x0  }
0x22d: {  	[sflag:s12] =	ssyncadd.s32 $0xFFFFCE00  }
0x22e: {  	_ =	swait.ge [sflag:s18], $0x3200  }
0x22f: {  	[sflag:s18] =	ssyncset.done $0x0  }
0x230: {  	[sflag:s18] =	ssyncadd.s32 $0xFFFFCE00  }
0x231: {  	[spmem:s3] =	stream.indirect.scatter.add.f32 [tilespmem:s16], [sflag:$0x3], $0x80, s8, s14, $0xb8;
	[tilespmem:$0x1BC00] =	vst v63  }
0x232: {  	_ =	swait.ge [sflag:s12], $0x3200  }
0x233: {  	[sflag:s12] =	ssyncset.done $0x0  }
0x234: {  	[sflag:s12] =	ssyncadd.s32 $0xFFFFCE00  }
0x235: {  	[bflag:$0x0] =	sbarrier.arrive $0xFFFF  }
0x236: {  	s9 =	sld [smem:$0x7FD]  }
0x237: {  	s10 =	rddreg [dreg:$0x1c]  }
0x238: {  	s11 =	rddreg [dreg:$0x1f]  }
0x239: {  	[hbm:s11], [sflag:s10] =	dma.local [spmem:s9], $0x2780  }
0x23a: {  	_ =	swait.ge [sflag:s12], $0x2780  }
0x23b: {  	s6 =	sld [smem:$0x7FB];
	_ =	sdelay $0x2  }
0x23c: {  	s11 =	sadd.s32 $0x1, s6;
	s6 =	sld [smem:$0x7FC];
	_ =	sdelay $0x2  }
0x23d: {  	p0 =	sne.s32 s11, s6  }
.Ltmp1:
0x23e: {  	_ = 	snop;
	(pc) =	sbr.rel @p0 .LBB2_1-.Ltmp1, $3  }
0x23f: {  	_ =	sdelay $0x1  }
0x240: {  	[sflag:s12] =	ssyncset.done $0x0  }
0x241: {  	[sflag:s12] =	ssyncadd.s32 $0xFFFFD880  }
0x242: {  	_ =	sfence.sel $0x180000  }
0x243: {  	[bflag:$0x0] =	sbarrier.arrive $0xFFFF  }
0x244: {  	_ =	strace $0x9000004A  }
0x245: {  	s0 =	stileid.u32;
	[bflag:$0x2] =	sbarrier.arrive $0xFFFF  }
0x246: {  	p0 =	sne.s32 s0, $0x0;
	s0 =	rddreg [dreg:$0x3]  }
0x247: {  	s0 =	sadd.s32 @!p0 $0x100000, s0  }
0x248: {  	[sflag:s0] =	ssyncadd.tile.s32 @!p0 $0x1;
	_ =	shalt  }
.Lfunc_end2:
_tile_overlayer_lowered:
.L_overlay_start_2:
0x249: {  	(tag) =	ssettag $0x2  }
0x24a: {  	s0 =	rddreg [dreg:$0x0];
	s2 =	stileid.u32  }
0x24b: {  	s1 =	rddreg [dreg:$0x1];
	p0 =	sne.s32 s2, $0x0  }
0x24c: {  	s3 =	rddreg [dreg:$0x2];
	[bflag:$0x3] =	sbarrier.arrive $0xFFFF;
	s2 =	simm.s32 @!p0 $0x1C03  }
0x24d: {  	[timem:s3], [sflag:s2] =	dma.local @!p0 [hbm:s0], s1  }
0x24e: {  	s0 =	simm.s32 @!p0 $0x3  }
0x24f: {  	_ =	swait.ge @!p0 [sflag:s0], s1  }
0x250: {  	s1 =	ssub.s32 @!p0 $0x0, s1;
	[sflag:s0] =	ssyncset.done @!p0 $0x0  }
0x251: {  	[sflag:s0] =	ssyncadd.s32 @!p0 s1  }
0x252: {  	[bflag:$0x3] =	sbarrier.arrive $0xFFFF  }
0x253: {  	_ =	shalt  }

</sc_bundles>
